<compile_context>
chip_gen: v7x
topology: tpu7x:2x2x1
jax: 0.10.2.dev20260603
libtpu: 0.0.44.dev20260713+nightly
codegen_flags: <defaults>
</compile_context>

<pallas_src>
import functools

import jax
import jax.numpy as jnp
from jax import lax
from jax.experimental import pallas as pl
from jax.experimental.pallas import tpu as pltpu
from jax.experimental.pallas import tpu_sc as plsc

K_TOPK = 1024
_B, _H, _S, _D = 4, 16, 4096, 2048
_NEG = float(jnp.finfo(jnp.float32).min)

_info = plsc.get_sparse_core_info()
_NC, _NS, _L = _info.num_cores, _info.num_subcores, _info.num_lanes
_NW = _NC * _NS

_ROWS_TOTAL = _B * K_TOPK
_ROWS_PER_W = _ROWS_TOTAL // _NW
_CHUNK = 8
_NCHUNK = _ROWS_PER_W // _CHUNK
_T = _S // _L


def _iota():
    return lax.iota(jnp.int32, _L)


def _stage_keys(c, s, attn_hbm, mask_hbm, hb, mb, kslice, shared_keys,
                sem):
    cps = []
    for b_loc in range(2):
        b = 2 * c + b_loc
        cps.append(pltpu.async_copy(
            attn_hbm.at[b, :, pl.ds(s * 256, 256)], hb.at[b_loc], sem))
        pltpu.sync_copy(mask_hbm.at[b, pl.ds(s * 256, 256)], mb.at[b_loc])
    for cp in cps:
        cp.wait()
    for b_loc in range(2):
        @plsc.parallel_loop(0, 256 // _L, unroll=2)
        def _(t, b_loc=b_loc):
            base = t * _L
            x = [hb[b_loc, h, pl.ds(base, _L)] for h in range(_H)]
            n = _H
            while n > 1:
                n //= 2
                x = [x[i] + x[i + n] for i in range(n)]
            acc = x[0]
            mv = mb[b_loc, pl.ds(base, _L)]
            sc = jnp.where(mv != 0, acc, jnp.float32(_NEG))
            sc = jnp.where(sc == 0.0, jnp.float32(0.0), sc)
            bits = lax.bitcast_convert_type(sc, jnp.int32)
            neg = bits >> 31
            key = bits ^ (jnp.bitwise_not(neg) & jnp.int32(0x7FFFFFFF))
            kslice[b_loc, pl.ds(base, _L)] = key
        pltpu.sync_copy(kslice.at[b_loc],
                        shared_keys.at[b_loc, pl.ds(s * 256, 256)])


def _sort_batch(s, row0, keysA, keysB, valsA, valsB, hist, totals, topv,
                shared_keys):
    with jax.named_scope("keyfetch"):
        pltpu.sync_copy(shared_keys.at[s], keysB)

    with jax.named_scope("transpose"):
        @plsc.parallel_loop(0, _T, unroll=2)
        def _(t):
            cvec = _iota() * _T + t
            keysA[pl.ds(t * _L, _L)] = plsc.load_gather(keysB, [cvec])
            valsA[pl.ds(t * _L, _L)] = cvec

    zeros = jnp.zeros((_L,), jnp.int32)
    ones = jnp.ones((_L,), jnp.int32)
    for p, shift in enumerate((0, 8, 16, 24)):
        kin, vin = (keysA, valsA) if p % 2 == 0 else (keysB, valsB)
        kout, vout = (keysB, valsB) if p % 2 == 0 else (keysA, valsA)

        with jax.named_scope("p%d_zero" % p):
            @plsc.parallel_loop(0, _T, unroll=4)
            def _(t):
                hist[pl.ds(t * _L, _L)] = zeros

        with jax.named_scope("p%d_hist" % p):
            @plsc.parallel_loop(0, _T, unroll=2)
            def _(t, kin=kin, shift=shift):
                k = kin[pl.ds(t * _L, _L)]
                d = (k >> shift) & jnp.int32(0xFF)
                addr = (d << 4) + _iota()
                plsc.addupdate_scatter(hist, [addr], ones)

        lane0 = _iota() == 0

        with jax.named_scope("p%d_scan" % p):
            @plsc.parallel_loop(0, _T, unroll=2)
            def _(t):
                v = hist[pl.ds(t * _L, _L)]
                c = plsc.cumsum(v)
                hist[pl.ds(t * _L, _L)] = c - v
                tv = jnp.broadcast_to(jnp.sum(v), (_L,))
                plsc.store_scatter(totals, [jnp.broadcast_to(t, (_L,))],
                                   tv, mask=lane0)

            def sc2_body(i, run):
                v = totals[pl.ds(i * _L, _L)]
                c = plsc.cumsum(v)
                totals[pl.ds(i * _L, _L)] = (c - v) + run
                return run + jnp.sum(v)

            lax.fori_loop(0, _T // _L, sc2_body, jnp.int32(0))

            @plsc.parallel_loop(0, _T, unroll=2)
            def _(t):
                carry = plsc.load_gather(totals,
                                         [jnp.broadcast_to(t, (_L,))])
                hist[pl.ds(t * _L, _L)] = hist[pl.ds(t * _L, _L)] + carry

        _W = 8

        def rp_body(g, _, kin=kin, vin=vin, kout=kout, vout=vout,
                    shift=shift):
            ks, vs, ds, addrs = [], [], [], []
            for u in range(_W):
                t = g * _W + u
                k = kin[pl.ds(t * _L, _L)]
                v = vin[pl.ds(t * _L, _L)]
                d = (k >> shift) & jnp.int32(0xFF)
                ks.append(k)
                vs.append(v)
                ds.append(d)
                addrs.append((d << 4) + _iota())
            raw = [plsc.load_gather(hist, [a]) for a in addrs]
            pos = []
            for u in range(_W):
                pu = raw[u]
                for q in range(u):
                    pu = pu + jnp.where(ds[q] == ds[u], jnp.int32(1),
                                        jnp.int32(0))
                pos.append(pu)
            for u in range(_W):
                plsc.store_scatter(hist, [addrs[u]], pos[u] + 1)
            for u in range(_W):
                phys = ((pos[u] & jnp.int32(0xFF)) << 4) | (pos[u] >> 8)
                plsc.store_scatter(kout, [phys], ks[u])
                plsc.store_scatter(vout, [phys], vs[u])
            return 0

        with jax.named_scope("p%d_permute" % p):
            lax.fori_loop(0, _T // _W, rp_body, 0, unroll=1)

    @plsc.parallel_loop(0, K_TOPK // _L, unroll=2)
    def _(r):
        cvec = r * _L + _iota()
        phys = ((cvec & jnp.int32(0xFF)) << 4) | (cvec >> 8)
        idxs = plsc.load_gather(valsA, [phys])
        topv[pl.ds(r * _L, _L)] = idxs + row0


@functools.partial(
    pl.kernel,
    mesh=plsc.VectorSubcoreMesh(core_axis_name="c", subcore_axis_name="s"),
    compiler_params=pltpu.CompilerParams(needs_layout_passes=False),
    out_type=jax.ShapeDtypeStruct((_ROWS_TOTAL, _D), jnp.float32),
    scratch_types=[
        pltpu.VMEM((2, _H, 256), jnp.float32),
        pltpu.VMEM((2, 256), jnp.int32),
        pltpu.VMEM((2, 256), jnp.int32),
        pltpu.VMEM((_S,), jnp.int32),
        pltpu.VMEM((_S,), jnp.int32),
        pltpu.VMEM((_S,), jnp.int32),
        pltpu.VMEM((_S,), jnp.int32),
        pltpu.VMEM((_S,), jnp.int32),
        pltpu.VMEM((_T,), jnp.int32),
        pltpu.VMEM((K_TOPK,), jnp.int32),
        pltpu.VMEM((_ROWS_PER_W,), jnp.int32),
        pltpu.VMEM((_CHUNK, _D), jnp.float32),
        pltpu.VMEM((_CHUNK, _D), jnp.float32),
        pltpu.VMEM_SHARED((2, _S), jnp.int32),
        pltpu.VMEM_SHARED((2, K_TOPK), jnp.int32),
        pltpu.SemaphoreType.DMA,
        pltpu.SemaphoreType.DMA,
        pltpu.SemaphoreType.DMA,
        pltpu.SemaphoreType.DMA,
    ],
)
def _sc_topk_gather(attn_hbm, mask_hbm, hid_hbm, out_hbm, hb, mb, kslice,
                    keysA, keysB, valsA, valsB, hist, totals, topv, idx_v,
                    rows_v0, rows_v1, shared_keys, shared, sem0, sem1,
                    sem2, sem3):
    c = lax.axis_index("c")
    s = lax.axis_index("s")

    with jax.named_scope("stage_attn"):
        _stage_keys(c, s, attn_hbm, mask_hbm, hb, mb, kslice, shared_keys,
                    sem0)
    plsc.subcore_barrier()

    @pl.when(s < 2)
    def _():
        b = 2 * c + s
        _sort_batch(s, b * _S, keysA, keysB, valsA, valsB, hist, totals,
                    topv, shared_keys)
        pltpu.sync_copy(topv, shared.at[s])

    plsc.subcore_barrier()

    b_loc = s // 8
    pltpu.sync_copy(shared.at[b_loc, pl.ds((s % 8) * _ROWS_PER_W,
                                           _ROWS_PER_W)], idx_v)
    out_base = 2 * c * K_TOPK + s * _ROWS_PER_W
    bufs = (rows_v0, rows_v1)
    rsems = (sem0, sem1)
    wsems = (sem2, sem3)

    def _gath(j):
        p = j % 2
        return pltpu.async_copy(
            hid_hbm.at[idx_v.at[pl.ds(j * _CHUNK, _CHUNK)]], bufs[p],
            rsems[p])

    _gscope = jax.named_scope("rowgather")
    _gscope.__enter__()
    g = [None] * _NCHUNK
    w = [None] * _NCHUNK
    g[0] = _gath(0)
    for j in range(_NCHUNK):
        p = j % 2
        if j + 1 < _NCHUNK:
            if j - 1 >= 0:
                w[j - 1].wait()
            g[j + 1] = _gath(j + 1)
        g[j].wait()
        w[j] = pltpu.async_copy(
            bufs[p], out_hbm.at[pl.ds(out_base + j * _CHUNK, _CHUNK)],
            wsems[p])
    w[_NCHUNK - 2].wait()
    w[_NCHUNK - 1].wait()
    _gscope.__exit__(None, None, None)


def kernel(hidden_states, latent_states, attention_mask, rotary_pos_embed,
           attn_scores):
    B, S, D = hidden_states.shape
    mask_i32 = attention_mask.astype(jnp.int32)
    hid_flat = hidden_states.reshape(B * S, D)
    out = _sc_topk_gather(attn_scores, mask_i32, hid_flat)
    return out.reshape(B, K_TOPK, D)

# --- scband reference (transcript-rebuilt; emitter-appended) ---
"""Pipeline reference for scband-topk-seq-latent-refiner-33767032881969 (READ-ONLY COPY).

The authoritative reference and input builder live on the scoring server;
editing this copy changes nothing except your own understanding.
"""

import jax, jax.numpy as jnp
import numpy as np

K_TOP = 1024  # config.seq_topk


def setup_inputs(seed: int = 0) -> dict:
    key = jax.random.key(seed)
    k1, k2, k3, k4 = jax.random.split(key, 4)
    B, S, D = 4, 4096, 2048
    H = 16
    D_HEAD = D // H
    L = 512
    hidden_states = jax.random.normal(k1, (B, S, D), dtype=jnp.float32)
    latent_states = jax.random.normal(k2, (B, L, D), dtype=jnp.float32)
    attention_mask = jnp.ones((B, S), dtype=bool)
    rotary_pos_embed = jax.random.normal(k3, (S, D_HEAD), dtype=jnp.float32)
    attn_scores = jax.random.normal(k4, (B, H, S), dtype=jnp.float32)
    return {
        "hidden_states": hidden_states,
        "latent_states": latent_states,
        "attention_mask": attention_mask,
        "rotary_pos_embed": rotary_pos_embed,
        "attn_scores": attn_scores,
    }


def reference(hidden_states, latent_states, attention_mask, rotary_pos_embed, attn_scores):
    # TopkSeqLatentRefiner.forward:
    #   attn_scores = torch.sum(attn_scores, dim=1)  (sum over heads)
    #   then keep the top-k sequence positions by aggregated attention score
    scores = jnp.sum(attn_scores, axis=1)  # [B, S]
    neg = jnp.finfo(scores.dtype).min
    masked_scores = jnp.where(attention_mask, scores, neg)
    top_vals, top_idx = jax.lax.top_k(masked_scores, K_TOP)  # [B, K]
    # gather refined (kept) hidden states along the sequence dim
    sel_hidden = jnp.take_along_axis(hidden_states, top_idx[..., None], axis=1)  # [B, K, D]
    return sel_hidden

if __name__ == "__main__":
    import jax
    _d = setup_inputs()
    print(jax.jit(kernel)(*tuple(_d.values())))

</pallas_src>

<mosaic_0001>
#map = affine_map<(d0, d1) -> (0, 0, 0)>
#map1 = affine_map<(d0, d1) -> (0, 0)>
module attributes {stable_mosaic.version = 14 : i64} {
  func.func @_sc_topk_gather(%arg0: i32, %arg1: i32, %arg2: memref<4x16x4096xf32, #tpu.memory_space<hbm>>, %arg3: memref<4x4096xi32, #tpu.memory_space<hbm>>, %arg4: memref<16384x2048xf32, #tpu.memory_space<hbm>>, %arg5: memref<4096x2048xf32, #tpu.memory_space<hbm>>, %arg6: memref<2x16x256xf32, #tpu.memory_space<vmem>>, %arg7: memref<2x256xi32, #tpu.memory_space<vmem>>, %arg8: memref<2x256xi32, #tpu.memory_space<vmem>>, %arg9: memref<4096xi32, #tpu.memory_space<vmem>>, %arg10: memref<4096xi32, #tpu.memory_space<vmem>>, %arg11: memref<4096xi32, #tpu.memory_space<vmem>>, %arg12: memref<4096xi32, #tpu.memory_space<vmem>>, %arg13: memref<4096xi32, #tpu.memory_space<vmem>>, %arg14: memref<256xi32, #tpu.memory_space<vmem>>, %arg15: memref<1024xi32, #tpu.memory_space<vmem>>, %arg16: memref<128xi32, #tpu.memory_space<vmem>>, %arg17: memref<8x2048xf32, #tpu.memory_space<vmem>>, %arg18: memref<8x2048xf32, #tpu.memory_space<vmem>>, %arg19: memref<2x4096xi32, #tpu.memory_space<vmem_shared>>, %arg20: memref<2x1024xi32, #tpu.memory_space<vmem_shared>>, %arg21: memref<!tpu.dma_semaphore, #tpu.memory_space<semaphore_mem>>, %arg22: memref<!tpu.dma_semaphore, #tpu.memory_space<semaphore_mem>>, %arg23: memref<!tpu.dma_semaphore, #tpu.memory_space<semaphore_mem>>, %arg24: memref<!tpu.dma_semaphore, #tpu.memory_space<semaphore_mem>>) attributes {dimension_semantics = [#tpu.dimension_semantics<core_parallel>, #tpu.dimension_semantics<subcore_parallel>], iteration_bounds = array<i64: 2, 16>, scalar_prefetch = 0 : i64, scratch_operands = 19 : i64, tpu.core_type = #tpu.core_type<sc_vector_subcore>, window_params = [{transform_indices = #map}, {transform_indices = #map1}, {transform_indices = #map1}, {transform_indices = #map1}]} {
    "tpu.trace_start"() <{level = 10 : i32, message = "stage_attn"}> : () -> ()
    %mul3A = arith.constant 2 : i32
    %mul3A_0 = arith.muli %mul3A, %arg0 : i32
    %add3A = arith.constant 0 : i32
    %add3A_1 = arith.addi %mul3A_0, %add3A : i32
    %mul3A_2 = arith.constant 256 : i32
    %mul3A_3 = arith.muli %arg1, %mul3A_2 : i32
    %dma_start3A = arith.constant 0 : i32
    %dma_start3A_4 = arith.constant 0 : i32
    %dma_start3A_5 = arith.constant 0 : i32
    %dma_start3A_6 = tpu.memref_slice %arg6[%dma_start3A, %dma_start3A_4, %dma_start3A_5] : memref<2x16x256xf32, #tpu.memory_space<vmem>> -> memref<1x16x256xf32, #tpu.memory_space<vmem>>
    %dma_start3A_7 = tpu.memref_squeeze %dma_start3A_6 : memref<1x16x256xf32, #tpu.memory_space<vmem>> -> memref<16x256xf32, #tpu.memory_space<vmem>>
    %dma_start3A_8 = arith.constant 0 : i32
    %dma_start3A_9 = tpu.memref_slice %arg2[%add3A_1, %dma_start3A_8, %mul3A_3] : memref<4x16x4096xf32, #tpu.memory_space<hbm>> -> memref<1x16x256xf32, #tpu.memory_space<hbm>>
    %dma_start3A_10 = tpu.memref_squeeze %dma_start3A_9 : memref<1x16x256xf32, #tpu.memory_space<hbm>> -> memref<16x256xf32, #tpu.memory_space<hbm>>
    %dma_start3A_11 = arith.constant 0 : i32
    %dma_start3A_12 = arith.constant 0 : i32
    %dma_start3A_13 = tpu.memref_slice %arg6[%dma_start3A, %dma_start3A_11, %dma_start3A_12] : memref<2x16x256xf32, #tpu.memory_space<vmem>> -> memref<1x16x256xf32, #tpu.memory_space<vmem>>
    %dma_start3A_14 = tpu.memref_squeeze %dma_start3A_13 : memref<1x16x256xf32, #tpu.memory_space<vmem>> -> memref<16x256xf32, #tpu.memory_space<vmem>>
    %dma_start3A_15 = arith.constant 0 : i32
    %dma_start3A_16 = tpu.memref_slice %arg2[%add3A_1, %dma_start3A_15, %mul3A_3] : memref<4x16x4096xf32, #tpu.memory_space<hbm>> -> memref<1x16x256xf32, #tpu.memory_space<hbm>>
    %dma_start3A_17 = tpu.memref_squeeze %dma_start3A_16 : memref<1x16x256xf32, #tpu.memory_space<hbm>> -> memref<16x256xf32, #tpu.memory_space<hbm>>
    tpu.enqueue_dma source(%dma_start3A_17 : memref<16x256xf32, #tpu.memory_space<hbm>>) target(%dma_start3A_14 : memref<16x256xf32, #tpu.memory_space<vmem>>) target_semaphore(%arg21 : memref<!tpu.dma_semaphore, #tpu.memory_space<semaphore_mem>>)
    %mul3A_18 = arith.constant 256 : i32
    %mul3A_19 = arith.muli %arg1, %mul3A_18 : i32
    %run_scoped3A = arith.constant 0 : i32
    "tpu.region"() ({
      %run_scoped3A_449 = tpu.sem_alloc : memref<!tpu.dma_semaphore, #tpu.memory_space<semaphore_mem>>
      %dma_start3A_450 = arith.constant 0 : i32
      %dma_start3A_451 = tpu.memref_slice %arg7[%run_scoped3A, %dma_start3A_450] : memref<2x256xi32, #tpu.memory_space<vmem>> -> memref<1x256xi32, #tpu.memory_space<vmem>>
      %dma_start3A_452 = tpu.memref_squeeze %dma_start3A_451 : memref<1x256xi32, #tpu.memory_space<vmem>> -> memref<256xi32, #tpu.memory_space<vmem>>
      %dma_start3A_453 = tpu.memref_slice %arg3[%add3A_1, %mul3A_19] : memref<4x4096xi32, #tpu.memory_space<hbm>> -> memref<1x256xi32, #tpu.memory_space<hbm>>
      %dma_start3A_454 = tpu.memref_squeeze %dma_start3A_453 : memref<1x256xi32, #tpu.memory_space<hbm>> -> memref<256xi32, #tpu.memory_space<hbm>>
      %dma_start3A_455 = arith.constant 0 : i32
      %dma_start3A_456 = tpu.memref_slice %arg7[%run_scoped3A, %dma_start3A_455] : memref<2x256xi32, #tpu.memory_space<vmem>> -> memref<1x256xi32, #tpu.memory_space<vmem>>
      %dma_start3A_457 = tpu.memref_squeeze %dma_start3A_456 : memref<1x256xi32, #tpu.memory_space<vmem>> -> memref<256xi32, #tpu.memory_space<vmem>>
      %dma_start3A_458 = tpu.memref_slice %arg3[%add3A_1, %mul3A_19] : memref<4x4096xi32, #tpu.memory_space<hbm>> -> memref<1x256xi32, #tpu.memory_space<hbm>>
      %dma_start3A_459 = tpu.memref_squeeze %dma_start3A_458 : memref<1x256xi32, #tpu.memory_space<hbm>> -> memref<256xi32, #tpu.memory_space<hbm>>
      tpu.enqueue_dma source(%dma_start3A_459 : memref<256xi32, #tpu.memory_space<hbm>>) target(%dma_start3A_457 : memref<256xi32, #tpu.memory_space<vmem>>) target_semaphore(%run_scoped3A_449 : memref<!tpu.dma_semaphore, #tpu.memory_space<semaphore_mem>>)
      %dma_wait3A_460 = arith.constant 0 : i32
      %dma_wait3A_461 = tpu.memref_slice %arg7[%run_scoped3A, %dma_wait3A_460] : memref<2x256xi32, #tpu.memory_space<vmem>> -> memref<1x256xi32, #tpu.memory_space<vmem>>
      %dma_wait3A_462 = tpu.memref_squeeze %dma_wait3A_461 : memref<1x256xi32, #tpu.memory_space<vmem>> -> memref<256xi32, #tpu.memory_space<vmem>>
      %dma_wait3A_463 = tpu.memref_slice %arg3[%add3A_1, %mul3A_19] : memref<4x4096xi32, #tpu.memory_space<hbm>> -> memref<1x256xi32, #tpu.memory_space<hbm>>
      %dma_wait3A_464 = tpu.memref_squeeze %dma_wait3A_463 : memref<1x256xi32, #tpu.memory_space<hbm>> -> memref<256xi32, #tpu.memory_space<hbm>>
      %dma_wait3A_465 = arith.constant 0 : i32
      %dma_wait3A_466 = tpu.memref_slice %arg7[%run_scoped3A, %dma_wait3A_465] : memref<2x256xi32, #tpu.memory_space<vmem>> -> memref<1x256xi32, #tpu.memory_space<vmem>>
      %dma_wait3A_467 = tpu.memref_squeeze %dma_wait3A_466 : memref<1x256xi32, #tpu.memory_space<vmem>> -> memref<256xi32, #tpu.memory_space<vmem>>
      %dma_wait3A_468 = tpu.memref_slice %arg3[%add3A_1, %mul3A_19] : memref<4x4096xi32, #tpu.memory_space<hbm>> -> memref<1x256xi32, #tpu.memory_space<hbm>>
      %dma_wait3A_469 = tpu.memref_squeeze %dma_wait3A_468 : memref<1x256xi32, #tpu.memory_space<hbm>> -> memref<256xi32, #tpu.memory_space<hbm>>
      tpu.wait_dma2 semaphore(%run_scoped3A_449 : memref<!tpu.dma_semaphore, #tpu.memory_space<semaphore_mem>>) src(%dma_wait3A_469 : memref<256xi32, #tpu.memory_space<hbm>>) dst(%dma_wait3A_467 : memref<256xi32, #tpu.memory_space<vmem>>)
      tpu.yield
    }) : () -> ()
    %mul3A_20 = arith.constant 2 : i32
    %mul3A_21 = arith.muli %mul3A_20, %arg0 : i32
    %add3A_22 = arith.constant 1 : i32
    %add3A_23 = arith.addi %mul3A_21, %add3A_22 : i32
    %mul3A_24 = arith.constant 256 : i32
    %mul3A_25 = arith.muli %arg1, %mul3A_24 : i32
    %dma_start3A_26 = arith.constant 1 : i32
    %dma_start3A_27 = arith.constant 0 : i32
    %dma_start3A_28 = arith.constant 0 : i32
    %dma_start3A_29 = tpu.memref_slice %arg6[%dma_start3A_26, %dma_start3A_27, %dma_start3A_28] : memref<2x16x256xf32, #tpu.memory_space<vmem>> -> memref<1x16x256xf32, #tpu.memory_space<vmem>>
    %dma_start3A_30 = tpu.memref_squeeze %dma_start3A_29 : memref<1x16x256xf32, #tpu.memory_space<vmem>> -> memref<16x256xf32, #tpu.memory_space<vmem>>
    %dma_start3A_31 = arith.constant 0 : i32
    %dma_start3A_32 = tpu.memref_slice %arg2[%add3A_23, %dma_start3A_31, %mul3A_25] : memref<4x16x4096xf32, #tpu.memory_space<hbm>> -> memref<1x16x256xf32, #tpu.memory_space<hbm>>
    %dma_start3A_33 = tpu.memref_squeeze %dma_start3A_32 : memref<1x16x256xf32, #tpu.memory_space<hbm>> -> memref<16x256xf32, #tpu.memory_space<hbm>>
    %dma_start3A_34 = arith.constant 0 : i32
    %dma_start3A_35 = arith.constant 0 : i32
    %dma_start3A_36 = tpu.memref_slice %arg6[%dma_start3A_26, %dma_start3A_34, %dma_start3A_35] : memref<2x16x256xf32, #tpu.memory_space<vmem>> -> memref<1x16x256xf32, #tpu.memory_space<vmem>>
    %dma_start3A_37 = tpu.memref_squeeze %dma_start3A_36 : memref<1x16x256xf32, #tpu.memory_space<vmem>> -> memref<16x256xf32, #tpu.memory_space<vmem>>
    %dma_start3A_38 = arith.constant 0 : i32
    %dma_start3A_39 = tpu.memref_slice %arg2[%add3A_23, %dma_start3A_38, %mul3A_25] : memref<4x16x4096xf32, #tpu.memory_space<hbm>> -> memref<1x16x256xf32, #tpu.memory_space<hbm>>
    %dma_start3A_40 = tpu.memref_squeeze %dma_start3A_39 : memref<1x16x256xf32, #tpu.memory_space<hbm>> -> memref<16x256xf32, #tpu.memory_space<hbm>>
    tpu.enqueue_dma source(%dma_start3A_40 : memref<16x256xf32, #tpu.memory_space<hbm>>) target(%dma_start3A_37 : memref<16x256xf32, #tpu.memory_space<vmem>>) target_semaphore(%arg21 : memref<!tpu.dma_semaphore, #tpu.memory_space<semaphore_mem>>)
    %mul3A_41 = arith.constant 256 : i32
    %mul3A_42 = arith.muli %arg1, %mul3A_41 : i32
    %run_scoped3A_43 = arith.constant 1 : i32
    "tpu.region"() ({
      %run_scoped3A_449 = tpu.sem_alloc : memref<!tpu.dma_semaphore, #tpu.memory_space<semaphore_mem>>
      %dma_start3A_450 = arith.constant 0 : i32
      %dma_start3A_451 = tpu.memref_slice %arg7[%run_scoped3A_43, %dma_start3A_450] : memref<2x256xi32, #tpu.memory_space<vmem>> -> memref<1x256xi32, #tpu.memory_space<vmem>>
      %dma_start3A_452 = tpu.memref_squeeze %dma_start3A_451 : memref<1x256xi32, #tpu.memory_space<vmem>> -> memref<256xi32, #tpu.memory_space<vmem>>
      %dma_start3A_453 = tpu.memref_slice %arg3[%add3A_23, %mul3A_42] : memref<4x4096xi32, #tpu.memory_space<hbm>> -> memref<1x256xi32, #tpu.memory_space<hbm>>
      %dma_start3A_454 = tpu.memref_squeeze %dma_start3A_453 : memref<1x256xi32, #tpu.memory_space<hbm>> -> memref<256xi32, #tpu.memory_space<hbm>>
      %dma_start3A_455 = arith.constant 0 : i32
      %dma_start3A_456 = tpu.memref_slice %arg7[%run_scoped3A_43, %dma_start3A_455] : memref<2x256xi32, #tpu.memory_space<vmem>> -> memref<1x256xi32, #tpu.memory_space<vmem>>
      %dma_start3A_457 = tpu.memref_squeeze %dma_start3A_456 : memref<1x256xi32, #tpu.memory_space<vmem>> -> memref<256xi32, #tpu.memory_space<vmem>>
      %dma_start3A_458 = tpu.memref_slice %arg3[%add3A_23, %mul3A_42] : memref<4x4096xi32, #tpu.memory_space<hbm>> -> memref<1x256xi32, #tpu.memory_space<hbm>>
      %dma_start3A_459 = tpu.memref_squeeze %dma_start3A_458 : memref<1x256xi32, #tpu.memory_space<hbm>> -> memref<256xi32, #tpu.memory_space<hbm>>
      tpu.enqueue_dma source(%dma_start3A_459 : memref<256xi32, #tpu.memory_space<hbm>>) target(%dma_start3A_457 : memref<256xi32, #tpu.memory_space<vmem>>) target_semaphore(%run_scoped3A_449 : memref<!tpu.dma_semaphore, #tpu.memory_space<semaphore_mem>>)
      %dma_wait3A_460 = arith.constant 0 : i32
      %dma_wait3A_461 = tpu.memref_slice %arg7[%run_scoped3A_43, %dma_wait3A_460] : memref<2x256xi32, #tpu.memory_space<vmem>> -> memref<1x256xi32, #tpu.memory_space<vmem>>
      %dma_wait3A_462 = tpu.memref_squeeze %dma_wait3A_461 : memref<1x256xi32, #tpu.memory_space<vmem>> -> memref<256xi32, #tpu.memory_space<vmem>>
      %dma_wait3A_463 = tpu.memref_slice %arg3[%add3A_23, %mul3A_42] : memref<4x4096xi32, #tpu.memory_space<hbm>> -> memref<1x256xi32, #tpu.memory_space<hbm>>
      %dma_wait3A_464 = tpu.memref_squeeze %dma_wait3A_463 : memref<1x256xi32, #tpu.memory_space<hbm>> -> memref<256xi32, #tpu.memory_space<hbm>>
      %dma_wait3A_465 = arith.constant 0 : i32
      %dma_wait3A_466 = tpu.memref_slice %arg7[%run_scoped3A_43, %dma_wait3A_465] : memref<2x256xi32, #tpu.memory_space<vmem>> -> memref<1x256xi32, #tpu.memory_space<vmem>>
      %dma_wait3A_467 = tpu.memref_squeeze %dma_wait3A_466 : memref<1x256xi32, #tpu.memory_space<vmem>> -> memref<256xi32, #tpu.memory_space<vmem>>
      %dma_wait3A_468 = tpu.memref_slice %arg3[%add3A_23, %mul3A_42] : memref<4x4096xi32, #tpu.memory_space<hbm>> -> memref<1x256xi32, #tpu.memory_space<hbm>>
      %dma_wait3A_469 = tpu.memref_squeeze %dma_wait3A_468 : memref<1x256xi32, #tpu.memory_space<hbm>> -> memref<256xi32, #tpu.memory_space<hbm>>
      tpu.wait_dma2 semaphore(%run_scoped3A_449 : memref<!tpu.dma_semaphore, #tpu.memory_space<semaphore_mem>>) src(%dma_wait3A_469 : memref<256xi32, #tpu.memory_space<hbm>>) dst(%dma_wait3A_467 : memref<256xi32, #tpu.memory_space<vmem>>)
      tpu.yield
    }) : () -> ()
    %dma_wait3A = arith.constant 0 : i32
    %dma_wait3A_44 = arith.constant 0 : i32
    %dma_wait3A_45 = arith.constant 0 : i32
    %dma_wait3A_46 = tpu.memref_slice %arg6[%dma_wait3A, %dma_wait3A_44, %dma_wait3A_45] : memref<2x16x256xf32, #tpu.memory_space<vmem>> -> memref<1x16x256xf32, #tpu.memory_space<vmem>>
    %dma_wait3A_47 = tpu.memref_squeeze %dma_wait3A_46 : memref<1x16x256xf32, #tpu.memory_space<vmem>> -> memref<16x256xf32, #tpu.memory_space<vmem>>
    %dma_wait3A_48 = arith.constant 0 : i32
    %dma_wait3A_49 = tpu.memref_slice %arg2[%add3A_1, %dma_wait3A_48, %mul3A_3] : memref<4x16x4096xf32, #tpu.memory_space<hbm>> -> memref<1x16x256xf32, #tpu.memory_space<hbm>>
    %dma_wait3A_50 = tpu.memref_squeeze %dma_wait3A_49 : memref<1x16x256xf32, #tpu.memory_space<hbm>> -> memref<16x256xf32, #tpu.memory_space<hbm>>
    %dma_wait3A_51 = arith.constant 0 : i32
    %dma_wait3A_52 = arith.constant 0 : i32
    %dma_wait3A_53 = tpu.memref_slice %arg6[%dma_wait3A, %dma_wait3A_51, %dma_wait3A_52] : memref<2x16x256xf32, #tpu.memory_space<vmem>> -> memref<1x16x256xf32, #tpu.memory_space<vmem>>
    %dma_wait3A_54 = tpu.memref_squeeze %dma_wait3A_53 : memref<1x16x256xf32, #tpu.memory_space<vmem>> -> memref<16x256xf32, #tpu.memory_space<vmem>>
    %dma_wait3A_55 = arith.constant 0 : i32
    %dma_wait3A_56 = tpu.memref_slice %arg2[%add3A_1, %dma_wait3A_55, %mul3A_3] : memref<4x16x4096xf32, #tpu.memory_space<hbm>> -> memref<1x16x256xf32, #tpu.memory_space<hbm>>
    %dma_wait3A_57 = tpu.memref_squeeze %dma_wait3A_56 : memref<1x16x256xf32, #tpu.memory_space<hbm>> -> memref<16x256xf32, #tpu.memory_space<hbm>>
    tpu.wait_dma2 semaphore(%arg21 : memref<!tpu.dma_semaphore, #tpu.memory_space<semaphore_mem>>) src(%dma_wait3A_57 : memref<16x256xf32, #tpu.memory_space<hbm>>) dst(%dma_wait3A_54 : memref<16x256xf32, #tpu.memory_space<vmem>>)
    %dma_wait3A_58 = arith.constant 1 : i32
    %dma_wait3A_59 = arith.constant 0 : i32
    %dma_wait3A_60 = arith.constant 0 : i32
    %dma_wait3A_61 = tpu.memref_slice %arg6[%dma_wait3A_58, %dma_wait3A_59, %dma_wait3A_60] : memref<2x16x256xf32, #tpu.memory_space<vmem>> -> memref<1x16x256xf32, #tpu.memory_space<vmem>>
    %dma_wait3A_62 = tpu.memref_squeeze %dma_wait3A_61 : memref<1x16x256xf32, #tpu.memory_space<vmem>> -> memref<16x256xf32, #tpu.memory_space<vmem>>
    %dma_wait3A_63 = arith.constant 0 : i32
    %dma_wait3A_64 = tpu.memref_slice %arg2[%add3A_23, %dma_wait3A_63, %mul3A_25] : memref<4x16x4096xf32, #tpu.memory_space<hbm>> -> memref<1x16x256xf32, #tpu.memory_space<hbm>>
    %dma_wait3A_65 = tpu.memref_squeeze %dma_wait3A_64 : memref<1x16x256xf32, #tpu.memory_space<hbm>> -> memref<16x256xf32, #tpu.memory_space<hbm>>
    %dma_wait3A_66 = arith.constant 0 : i32
    %dma_wait3A_67 = arith.constant 0 : i32
    %dma_wait3A_68 = tpu.memref_slice %arg6[%dma_wait3A_58, %dma_wait3A_66, %dma_wait3A_67] : memref<2x16x256xf32, #tpu.memory_space<vmem>> -> memref<1x16x256xf32, #tpu.memory_space<vmem>>
    %dma_wait3A_69 = tpu.memref_squeeze %dma_wait3A_68 : memref<1x16x256xf32, #tpu.memory_space<vmem>> -> memref<16x256xf32, #tpu.memory_space<vmem>>
    %dma_wait3A_70 = arith.constant 0 : i32
    %dma_wait3A_71 = tpu.memref_slice %arg2[%add3A_23, %dma_wait3A_70, %mul3A_25] : memref<4x16x4096xf32, #tpu.memory_space<hbm>> -> memref<1x16x256xf32, #tpu.memory_space<hbm>>
    %dma_wait3A_72 = tpu.memref_squeeze %dma_wait3A_71 : memref<1x16x256xf32, #tpu.memory_space<hbm>> -> memref<16x256xf32, #tpu.memory_space<hbm>>
    tpu.wait_dma2 semaphore(%arg21 : memref<!tpu.dma_semaphore, #tpu.memory_space<semaphore_mem>>) src(%dma_wait3A_72 : memref<16x256xf32, #tpu.memory_space<hbm>>) dst(%dma_wait3A_69 : memref<16x256xf32, #tpu.memory_space<vmem>>)
    %parallel_loop3A = arith.constant 0 : i32
    %parallel_loop3A_73 = arith.constant 16 : i32
    %parallel_loop3A_74 = arith.constant 1 : i32
    scf.for %parallel_loop3A_449 = %parallel_loop3A to %parallel_loop3A_73 step %parallel_loop3A_74  : i32 {
      %parallel_loop3A_450 = arith.constant 16 : i32
      %parallel_loop3A_451 = arith.muli %parallel_loop3A_449, %parallel_loop3A_450 : i32
      %parallel_loop3A_452 = arith.constant 0 : i32
      %parallel_loop3A_453 = arith.constant 0 : i32
      %parallel_loop3A_454 = arith.index_cast %parallel_loop3A_452 : i32 to index
      %parallel_loop3A_455 = arith.index_cast %parallel_loop3A_453 : i32 to index
      %parallel_loop3A_456 = arith.index_cast %parallel_loop3A_451 : i32 to index
      %parallel_loop3A_457 = tpu.vector_load %arg6[%parallel_loop3A_454, %parallel_loop3A_455, %parallel_loop3A_456] {strides = array<i32>} : memref<2x16x256xf32, #tpu.memory_space<vmem>>, vector<16xf32>,
      %parallel_loop3A_458 = arith.constant 0 : i32
      %parallel_loop3A_459 = arith.constant 1 : i32
      %parallel_loop3A_460 = arith.index_cast %parallel_loop3A_458 : i32 to index
      %parallel_loop3A_461 = arith.index_cast %parallel_loop3A_459 : i32 to index
      %parallel_loop3A_462 = arith.index_cast %parallel_loop3A_451 : i32 to index
      %parallel_loop3A_463 = tpu.vector_load %arg6[%parallel_loop3A_460, %parallel_loop3A_461, %parallel_loop3A_462] {strides = array<i32>} : memref<2x16x256xf32, #tpu.memory_space<vmem>>, vector<16xf32>,
      %parallel_loop3A_464 = arith.constant 0 : i32
      %parallel_loop3A_465 = arith.constant 2 : i32
      %parallel_loop3A_466 = arith.index_cast %parallel_loop3A_464 : i32 to index
      %parallel_loop3A_467 = arith.index_cast %parallel_loop3A_465 : i32 to index
      %parallel_loop3A_468 = arith.index_cast %parallel_loop3A_451 : i32 to index
      %parallel_loop3A_469 = tpu.vector_load %arg6[%parallel_loop3A_466, %parallel_loop3A_467, %parallel_loop3A_468] {strides = array<i32>} : memref<2x16x256xf32, #tpu.memory_space<vmem>>, vector<16xf32>,
      %parallel_loop3A_470 = arith.constant 0 : i32
      %parallel_loop3A_471 = arith.constant 3 : i32
      %parallel_loop3A_472 = arith.index_cast %parallel_loop3A_470 : i32 to index
      %parallel_loop3A_473 = arith.index_cast %parallel_loop3A_471 : i32 to index
      %parallel_loop3A_474 = arith.index_cast %parallel_loop3A_451 : i32 to index
      %parallel_loop3A_475 = tpu.vector_load %arg6[%parallel_loop3A_472, %parallel_loop3A_473, %parallel_loop3A_474] {strides = array<i32>} : memref<2x16x256xf32, #tpu.memory_space<vmem>>, vector<16xf32>,
      %parallel_loop3A_476 = arith.constant 0 : i32
      %parallel_loop3A_477 = arith.constant 4 : i32
      %parallel_loop3A_478 = arith.index_cast %parallel_loop3A_476 : i32 to index
      %parallel_loop3A_479 = arith.index_cast %parallel_loop3A_477 : i32 to index
      %parallel_loop3A_480 = arith.index_cast %parallel_loop3A_451 : i32 to index
      %parallel_loop3A_481 = tpu.vector_load %arg6[%parallel_loop3A_478, %parallel_loop3A_479, %parallel_loop3A_480] {strides = array<i32>} : memref<2x16x256xf32, #tpu.memory_space<vmem>>, vector<16xf32>,
      %parallel_loop3A_482 = arith.constant 0 : i32
      %parallel_loop3A_483 = arith.constant 5 : i32
      %parallel_loop3A_484 = arith.index_cast %parallel_loop3A_482 : i32 to index
      %parallel_loop3A_485 = arith.index_cast %parallel_loop3A_483 : i32 to index
      %parallel_loop3A_486 = arith.index_cast %parallel_loop3A_451 : i32 to index
      %parallel_loop3A_487 = tpu.vector_load %arg6[%parallel_loop3A_484, %parallel_loop3A_485, %parallel_loop3A_486] {strides = array<i32>} : memref<2x16x256xf32, #tpu.memory_space<vmem>>, vector<16xf32>,
      %parallel_loop3A_488 = arith.constant 0 : i32
      %parallel_loop3A_489 = arith.constant 6 : i32
      %parallel_loop3A_490 = arith.index_cast %parallel_loop3A_488 : i32 to index
      %parallel_loop3A_491 = arith.index_cast %parallel_loop3A_489 : i32 to index
      %parallel_loop3A_492 = arith.index_cast %parallel_loop3A_451 : i32 to index
      %parallel_loop3A_493 = tpu.vector_load %arg6[%parallel_loop3A_490, %parallel_loop3A_491, %parallel_loop3A_492] {strides = array<i32>} : memref<2x16x256xf32, #tpu.memory_space<vmem>>, vector<16xf32>,
      %parallel_loop3A_494 = arith.constant 0 : i32
      %parallel_loop3A_495 = arith.constant 7 : i32
      %parallel_loop3A_496 = arith.index_cast %parallel_loop3A_494 : i32 to index
      %parallel_loop3A_497 = arith.index_cast %parallel_loop3A_495 : i32 to index
      %parallel_loop3A_498 = arith.index_cast %parallel_loop3A_451 : i32 to index
      %parallel_loop3A_499 = tpu.vector_load %arg6[%parallel_loop3A_496, %parallel_loop3A_497, %parallel_loop3A_498] {strides = array<i32>} : memref<2x16x256xf32, #tpu.memory_space<vmem>>, vector<16xf32>,
      %parallel_loop3A_500 = arith.constant 0 : i32
      %parallel_loop3A_501 = arith.constant 8 : i32
      %parallel_loop3A_502 = arith.index_cast %parallel_loop3A_500 : i32 to index
      %parallel_loop3A_503 = arith.index_cast %parallel_loop3A_501 : i32 to index
      %parallel_loop3A_504 = arith.index_cast %parallel_loop3A_451 : i32 to index
      %parallel_loop3A_505 = tpu.vector_load %arg6[%parallel_loop3A_502, %parallel_loop3A_503, %parallel_loop3A_504] {strides = array<i32>} : memref<2x16x256xf32, #tpu.memory_space<vmem>>, vector<16xf32>,
      %parallel_loop3A_506 = arith.constant 0 : i32
      %parallel_loop3A_507 = arith.constant 9 : i32
      %parallel_loop3A_508 = arith.index_cast %parallel_loop3A_506 : i32 to index
      %parallel_loop3A_509 = arith.index_cast %parallel_loop3A_507 : i32 to index
      %parallel_loop3A_510 = arith.index_cast %parallel_loop3A_451 : i32 to index
      %parallel_loop3A_511 = tpu.vector_load %arg6[%parallel_loop3A_508, %parallel_loop3A_509, %parallel_loop3A_510] {strides = array<i32>} : memref<2x16x256xf32, #tpu.memory_space<vmem>>, vector<16xf32>,
      %parallel_loop3A_512 = arith.constant 0 : i32
      %parallel_loop3A_513 = arith.constant 10 : i32
      %parallel_loop3A_514 = arith.index_cast %parallel_loop3A_512 : i32 to index
      %parallel_loop3A_515 = arith.index_cast %parallel_loop3A_513 : i32 to index
      %parallel_loop3A_516 = arith.index_cast %parallel_loop3A_451 : i32 to index
      %parallel_loop3A_517 = tpu.vector_load %arg6[%parallel_loop3A_514, %parallel_loop3A_515, %parallel_loop3A_516] {strides = array<i32>} : memref<2x16x256xf32, #tpu.memory_space<vmem>>, vector<16xf32>,
      %parallel_loop3A_518 = arith.constant 0 : i32
      %parallel_loop3A_519 = arith.constant 11 : i32
      %parallel_loop3A_520 = arith.index_cast %parallel_loop3A_518 : i32 to index
      %parallel_loop3A_521 = arith.index_cast %parallel_loop3A_519 : i32 to index
      %parallel_loop3A_522 = arith.index_cast %parallel_loop3A_451 : i32 to index
      %parallel_loop3A_523 = tpu.vector_load %arg6[%parallel_loop3A_520, %parallel_loop3A_521, %parallel_loop3A_522] {strides = array<i32>} : memref<2x16x256xf32, #tpu.memory_space<vmem>>, vector<16xf32>,
      %parallel_loop3A_524 = arith.constant 0 : i32
      %parallel_loop3A_525 = arith.constant 12 : i32
      %parallel_loop3A_526 = arith.index_cast %parallel_loop3A_524 : i32 to index
      %parallel_loop3A_527 = arith.index_cast %parallel_loop3A_525 : i32 to index
      %parallel_loop3A_528 = arith.index_cast %parallel_loop3A_451 : i32 to index
      %parallel_loop3A_529 = tpu.vector_load %arg6[%parallel_loop3A_526, %parallel_loop3A_527, %parallel_loop3A_528] {strides = array<i32>} : memref<2x16x256xf32, #tpu.memory_space<vmem>>, vector<16xf32>,
      %parallel_loop3A_530 = arith.constant 0 : i32
      %parallel_loop3A_531 = arith.constant 13 : i32
      %parallel_loop3A_532 = arith.index_cast %parallel_loop3A_530 : i32 to index
      %parallel_loop3A_533 = arith.index_cast %parallel_loop3A_531 : i32 to index
      %parallel_loop3A_534 = arith.index_cast %parallel_loop3A_451 : i32 to index
      %parallel_loop3A_535 = tpu.vector_load %arg6[%parallel_loop3A_532, %parallel_loop3A_533, %parallel_loop3A_534] {strides = array<i32>} : memref<2x16x256xf32, #tpu.memory_space<vmem>>, vector<16xf32>,
      %parallel_loop3A_536 = arith.constant 0 : i32
      %parallel_loop3A_537 = arith.constant 14 : i32
      %parallel_loop3A_538 = arith.index_cast %parallel_loop3A_536 : i32 to index
      %parallel_loop3A_539 = arith.index_cast %parallel_loop3A_537 : i32 to index
      %parallel_loop3A_540 = arith.index_cast %parallel_loop3A_451 : i32 to index
      %parallel_loop3A_541 = tpu.vector_load %arg6[%parallel_loop3A_538, %parallel_loop3A_539, %parallel_loop3A_540] {strides = array<i32>} : memref<2x16x256xf32, #tpu.memory_space<vmem>>, vector<16xf32>,
      %parallel_loop3A_542 = arith.constant 0 : i32
      %parallel_loop3A_543 = arith.constant 15 : i32
      %parallel_loop3A_544 = arith.index_cast %parallel_loop3A_542 : i32 to index
      %parallel_loop3A_545 = arith.index_cast %parallel_loop3A_543 : i32 to index
      %parallel_loop3A_546 = arith.index_cast %parallel_loop3A_451 : i32 to index
      %parallel_loop3A_547 = tpu.vector_load %arg6[%parallel_loop3A_544, %parallel_loop3A_545, %parallel_loop3A_546] {strides = array<i32>} : memref<2x16x256xf32, #tpu.memory_space<vmem>>, vector<16xf32>,
      %parallel_loop3A_548 = arith.addf %parallel_loop3A_457, %parallel_loop3A_505 : vector<16xf32>
      %parallel_loop3A_549 = arith.addf %parallel_loop3A_463, %parallel_loop3A_511 : vector<16xf32>
      %parallel_loop3A_550 = arith.addf %parallel_loop3A_469, %parallel_loop3A_517 : vector<16xf32>
      %parallel_loop3A_551 = arith.addf %parallel_loop3A_475, %parallel_loop3A_523 : vector<16xf32>
      %parallel_loop3A_552 = arith.addf %parallel_loop3A_481, %parallel_loop3A_529 : vector<16xf32>
      %parallel_loop3A_553 = arith.addf %parallel_loop3A_487, %parallel_loop3A_535 : vector<16xf32>
      %parallel_loop3A_554 = arith.addf %parallel_loop3A_493, %parallel_loop3A_541 : vector<16xf32>
      %parallel_loop3A_555 = arith.addf %parallel_loop3A_499, %parallel_loop3A_547 : vector<16xf32>
      %parallel_loop3A_556 = arith.addf %parallel_loop3A_548, %parallel_loop3A_552 : vector<16xf32>
      %parallel_loop3A_557 = arith.addf %parallel_loop3A_549, %parallel_loop3A_553 : vector<16xf32>
      %parallel_loop3A_558 = arith.addf %parallel_loop3A_550, %parallel_loop3A_554 : vector<16xf32>
      %parallel_loop3A_559 = arith.addf %parallel_loop3A_551, %parallel_loop3A_555 : vector<16xf32>
      %parallel_loop3A_560 = arith.addf %parallel_loop3A_556, %parallel_loop3A_558 : vector<16xf32>
      %parallel_loop3A_561 = arith.addf %parallel_loop3A_557, %parallel_loop3A_559 : vector<16xf32>
      %parallel_loop3A_562 = arith.addf %parallel_loop3A_560, %parallel_loop3A_561 : vector<16xf32>
      %parallel_loop3A_563 = arith.constant 0 : i32
      %parallel_loop3A_564 = arith.index_cast %parallel_loop3A_563 : i32 to index
      %parallel_loop3A_565 = arith.index_cast %parallel_loop3A_451 : i32 to index
      %parallel_loop3A_566 = tpu.vector_load %arg7[%parallel_loop3A_564, %parallel_loop3A_565] {strides = array<i32>} : memref<2x256xi32, #tpu.memory_space<vmem>>, vector<16xi32>,
      %parallel_loop3A_567 = arith.constant 0 : i32
      %parallel_loop3A_568 = vector.broadcast %parallel_loop3A_567 : i32 to vector<16xi32>
      %parallel_loop3A_569 = arith.cmpi ne, %parallel_loop3A_566, %parallel_loop3A_568 : vector<16xi32>
      %parallel_loop3A_570 = arith.constant -3.40282347E+38 : f32
      %parallel_loop3A_571 = vector.broadcast %parallel_loop3A_570 : f32 to vector<16xf32>
      %parallel_loop3A_572 = arith.select %parallel_loop3A_569, %parallel_loop3A_562, %parallel_loop3A_571 : vector<16xi1>, vector<16xf32>
      %parallel_loop3A_573 = arith.constant 0.000000e+00 : f32
      %parallel_loop3A_574 = vector.broadcast %parallel_loop3A_573 : f32 to vector<16xf32>
      %parallel_loop3A_575 = arith.cmpf oeq, %parallel_loop3A_572, %parallel_loop3A_574 : vector<16xf32>
      %parallel_loop3A_576 = arith.constant 0.000000e+00 : f32
      %parallel_loop3A_577 = vector.broadcast %parallel_loop3A_576 : f32 to vector<16xf32>
      %parallel_loop3A_578 = arith.select %parallel_loop3A_575, %parallel_loop3A_577, %parallel_loop3A_572 : vector<16xi1>, vector<16xf32>
      %parallel_loop3A_579 = tpu.bitcast %parallel_loop3A_578 : vector<16xf32> -> vector<16xi32>
      %parallel_loop3A_580 = arith.constant 31 : i32
      %parallel_loop3A_581 = vector.broadcast %parallel_loop3A_580 : i32 to vector<16xi32>
      %parallel_loop3A_582 = arith.shrsi %parallel_loop3A_579, %parallel_loop3A_581 : vector<16xi32>
      %parallel_loop3A_583 = arith.constant dense<-1> : vector<16xi32>
      %parallel_loop3A_584 = arith.xori %parallel_loop3A_582, %parallel_loop3A_583 : vector<16xi32>
      %parallel_loop3A_585 = arith.constant 2147483647 : i32
      %parallel_loop3A_586 = vector.broadcast %parallel_loop3A_585 : i32 to vector<16xi32>
      %parallel_loop3A_587 = arith.andi %parallel_loop3A_584, %parallel_loop3A_586 : vector<16xi32>
      %parallel_loop3A_588 = arith.xori %parallel_loop3A_579, %parallel_loop3A_587 : vector<16xi32>
      %parallel_loop3A_589 = arith.constant 0 : i32
      %parallel_loop3A_590 = arith.index_cast %parallel_loop3A_589 : i32 to index
      %parallel_loop3A_591 = arith.index_cast %parallel_loop3A_451 : i32 to index
      %parallel_loop3A_592 = tpu.vector_load %arg8[%parallel_loop3A_590, %parallel_loop3A_591] {strides = array<i32>} : memref<2x256xi32, #tpu.memory_space<vmem>>, vector<16xi32>,
      tpu.vector_store %arg8[%parallel_loop3A_590, %parallel_loop3A_591], %parallel_loop3A_588 {strides = array<i32>} : memref<2x256xi32, #tpu.memory_space<vmem>>, vector<16xi32>,
    } {sc.loop_unroll_factor = 2 : i64, sc.parallel_access}
    %mul3A_75 = arith.constant 256 : i32
    %mul3A_76 = arith.muli %arg1, %mul3A_75 : i32
    %run_scoped3A_77 = arith.constant 0 : i32
    %run_scoped3A_78 = arith.constant 0 : i32
    "tpu.region"() ({
      %run_scoped3A_449 = tpu.sem_alloc : memref<!tpu.dma_semaphore, #tpu.memory_space<semaphore_mem>>
      %dma_start3A_450 = arith.constant 0 : i32
      %dma_start3A_451 = tpu.memref_slice %arg8[%run_scoped3A_77, %dma_start3A_450] : memref<2x256xi32, #tpu.memory_space<vmem>> -> memref<1x256xi32, #tpu.memory_space<vmem>>
      %dma_start3A_452 = tpu.memref_squeeze %dma_start3A_451 : memref<1x256xi32, #tpu.memory_space<vmem>> -> memref<256xi32, #tpu.memory_space<vmem>>
      %dma_start3A_453 = tpu.memref_slice %arg19[%run_scoped3A_78, %mul3A_76] : memref<2x4096xi32, #tpu.memory_space<vmem_shared>> -> memref<1x256xi32, #tpu.memory_space<vmem_shared>>
      %dma_start3A_454 = tpu.memref_squeeze %dma_start3A_453 : memref<1x256xi32, #tpu.memory_space<vmem_shared>> -> memref<256xi32, #tpu.memory_space<vmem_shared>>
      %dma_start3A_455 = tpu.memref_slice %arg19[%run_scoped3A_78, %mul3A_76] : memref<2x4096xi32, #tpu.memory_space<vmem_shared>> -> memref<1x256xi32, #tpu.memory_space<vmem_shared>>
      %dma_start3A_456 = tpu.memref_squeeze %dma_start3A_455 : memref<1x256xi32, #tpu.memory_space<vmem_shared>> -> memref<256xi32, #tpu.memory_space<vmem_shared>>
      %dma_start3A_457 = arith.constant 0 : i32
      %dma_start3A_458 = tpu.memref_slice %arg8[%run_scoped3A_77, %dma_start3A_457] : memref<2x256xi32, #tpu.memory_space<vmem>> -> memref<1x256xi32, #tpu.memory_space<vmem>>
      %dma_start3A_459 = tpu.memref_squeeze %dma_start3A_458 : memref<1x256xi32, #tpu.memory_space<vmem>> -> memref<256xi32, #tpu.memory_space<vmem>>
      tpu.enqueue_dma source(%dma_start3A_459 : memref<256xi32, #tpu.memory_space<vmem>>) target(%dma_start3A_456 : memref<256xi32, #tpu.memory_space<vmem_shared>>) target_semaphore(%run_scoped3A_449 : memref<!tpu.dma_semaphore, #tpu.memory_space<semaphore_mem>>)
      %dma_wait3A_460 = arith.constant 0 : i32
      %dma_wait3A_461 = tpu.memref_slice %arg8[%run_scoped3A_77, %dma_wait3A_460] : memref<2x256xi32, #tpu.memory_space<vmem>> -> memref<1x256xi32, #tpu.memory_space<vmem>>
      %dma_wait3A_462 = tpu.memref_squeeze %dma_wait3A_461 : memref<1x256xi32, #tpu.memory_space<vmem>> -> memref<256xi32, #tpu.memory_space<vmem>>
      %dma_wait3A_463 = tpu.memref_slice %arg19[%run_scoped3A_78, %mul3A_76] : memref<2x4096xi32, #tpu.memory_space<vmem_shared>> -> memref<1x256xi32, #tpu.memory_space<vmem_shared>>
      %dma_wait3A_464 = tpu.memref_squeeze %dma_wait3A_463 : memref<1x256xi32, #tpu.memory_space<vmem_shared>> -> memref<256xi32, #tpu.memory_space<vmem_shared>>
      %dma_wait3A_465 = tpu.memref_slice %arg19[%run_scoped3A_78, %mul3A_76] : memref<2x4096xi32, #tpu.memory_space<vmem_shared>> -> memref<1x256xi32, #tpu.memory_space<vmem_shared>>
      %dma_wait3A_466 = tpu.memref_squeeze %dma_wait3A_465 : memref<1x256xi32, #tpu.memory_space<vmem_shared>> -> memref<256xi32, #tpu.memory_space<vmem_shared>>
      %dma_wait3A_467 = arith.constant 0 : i32
      %dma_wait3A_468 = tpu.memref_slice %arg8[%run_scoped3A_77, %dma_wait3A_467] : memref<2x256xi32, #tpu.memory_space<vmem>> -> memref<1x256xi32, #tpu.memory_space<vmem>>
      %dma_wait3A_469 = tpu.memref_squeeze %dma_wait3A_468 : memref<1x256xi32, #tpu.memory_space<vmem>> -> memref<256xi32, #tpu.memory_space<vmem>>
      tpu.wait_dma2 semaphore(%run_scoped3A_449 : memref<!tpu.dma_semaphore, #tpu.memory_space<semaphore_mem>>) src(%dma_wait3A_469 : memref<256xi32, #tpu.memory_space<vmem>>) dst(%dma_wait3A_466 : memref<256xi32, #tpu.memory_space<vmem_shared>>)
      tpu.yield
    }) : () -> ()
    %parallel_loop3A_79 = arith.constant 0 : i32
    %parallel_loop3A_80 = arith.constant 16 : i32
    %parallel_loop3A_81 = arith.constant 1 : i32
    scf.for %parallel_loop3A_449 = %parallel_loop3A_79 to %parallel_loop3A_80 step %parallel_loop3A_81  : i32 {
      %parallel_loop3A_450 = arith.constant 16 : i32
      %parallel_loop3A_451 = arith.muli %parallel_loop3A_449, %parallel_loop3A_450 : i32
      %parallel_loop3A_452 = arith.constant 1 : i32
      %parallel_loop3A_453 = arith.constant 0 : i32
      %parallel_loop3A_454 = arith.index_cast %parallel_loop3A_452 : i32 to index
      %parallel_loop3A_455 = arith.index_cast %parallel_loop3A_453 : i32 to index
      %parallel_loop3A_456 = arith.index_cast %parallel_loop3A_451 : i32 to index
      %parallel_loop3A_457 = tpu.vector_load %arg6[%parallel_loop3A_454, %parallel_loop3A_455, %parallel_loop3A_456] {strides = array<i32>} : memref<2x16x256xf32, #tpu.memory_space<vmem>>, vector<16xf32>,
      %parallel_loop3A_458 = arith.constant 1 : i32
      %parallel_loop3A_459 = arith.constant 1 : i32
      %parallel_loop3A_460 = arith.index_cast %parallel_loop3A_458 : i32 to index
      %parallel_loop3A_461 = arith.index_cast %parallel_loop3A_459 : i32 to index
      %parallel_loop3A_462 = arith.index_cast %parallel_loop3A_451 : i32 to index
      %parallel_loop3A_463 = tpu.vector_load %arg6[%parallel_loop3A_460, %parallel_loop3A_461, %parallel_loop3A_462] {strides = array<i32>} : memref<2x16x256xf32, #tpu.memory_space<vmem>>, vector<16xf32>,
      %parallel_loop3A_464 = arith.constant 1 : i32
      %parallel_loop3A_465 = arith.constant 2 : i32
      %parallel_loop3A_466 = arith.index_cast %parallel_loop3A_464 : i32 to index
      %parallel_loop3A_467 = arith.index_cast %parallel_loop3A_465 : i32 to index
      %parallel_loop3A_468 = arith.index_cast %parallel_loop3A_451 : i32 to index
      %parallel_loop3A_469 = tpu.vector_load %arg6[%parallel_loop3A_466, %parallel_loop3A_467, %parallel_loop3A_468] {strides = array<i32>} : memref<2x16x256xf32, #tpu.memory_space<vmem>>, vector<16xf32>,
      %parallel_loop3A_470 = arith.constant 1 : i32
      %parallel_loop3A_471 = arith.constant 3 : i32
      %parallel_loop3A_472 = arith.index_cast %parallel_loop3A_470 : i32 to index
      %parallel_loop3A_473 = arith.index_cast %parallel_loop3A_471 : i32 to index
      %parallel_loop3A_474 = arith.index_cast %parallel_loop3A_451 : i32 to index
      %parallel_loop3A_475 = tpu.vector_load %arg6[%parallel_loop3A_472, %parallel_loop3A_473, %parallel_loop3A_474] {strides = array<i32>} : memref<2x16x256xf32, #tpu.memory_space<vmem>>, vector<16xf32>,
      %parallel_loop3A_476 = arith.constant 1 : i32
      %parallel_loop3A_477 = arith.constant 4 : i32
      %parallel_loop3A_478 = arith.index_cast %parallel_loop3A_476 : i32 to index
      %parallel_loop3A_479 = arith.index_cast %parallel_loop3A_477 : i32 to index
      %parallel_loop3A_480 = arith.index_cast %parallel_loop3A_451 : i32 to index
      %parallel_loop3A_481 = tpu.vector_load %arg6[%parallel_loop3A_478, %parallel_loop3A_479, %parallel_loop3A_480] {strides = array<i32>} : memref<2x16x256xf32, #tpu.memory_space<vmem>>, vector<16xf32>,
      %parallel_loop3A_482 = arith.constant 1 : i32
      %parallel_loop3A_483 = arith.constant 5 : i32
      %parallel_loop3A_484 = arith.index_cast %parallel_loop3A_482 : i32 to index
      %parallel_loop3A_485 = arith.index_cast %parallel_loop3A_483 : i32 to index
      %parallel_loop3A_486 = arith.index_cast %parallel_loop3A_451 : i32 to index
      %parallel_loop3A_487 = tpu.vector_load %arg6[%parallel_loop3A_484, %parallel_loop3A_485, %parallel_loop3A_486] {strides = array<i32>} : memref<2x16x256xf32, #tpu.memory_space<vmem>>, vector<16xf32>,
      %parallel_loop3A_488 = arith.constant 1 : i32
      %parallel_loop3A_489 = arith.constant 6 : i32
      %parallel_loop3A_490 = arith.index_cast %parallel_loop3A_488 : i32 to index
      %parallel_loop3A_491 = arith.index_cast %parallel_loop3A_489 : i32 to index
      %parallel_loop3A_492 = arith.index_cast %parallel_loop3A_451 : i32 to index
      %parallel_loop3A_493 = tpu.vector_load %arg6[%parallel_loop3A_490, %parallel_loop3A_491, %parallel_loop3A_492] {strides = array<i32>} : memref<2x16x256xf32, #tpu.memory_space<vmem>>, vector<16xf32>,
      %parallel_loop3A_494 = arith.constant 1 : i32
      %parallel_loop3A_495 = arith.constant 7 : i32
      %parallel_loop3A_496 = arith.index_cast %parallel_loop3A_494 : i32 to index
      %parallel_loop3A_497 = arith.index_cast %parallel_loop3A_495 : i32 to index
      %parallel_loop3A_498 = arith.index_cast %parallel_loop3A_451 : i32 to index
      %parallel_loop3A_499 = tpu.vector_load %arg6[%parallel_loop3A_496, %parallel_loop3A_497, %parallel_loop3A_498] {strides = array<i32>} : memref<2x16x256xf32, #tpu.memory_space<vmem>>, vector<16xf32>,
      %parallel_loop3A_500 = arith.constant 1 : i32
      %parallel_loop3A_501 = arith.constant 8 : i32
      %parallel_loop3A_502 = arith.index_cast %parallel_loop3A_500 : i32 to index
      %parallel_loop3A_503 = arith.index_cast %parallel_loop3A_501 : i32 to index
      %parallel_loop3A_504 = arith.index_cast %parallel_loop3A_451 : i32 to index
      %parallel_loop3A_505 = tpu.vector_load %arg6[%parallel_loop3A_502, %parallel_loop3A_503, %parallel_loop3A_504] {strides = array<i32>} : memref<2x16x256xf32, #tpu.memory_space<vmem>>, vector<16xf32>,
      %parallel_loop3A_506 = arith.constant 1 : i32
      %parallel_loop3A_507 = arith.constant 9 : i32
      %parallel_loop3A_508 = arith.index_cast %parallel_loop3A_506 : i32 to index
      %parallel_loop3A_509 = arith.index_cast %parallel_loop3A_507 : i32 to index
      %parallel_loop3A_510 = arith.index_cast %parallel_loop3A_451 : i32 to index
      %parallel_loop3A_511 = tpu.vector_load %arg6[%parallel_loop3A_508, %parallel_loop3A_509, %parallel_loop3A_510] {strides = array<i32>} : memref<2x16x256xf32, #tpu.memory_space<vmem>>, vector<16xf32>,
      %parallel_loop3A_512 = arith.constant 1 : i32
      %parallel_loop3A_513 = arith.constant 10 : i32
      %parallel_loop3A_514 = arith.index_cast %parallel_loop3A_512 : i32 to index
      %parallel_loop3A_515 = arith.index_cast %parallel_loop3A_513 : i32 to index
      %parallel_loop3A_516 = arith.index_cast %parallel_loop3A_451 : i32 to index
      %parallel_loop3A_517 = tpu.vector_load %arg6[%parallel_loop3A_514, %parallel_loop3A_515, %parallel_loop3A_516] {strides = array<i32>} : memref<2x16x256xf32, #tpu.memory_space<vmem>>, vector<16xf32>,
      %parallel_loop3A_518 = arith.constant 1 : i32
      %parallel_loop3A_519 = arith.constant 11 : i32
      %parallel_loop3A_520 = arith.index_cast %parallel_loop3A_518 : i32 to index
      %parallel_loop3A_521 = arith.index_cast %parallel_loop3A_519 : i32 to index
      %parallel_loop3A_522 = arith.index_cast %parallel_loop3A_451 : i32 to index
      %parallel_loop3A_523 = tpu.vector_load %arg6[%parallel_loop3A_520, %parallel_loop3A_521, %parallel_loop3A_522] {strides = array<i32>} : memref<2x16x256xf32, #tpu.memory_space<vmem>>, vector<16xf32>,
      %parallel_loop3A_524 = arith.constant 1 : i32
      %parallel_loop3A_525 = arith.constant 12 : i32
      %parallel_loop3A_526 = arith.index_cast %parallel_loop3A_524 : i32 to index
      %parallel_loop3A_527 = arith.index_cast %parallel_loop3A_525 : i32 to index
      %parallel_loop3A_528 = arith.index_cast %parallel_loop3A_451 : i32 to index
      %parallel_loop3A_529 = tpu.vector_load %arg6[%parallel_loop3A_526, %parallel_loop3A_527, %parallel_loop3A_528] {strides = array<i32>} : memref<2x16x256xf32, #tpu.memory_space<vmem>>, vector<16xf32>,
      %parallel_loop3A_530 = arith.constant 1 : i32
      %parallel_loop3A_531 = arith.constant 13 : i32
      %parallel_loop3A_532 = arith.index_cast %parallel_loop3A_530 : i32 to index
      %parallel_loop3A_533 = arith.index_cast %parallel_loop3A_531 : i32 to index
      %parallel_loop3A_534 = arith.index_cast %parallel_loop3A_451 : i32 to index
      %parallel_loop3A_535 = tpu.vector_load %arg6[%parallel_loop3A_532, %parallel_loop3A_533, %parallel_loop3A_534] {strides = array<i32>} : memref<2x16x256xf32, #tpu.memory_space<vmem>>, vector<16xf32>,
      %parallel_loop3A_536 = arith.constant 1 : i32
      %parallel_loop3A_537 = arith.constant 14 : i32
      %parallel_loop3A_538 = arith.index_cast %parallel_loop3A_536 : i32 to index
      %parallel_loop3A_539 = arith.index_cast %parallel_loop3A_537 : i32 to index
      %parallel_loop3A_540 = arith.index_cast %parallel_loop3A_451 : i32 to index
      %parallel_loop3A_541 = tpu.vector_load %arg6[%parallel_loop3A_538, %parallel_loop3A_539, %parallel_loop3A_540] {strides = array<i32>} : memref<2x16x256xf32, #tpu.memory_space<vmem>>, vector<16xf32>,
      %parallel_loop3A_542 = arith.constant 1 : i32
      %parallel_loop3A_543 = arith.constant 15 : i32
      %parallel_loop3A_544 = arith.index_cast %parallel_loop3A_542 : i32 to index
      %parallel_loop3A_545 = arith.index_cast %parallel_loop3A_543 : i32 to index
      %parallel_loop3A_546 = arith.index_cast %parallel_loop3A_451 : i32 to index
      %parallel_loop3A_547 = tpu.vector_load %arg6[%parallel_loop3A_544, %parallel_loop3A_545, %parallel_loop3A_546] {strides = array<i32>} : memref<2x16x256xf32, #tpu.memory_space<vmem>>, vector<16xf32>,
      %parallel_loop3A_548 = arith.addf %parallel_loop3A_457, %parallel_loop3A_505 : vector<16xf32>
      %parallel_loop3A_549 = arith.addf %parallel_loop3A_463, %parallel_loop3A_511 : vector<16xf32>
      %parallel_loop3A_550 = arith.addf %parallel_loop3A_469, %parallel_loop3A_517 : vector<16xf32>
      %parallel_loop3A_551 = arith.addf %parallel_loop3A_475, %parallel_loop3A_523 : vector<16xf32>
      %parallel_loop3A_552 = arith.addf %parallel_loop3A_481, %parallel_loop3A_529 : vector<16xf32>
      %parallel_loop3A_553 = arith.addf %parallel_loop3A_487, %parallel_loop3A_535 : vector<16xf32>
      %parallel_loop3A_554 = arith.addf %parallel_loop3A_493, %parallel_loop3A_541 : vector<16xf32>
      %parallel_loop3A_555 = arith.addf %parallel_loop3A_499, %parallel_loop3A_547 : vector<16xf32>
      %parallel_loop3A_556 = arith.addf %parallel_loop3A_548, %parallel_loop3A_552 : vector<16xf32>
      %parallel_loop3A_557 = arith.addf %parallel_loop3A_549, %parallel_loop3A_553 : vector<16xf32>
      %parallel_loop3A_558 = arith.addf %parallel_loop3A_550, %parallel_loop3A_554 : vector<16xf32>
      %parallel_loop3A_559 = arith.addf %parallel_loop3A_551, %parallel_loop3A_555 : vector<16xf32>
      %parallel_loop3A_560 = arith.addf %parallel_loop3A_556, %parallel_loop3A_558 : vector<16xf32>
      %parallel_loop3A_561 = arith.addf %parallel_loop3A_557, %parallel_loop3A_559 : vector<16xf32>
      %parallel_loop3A_562 = arith.addf %parallel_loop3A_560, %parallel_loop3A_561 : vector<16xf32>
      %parallel_loop3A_563 = arith.constant 1 : i32
      %parallel_loop3A_564 = arith.index_cast %parallel_loop3A_563 : i32 to index
      %parallel_loop3A_565 = arith.index_cast %parallel_loop3A_451 : i32 to index
      %parallel_loop3A_566 = tpu.vector_load %arg7[%parallel_loop3A_564, %parallel_loop3A_565] {strides = array<i32>} : memref<2x256xi32, #tpu.memory_space<vmem>>, vector<16xi32>,
      %parallel_loop3A_567 = arith.constant 0 : i32
      %parallel_loop3A_568 = vector.broadcast %parallel_loop3A_567 : i32 to vector<16xi32>
      %parallel_loop3A_569 = arith.cmpi ne, %parallel_loop3A_566, %parallel_loop3A_568 : vector<16xi32>
      %parallel_loop3A_570 = arith.constant -3.40282347E+38 : f32
      %parallel_loop3A_571 = vector.broadcast %parallel_loop3A_570 : f32 to vector<16xf32>
      %parallel_loop3A_572 = arith.select %parallel_loop3A_569, %parallel_loop3A_562, %parallel_loop3A_571 : vector<16xi1>, vector<16xf32>
      %parallel_loop3A_573 = arith.constant 0.000000e+00 : f32
      %parallel_loop3A_574 = vector.broadcast %parallel_loop3A_573 : f32 to vector<16xf32>
      %parallel_loop3A_575 = arith.cmpf oeq, %parallel_loop3A_572, %parallel_loop3A_574 : vector<16xf32>
      %parallel_loop3A_576 = arith.constant 0.000000e+00 : f32
      %parallel_loop3A_577 = vector.broadcast %parallel_loop3A_576 : f32 to vector<16xf32>
      %parallel_loop3A_578 = arith.select %parallel_loop3A_575, %parallel_loop3A_577, %parallel_loop3A_572 : vector<16xi1>, vector<16xf32>
      %parallel_loop3A_579 = tpu.bitcast %parallel_loop3A_578 : vector<16xf32> -> vector<16xi32>
      %parallel_loop3A_580 = arith.constant 31 : i32
      %parallel_loop3A_581 = vector.broadcast %parallel_loop3A_580 : i32 to vector<16xi32>
      %parallel_loop3A_582 = arith.shrsi %parallel_loop3A_579, %parallel_loop3A_581 : vector<16xi32>
      %parallel_loop3A_583 = arith.constant dense<-1> : vector<16xi32>
      %parallel_loop3A_584 = arith.xori %parallel_loop3A_582, %parallel_loop3A_583 : vector<16xi32>
      %parallel_loop3A_585 = arith.constant 2147483647 : i32
      %parallel_loop3A_586 = vector.broadcast %parallel_loop3A_585 : i32 to vector<16xi32>
      %parallel_loop3A_587 = arith.andi %parallel_loop3A_584, %parallel_loop3A_586 : vector<16xi32>
      %parallel_loop3A_588 = arith.xori %parallel_loop3A_579, %parallel_loop3A_587 : vector<16xi32>
      %parallel_loop3A_589 = arith.constant 1 : i32
      %parallel_loop3A_590 = arith.index_cast %parallel_loop3A_589 : i32 to index
      %parallel_loop3A_591 = arith.index_cast %parallel_loop3A_451 : i32 to index
      %parallel_loop3A_592 = tpu.vector_load %arg8[%parallel_loop3A_590, %parallel_loop3A_591] {strides = array<i32>} : memref<2x256xi32, #tpu.memory_space<vmem>>, vector<16xi32>,
      tpu.vector_store %arg8[%parallel_loop3A_590, %parallel_loop3A_591], %parallel_loop3A_588 {strides = array<i32>} : memref<2x256xi32, #tpu.memory_space<vmem>>, vector<16xi32>,
    } {sc.loop_unroll_factor = 2 : i64, sc.parallel_access}
    %mul3A_82 = arith.constant 256 : i32
    %mul3A_83 = arith.muli %arg1, %mul3A_82 : i32
    %run_scoped3A_84 = arith.constant 1 : i32
    %run_scoped3A_85 = arith.constant 1 : i32
    "tpu.region"() ({
      %run_scoped3A_449 = tpu.sem_alloc : memref<!tpu.dma_semaphore, #tpu.memory_space<semaphore_mem>>
      %dma_start3A_450 = arith.constant 0 : i32
      %dma_start3A_451 = tpu.memref_slice %arg8[%run_scoped3A_84, %dma_start3A_450] : memref<2x256xi32, #tpu.memory_space<vmem>> -> memref<1x256xi32, #tpu.memory_space<vmem>>
      %dma_start3A_452 = tpu.memref_squeeze %dma_start3A_451 : memref<1x256xi32, #tpu.memory_space<vmem>> -> memref<256xi32, #tpu.memory_space<vmem>>
      %dma_start3A_453 = tpu.memref_slice %arg19[%run_scoped3A_85, %mul3A_83] : memref<2x4096xi32, #tpu.memory_space<vmem_shared>> -> memref<1x256xi32, #tpu.memory_space<vmem_shared>>
      %dma_start3A_454 = tpu.memref_squeeze %dma_start3A_453 : memref<1x256xi32, #tpu.memory_space<vmem_shared>> -> memref<256xi32, #tpu.memory_space<vmem_shared>>
      %dma_start3A_455 = tpu.memref_slice %arg19[%run_scoped3A_85, %mul3A_83] : memref<2x4096xi32, #tpu.memory_space<vmem_shared>> -> memref<1x256xi32, #tpu.memory_space<vmem_shared>>
      %dma_start3A_456 = tpu.memref_squeeze %dma_start3A_455 : memref<1x256xi32, #tpu.memory_space<vmem_shared>> -> memref<256xi32, #tpu.memory_space<vmem_shared>>
      %dma_start3A_457 = arith.constant 0 : i32
      %dma_start3A_458 = tpu.memref_slice %arg8[%run_scoped3A_84, %dma_start3A_457] : memref<2x256xi32, #tpu.memory_space<vmem>> -> memref<1x256xi32, #tpu.memory_space<vmem>>
      %dma_start3A_459 = tpu.memref_squeeze %dma_start3A_458 : memref<1x256xi32, #tpu.memory_space<vmem>> -> memref<256xi32, #tpu.memory_space<vmem>>
      tpu.enqueue_dma source(%dma_start3A_459 : memref<256xi32, #tpu.memory_space<vmem>>) target(%dma_start3A_456 : memref<256xi32, #tpu.memory_space<vmem_shared>>) target_semaphore(%run_scoped3A_449 : memref<!tpu.dma_semaphore, #tpu.memory_space<semaphore_mem>>)
      %dma_wait3A_460 = arith.constant 0 : i32
      %dma_wait3A_461 = tpu.memref_slice %arg8[%run_scoped3A_84, %dma_wait3A_460] : memref<2x256xi32, #tpu.memory_space<vmem>> -> memref<1x256xi32, #tpu.memory_space<vmem>>
      %dma_wait3A_462 = tpu.memref_squeeze %dma_wait3A_461 : memref<1x256xi32, #tpu.memory_space<vmem>> -> memref<256xi32, #tpu.memory_space<vmem>>
      %dma_wait3A_463 = tpu.memref_slice %arg19[%run_scoped3A_85, %mul3A_83] : memref<2x4096xi32, #tpu.memory_space<vmem_shared>> -> memref<1x256xi32, #tpu.memory_space<vmem_shared>>
      %dma_wait3A_464 = tpu.memref_squeeze %dma_wait3A_463 : memref<1x256xi32, #tpu.memory_space<vmem_shared>> -> memref<256xi32, #tpu.memory_space<vmem_shared>>
      %dma_wait3A_465 = tpu.memref_slice %arg19[%run_scoped3A_85, %mul3A_83] : memref<2x4096xi32, #tpu.memory_space<vmem_shared>> -> memref<1x256xi32, #tpu.memory_space<vmem_shared>>
      %dma_wait3A_466 = tpu.memref_squeeze %dma_wait3A_465 : memref<1x256xi32, #tpu.memory_space<vmem_shared>> -> memref<256xi32, #tpu.memory_space<vmem_shared>>
      %dma_wait3A_467 = arith.constant 0 : i32
      %dma_wait3A_468 = tpu.memref_slice %arg8[%run_scoped3A_84, %dma_wait3A_467] : memref<2x256xi32, #tpu.memory_space<vmem>> -> memref<1x256xi32, #tpu.memory_space<vmem>>
      %dma_wait3A_469 = tpu.memref_squeeze %dma_wait3A_468 : memref<1x256xi32, #tpu.memory_space<vmem>> -> memref<256xi32, #tpu.memory_space<vmem>>
      tpu.wait_dma2 semaphore(%run_scoped3A_449 : memref<!tpu.dma_semaphore, #tpu.memory_space<semaphore_mem>>) src(%dma_wait3A_469 : memref<256xi32, #tpu.memory_space<vmem>>) dst(%dma_wait3A_466 : memref<256xi32, #tpu.memory_space<vmem_shared>>)
      tpu.yield
    }) : () -> ()
    "tpu.trace_stop"() : () -> ()
    %barrier3A = arith.constant 0 : index
    tpu.barrier barrier_id(%barrier3A)
    %lt3A = arith.constant 2 : i32
    %lt3A_86 = arith.cmpi slt, %arg1, %lt3A : i32
    %convert_element_type3A = arith.extui %lt3A_86 : i1 to i32
    %cond3A = arith.constant 0 : i32
    %cond3A_87 = arith.cmpi ne, %convert_element_type3A, %cond3A : i32
    scf.if %cond3A_87 {
      %mul3A_449 = arith.constant 2 : i32
      %mul3A_450 = arith.muli %mul3A_449, %arg0 : i32
      %add3A_451 = arith.addi %mul3A_450, %arg1 : i32
      %mul3A_452 = arith.constant 4096 : i32
      %mul3A_453 = arith.muli %add3A_451, %mul3A_452 : i32
      "tpu.trace_start"() <{level = 10 : i32, message = "keyfetch"}> : () -> ()
      "tpu.region"() ({
        %run_scoped3A_581 = tpu.sem_alloc : memref<!tpu.dma_semaphore, #tpu.memory_space<semaphore_mem>>
        %dma_start3A_582 = arith.constant 0 : i32
        %dma_start3A_583 = tpu.memref_slice %arg19[%arg1, %dma_start3A_582] : memref<2x4096xi32, #tpu.memory_space<vmem_shared>> -> memref<1x4096xi32, #tpu.memory_space<vmem_shared>>
        %dma_start3A_584 = tpu.memref_squeeze %dma_start3A_583 : memref<1x4096xi32, #tpu.memory_space<vmem_shared>> -> memref<4096xi32, #tpu.memory_space<vmem_shared>>
        %dma_start3A_585 = arith.constant 0 : i32
        %dma_start3A_586 = tpu.memref_slice %arg19[%arg1, %dma_start3A_585] : memref<2x4096xi32, #tpu.memory_space<vmem_shared>> -> memref<1x4096xi32, #tpu.memory_space<vmem_shared>>
        %dma_start3A_587 = tpu.memref_squeeze %dma_start3A_586 : memref<1x4096xi32, #tpu.memory_space<vmem_shared>> -> memref<4096xi32, #tpu.memory_space<vmem_shared>>
        tpu.enqueue_dma source(%dma_start3A_587 : memref<4096xi32, #tpu.memory_space<vmem_shared>>) target(%arg10 : memref<4096xi32, #tpu.memory_space<vmem>>) target_semaphore(%run_scoped3A_581 : memref<!tpu.dma_semaphore, #tpu.memory_space<semaphore_mem>>)
        %dma_wait3A_588 = arith.constant 0 : i32
        %dma_wait3A_589 = tpu.memref_slice %arg19[%arg1, %dma_wait3A_588] : memref<2x4096xi32, #tpu.memory_space<vmem_shared>> -> memref<1x4096xi32, #tpu.memory_space<vmem_shared>>
        %dma_wait3A_590 = tpu.memref_squeeze %dma_wait3A_589 : memref<1x4096xi32, #tpu.memory_space<vmem_shared>> -> memref<4096xi32, #tpu.memory_space<vmem_shared>>
        %dma_wait3A_591 = arith.constant 0 : i32
        %dma_wait3A_592 = tpu.memref_slice %arg19[%arg1, %dma_wait3A_591] : memref<2x4096xi32, #tpu.memory_space<vmem_shared>> -> memref<1x4096xi32, #tpu.memory_space<vmem_shared>>
        %dma_wait3A_593 = tpu.memref_squeeze %dma_wait3A_592 : memref<1x4096xi32, #tpu.memory_space<vmem_shared>> -> memref<4096xi32, #tpu.memory_space<vmem_shared>>
        tpu.wait_dma2 semaphore(%run_scoped3A_581 : memref<!tpu.dma_semaphore, #tpu.memory_space<semaphore_mem>>) src(%dma_wait3A_593 : memref<4096xi32, #tpu.memory_space<vmem_shared>>) dst(%arg10 : memref<4096xi32, #tpu.memory_space<vmem>>)
        tpu.yield
      }) : () -> ()
      %parallel_loop3A_454 = arith.constant 0 : i32
      %parallel_loop3A_455 = arith.constant 256 : i32
      %parallel_loop3A_456 = arith.constant 1 : i32
      "tpu.trace_stop"() : () -> ()
      "tpu.trace_start"() <{level = 10 : i32, message = "transpose"}> : () -> ()
      scf.for %parallel_loop3A_581 = %parallel_loop3A_454 to %parallel_loop3A_455 step %parallel_loop3A_456  : i32 {
        %parallel_loop3A_582 = tpu.iota {dimensions = array<i32: 0>} : vector<16xi32>
        %parallel_loop3A_583 = arith.constant 256 : i32
        %parallel_loop3A_584 = vector.broadcast %parallel_loop3A_583 : i32 to vector<16xi32>
        %parallel_loop3A_585 = arith.muli %parallel_loop3A_582, %parallel_loop3A_584 : vector<16xi32>
        %parallel_loop3A_586 = vector.broadcast %parallel_loop3A_581 : i32 to vector<16xi32>
        %parallel_loop3A_587 = arith.addi %parallel_loop3A_585, %parallel_loop3A_586 : vector<16xi32>
        %parallel_loop3A_588 = tpu.vector_load_idx %arg10[%parallel_loop3A_587] : memref<4096xi32, #tpu.memory_space<vmem>>[vector<16xi32>], vector<16xi32>,
        %parallel_loop3A_589 = arith.constant 16 : i32
        %parallel_loop3A_590 = arith.muli %parallel_loop3A_581, %parallel_loop3A_589 : i32
        %parallel_loop3A_591 = arith.index_cast %parallel_loop3A_590 : i32 to index
        %parallel_loop3A_592 = tpu.vector_load %arg9[%parallel_loop3A_591] {strides = array<i32>} : memref<4096xi32, #tpu.memory_space<vmem>>, vector<16xi32>,
        tpu.vector_store %arg9[%parallel_loop3A_591], %parallel_loop3A_588 {strides = array<i32>} : memref<4096xi32, #tpu.memory_space<vmem>>, vector<16xi32>,
        %parallel_loop3A_593 = arith.constant 16 : i32
        %parallel_loop3A_594 = arith.muli %parallel_loop3A_581, %parallel_loop3A_593 : i32
        %parallel_loop3A_595 = arith.index_cast %parallel_loop3A_594 : i32 to index
        %parallel_loop3A_596 = tpu.vector_load %arg11[%parallel_loop3A_595] {strides = array<i32>} : memref<4096xi32, #tpu.memory_space<vmem>>, vector<16xi32>,
        tpu.vector_store %arg11[%parallel_loop3A_595], %parallel_loop3A_587 {strides = array<i32>} : memref<4096xi32, #tpu.memory_space<vmem>>, vector<16xi32>,
      } {sc.loop_unroll_factor = 2 : i64, sc.parallel_access}
      %broadcast_in_dim3A = arith.constant 0 : i32
      "tpu.trace_stop"() : () -> ()
      %broadcast_in_dim3A_457 = vector.broadcast %broadcast_in_dim3A : i32 to vector<16xi32>
      %broadcast_in_dim3A_458 = arith.constant 1 : i32
      %broadcast_in_dim3A_459 = vector.broadcast %broadcast_in_dim3A_458 : i32 to vector<16xi32>
      %parallel_loop3A_460 = arith.constant 0 : i32
      %parallel_loop3A_461 = arith.constant 256 : i32
      %parallel_loop3A_462 = arith.constant 1 : i32
      "tpu.trace_start"() <{level = 10 : i32, message = "p0_zero"}> : () -> ()
      scf.for %parallel_loop3A_581 = %parallel_loop3A_460 to %parallel_loop3A_461 step %parallel_loop3A_462  : i32 {
        %parallel_loop3A_582 = arith.constant 16 : i32
        %parallel_loop3A_583 = arith.muli %parallel_loop3A_581, %parallel_loop3A_582 : i32
        %parallel_loop3A_584 = arith.index_cast %parallel_loop3A_583 : i32 to index
        %parallel_loop3A_585 = tpu.vector_load %arg13[%parallel_loop3A_584] {strides = array<i32>} : memref<4096xi32, #tpu.memory_space<vmem>>, vector<16xi32>,
        tpu.vector_store %arg13[%parallel_loop3A_584], %broadcast_in_dim3A_457 {strides = array<i32>} : memref<4096xi32, #tpu.memory_space<vmem>>, vector<16xi32>,
      } {sc.loop_unroll_factor = 4 : i64, sc.parallel_access}
      %parallel_loop3A_463 = arith.constant 0 : i32
      %parallel_loop3A_464 = arith.constant 256 : i32
      %parallel_loop3A_465 = arith.constant 1 : i32
      "tpu.trace_stop"() : () -> ()
      "tpu.trace_start"() <{level = 10 : i32, message = "p0_hist"}> : () -> ()
      scf.for %parallel_loop3A_581 = %parallel_loop3A_463 to %parallel_loop3A_464 step %parallel_loop3A_465  : i32 {
        %parallel_loop3A_582 = arith.constant 16 : i32
        %parallel_loop3A_583 = arith.muli %parallel_loop3A_581, %parallel_loop3A_582 : i32
        %parallel_loop3A_584 = arith.index_cast %parallel_loop3A_583 : i32 to index
        %parallel_loop3A_585 = tpu.vector_load %arg9[%parallel_loop3A_584] {strides = array<i32>} : memref<4096xi32, #tpu.memory_space<vmem>>, vector<16xi32>,
        %parallel_loop3A_586 = arith.constant 0 : i32
        %parallel_loop3A_587 = vector.broadcast %parallel_loop3A_586 : i32 to vector<16xi32>
        %parallel_loop3A_588 = arith.shrsi %parallel_loop3A_585, %parallel_loop3A_587 : vector<16xi32>
        %parallel_loop3A_589 = arith.constant 255 : i32
        %parallel_loop3A_590 = vector.broadcast %parallel_loop3A_589 : i32 to vector<16xi32>
        %parallel_loop3A_591 = arith.andi %parallel_loop3A_588, %parallel_loop3A_590 : vector<16xi32>
        %parallel_loop3A_592 = arith.constant 4 : i32
        %parallel_loop3A_593 = vector.broadcast %parallel_loop3A_592 : i32 to vector<16xi32>
        %parallel_loop3A_594 = arith.shli %parallel_loop3A_591, %parallel_loop3A_593 : vector<16xi32>
        %parallel_loop3A_595 = tpu.iota {dimensions = array<i32: 0>} : vector<16xi32>
        %parallel_loop3A_596 = arith.addi %parallel_loop3A_594, %parallel_loop3A_595 : vector<16xi32>
        tpu.vector_store_idx %arg13[%parallel_loop3A_596], %broadcast_in_dim3A_459 {add = true} : memref<4096xi32, #tpu.memory_space<vmem>>[vector<16xi32>], vector<16xi32>,
      } {sc.loop_unroll_factor = 2 : i64, sc.parallel_access}
      "tpu.trace_stop"() : () -> ()
      %iota3A = tpu.iota {dimensions = array<i32: 0>} : vector<16xi32>
      %eq3A_466 = arith.constant 0 : i32
      %eq3A_467 = vector.broadcast %eq3A_466 : i32 to vector<16xi32>
      %eq3A_468 = arith.cmpi eq, %iota3A, %eq3A_467 : vector<16xi32>
      %parallel_loop3A_469 = arith.constant 0 : i32
      %parallel_loop3A_470 = arith.constant 256 : i32
      %parallel_loop3A_471 = arith.constant 1 : i32
      "tpu.trace_start"() <{level = 10 : i32, message = "p0_scan"}> : () -> ()
      scf.for %parallel_loop3A_581 = %parallel_loop3A_469 to %parallel_loop3A_470 step %parallel_loop3A_471  : i32 {
        %parallel_loop3A_582 = arith.constant 16 : i32
        %parallel_loop3A_583 = arith.muli %parallel_loop3A_581, %parallel_loop3A_582 : i32
        %parallel_loop3A_584 = arith.index_cast %parallel_loop3A_583 : i32 to index
        %parallel_loop3A_585 = tpu.vector_load %arg13[%parallel_loop3A_584] {strides = array<i32>} : memref<4096xi32, #tpu.memory_space<vmem>>, vector<16xi32>,
        %parallel_loop3A_586 = arith.constant true
        %parallel_loop3A_587 = vector.broadcast %parallel_loop3A_586 : i1 to vector<16xi1>
        %parallel_loop3A_588 = tpu.scan <sum>, %parallel_loop3A_585 masked %parallel_loop3A_587 : vector<16xi32>, vector<16xi1> -> vector<16xi32>
        %parallel_loop3A_589 = arith.subi %parallel_loop3A_588, %parallel_loop3A_585 : vector<16xi32>
        %parallel_loop3A_590 = arith.constant 16 : i32
        %parallel_loop3A_591 = arith.muli %parallel_loop3A_581, %parallel_loop3A_590 : i32
        %parallel_loop3A_592 = arith.index_cast %parallel_loop3A_591 : i32 to index
        %parallel_loop3A_593 = tpu.vector_load %arg13[%parallel_loop3A_592] {strides = array<i32>} : memref<4096xi32, #tpu.memory_space<vmem>>, vector<16xi32>,
        tpu.vector_store %arg13[%parallel_loop3A_592], %parallel_loop3A_589 {strides = array<i32>} : memref<4096xi32, #tpu.memory_space<vmem>>, vector<16xi32>,
        %parallel_loop3A_594 = arith.constant true
        %parallel_loop3A_595 = vector.broadcast %parallel_loop3A_594 : i1 to vector<16xi1>
        %parallel_loop3A_596 = tpu.scan <sum>, %parallel_loop3A_585 masked %parallel_loop3A_595 : vector<16xi32>, vector<16xi1> -> vector<16xi32>
        %parallel_loop3A_597 = vector.extract %parallel_loop3A_596[15] : i32 from vector<16xi32>
        %parallel_loop3A_598 = vector.broadcast %parallel_loop3A_597 : i32 to vector<16xi32>
        %parallel_loop3A_599 = vector.broadcast %parallel_loop3A_581 : i32 to vector<16xi32>
        tpu.vector_store_idx %arg14[%parallel_loop3A_599], %parallel_loop3A_598 masked %eq3A_468 : memref<256xi32, #tpu.memory_space<vmem>>[vector<16xi32>], vector<16xi32>, vector<16xi1>
      } {sc.loop_unroll_factor = 2 : i64, sc.parallel_access}
      %scan3A = arith.constant 0 : i32
      %scan3A_472 = arith.constant 0 : i32
      %scan3A_473 = arith.constant 16 : i32
      %scan3A_474 = arith.addi %scan3A_472, %scan3A_473 : i32
      %scan3A_475 = arith.constant 1 : i32
      %scan3A_476 = scf.for %scan3A_581 = %scan3A_472 to %scan3A_474 step %scan3A_475 iter_args(%scan3A_582 = %scan3A) -> (i32)  : i32 {
        %mul3A_583 = arith.constant 16 : i32
        %mul3A_584 = arith.muli %scan3A_581, %mul3A_583 : i32
        %get3A = arith.index_cast %mul3A_584 : i32 to index
        %get3A_585 = tpu.vector_load %arg14[%get3A] {strides = array<i32>} : memref<256xi32, #tpu.memory_space<vmem>>, vector<16xi32>,
        %broadcast_in_dim3A_586 = arith.constant true
        %broadcast_in_dim3A_587 = vector.broadcast %broadcast_in_dim3A_586 : i1 to vector<16xi1>
        %masked_cumsum3A = tpu.scan <sum>, %get3A_585 masked %broadcast_in_dim3A_587 : vector<16xi32>, vector<16xi1> -> vector<16xi32>
        %sub3A_588 = arith.subi %masked_cumsum3A, %get3A_585 : vector<16xi32>
        %add3A_589 = vector.broadcast %scan3A_582 : i32 to vector<16xi32>
        %add3A_590 = arith.addi %sub3A_588, %add3A_589 : vector<16xi32>
        %mul3A_591 = arith.constant 16 : i32
        %mul3A_592 = arith.muli %scan3A_581, %mul3A_591 : i32
        %swap3A = arith.index_cast %mul3A_592 : i32 to index
        %swap3A_593 = tpu.vector_load %arg14[%swap3A] {strides = array<i32>} : memref<256xi32, #tpu.memory_space<vmem>>, vector<16xi32>,
        tpu.vector_store %arg14[%swap3A], %add3A_590 {strides = array<i32>} : memref<256xi32, #tpu.memory_space<vmem>>, vector<16xi32>,
        %reduce_sum3A = arith.constant true
        %reduce_sum3A_594 = vector.broadcast %reduce_sum3A : i1 to vector<16xi1>
        %reduce_sum3A_595 = tpu.scan <sum>, %get3A_585 masked %reduce_sum3A_594 : vector<16xi32>, vector<16xi1> -> vector<16xi32>
        %reduce_sum3A_596 = vector.extract %reduce_sum3A_595[15] : i32 from vector<16xi32>
        %add3A_597 = arith.addi %scan3A_582, %reduce_sum3A_596 : i32
        scf.yield %add3A_597 : i32
      }
      %scan3A_477 = arith.constant 16 : i32
      %parallel_loop3A_478 = arith.constant 0 : i32
      %parallel_loop3A_479 = arith.constant 256 : i32
      %parallel_loop3A_480 = arith.constant 1 : i32
      scf.for %parallel_loop3A_581 = %parallel_loop3A_478 to %parallel_loop3A_479 step %parallel_loop3A_480  : i32 {
        %parallel_loop3A_582 = vector.broadcast %parallel_loop3A_581 : i32 to vector<16xi32>
        %parallel_loop3A_583 = tpu.vector_load_idx %arg14[%parallel_loop3A_582] : memref<256xi32, #tpu.memory_space<vmem>>[vector<16xi32>], vector<16xi32>,
        %parallel_loop3A_584 = arith.constant 16 : i32
        %parallel_loop3A_585 = arith.muli %parallel_loop3A_581, %parallel_loop3A_584 : i32
        %parallel_loop3A_586 = arith.index_cast %parallel_loop3A_585 : i32 to index
        %parallel_loop3A_587 = tpu.vector_load %arg13[%parallel_loop3A_586] {strides = array<i32>} : memref<4096xi32, #tpu.memory_space<vmem>>, vector<16xi32>,
        %parallel_loop3A_588 = arith.addi %parallel_loop3A_587, %parallel_loop3A_583 : vector<16xi32>
        %parallel_loop3A_589 = arith.constant 16 : i32
        %parallel_loop3A_590 = arith.muli %parallel_loop3A_581, %parallel_loop3A_589 : i32
        %parallel_loop3A_591 = arith.index_cast %parallel_loop3A_590 : i32 to index
        %parallel_loop3A_592 = tpu.vector_load %arg13[%parallel_loop3A_591] {strides = array<i32>} : memref<4096xi32, #tpu.memory_space<vmem>>, vector<16xi32>,
        tpu.vector_store %arg13[%parallel_loop3A_591], %parallel_loop3A_588 {strides = array<i32>} : memref<4096xi32, #tpu.memory_space<vmem>>, vector<16xi32>,
      } {sc.loop_unroll_factor = 2 : i64, sc.parallel_access}
      "tpu.trace_stop"() : () -> ()
      "tpu.trace_start"() <{level = 10 : i32, message = "p0_permute"}> : () -> ()
      %scan3A_481 = arith.constant 0 : i32
      %scan3A_482 = arith.constant 0 : i32
      %scan3A_483 = arith.constant 32 : i32
      %scan3A_484 = arith.addi %scan3A_482, %scan3A_483 : i32
      %scan3A_485 = arith.constant 1 : i32
      %scan3A_486 = scf.for %scan3A_581 = %scan3A_482 to %scan3A_484 step %scan3A_485 iter_args(%scan3A_582 = %scan3A_481) -> (i32)  : i32 {
        %mul3A_583 = arith.constant 8 : i32
        %mul3A_584 = arith.muli %scan3A_581, %mul3A_583 : i32
        %add3A_585 = arith.constant 0 : i32
        %add3A_586 = arith.addi %mul3A_584, %add3A_585 : i32
        %mul3A_587 = arith.constant 16 : i32
        %mul3A_588 = arith.muli %add3A_586, %mul3A_587 : i32
        %get3A = arith.index_cast %mul3A_588 : i32 to index
        %get3A_589 = tpu.vector_load %arg9[%get3A] {strides = array<i32>} : memref<4096xi32, #tpu.memory_space<vmem>>, vector<16xi32>,
        %mul3A_590 = arith.constant 16 : i32
        %mul3A_591 = arith.muli %add3A_586, %mul3A_590 : i32
        %get3A_592 = arith.index_cast %mul3A_591 : i32 to index
        %get3A_593 = tpu.vector_load %arg11[%get3A_592] {strides = array<i32>} : memref<4096xi32, #tpu.memory_space<vmem>>, vector<16xi32>,
        %shift_right_arithmetic3A = arith.constant 0 : i32
        %shift_right_arithmetic3A_594 = vector.broadcast %shift_right_arithmetic3A : i32 to vector<16xi32>
        %shift_right_arithmetic3A_595 = arith.shrsi %get3A_589, %shift_right_arithmetic3A_594 : vector<16xi32>
        %and3A_596 = arith.constant 255 : i32
        %and3A_597 = vector.broadcast %and3A_596 : i32 to vector<16xi32>
        %and3A_598 = arith.andi %shift_right_arithmetic3A_595, %and3A_597 : vector<16xi32>
        %shift_left3A = arith.constant 4 : i32
        %shift_left3A_599 = vector.broadcast %shift_left3A : i32 to vector<16xi32>
        %shift_left3A_600 = arith.shli %and3A_598, %shift_left3A_599 : vector<16xi32>
        %iota3A_601 = tpu.iota {dimensions = array<i32: 0>} : vector<16xi32>
        %add3A_602 = arith.addi %shift_left3A_600, %iota3A_601 : vector<16xi32>
        %mul3A_603 = arith.constant 8 : i32
        %mul3A_604 = arith.muli %scan3A_581, %mul3A_603 : i32
        %add3A_605 = arith.constant 1 : i32
        %add3A_606 = arith.addi %mul3A_604, %add3A_605 : i32
        %mul3A_607 = arith.constant 16 : i32
        %mul3A_608 = arith.muli %add3A_606, %mul3A_607 : i32
        %get3A_609 = arith.index_cast %mul3A_608 : i32 to index
        %get3A_610 = tpu.vector_load %arg9[%get3A_609] {strides = array<i32>} : memref<4096xi32, #tpu.memory_space<vmem>>, vector<16xi32>,
        %mul3A_611 = arith.constant 16 : i32
        %mul3A_612 = arith.muli %add3A_606, %mul3A_611 : i32
        %get3A_613 = arith.index_cast %mul3A_612 : i32 to index
        %get3A_614 = tpu.vector_load %arg11[%get3A_613] {strides = array<i32>} : memref<4096xi32, #tpu.memory_space<vmem>>, vector<16xi32>,
        %shift_right_arithmetic3A_615 = arith.constant 0 : i32
        %shift_right_arithmetic3A_616 = vector.broadcast %shift_right_arithmetic3A_615 : i32 to vector<16xi32>
        %shift_right_arithmetic3A_617 = arith.shrsi %get3A_610, %shift_right_arithmetic3A_616 : vector<16xi32>
        %and3A_618 = arith.constant 255 : i32
        %and3A_619 = vector.broadcast %and3A_618 : i32 to vector<16xi32>
        %and3A_620 = arith.andi %shift_right_arithmetic3A_617, %and3A_619 : vector<16xi32>
        %shift_left3A_621 = arith.constant 4 : i32
        %shift_left3A_622 = vector.broadcast %shift_left3A_621 : i32 to vector<16xi32>
        %shift_left3A_623 = arith.shli %and3A_620, %shift_left3A_622 : vector<16xi32>
        %iota3A_624 = tpu.iota {dimensions = array<i32: 0>} : vector<16xi32>
        %add3A_625 = arith.addi %shift_left3A_623, %iota3A_624 : vector<16xi32>
        %mul3A_626 = arith.constant 8 : i32
        %mul3A_627 = arith.muli %scan3A_581, %mul3A_626 : i32
        %add3A_628 = arith.constant 2 : i32
        %add3A_629 = arith.addi %mul3A_627, %add3A_628 : i32
        %mul3A_630 = arith.constant 16 : i32
        %mul3A_631 = arith.muli %add3A_629, %mul3A_630 : i32
        %get3A_632 = arith.index_cast %mul3A_631 : i32 to index
        %get3A_633 = tpu.vector_load %arg9[%get3A_632] {strides = array<i32>} : memref<4096xi32, #tpu.memory_space<vmem>>, vector<16xi32>,
        %mul3A_634 = arith.constant 16 : i32
        %mul3A_635 = arith.muli %add3A_629, %mul3A_634 : i32
        %get3A_636 = arith.index_cast %mul3A_635 : i32 to index
        %get3A_637 = tpu.vector_load %arg11[%get3A_636] {strides = array<i32>} : memref<4096xi32, #tpu.memory_space<vmem>>, vector<16xi32>,
        %shift_right_arithmetic3A_638 = arith.constant 0 : i32
        %shift_right_arithmetic3A_639 = vector.broadcast %shift_right_arithmetic3A_638 : i32 to vector<16xi32>
        %shift_right_arithmetic3A_640 = arith.shrsi %get3A_633, %shift_right_arithmetic3A_639 : vector<16xi32>
        %and3A_641 = arith.constant 255 : i32
        %and3A_642 = vector.broadcast %and3A_641 : i32 to vector<16xi32>
        %and3A_643 = arith.andi %shift_right_arithmetic3A_640, %and3A_642 : vector<16xi32>
        %shift_left3A_644 = arith.constant 4 : i32
        %shift_left3A_645 = vector.broadcast %shift_left3A_644 : i32 to vector<16xi32>
        %shift_left3A_646 = arith.shli %and3A_643, %shift_left3A_645 : vector<16xi32>
        %iota3A_647 = tpu.iota {dimensions = array<i32: 0>} : vector<16xi32>
        %add3A_648 = arith.addi %shift_left3A_646, %iota3A_647 : vector<16xi32>
        %mul3A_649 = arith.constant 8 : i32
        %mul3A_650 = arith.muli %scan3A_581, %mul3A_649 : i32
        %add3A_651 = arith.constant 3 : i32
        %add3A_652 = arith.addi %mul3A_650, %add3A_651 : i32
        %mul3A_653 = arith.constant 16 : i32
        %mul3A_654 = arith.muli %add3A_652, %mul3A_653 : i32
        %get3A_655 = arith.index_cast %mul3A_654 : i32 to index
        %get3A_656 = tpu.vector_load %arg9[%get3A_655] {strides = array<i32>} : memref<4096xi32, #tpu.memory_space<vmem>>, vector<16xi32>,
        %mul3A_657 = arith.constant 16 : i32
        %mul3A_658 = arith.muli %add3A_652, %mul3A_657 : i32
        %get3A_659 = arith.index_cast %mul3A_658 : i32 to index
        %get3A_660 = tpu.vector_load %arg11[%get3A_659] {strides = array<i32>} : memref<4096xi32, #tpu.memory_space<vmem>>, vector<16xi32>,
        %shift_right_arithmetic3A_661 = arith.constant 0 : i32
        %shift_right_arithmetic3A_662 = vector.broadcast %shift_right_arithmetic3A_661 : i32 to vector<16xi32>
        %shift_right_arithmetic3A_663 = arith.shrsi %get3A_656, %shift_right_arithmetic3A_662 : vector<16xi32>
        %and3A_664 = arith.constant 255 : i32
        %and3A_665 = vector.broadcast %and3A_664 : i32 to vector<16xi32>
        %and3A_666 = arith.andi %shift_right_arithmetic3A_663, %and3A_665 : vector<16xi32>
        %shift_left3A_667 = arith.constant 4 : i32
        %shift_left3A_668 = vector.broadcast %shift_left3A_667 : i32 to vector<16xi32>
        %shift_left3A_669 = arith.shli %and3A_666, %shift_left3A_668 : vector<16xi32>
        %iota3A_670 = tpu.iota {dimensions = array<i32: 0>} : vector<16xi32>
        %add3A_671 = arith.addi %shift_left3A_669, %iota3A_670 : vector<16xi32>
        %mul3A_672 = arith.constant 8 : i32
        %mul3A_673 = arith.muli %scan3A_581, %mul3A_672 : i32
        %add3A_674 = arith.constant 4 : i32
        %add3A_675 = arith.addi %mul3A_673, %add3A_674 : i32
        %mul3A_676 = arith.constant 16 : i32
        %mul3A_677 = arith.muli %add3A_675, %mul3A_676 : i32
        %get3A_678 = arith.index_cast %mul3A_677 : i32 to index
        %get3A_679 = tpu.vector_load %arg9[%get3A_678] {strides = array<i32>} : memref<4096xi32, #tpu.memory_space<vmem>>, vector<16xi32>,
        %mul3A_680 = arith.constant 16 : i32
        %mul3A_681 = arith.muli %add3A_675, %mul3A_680 : i32
        %get3A_682 = arith.index_cast %mul3A_681 : i32 to index
        %get3A_683 = tpu.vector_load %arg11[%get3A_682] {strides = array<i32>} : memref<4096xi32, #tpu.memory_space<vmem>>, vector<16xi32>,
        %shift_right_arithmetic3A_684 = arith.constant 0 : i32
        %shift_right_arithmetic3A_685 = vector.broadcast %shift_right_arithmetic3A_684 : i32 to vector<16xi32>
        %shift_right_arithmetic3A_686 = arith.shrsi %get3A_679, %shift_right_arithmetic3A_685 : vector<16xi32>
        %and3A_687 = arith.constant 255 : i32
        %and3A_688 = vector.broadcast %and3A_687 : i32 to vector<16xi32>
        %and3A_689 = arith.andi %shift_right_arithmetic3A_686, %and3A_688 : vector<16xi32>
        %shift_left3A_690 = arith.constant 4 : i32
        %shift_left3A_691 = vector.broadcast %shift_left3A_690 : i32 to vector<16xi32>
        %shift_left3A_692 = arith.shli %and3A_689, %shift_left3A_691 : vector<16xi32>
        %iota3A_693 = tpu.iota {dimensions = array<i32: 0>} : vector<16xi32>
        %add3A_694 = arith.addi %shift_left3A_692, %iota3A_693 : vector<16xi32>
        %mul3A_695 = arith.constant 8 : i32
        %mul3A_696 = arith.muli %scan3A_581, %mul3A_695 : i32
        %add3A_697 = arith.constant 5 : i32
        %add3A_698 = arith.addi %mul3A_696, %add3A_697 : i32
        %mul3A_699 = arith.constant 16 : i32
        %mul3A_700 = arith.muli %add3A_698, %mul3A_699 : i32
        %get3A_701 = arith.index_cast %mul3A_700 : i32 to index
        %get3A_702 = tpu.vector_load %arg9[%get3A_701] {strides = array<i32>} : memref<4096xi32, #tpu.memory_space<vmem>>, vector<16xi32>,
        %mul3A_703 = arith.constant 16 : i32
        %mul3A_704 = arith.muli %add3A_698, %mul3A_703 : i32
        %get3A_705 = arith.index_cast %mul3A_704 : i32 to index
        %get3A_706 = tpu.vector_load %arg11[%get3A_705] {strides = array<i32>} : memref<4096xi32, #tpu.memory_space<vmem>>, vector<16xi32>,
        %shift_right_arithmetic3A_707 = arith.constant 0 : i32
        %shift_right_arithmetic3A_708 = vector.broadcast %shift_right_arithmetic3A_707 : i32 to vector<16xi32>
        %shift_right_arithmetic3A_709 = arith.shrsi %get3A_702, %shift_right_arithmetic3A_708 : vector<16xi32>
        %and3A_710 = arith.constant 255 : i32
        %and3A_711 = vector.broadcast %and3A_710 : i32 to vector<16xi32>
        %and3A_712 = arith.andi %shift_right_arithmetic3A_709, %and3A_711 : vector<16xi32>
        %shift_left3A_713 = arith.constant 4 : i32
        %shift_left3A_714 = vector.broadcast %shift_left3A_713 : i32 to vector<16xi32>
        %shift_left3A_715 = arith.shli %and3A_712, %shift_left3A_714 : vector<16xi32>
        %iota3A_716 = tpu.iota {dimensions = array<i32: 0>} : vector<16xi32>
        %add3A_717 = arith.addi %shift_left3A_715, %iota3A_716 : vector<16xi32>
        %mul3A_718 = arith.constant 8 : i32
        %mul3A_719 = arith.muli %scan3A_581, %mul3A_718 : i32
        %add3A_720 = arith.constant 6 : i32
        %add3A_721 = arith.addi %mul3A_719, %add3A_720 : i32
        %mul3A_722 = arith.constant 16 : i32
        %mul3A_723 = arith.muli %add3A_721, %mul3A_722 : i32
        %get3A_724 = arith.index_cast %mul3A_723 : i32 to index
        %get3A_725 = tpu.vector_load %arg9[%get3A_724] {strides = array<i32>} : memref<4096xi32, #tpu.memory_space<vmem>>, vector<16xi32>,
        %mul3A_726 = arith.constant 16 : i32
        %mul3A_727 = arith.muli %add3A_721, %mul3A_726 : i32
        %get3A_728 = arith.index_cast %mul3A_727 : i32 to index
        %get3A_729 = tpu.vector_load %arg11[%get3A_728] {strides = array<i32>} : memref<4096xi32, #tpu.memory_space<vmem>>, vector<16xi32>,
        %shift_right_arithmetic3A_730 = arith.constant 0 : i32
        %shift_right_arithmetic3A_731 = vector.broadcast %shift_right_arithmetic3A_730 : i32 to vector<16xi32>
        %shift_right_arithmetic3A_732 = arith.shrsi %get3A_725, %shift_right_arithmetic3A_731 : vector<16xi32>
        %and3A_733 = arith.constant 255 : i32
        %and3A_734 = vector.broadcast %and3A_733 : i32 to vector<16xi32>
        %and3A_735 = arith.andi %shift_right_arithmetic3A_732, %and3A_734 : vector<16xi32>
        %shift_left3A_736 = arith.constant 4 : i32
        %shift_left3A_737 = vector.broadcast %shift_left3A_736 : i32 to vector<16xi32>
        %shift_left3A_738 = arith.shli %and3A_735, %shift_left3A_737 : vector<16xi32>
        %iota3A_739 = tpu.iota {dimensions = array<i32: 0>} : vector<16xi32>
        %add3A_740 = arith.addi %shift_left3A_738, %iota3A_739 : vector<16xi32>
        %mul3A_741 = arith.constant 8 : i32
        %mul3A_742 = arith.muli %scan3A_581, %mul3A_741 : i32
        %add3A_743 = arith.constant 7 : i32
        %add3A_744 = arith.addi %mul3A_742, %add3A_743 : i32
        %mul3A_745 = arith.constant 16 : i32
        %mul3A_746 = arith.muli %add3A_744, %mul3A_745 : i32
        %get3A_747 = arith.index_cast %mul3A_746 : i32 to index
        %get3A_748 = tpu.vector_load %arg9[%get3A_747] {strides = array<i32>} : memref<4096xi32, #tpu.memory_space<vmem>>, vector<16xi32>,
        %mul3A_749 = arith.constant 16 : i32
        %mul3A_750 = arith.muli %add3A_744, %mul3A_749 : i32
        %get3A_751 = arith.index_cast %mul3A_750 : i32 to index
        %get3A_752 = tpu.vector_load %arg11[%get3A_751] {strides = array<i32>} : memref<4096xi32, #tpu.memory_space<vmem>>, vector<16xi32>,
        %shift_right_arithmetic3A_753 = arith.constant 0 : i32
        %shift_right_arithmetic3A_754 = vector.broadcast %shift_right_arithmetic3A_753 : i32 to vector<16xi32>
        %shift_right_arithmetic3A_755 = arith.shrsi %get3A_748, %shift_right_arithmetic3A_754 : vector<16xi32>
        %and3A_756 = arith.constant 255 : i32
        %and3A_757 = vector.broadcast %and3A_756 : i32 to vector<16xi32>
        %and3A_758 = arith.andi %shift_right_arithmetic3A_755, %and3A_757 : vector<16xi32>
        %shift_left3A_759 = arith.constant 4 : i32
        %shift_left3A_760 = vector.broadcast %shift_left3A_759 : i32 to vector<16xi32>
        %shift_left3A_761 = arith.shli %and3A_758, %shift_left3A_760 : vector<16xi32>
        %iota3A_762 = tpu.iota {dimensions = array<i32: 0>} : vector<16xi32>
        %add3A_763 = arith.addi %shift_left3A_761, %iota3A_762 : vector<16xi32>
        %gather3A = tpu.vector_load_idx %arg13[%add3A_602] : memref<4096xi32, #tpu.memory_space<vmem>>[vector<16xi32>], vector<16xi32>,
        %gather3A_764 = tpu.vector_load_idx %arg13[%add3A_625] : memref<4096xi32, #tpu.memory_space<vmem>>[vector<16xi32>], vector<16xi32>,
        %gather3A_765 = tpu.vector_load_idx %arg13[%add3A_648] : memref<4096xi32, #tpu.memory_space<vmem>>[vector<16xi32>], vector<16xi32>,
        %gather3A_766 = tpu.vector_load_idx %arg13[%add3A_671] : memref<4096xi32, #tpu.memory_space<vmem>>[vector<16xi32>], vector<16xi32>,
        %gather3A_767 = tpu.vector_load_idx %arg13[%add3A_694] : memref<4096xi32, #tpu.memory_space<vmem>>[vector<16xi32>], vector<16xi32>,
        %gather3A_768 = tpu.vector_load_idx %arg13[%add3A_717] : memref<4096xi32, #tpu.memory_space<vmem>>[vector<16xi32>], vector<16xi32>,
        %gather3A_769 = tpu.vector_load_idx %arg13[%add3A_740] : memref<4096xi32, #tpu.memory_space<vmem>>[vector<16xi32>], vector<16xi32>,
        %gather3A_770 = tpu.vector_load_idx %arg13[%add3A_763] : memref<4096xi32, #tpu.memory_space<vmem>>[vector<16xi32>], vector<16xi32>,
        %eq3A_771 = arith.cmpi eq, %and3A_598, %and3A_620 : vector<16xi32>
        %jit3A_772 = arith.constant 1 : i32
        %jit3A_773 = arith.constant 0 : i32
        %broadcast_in_dim3A_774 = vector.broadcast %jit3A_772 : i32 to vector<16xi32>
        %broadcast_in_dim3A_775 = vector.broadcast %jit3A_773 : i32 to vector<16xi32>
        %select_n3A_776 = arith.select %eq3A_771, %broadcast_in_dim3A_774, %broadcast_in_dim3A_775 : vector<16xi1>, vector<16xi32>
        %add3A_777 = arith.addi %gather3A_764, %select_n3A_776 : vector<16xi32>
        %eq3A_778 = arith.cmpi eq, %and3A_598, %and3A_643 : vector<16xi32>
        %jit3A_779 = arith.constant 1 : i32
        %jit3A_780 = arith.constant 0 : i32
        %broadcast_in_dim3A_781 = vector.broadcast %jit3A_779 : i32 to vector<16xi32>
        %broadcast_in_dim3A_782 = vector.broadcast %jit3A_780 : i32 to vector<16xi32>
        %select_n3A_783 = arith.select %eq3A_778, %broadcast_in_dim3A_781, %broadcast_in_dim3A_782 : vector<16xi1>, vector<16xi32>
        %add3A_784 = arith.addi %gather3A_765, %select_n3A_783 : vector<16xi32>
        %eq3A_785 = arith.cmpi eq, %and3A_620, %and3A_643 : vector<16xi32>
        %jit3A_786 = arith.constant 1 : i32
        %jit3A_787 = arith.constant 0 : i32
        %broadcast_in_dim3A_788 = vector.broadcast %jit3A_786 : i32 to vector<16xi32>
        %broadcast_in_dim3A_789 = vector.broadcast %jit3A_787 : i32 to vector<16xi32>
        %select_n3A_790 = arith.select %eq3A_785, %broadcast_in_dim3A_788, %broadcast_in_dim3A_789 : vector<16xi1>, vector<16xi32>
        %add3A_791 = arith.addi %add3A_784, %select_n3A_790 : vector<16xi32>
        %eq3A_792 = arith.cmpi eq, %and3A_598, %and3A_666 : vector<16xi32>
        %jit3A_793 = arith.constant 1 : i32
        %jit3A_794 = arith.constant 0 : i32
        %broadcast_in_dim3A_795 = vector.broadcast %jit3A_793 : i32 to vector<16xi32>
        %broadcast_in_dim3A_796 = vector.broadcast %jit3A_794 : i32 to vector<16xi32>
        %select_n3A_797 = arith.select %eq3A_792, %broadcast_in_dim3A_795, %broadcast_in_dim3A_796 : vector<16xi1>, vector<16xi32>
        %add3A_798 = arith.addi %gather3A_766, %select_n3A_797 : vector<16xi32>
        %eq3A_799 = arith.cmpi eq, %and3A_620, %and3A_666 : vector<16xi32>
        %jit3A_800 = arith.constant 1 : i32
        %jit3A_801 = arith.constant 0 : i32
        %broadcast_in_dim3A_802 = vector.broadcast %jit3A_800 : i32 to vector<16xi32>
        %broadcast_in_dim3A_803 = vector.broadcast %jit3A_801 : i32 to vector<16xi32>
        %select_n3A_804 = arith.select %eq3A_799, %broadcast_in_dim3A_802, %broadcast_in_dim3A_803 : vector<16xi1>, vector<16xi32>
        %add3A_805 = arith.addi %add3A_798, %select_n3A_804 : vector<16xi32>
        %eq3A_806 = arith.cmpi eq, %and3A_643, %and3A_666 : vector<16xi32>
        %jit3A_807 = arith.constant 1 : i32
        %jit3A_808 = arith.constant 0 : i32
        %broadcast_in_dim3A_809 = vector.broadcast %jit3A_807 : i32 to vector<16xi32>
        %broadcast_in_dim3A_810 = vector.broadcast %jit3A_808 : i32 to vector<16xi32>
        %select_n3A_811 = arith.select %eq3A_806, %broadcast_in_dim3A_809, %broadcast_in_dim3A_810 : vector<16xi1>, vector<16xi32>
        %add3A_812 = arith.addi %add3A_805, %select_n3A_811 : vector<16xi32>
        %eq3A_813 = arith.cmpi eq, %and3A_598, %and3A_689 : vector<16xi32>
        %jit3A_814 = arith.constant 1 : i32
        %jit3A_815 = arith.constant 0 : i32
        %broadcast_in_dim3A_816 = vector.broadcast %jit3A_814 : i32 to vector<16xi32>
        %broadcast_in_dim3A_817 = vector.broadcast %jit3A_815 : i32 to vector<16xi32>
        %select_n3A_818 = arith.select %eq3A_813, %broadcast_in_dim3A_816, %broadcast_in_dim3A_817 : vector<16xi1>, vector<16xi32>
        %add3A_819 = arith.addi %gather3A_767, %select_n3A_818 : vector<16xi32>
        %eq3A_820 = arith.cmpi eq, %and3A_620, %and3A_689 : vector<16xi32>
        %jit3A_821 = arith.constant 1 : i32
        %jit3A_822 = arith.constant 0 : i32
        %broadcast_in_dim3A_823 = vector.broadcast %jit3A_821 : i32 to vector<16xi32>
        %broadcast_in_dim3A_824 = vector.broadcast %jit3A_822 : i32 to vector<16xi32>
        %select_n3A_825 = arith.select %eq3A_820, %broadcast_in_dim3A_823, %broadcast_in_dim3A_824 : vector<16xi1>, vector<16xi32>
        %add3A_826 = arith.addi %add3A_819, %select_n3A_825 : vector<16xi32>
        %eq3A_827 = arith.cmpi eq, %and3A_643, %and3A_689 : vector<16xi32>
        %jit3A_828 = arith.constant 1 : i32
        %jit3A_829 = arith.constant 0 : i32
        %broadcast_in_dim3A_830 = vector.broadcast %jit3A_828 : i32 to vector<16xi32>
        %broadcast_in_dim3A_831 = vector.broadcast %jit3A_829 : i32 to vector<16xi32>
        %select_n3A_832 = arith.select %eq3A_827, %broadcast_in_dim3A_830, %broadcast_in_dim3A_831 : vector<16xi1>, vector<16xi32>
        %add3A_833 = arith.addi %add3A_826, %select_n3A_832 : vector<16xi32>
        %eq3A_834 = arith.cmpi eq, %and3A_666, %and3A_689 : vector<16xi32>
        %jit3A_835 = arith.constant 1 : i32
        %jit3A_836 = arith.constant 0 : i32
        %broadcast_in_dim3A_837 = vector.broadcast %jit3A_835 : i32 to vector<16xi32>
        %broadcast_in_dim3A_838 = vector.broadcast %jit3A_836 : i32 to vector<16xi32>
        %select_n3A_839 = arith.select %eq3A_834, %broadcast_in_dim3A_837, %broadcast_in_dim3A_838 : vector<16xi1>, vector<16xi32>
        %add3A_840 = arith.addi %add3A_833, %select_n3A_839 : vector<16xi32>
        %eq3A_841 = arith.cmpi eq, %and3A_598, %and3A_712 : vector<16xi32>
        %jit3A_842 = arith.constant 1 : i32
        %jit3A_843 = arith.constant 0 : i32
        %broadcast_in_dim3A_844 = vector.broadcast %jit3A_842 : i32 to vector<16xi32>
        %broadcast_in_dim3A_845 = vector.broadcast %jit3A_843 : i32 to vector<16xi32>
        %select_n3A_846 = arith.select %eq3A_841, %broadcast_in_dim3A_844, %broadcast_in_dim3A_845 : vector<16xi1>, vector<16xi32>
        %add3A_847 = arith.addi %gather3A_768, %select_n3A_846 : vector<16xi32>
        %eq3A_848 = arith.cmpi eq, %and3A_620, %and3A_712 : vector<16xi32>
        %jit3A_849 = arith.constant 1 : i32
        %jit3A_850 = arith.constant 0 : i32
        %broadcast_in_dim3A_851 = vector.broadcast %jit3A_849 : i32 to vector<16xi32>
        %broadcast_in_dim3A_852 = vector.broadcast %jit3A_850 : i32 to vector<16xi32>
        %select_n3A_853 = arith.select %eq3A_848, %broadcast_in_dim3A_851, %broadcast_in_dim3A_852 : vector<16xi1>, vector<16xi32>
        %add3A_854 = arith.addi %add3A_847, %select_n3A_853 : vector<16xi32>
        %eq3A_855 = arith.cmpi eq, %and3A_643, %and3A_712 : vector<16xi32>
        %jit3A_856 = arith.constant 1 : i32
        %jit3A_857 = arith.constant 0 : i32
        %broadcast_in_dim3A_858 = vector.broadcast %jit3A_856 : i32 to vector<16xi32>
        %broadcast_in_dim3A_859 = vector.broadcast %jit3A_857 : i32 to vector<16xi32>
        %select_n3A_860 = arith.select %eq3A_855, %broadcast_in_dim3A_858, %broadcast_in_dim3A_859 : vector<16xi1>, vector<16xi32>
        %add3A_861 = arith.addi %add3A_854, %select_n3A_860 : vector<16xi32>
        %eq3A_862 = arith.cmpi eq, %and3A_666, %and3A_712 : vector<16xi32>
        %jit3A_863 = arith.constant 1 : i32
        %jit3A_864 = arith.constant 0 : i32
        %broadcast_in_dim3A_865 = vector.broadcast %jit3A_863 : i32 to vector<16xi32>
        %broadcast_in_dim3A_866 = vector.broadcast %jit3A_864 : i32 to vector<16xi32>
        %select_n3A_867 = arith.select %eq3A_862, %broadcast_in_dim3A_865, %broadcast_in_dim3A_866 : vector<16xi1>, vector<16xi32>
        %add3A_868 = arith.addi %add3A_861, %select_n3A_867 : vector<16xi32>
        %eq3A_869 = arith.cmpi eq, %and3A_689, %and3A_712 : vector<16xi32>
        %jit3A_870 = arith.constant 1 : i32
        %jit3A_871 = arith.constant 0 : i32
        %broadcast_in_dim3A_872 = vector.broadcast %jit3A_870 : i32 to vector<16xi32>
        %broadcast_in_dim3A_873 = vector.broadcast %jit3A_871 : i32 to vector<16xi32>
        %select_n3A_874 = arith.select %eq3A_869, %broadcast_in_dim3A_872, %broadcast_in_dim3A_873 : vector<16xi1>, vector<16xi32>
        %add3A_875 = arith.addi %add3A_868, %select_n3A_874 : vector<16xi32>
        %eq3A_876 = arith.cmpi eq, %and3A_598, %and3A_735 : vector<16xi32>
        %jit3A_877 = arith.constant 1 : i32
        %jit3A_878 = arith.constant 0 : i32
        %broadcast_in_dim3A_879 = vector.broadcast %jit3A_877 : i32 to vector<16xi32>
        %broadcast_in_dim3A_880 = vector.broadcast %jit3A_878 : i32 to vector<16xi32>
        %select_n3A_881 = arith.select %eq3A_876, %broadcast_in_dim3A_879, %broadcast_in_dim3A_880 : vector<16xi1>, vector<16xi32>
        %add3A_882 = arith.addi %gather3A_769, %select_n3A_881 : vector<16xi32>
        %eq3A_883 = arith.cmpi eq, %and3A_620, %and3A_735 : vector<16xi32>
        %jit3A_884 = arith.constant 1 : i32
        %jit3A_885 = arith.constant 0 : i32
        %broadcast_in_dim3A_886 = vector.broadcast %jit3A_884 : i32 to vector<16xi32>
        %broadcast_in_dim3A_887 = vector.broadcast %jit3A_885 : i32 to vector<16xi32>
        %select_n3A_888 = arith.select %eq3A_883, %broadcast_in_dim3A_886, %broadcast_in_dim3A_887 : vector<16xi1>, vector<16xi32>
        %add3A_889 = arith.addi %add3A_882, %select_n3A_888 : vector<16xi32>
        %eq3A_890 = arith.cmpi eq, %and3A_643, %and3A_735 : vector<16xi32>
        %jit3A_891 = arith.constant 1 : i32
        %jit3A_892 = arith.constant 0 : i32
        %broadcast_in_dim3A_893 = vector.broadcast %jit3A_891 : i32 to vector<16xi32>
        %broadcast_in_dim3A_894 = vector.broadcast %jit3A_892 : i32 to vector<16xi32>
        %select_n3A_895 = arith.select %eq3A_890, %broadcast_in_dim3A_893, %broadcast_in_dim3A_894 : vector<16xi1>, vector<16xi32>
        %add3A_896 = arith.addi %add3A_889, %select_n3A_895 : vector<16xi32>
        %eq3A_897 = arith.cmpi eq, %and3A_666, %and3A_735 : vector<16xi32>
        %jit3A_898 = arith.constant 1 : i32
        %jit3A_899 = arith.constant 0 : i32
        %broadcast_in_dim3A_900 = vector.broadcast %jit3A_898 : i32 to vector<16xi32>
        %broadcast_in_dim3A_901 = vector.broadcast %jit3A_899 : i32 to vector<16xi32>
        %select_n3A_902 = arith.select %eq3A_897, %broadcast_in_dim3A_900, %broadcast_in_dim3A_901 : vector<16xi1>, vector<16xi32>
        %add3A_903 = arith.addi %add3A_896, %select_n3A_902 : vector<16xi32>
        %eq3A_904 = arith.cmpi eq, %and3A_689, %and3A_735 : vector<16xi32>
        %jit3A_905 = arith.constant 1 : i32
        %jit3A_906 = arith.constant 0 : i32
        %broadcast_in_dim3A_907 = vector.broadcast %jit3A_905 : i32 to vector<16xi32>
        %broadcast_in_dim3A_908 = vector.broadcast %jit3A_906 : i32 to vector<16xi32>
        %select_n3A_909 = arith.select %eq3A_904, %broadcast_in_dim3A_907, %broadcast_in_dim3A_908 : vector<16xi1>, vector<16xi32>
        %add3A_910 = arith.addi %add3A_903, %select_n3A_909 : vector<16xi32>
        %eq3A_911 = arith.cmpi eq, %and3A_712, %and3A_735 : vector<16xi32>
        %jit3A_912 = arith.constant 1 : i32
        %jit3A_913 = arith.constant 0 : i32
        %broadcast_in_dim3A_914 = vector.broadcast %jit3A_912 : i32 to vector<16xi32>
        %broadcast_in_dim3A_915 = vector.broadcast %jit3A_913 : i32 to vector<16xi32>
        %select_n3A_916 = arith.select %eq3A_911, %broadcast_in_dim3A_914, %broadcast_in_dim3A_915 : vector<16xi1>, vector<16xi32>
        %add3A_917 = arith.addi %add3A_910, %select_n3A_916 : vector<16xi32>
        %eq3A_918 = arith.cmpi eq, %and3A_598, %and3A_758 : vector<16xi32>
        %jit3A_919 = arith.constant 1 : i32
        %jit3A_920 = arith.constant 0 : i32
        %broadcast_in_dim3A_921 = vector.broadcast %jit3A_919 : i32 to vector<16xi32>
        %broadcast_in_dim3A_922 = vector.broadcast %jit3A_920 : i32 to vector<16xi32>
        %select_n3A_923 = arith.select %eq3A_918, %broadcast_in_dim3A_921, %broadcast_in_dim3A_922 : vector<16xi1>, vector<16xi32>
        %add3A_924 = arith.addi %gather3A_770, %select_n3A_923 : vector<16xi32>
        %eq3A_925 = arith.cmpi eq, %and3A_620, %and3A_758 : vector<16xi32>
        %jit3A_926 = arith.constant 1 : i32
        %jit3A_927 = arith.constant 0 : i32
        %broadcast_in_dim3A_928 = vector.broadcast %jit3A_926 : i32 to vector<16xi32>
        %broadcast_in_dim3A_929 = vector.broadcast %jit3A_927 : i32 to vector<16xi32>
        %select_n3A_930 = arith.select %eq3A_925, %broadcast_in_dim3A_928, %broadcast_in_dim3A_929 : vector<16xi1>, vector<16xi32>
        %add3A_931 = arith.addi %add3A_924, %select_n3A_930 : vector<16xi32>
        %eq3A_932 = arith.cmpi eq, %and3A_643, %and3A_758 : vector<16xi32>
        %jit3A_933 = arith.constant 1 : i32
        %jit3A_934 = arith.constant 0 : i32
        %broadcast_in_dim3A_935 = vector.broadcast %jit3A_933 : i32 to vector<16xi32>
        %broadcast_in_dim3A_936 = vector.broadcast %jit3A_934 : i32 to vector<16xi32>
        %select_n3A_937 = arith.select %eq3A_932, %broadcast_in_dim3A_935, %broadcast_in_dim3A_936 : vector<16xi1>, vector<16xi32>
        %add3A_938 = arith.addi %add3A_931, %select_n3A_937 : vector<16xi32>
        %eq3A_939 = arith.cmpi eq, %and3A_666, %and3A_758 : vector<16xi32>
        %jit3A_940 = arith.constant 1 : i32
        %jit3A_941 = arith.constant 0 : i32
        %broadcast_in_dim3A_942 = vector.broadcast %jit3A_940 : i32 to vector<16xi32>
        %broadcast_in_dim3A_943 = vector.broadcast %jit3A_941 : i32 to vector<16xi32>
        %select_n3A_944 = arith.select %eq3A_939, %broadcast_in_dim3A_942, %broadcast_in_dim3A_943 : vector<16xi1>, vector<16xi32>
        %add3A_945 = arith.addi %add3A_938, %select_n3A_944 : vector<16xi32>
        %eq3A_946 = arith.cmpi eq, %and3A_689, %and3A_758 : vector<16xi32>
        %jit3A_947 = arith.constant 1 : i32
        %jit3A_948 = arith.constant 0 : i32
        %broadcast_in_dim3A_949 = vector.broadcast %jit3A_947 : i32 to vector<16xi32>
        %broadcast_in_dim3A_950 = vector.broadcast %jit3A_948 : i32 to vector<16xi32>
        %select_n3A_951 = arith.select %eq3A_946, %broadcast_in_dim3A_949, %broadcast_in_dim3A_950 : vector<16xi1>, vector<16xi32>
        %add3A_952 = arith.addi %add3A_945, %select_n3A_951 : vector<16xi32>
        %eq3A_953 = arith.cmpi eq, %and3A_712, %and3A_758 : vector<16xi32>
        %jit3A_954 = arith.constant 1 : i32
        %jit3A_955 = arith.constant 0 : i32
        %broadcast_in_dim3A_956 = vector.broadcast %jit3A_954 : i32 to vector<16xi32>
        %broadcast_in_dim3A_957 = vector.broadcast %jit3A_955 : i32 to vector<16xi32>
        %select_n3A_958 = arith.select %eq3A_953, %broadcast_in_dim3A_956, %broadcast_in_dim3A_957 : vector<16xi1>, vector<16xi32>
        %add3A_959 = arith.addi %add3A_952, %select_n3A_958 : vector<16xi32>
        %eq3A_960 = arith.cmpi eq, %and3A_735, %and3A_758 : vector<16xi32>
        %jit3A_961 = arith.constant 1 : i32
        %jit3A_962 = arith.constant 0 : i32
        %broadcast_in_dim3A_963 = vector.broadcast %jit3A_961 : i32 to vector<16xi32>
        %broadcast_in_dim3A_964 = vector.broadcast %jit3A_962 : i32 to vector<16xi32>
        %select_n3A_965 = arith.select %eq3A_960, %broadcast_in_dim3A_963, %broadcast_in_dim3A_964 : vector<16xi1>, vector<16xi32>
        %add3A_966 = arith.addi %add3A_959, %select_n3A_965 : vector<16xi32>
        %add3A_967 = arith.constant 1 : i32
        %add3A_968 = vector.broadcast %add3A_967 : i32 to vector<16xi32>
        %add3A_969 = arith.addi %gather3A, %add3A_968 : vector<16xi32>
        tpu.vector_store_idx %arg13[%add3A_602], %add3A_969 : memref<4096xi32, #tpu.memory_space<vmem>>[vector<16xi32>], vector<16xi32>,
        %add3A_970 = arith.constant 1 : i32
        %add3A_971 = vector.broadcast %add3A_970 : i32 to vector<16xi32>
        %add3A_972 = arith.addi %add3A_777, %add3A_971 : vector<16xi32>
        tpu.vector_store_idx %arg13[%add3A_625], %add3A_972 : memref<4096xi32, #tpu.memory_space<vmem>>[vector<16xi32>], vector<16xi32>,
        %add3A_973 = arith.constant 1 : i32
        %add3A_974 = vector.broadcast %add3A_973 : i32 to vector<16xi32>
        %add3A_975 = arith.addi %add3A_791, %add3A_974 : vector<16xi32>
        tpu.vector_store_idx %arg13[%add3A_648], %add3A_975 : memref<4096xi32, #tpu.memory_space<vmem>>[vector<16xi32>], vector<16xi32>,
        %add3A_976 = arith.constant 1 : i32
        %add3A_977 = vector.broadcast %add3A_976 : i32 to vector<16xi32>
        %add3A_978 = arith.addi %add3A_812, %add3A_977 : vector<16xi32>
        tpu.vector_store_idx %arg13[%add3A_671], %add3A_978 : memref<4096xi32, #tpu.memory_space<vmem>>[vector<16xi32>], vector<16xi32>,
        %add3A_979 = arith.constant 1 : i32
        %add3A_980 = vector.broadcast %add3A_979 : i32 to vector<16xi32>
        %add3A_981 = arith.addi %add3A_840, %add3A_980 : vector<16xi32>
        tpu.vector_store_idx %arg13[%add3A_694], %add3A_981 : memref<4096xi32, #tpu.memory_space<vmem>>[vector<16xi32>], vector<16xi32>,
        %add3A_982 = arith.constant 1 : i32
        %add3A_983 = vector.broadcast %add3A_982 : i32 to vector<16xi32>
        %add3A_984 = arith.addi %add3A_875, %add3A_983 : vector<16xi32>
        tpu.vector_store_idx %arg13[%add3A_717], %add3A_984 : memref<4096xi32, #tpu.memory_space<vmem>>[vector<16xi32>], vector<16xi32>,
        %add3A_985 = arith.constant 1 : i32
        %add3A_986 = vector.broadcast %add3A_985 : i32 to vector<16xi32>
        %add3A_987 = arith.addi %add3A_917, %add3A_986 : vector<16xi32>
        tpu.vector_store_idx %arg13[%add3A_740], %add3A_987 : memref<4096xi32, #tpu.memory_space<vmem>>[vector<16xi32>], vector<16xi32>,
        %add3A_988 = arith.constant 1 : i32
        %add3A_989 = vector.broadcast %add3A_988 : i32 to vector<16xi32>
        %add3A_990 = arith.addi %add3A_966, %add3A_989 : vector<16xi32>
        tpu.vector_store_idx %arg13[%add3A_763], %add3A_990 : memref<4096xi32, #tpu.memory_space<vmem>>[vector<16xi32>], vector<16xi32>,
        %and3A_991 = arith.constant 255 : i32
        %and3A_992 = vector.broadcast %and3A_991 : i32 to vector<16xi32>
        %and3A_993 = arith.andi %gather3A, %and3A_992 : vector<16xi32>
        %shift_left3A_994 = arith.constant 4 : i32
        %shift_left3A_995 = vector.broadcast %shift_left3A_994 : i32 to vector<16xi32>
        %shift_left3A_996 = arith.shli %and3A_993, %shift_left3A_995 : vector<16xi32>
        %shift_right_arithmetic3A_997 = arith.constant 8 : i32
        %shift_right_arithmetic3A_998 = vector.broadcast %shift_right_arithmetic3A_997 : i32 to vector<16xi32>
        %shift_right_arithmetic3A_999 = arith.shrsi %gather3A, %shift_right_arithmetic3A_998 : vector<16xi32>
        %or3A = arith.ori %shift_left3A_996, %shift_right_arithmetic3A_999 : vector<16xi32>
        tpu.vector_store_idx %arg10[%or3A], %get3A_589 : memref<4096xi32, #tpu.memory_space<vmem>>[vector<16xi32>], vector<16xi32>,
        tpu.vector_store_idx %arg12[%or3A], %get3A_593 : memref<4096xi32, #tpu.memory_space<vmem>>[vector<16xi32>], vector<16xi32>,
        %and3A_1000 = arith.constant 255 : i32
        %and3A_1001 = vector.broadcast %and3A_1000 : i32 to vector<16xi32>
        %and3A_1002 = arith.andi %add3A_777, %and3A_1001 : vector<16xi32>
        %shift_left3A_1003 = arith.constant 4 : i32
        %shift_left3A_1004 = vector.broadcast %shift_left3A_1003 : i32 to vector<16xi32>
        %shift_left3A_1005 = arith.shli %and3A_1002, %shift_left3A_1004 : vector<16xi32>
        %shift_right_arithmetic3A_1006 = arith.constant 8 : i32
        %shift_right_arithmetic3A_1007 = vector.broadcast %shift_right_arithmetic3A_1006 : i32 to vector<16xi32>
        %shift_right_arithmetic3A_1008 = arith.shrsi %add3A_777, %shift_right_arithmetic3A_1007 : vector<16xi32>
        %or3A_1009 = arith.ori %shift_left3A_1005, %shift_right_arithmetic3A_1008 : vector<16xi32>
        tpu.vector_store_idx %arg10[%or3A_1009], %get3A_610 : memref<4096xi32, #tpu.memory_space<vmem>>[vector<16xi32>], vector<16xi32>,
        tpu.vector_store_idx %arg12[%or3A_1009], %get3A_614 : memref<4096xi32, #tpu.memory_space<vmem>>[vector<16xi32>], vector<16xi32>,
        %and3A_1010 = arith.constant 255 : i32
        %and3A_1011 = vector.broadcast %and3A_1010 : i32 to vector<16xi32>
        %and3A_1012 = arith.andi %add3A_791, %and3A_1011 : vector<16xi32>
        %shift_left3A_1013 = arith.constant 4 : i32
        %shift_left3A_1014 = vector.broadcast %shift_left3A_1013 : i32 to vector<16xi32>
        %shift_left3A_1015 = arith.shli %and3A_1012, %shift_left3A_1014 : vector<16xi32>
        %shift_right_arithmetic3A_1016 = arith.constant 8 : i32
        %shift_right_arithmetic3A_1017 = vector.broadcast %shift_right_arithmetic3A_1016 : i32 to vector<16xi32>
        %shift_right_arithmetic3A_1018 = arith.shrsi %add3A_791, %shift_right_arithmetic3A_1017 : vector<16xi32>
        %or3A_1019 = arith.ori %shift_left3A_1015, %shift_right_arithmetic3A_1018 : vector<16xi32>
        tpu.vector_store_idx %arg10[%or3A_1019], %get3A_633 : memref<4096xi32, #tpu.memory_space<vmem>>[vector<16xi32>], vector<16xi32>,
        tpu.vector_store_idx %arg12[%or3A_1019], %get3A_637 : memref<4096xi32, #tpu.memory_space<vmem>>[vector<16xi32>], vector<16xi32>,
        %and3A_1020 = arith.constant 255 : i32
        %and3A_1021 = vector.broadcast %and3A_1020 : i32 to vector<16xi32>
        %and3A_1022 = arith.andi %add3A_812, %and3A_1021 : vector<16xi32>
        %shift_left3A_1023 = arith.constant 4 : i32
        %shift_left3A_1024 = vector.broadcast %shift_left3A_1023 : i32 to vector<16xi32>
        %shift_left3A_1025 = arith.shli %and3A_1022, %shift_left3A_1024 : vector<16xi32>
        %shift_right_arithmetic3A_1026 = arith.constant 8 : i32
        %shift_right_arithmetic3A_1027 = vector.broadcast %shift_right_arithmetic3A_1026 : i32 to vector<16xi32>
        %shift_right_arithmetic3A_1028 = arith.shrsi %add3A_812, %shift_right_arithmetic3A_1027 : vector<16xi32>
        %or3A_1029 = arith.ori %shift_left3A_1025, %shift_right_arithmetic3A_1028 : vector<16xi32>
        tpu.vector_store_idx %arg10[%or3A_1029], %get3A_656 : memref<4096xi32, #tpu.memory_space<vmem>>[vector<16xi32>], vector<16xi32>,
        tpu.vector_store_idx %arg12[%or3A_1029], %get3A_660 : memref<4096xi32, #tpu.memory_space<vmem>>[vector<16xi32>], vector<16xi32>,
        %and3A_1030 = arith.constant 255 : i32
        %and3A_1031 = vector.broadcast %and3A_1030 : i32 to vector<16xi32>
        %and3A_1032 = arith.andi %add3A_840, %and3A_1031 : vector<16xi32>
        %shift_left3A_1033 = arith.constant 4 : i32
        %shift_left3A_1034 = vector.broadcast %shift_left3A_1033 : i32 to vector<16xi32>
        %shift_left3A_1035 = arith.shli %and3A_1032, %shift_left3A_1034 : vector<16xi32>
        %shift_right_arithmetic3A_1036 = arith.constant 8 : i32
        %shift_right_arithmetic3A_1037 = vector.broadcast %shift_right_arithmetic3A_1036 : i32 to vector<16xi32>
        %shift_right_arithmetic3A_1038 = arith.shrsi %add3A_840, %shift_right_arithmetic3A_1037 : vector<16xi32>
        %or3A_1039 = arith.ori %shift_left3A_1035, %shift_right_arithmetic3A_1038 : vector<16xi32>
        tpu.vector_store_idx %arg10[%or3A_1039], %get3A_679 : memref<4096xi32, #tpu.memory_space<vmem>>[vector<16xi32>], vector<16xi32>,
        tpu.vector_store_idx %arg12[%or3A_1039], %get3A_683 : memref<4096xi32, #tpu.memory_space<vmem>>[vector<16xi32>], vector<16xi32>,
        %and3A_1040 = arith.constant 255 : i32
        %and3A_1041 = vector.broadcast %and3A_1040 : i32 to vector<16xi32>
        %and3A_1042 = arith.andi %add3A_875, %and3A_1041 : vector<16xi32>
        %shift_left3A_1043 = arith.constant 4 : i32
        %shift_left3A_1044 = vector.broadcast %shift_left3A_1043 : i32 to vector<16xi32>
        %shift_left3A_1045 = arith.shli %and3A_1042, %shift_left3A_1044 : vector<16xi32>
        %shift_right_arithmetic3A_1046 = arith.constant 8 : i32
        %shift_right_arithmetic3A_1047 = vector.broadcast %shift_right_arithmetic3A_1046 : i32 to vector<16xi32>
        %shift_right_arithmetic3A_1048 = arith.shrsi %add3A_875, %shift_right_arithmetic3A_1047 : vector<16xi32>
        %or3A_1049 = arith.ori %shift_left3A_1045, %shift_right_arithmetic3A_1048 : vector<16xi32>
        tpu.vector_store_idx %arg10[%or3A_1049], %get3A_702 : memref<4096xi32, #tpu.memory_space<vmem>>[vector<16xi32>], vector<16xi32>,
        tpu.vector_store_idx %arg12[%or3A_1049], %get3A_706 : memref<4096xi32, #tpu.memory_space<vmem>>[vector<16xi32>], vector<16xi32>,
        %and3A_1050 = arith.constant 255 : i32
        %and3A_1051 = vector.broadcast %and3A_1050 : i32 to vector<16xi32>
        %and3A_1052 = arith.andi %add3A_917, %and3A_1051 : vector<16xi32>
        %shift_left3A_1053 = arith.constant 4 : i32
        %shift_left3A_1054 = vector.broadcast %shift_left3A_1053 : i32 to vector<16xi32>
        %shift_left3A_1055 = arith.shli %and3A_1052, %shift_left3A_1054 : vector<16xi32>
        %shift_right_arithmetic3A_1056 = arith.constant 8 : i32
        %shift_right_arithmetic3A_1057 = vector.broadcast %shift_right_arithmetic3A_1056 : i32 to vector<16xi32>
        %shift_right_arithmetic3A_1058 = arith.shrsi %add3A_917, %shift_right_arithmetic3A_1057 : vector<16xi32>
        %or3A_1059 = arith.ori %shift_left3A_1055, %shift_right_arithmetic3A_1058 : vector<16xi32>
        tpu.vector_store_idx %arg10[%or3A_1059], %get3A_725 : memref<4096xi32, #tpu.memory_space<vmem>>[vector<16xi32>], vector<16xi32>,
        tpu.vector_store_idx %arg12[%or3A_1059], %get3A_729 : memref<4096xi32, #tpu.memory_space<vmem>>[vector<16xi32>], vector<16xi32>,
        %and3A_1060 = arith.constant 255 : i32
        %and3A_1061 = vector.broadcast %and3A_1060 : i32 to vector<16xi32>
        %and3A_1062 = arith.andi %add3A_966, %and3A_1061 : vector<16xi32>
        %shift_left3A_1063 = arith.constant 4 : i32
        %shift_left3A_1064 = vector.broadcast %shift_left3A_1063 : i32 to vector<16xi32>
        %shift_left3A_1065 = arith.shli %and3A_1062, %shift_left3A_1064 : vector<16xi32>
        %shift_right_arithmetic3A_1066 = arith.constant 8 : i32
        %shift_right_arithmetic3A_1067 = vector.broadcast %shift_right_arithmetic3A_1066 : i32 to vector<16xi32>
        %shift_right_arithmetic3A_1068 = arith.shrsi %add3A_966, %shift_right_arithmetic3A_1067 : vector<16xi32>
        %or3A_1069 = arith.ori %shift_left3A_1065, %shift_right_arithmetic3A_1068 : vector<16xi32>
        tpu.vector_store_idx %arg10[%or3A_1069], %get3A_748 : memref<4096xi32, #tpu.memory_space<vmem>>[vector<16xi32>], vector<16xi32>,
        tpu.vector_store_idx %arg12[%or3A_1069], %get3A_752 : memref<4096xi32, #tpu.memory_space<vmem>>[vector<16xi32>], vector<16xi32>,
        %scan3A_1070 = arith.constant 0 : i32
        scf.yield %scan3A_1070 : i32
      }
      %scan3A_487 = arith.constant 32 : i32
      %parallel_loop3A_488 = arith.constant 0 : i32
      %parallel_loop3A_489 = arith.constant 256 : i32
      %parallel_loop3A_490 = arith.constant 1 : i32
      "tpu.trace_stop"() : () -> ()
      "tpu.trace_start"() <{level = 10 : i32, message = "p1_zero"}> : () -> ()
      scf.for %parallel_loop3A_581 = %parallel_loop3A_488 to %parallel_loop3A_489 step %parallel_loop3A_490  : i32 {
        %parallel_loop3A_582 = arith.constant 16 : i32
        %parallel_loop3A_583 = arith.muli %parallel_loop3A_581, %parallel_loop3A_582 : i32
        %parallel_loop3A_584 = arith.index_cast %parallel_loop3A_583 : i32 to index
        %parallel_loop3A_585 = tpu.vector_load %arg13[%parallel_loop3A_584] {strides = array<i32>} : memref<4096xi32, #tpu.memory_space<vmem>>, vector<16xi32>,
        tpu.vector_store %arg13[%parallel_loop3A_584], %broadcast_in_dim3A_457 {strides = array<i32>} : memref<4096xi32, #tpu.memory_space<vmem>>, vector<16xi32>,
      } {sc.loop_unroll_factor = 4 : i64, sc.parallel_access}
      %parallel_loop3A_491 = arith.constant 0 : i32
      %parallel_loop3A_492 = arith.constant 256 : i32
      %parallel_loop3A_493 = arith.constant 1 : i32
      "tpu.trace_stop"() : () -> ()
      "tpu.trace_start"() <{level = 10 : i32, message = "p1_hist"}> : () -> ()
      scf.for %parallel_loop3A_581 = %parallel_loop3A_491 to %parallel_loop3A_492 step %parallel_loop3A_493  : i32 {
        %parallel_loop3A_582 = arith.constant 16 : i32
        %parallel_loop3A_583 = arith.muli %parallel_loop3A_581, %parallel_loop3A_582 : i32
        %parallel_loop3A_584 = arith.index_cast %parallel_loop3A_583 : i32 to index
        %parallel_loop3A_585 = tpu.vector_load %arg10[%parallel_loop3A_584] {strides = array<i32>} : memref<4096xi32, #tpu.memory_space<vmem>>, vector<16xi32>,
        %parallel_loop3A_586 = arith.constant 8 : i32
        %parallel_loop3A_587 = vector.broadcast %parallel_loop3A_586 : i32 to vector<16xi32>
        %parallel_loop3A_588 = arith.shrsi %parallel_loop3A_585, %parallel_loop3A_587 : vector<16xi32>
        %parallel_loop3A_589 = arith.constant 255 : i32
        %parallel_loop3A_590 = vector.broadcast %parallel_loop3A_589 : i32 to vector<16xi32>
        %parallel_loop3A_591 = arith.andi %parallel_loop3A_588, %parallel_loop3A_590 : vector<16xi32>
        %parallel_loop3A_592 = arith.constant 4 : i32
        %parallel_loop3A_593 = vector.broadcast %parallel_loop3A_592 : i32 to vector<16xi32>
        %parallel_loop3A_594 = arith.shli %parallel_loop3A_591, %parallel_loop3A_593 : vector<16xi32>
        %parallel_loop3A_595 = tpu.iota {dimensions = array<i32: 0>} : vector<16xi32>
        %parallel_loop3A_596 = arith.addi %parallel_loop3A_594, %parallel_loop3A_595 : vector<16xi32>
        tpu.vector_store_idx %arg13[%parallel_loop3A_596], %broadcast_in_dim3A_459 {add = true} : memref<4096xi32, #tpu.memory_space<vmem>>[vector<16xi32>], vector<16xi32>,
      } {sc.loop_unroll_factor = 2 : i64, sc.parallel_access}
      "tpu.trace_stop"() : () -> ()
      %iota3A_494 = tpu.iota {dimensions = array<i32: 0>} : vector<16xi32>
      %eq3A_495 = arith.constant 0 : i32
      %eq3A_496 = vector.broadcast %eq3A_495 : i32 to vector<16xi32>
      %eq3A_497 = arith.cmpi eq, %iota3A_494, %eq3A_496 : vector<16xi32>
      %parallel_loop3A_498 = arith.constant 0 : i32
      %parallel_loop3A_499 = arith.constant 256 : i32
      %parallel_loop3A_500 = arith.constant 1 : i32
      "tpu.trace_start"() <{level = 10 : i32, message = "p1_scan"}> : () -> ()
      scf.for %parallel_loop3A_581 = %parallel_loop3A_498 to %parallel_loop3A_499 step %parallel_loop3A_500  : i32 {
        %parallel_loop3A_582 = arith.constant 16 : i32
        %parallel_loop3A_583 = arith.muli %parallel_loop3A_581, %parallel_loop3A_582 : i32
        %parallel_loop3A_584 = arith.index_cast %parallel_loop3A_583 : i32 to index
        %parallel_loop3A_585 = tpu.vector_load %arg13[%parallel_loop3A_584] {strides = array<i32>} : memref<4096xi32, #tpu.memory_space<vmem>>, vector<16xi32>,
        %parallel_loop3A_586 = arith.constant true
        %parallel_loop3A_587 = vector.broadcast %parallel_loop3A_586 : i1 to vector<16xi1>
        %parallel_loop3A_588 = tpu.scan <sum>, %parallel_loop3A_585 masked %parallel_loop3A_587 : vector<16xi32>, vector<16xi1> -> vector<16xi32>
        %parallel_loop3A_589 = arith.subi %parallel_loop3A_588, %parallel_loop3A_585 : vector<16xi32>
        %parallel_loop3A_590 = arith.constant 16 : i32
        %parallel_loop3A_591 = arith.muli %parallel_loop3A_581, %parallel_loop3A_590 : i32
        %parallel_loop3A_592 = arith.index_cast %parallel_loop3A_591 : i32 to index
        %parallel_loop3A_593 = tpu.vector_load %arg13[%parallel_loop3A_592] {strides = array<i32>} : memref<4096xi32, #tpu.memory_space<vmem>>, vector<16xi32>,
        tpu.vector_store %arg13[%parallel_loop3A_592], %parallel_loop3A_589 {strides = array<i32>} : memref<4096xi32, #tpu.memory_space<vmem>>, vector<16xi32>,
        %parallel_loop3A_594 = arith.constant true
        %parallel_loop3A_595 = vector.broadcast %parallel_loop3A_594 : i1 to vector<16xi1>
        %parallel_loop3A_596 = tpu.scan <sum>, %parallel_loop3A_585 masked %parallel_loop3A_595 : vector<16xi32>, vector<16xi1> -> vector<16xi32>
        %parallel_loop3A_597 = vector.extract %parallel_loop3A_596[15] : i32 from vector<16xi32>
        %parallel_loop3A_598 = vector.broadcast %parallel_loop3A_597 : i32 to vector<16xi32>
        %parallel_loop3A_599 = vector.broadcast %parallel_loop3A_581 : i32 to vector<16xi32>
        tpu.vector_store_idx %arg14[%parallel_loop3A_599], %parallel_loop3A_598 masked %eq3A_497 : memref<256xi32, #tpu.memory_space<vmem>>[vector<16xi32>], vector<16xi32>, vector<16xi1>
      } {sc.loop_unroll_factor = 2 : i64, sc.parallel_access}
      %scan3A_501 = arith.constant 0 : i32
      %scan3A_502 = arith.constant 0 : i32
      %scan3A_503 = arith.constant 16 : i32
      %scan3A_504 = arith.addi %scan3A_502, %scan3A_503 : i32
      %scan3A_505 = arith.constant 1 : i32
      %scan3A_506 = scf.for %scan3A_581 = %scan3A_502 to %scan3A_504 step %scan3A_505 iter_args(%scan3A_582 = %scan3A_501) -> (i32)  : i32 {
        %mul3A_583 = arith.constant 16 : i32
        %mul3A_584 = arith.muli %scan3A_581, %mul3A_583 : i32
        %get3A = arith.index_cast %mul3A_584 : i32 to index
        %get3A_585 = tpu.vector_load %arg14[%get3A] {strides = array<i32>} : memref<256xi32, #tpu.memory_space<vmem>>, vector<16xi32>,
        %broadcast_in_dim3A_586 = arith.constant true
        %broadcast_in_dim3A_587 = vector.broadcast %broadcast_in_dim3A_586 : i1 to vector<16xi1>
        %masked_cumsum3A = tpu.scan <sum>, %get3A_585 masked %broadcast_in_dim3A_587 : vector<16xi32>, vector<16xi1> -> vector<16xi32>
        %sub3A_588 = arith.subi %masked_cumsum3A, %get3A_585 : vector<16xi32>
        %add3A_589 = vector.broadcast %scan3A_582 : i32 to vector<16xi32>
        %add3A_590 = arith.addi %sub3A_588, %add3A_589 : vector<16xi32>
        %mul3A_591 = arith.constant 16 : i32
        %mul3A_592 = arith.muli %scan3A_581, %mul3A_591 : i32
        %swap3A = arith.index_cast %mul3A_592 : i32 to index
        %swap3A_593 = tpu.vector_load %arg14[%swap3A] {strides = array<i32>} : memref<256xi32, #tpu.memory_space<vmem>>, vector<16xi32>,
        tpu.vector_store %arg14[%swap3A], %add3A_590 {strides = array<i32>} : memref<256xi32, #tpu.memory_space<vmem>>, vector<16xi32>,
        %reduce_sum3A = arith.constant true
        %reduce_sum3A_594 = vector.broadcast %reduce_sum3A : i1 to vector<16xi1>
        %reduce_sum3A_595 = tpu.scan <sum>, %get3A_585 masked %reduce_sum3A_594 : vector<16xi32>, vector<16xi1> -> vector<16xi32>
        %reduce_sum3A_596 = vector.extract %reduce_sum3A_595[15] : i32 from vector<16xi32>
        %add3A_597 = arith.addi %scan3A_582, %reduce_sum3A_596 : i32
        scf.yield %add3A_597 : i32
      }
      %scan3A_507 = arith.constant 16 : i32
      %parallel_loop3A_508 = arith.constant 0 : i32
      %parallel_loop3A_509 = arith.constant 256 : i32
      %parallel_loop3A_510 = arith.constant 1 : i32
      scf.for %parallel_loop3A_581 = %parallel_loop3A_508 to %parallel_loop3A_509 step %parallel_loop3A_510  : i32 {
        %parallel_loop3A_582 = vector.broadcast %parallel_loop3A_581 : i32 to vector<16xi32>
        %parallel_loop3A_583 = tpu.vector_load_idx %arg14[%parallel_loop3A_582] : memref<256xi32, #tpu.memory_space<vmem>>[vector<16xi32>], vector<16xi32>,
        %parallel_loop3A_584 = arith.constant 16 : i32
        %parallel_loop3A_585 = arith.muli %parallel_loop3A_581, %parallel_loop3A_584 : i32
        %parallel_loop3A_586 = arith.index_cast %parallel_loop3A_585 : i32 to index
        %parallel_loop3A_587 = tpu.vector_load %arg13[%parallel_loop3A_586] {strides = array<i32>} : memref<4096xi32, #tpu.memory_space<vmem>>, vector<16xi32>,
        %parallel_loop3A_588 = arith.addi %parallel_loop3A_587, %parallel_loop3A_583 : vector<16xi32>
        %parallel_loop3A_589 = arith.constant 16 : i32
        %parallel_loop3A_590 = arith.muli %parallel_loop3A_581, %parallel_loop3A_589 : i32
        %parallel_loop3A_591 = arith.index_cast %parallel_loop3A_590 : i32 to index
        %parallel_loop3A_592 = tpu.vector_load %arg13[%parallel_loop3A_591] {strides = array<i32>} : memref<4096xi32, #tpu.memory_space<vmem>>, vector<16xi32>,
        tpu.vector_store %arg13[%parallel_loop3A_591], %parallel_loop3A_588 {strides = array<i32>} : memref<4096xi32, #tpu.memory_space<vmem>>, vector<16xi32>,
      } {sc.loop_unroll_factor = 2 : i64, sc.parallel_access}
      "tpu.trace_stop"() : () -> ()
      "tpu.trace_start"() <{level = 10 : i32, message = "p1_permute"}> : () -> ()
      %scan3A_511 = arith.constant 0 : i32
      %scan3A_512 = arith.constant 0 : i32
      %scan3A_513 = arith.constant 32 : i32
      %scan3A_514 = arith.addi %scan3A_512, %scan3A_513 : i32
      %scan3A_515 = arith.constant 1 : i32
      %scan3A_516 = scf.for %scan3A_581 = %scan3A_512 to %scan3A_514 step %scan3A_515 iter_args(%scan3A_582 = %scan3A_511) -> (i32)  : i32 {
        %mul3A_583 = arith.constant 8 : i32
        %mul3A_584 = arith.muli %scan3A_581, %mul3A_583 : i32
        %add3A_585 = arith.constant 0 : i32
        %add3A_586 = arith.addi %mul3A_584, %add3A_585 : i32
        %mul3A_587 = arith.constant 16 : i32
        %mul3A_588 = arith.muli %add3A_586, %mul3A_587 : i32
        %get3A = arith.index_cast %mul3A_588 : i32 to index
        %get3A_589 = tpu.vector_load %arg10[%get3A] {strides = array<i32>} : memref<4096xi32, #tpu.memory_space<vmem>>, vector<16xi32>,
        %mul3A_590 = arith.constant 16 : i32
        %mul3A_591 = arith.muli %add3A_586, %mul3A_590 : i32
        %get3A_592 = arith.index_cast %mul3A_591 : i32 to index
        %get3A_593 = tpu.vector_load %arg12[%get3A_592] {strides = array<i32>} : memref<4096xi32, #tpu.memory_space<vmem>>, vector<16xi32>,
        %shift_right_arithmetic3A = arith.constant 8 : i32
        %shift_right_arithmetic3A_594 = vector.broadcast %shift_right_arithmetic3A : i32 to vector<16xi32>
        %shift_right_arithmetic3A_595 = arith.shrsi %get3A_589, %shift_right_arithmetic3A_594 : vector<16xi32>
        %and3A_596 = arith.constant 255 : i32
        %and3A_597 = vector.broadcast %and3A_596 : i32 to vector<16xi32>
        %and3A_598 = arith.andi %shift_right_arithmetic3A_595, %and3A_597 : vector<16xi32>
        %shift_left3A = arith.constant 4 : i32
        %shift_left3A_599 = vector.broadcast %shift_left3A : i32 to vector<16xi32>
        %shift_left3A_600 = arith.shli %and3A_598, %shift_left3A_599 : vector<16xi32>
        %iota3A_601 = tpu.iota {dimensions = array<i32: 0>} : vector<16xi32>
        %add3A_602 = arith.addi %shift_left3A_600, %iota3A_601 : vector<16xi32>
        %mul3A_603 = arith.constant 8 : i32
        %mul3A_604 = arith.muli %scan3A_581, %mul3A_603 : i32
        %add3A_605 = arith.constant 1 : i32
        %add3A_606 = arith.addi %mul3A_604, %add3A_605 : i32
        %mul3A_607 = arith.constant 16 : i32
        %mul3A_608 = arith.muli %add3A_606, %mul3A_607 : i32
        %get3A_609 = arith.index_cast %mul3A_608 : i32 to index
        %get3A_610 = tpu.vector_load %arg10[%get3A_609] {strides = array<i32>} : memref<4096xi32, #tpu.memory_space<vmem>>, vector<16xi32>,
        %mul3A_611 = arith.constant 16 : i32
        %mul3A_612 = arith.muli %add3A_606, %mul3A_611 : i32
        %get3A_613 = arith.index_cast %mul3A_612 : i32 to index
        %get3A_614 = tpu.vector_load %arg12[%get3A_613] {strides = array<i32>} : memref<4096xi32, #tpu.memory_space<vmem>>, vector<16xi32>,
        %shift_right_arithmetic3A_615 = arith.constant 8 : i32
        %shift_right_arithmetic3A_616 = vector.broadcast %shift_right_arithmetic3A_615 : i32 to vector<16xi32>
        %shift_right_arithmetic3A_617 = arith.shrsi %get3A_610, %shift_right_arithmetic3A_616 : vector<16xi32>
        %and3A_618 = arith.constant 255 : i32
        %and3A_619 = vector.broadcast %and3A_618 : i32 to vector<16xi32>
        %and3A_620 = arith.andi %shift_right_arithmetic3A_617, %and3A_619 : vector<16xi32>
        %shift_left3A_621 = arith.constant 4 : i32
        %shift_left3A_622 = vector.broadcast %shift_left3A_621 : i32 to vector<16xi32>
        %shift_left3A_623 = arith.shli %and3A_620, %shift_left3A_622 : vector<16xi32>
        %iota3A_624 = tpu.iota {dimensions = array<i32: 0>} : vector<16xi32>
        %add3A_625 = arith.addi %shift_left3A_623, %iota3A_624 : vector<16xi32>
        %mul3A_626 = arith.constant 8 : i32
        %mul3A_627 = arith.muli %scan3A_581, %mul3A_626 : i32
        %add3A_628 = arith.constant 2 : i32
        %add3A_629 = arith.addi %mul3A_627, %add3A_628 : i32
        %mul3A_630 = arith.constant 16 : i32
        %mul3A_631 = arith.muli %add3A_629, %mul3A_630 : i32
        %get3A_632 = arith.index_cast %mul3A_631 : i32 to index
        %get3A_633 = tpu.vector_load %arg10[%get3A_632] {strides = array<i32>} : memref<4096xi32, #tpu.memory_space<vmem>>, vector<16xi32>,
        %mul3A_634 = arith.constant 16 : i32
        %mul3A_635 = arith.muli %add3A_629, %mul3A_634 : i32
        %get3A_636 = arith.index_cast %mul3A_635 : i32 to index
        %get3A_637 = tpu.vector_load %arg12[%get3A_636] {strides = array<i32>} : memref<4096xi32, #tpu.memory_space<vmem>>, vector<16xi32>,
        %shift_right_arithmetic3A_638 = arith.constant 8 : i32
        %shift_right_arithmetic3A_639 = vector.broadcast %shift_right_arithmetic3A_638 : i32 to vector<16xi32>
        %shift_right_arithmetic3A_640 = arith.shrsi %get3A_633, %shift_right_arithmetic3A_639 : vector<16xi32>
        %and3A_641 = arith.constant 255 : i32
        %and3A_642 = vector.broadcast %and3A_641 : i32 to vector<16xi32>
        %and3A_643 = arith.andi %shift_right_arithmetic3A_640, %and3A_642 : vector<16xi32>
        %shift_left3A_644 = arith.constant 4 : i32
        %shift_left3A_645 = vector.broadcast %shift_left3A_644 : i32 to vector<16xi32>
        %shift_left3A_646 = arith.shli %and3A_643, %shift_left3A_645 : vector<16xi32>
        %iota3A_647 = tpu.iota {dimensions = array<i32: 0>} : vector<16xi32>
        %add3A_648 = arith.addi %shift_left3A_646, %iota3A_647 : vector<16xi32>
        %mul3A_649 = arith.constant 8 : i32
        %mul3A_650 = arith.muli %scan3A_581, %mul3A_649 : i32
        %add3A_651 = arith.constant 3 : i32
        %add3A_652 = arith.addi %mul3A_650, %add3A_651 : i32
        %mul3A_653 = arith.constant 16 : i32
        %mul3A_654 = arith.muli %add3A_652, %mul3A_653 : i32
        %get3A_655 = arith.index_cast %mul3A_654 : i32 to index
        %get3A_656 = tpu.vector_load %arg10[%get3A_655] {strides = array<i32>} : memref<4096xi32, #tpu.memory_space<vmem>>, vector<16xi32>,
        %mul3A_657 = arith.constant 16 : i32
        %mul3A_658 = arith.muli %add3A_652, %mul3A_657 : i32
        %get3A_659 = arith.index_cast %mul3A_658 : i32 to index
        %get3A_660 = tpu.vector_load %arg12[%get3A_659] {strides = array<i32>} : memref<4096xi32, #tpu.memory_space<vmem>>, vector<16xi32>,
        %shift_right_arithmetic3A_661 = arith.constant 8 : i32
        %shift_right_arithmetic3A_662 = vector.broadcast %shift_right_arithmetic3A_661 : i32 to vector<16xi32>
        %shift_right_arithmetic3A_663 = arith.shrsi %get3A_656, %shift_right_arithmetic3A_662 : vector<16xi32>
        %and3A_664 = arith.constant 255 : i32
        %and3A_665 = vector.broadcast %and3A_664 : i32 to vector<16xi32>
        %and3A_666 = arith.andi %shift_right_arithmetic3A_663, %and3A_665 : vector<16xi32>
        %shift_left3A_667 = arith.constant 4 : i32
        %shift_left3A_668 = vector.broadcast %shift_left3A_667 : i32 to vector<16xi32>
        %shift_left3A_669 = arith.shli %and3A_666, %shift_left3A_668 : vector<16xi32>
        %iota3A_670 = tpu.iota {dimensions = array<i32: 0>} : vector<16xi32>
        %add3A_671 = arith.addi %shift_left3A_669, %iota3A_670 : vector<16xi32>
        %mul3A_672 = arith.constant 8 : i32
        %mul3A_673 = arith.muli %scan3A_581, %mul3A_672 : i32
        %add3A_674 = arith.constant 4 : i32
        %add3A_675 = arith.addi %mul3A_673, %add3A_674 : i32
        %mul3A_676 = arith.constant 16 : i32
        %mul3A_677 = arith.muli %add3A_675, %mul3A_676 : i32
        %get3A_678 = arith.index_cast %mul3A_677 : i32 to index
        %get3A_679 = tpu.vector_load %arg10[%get3A_678] {strides = array<i32>} : memref<4096xi32, #tpu.memory_space<vmem>>, vector<16xi32>,
        %mul3A_680 = arith.constant 16 : i32
        %mul3A_681 = arith.muli %add3A_675, %mul3A_680 : i32
        %get3A_682 = arith.index_cast %mul3A_681 : i32 to index
        %get3A_683 = tpu.vector_load %arg12[%get3A_682] {strides = array<i32>} : memref<4096xi32, #tpu.memory_space<vmem>>, vector<16xi32>,
        %shift_right_arithmetic3A_684 = arith.constant 8 : i32
        %shift_right_arithmetic3A_685 = vector.broadcast %shift_right_arithmetic3A_684 : i32 to vector<16xi32>
        %shift_right_arithmetic3A_686 = arith.shrsi %get3A_679, %shift_right_arithmetic3A_685 : vector<16xi32>
        %and3A_687 = arith.constant 255 : i32
        %and3A_688 = vector.broadcast %and3A_687 : i32 to vector<16xi32>
        %and3A_689 = arith.andi %shift_right_arithmetic3A_686, %and3A_688 : vector<16xi32>
        %shift_left3A_690 = arith.constant 4 : i32
        %shift_left3A_691 = vector.broadcast %shift_left3A_690 : i32 to vector<16xi32>
        %shift_left3A_692 = arith.shli %and3A_689, %shift_left3A_691 : vector<16xi32>
        %iota3A_693 = tpu.iota {dimensions = array<i32: 0>} : vector<16xi32>
        %add3A_694 = arith.addi %shift_left3A_692, %iota3A_693 : vector<16xi32>
        %mul3A_695 = arith.constant 8 : i32
        %mul3A_696 = arith.muli %scan3A_581, %mul3A_695 : i32
        %add3A_697 = arith.constant 5 : i32
        %add3A_698 = arith.addi %mul3A_696, %add3A_697 : i32
        %mul3A_699 = arith.constant 16 : i32
        %mul3A_700 = arith.muli %add3A_698, %mul3A_699 : i32
        %get3A_701 = arith.index_cast %mul3A_700 : i32 to index
        %get3A_702 = tpu.vector_load %arg10[%get3A_701] {strides = array<i32>} : memref<4096xi32, #tpu.memory_space<vmem>>, vector<16xi32>,
        %mul3A_703 = arith.constant 16 : i32
        %mul3A_704 = arith.muli %add3A_698, %mul3A_703 : i32
        %get3A_705 = arith.index_cast %mul3A_704 : i32 to index
        %get3A_706 = tpu.vector_load %arg12[%get3A_705] {strides = array<i32>} : memref<4096xi32, #tpu.memory_space<vmem>>, vector<16xi32>,
        %shift_right_arithmetic3A_707 = arith.constant 8 : i32
        %shift_right_arithmetic3A_708 = vector.broadcast %shift_right_arithmetic3A_707 : i32 to vector<16xi32>
        %shift_right_arithmetic3A_709 = arith.shrsi %get3A_702, %shift_right_arithmetic3A_708 : vector<16xi32>
        %and3A_710 = arith.constant 255 : i32
        %and3A_711 = vector.broadcast %and3A_710 : i32 to vector<16xi32>
        %and3A_712 = arith.andi %shift_right_arithmetic3A_709, %and3A_711 : vector<16xi32>
        %shift_left3A_713 = arith.constant 4 : i32
        %shift_left3A_714 = vector.broadcast %shift_left3A_713 : i32 to vector<16xi32>
        %shift_left3A_715 = arith.shli %and3A_712, %shift_left3A_714 : vector<16xi32>
        %iota3A_716 = tpu.iota {dimensions = array<i32: 0>} : vector<16xi32>
        %add3A_717 = arith.addi %shift_left3A_715, %iota3A_716 : vector<16xi32>
        %mul3A_718 = arith.constant 8 : i32
        %mul3A_719 = arith.muli %scan3A_581, %mul3A_718 : i32
        %add3A_720 = arith.constant 6 : i32
        %add3A_721 = arith.addi %mul3A_719, %add3A_720 : i32
        %mul3A_722 = arith.constant 16 : i32
        %mul3A_723 = arith.muli %add3A_721, %mul3A_722 : i32
        %get3A_724 = arith.index_cast %mul3A_723 : i32 to index
        %get3A_725 = tpu.vector_load %arg10[%get3A_724] {strides = array<i32>} : memref<4096xi32, #tpu.memory_space<vmem>>, vector<16xi32>,
        %mul3A_726 = arith.constant 16 : i32
        %mul3A_727 = arith.muli %add3A_721, %mul3A_726 : i32
        %get3A_728 = arith.index_cast %mul3A_727 : i32 to index
        %get3A_729 = tpu.vector_load %arg12[%get3A_728] {strides = array<i32>} : memref<4096xi32, #tpu.memory_space<vmem>>, vector<16xi32>,
        %shift_right_arithmetic3A_730 = arith.constant 8 : i32
        %shift_right_arithmetic3A_731 = vector.broadcast %shift_right_arithmetic3A_730 : i32 to vector<16xi32>
        %shift_right_arithmetic3A_732 = arith.shrsi %get3A_725, %shift_right_arithmetic3A_731 : vector<16xi32>
        %and3A_733 = arith.constant 255 : i32
        %and3A_734 = vector.broadcast %and3A_733 : i32 to vector<16xi32>
        %and3A_735 = arith.andi %shift_right_arithmetic3A_732, %and3A_734 : vector<16xi32>
        %shift_left3A_736 = arith.constant 4 : i32
        %shift_left3A_737 = vector.broadcast %shift_left3A_736 : i32 to vector<16xi32>
        %shift_left3A_738 = arith.shli %and3A_735, %shift_left3A_737 : vector<16xi32>
        %iota3A_739 = tpu.iota {dimensions = array<i32: 0>} : vector<16xi32>
        %add3A_740 = arith.addi %shift_left3A_738, %iota3A_739 : vector<16xi32>
        %mul3A_741 = arith.constant 8 : i32
        %mul3A_742 = arith.muli %scan3A_581, %mul3A_741 : i32
        %add3A_743 = arith.constant 7 : i32
        %add3A_744 = arith.addi %mul3A_742, %add3A_743 : i32
        %mul3A_745 = arith.constant 16 : i32
        %mul3A_746 = arith.muli %add3A_744, %mul3A_745 : i32
        %get3A_747 = arith.index_cast %mul3A_746 : i32 to index
        %get3A_748 = tpu.vector_load %arg10[%get3A_747] {strides = array<i32>} : memref<4096xi32, #tpu.memory_space<vmem>>, vector<16xi32>,
        %mul3A_749 = arith.constant 16 : i32
        %mul3A_750 = arith.muli %add3A_744, %mul3A_749 : i32
        %get3A_751 = arith.index_cast %mul3A_750 : i32 to index
        %get3A_752 = tpu.vector_load %arg12[%get3A_751] {strides = array<i32>} : memref<4096xi32, #tpu.memory_space<vmem>>, vector<16xi32>,
        %shift_right_arithmetic3A_753 = arith.constant 8 : i32
        %shift_right_arithmetic3A_754 = vector.broadcast %shift_right_arithmetic3A_753 : i32 to vector<16xi32>
        %shift_right_arithmetic3A_755 = arith.shrsi %get3A_748, %shift_right_arithmetic3A_754 : vector<16xi32>
        %and3A_756 = arith.constant 255 : i32
        %and3A_757 = vector.broadcast %and3A_756 : i32 to vector<16xi32>
        %and3A_758 = arith.andi %shift_right_arithmetic3A_755, %and3A_757 : vector<16xi32>
        %shift_left3A_759 = arith.constant 4 : i32
        %shift_left3A_760 = vector.broadcast %shift_left3A_759 : i32 to vector<16xi32>
        %shift_left3A_761 = arith.shli %and3A_758, %shift_left3A_760 : vector<16xi32>
        %iota3A_762 = tpu.iota {dimensions = array<i32: 0>} : vector<16xi32>
        %add3A_763 = arith.addi %shift_left3A_761, %iota3A_762 : vector<16xi32>
        %gather3A = tpu.vector_load_idx %arg13[%add3A_602] : memref<4096xi32, #tpu.memory_space<vmem>>[vector<16xi32>], vector<16xi32>,
        %gather3A_764 = tpu.vector_load_idx %arg13[%add3A_625] : memref<4096xi32, #tpu.memory_space<vmem>>[vector<16xi32>], vector<16xi32>,
        %gather3A_765 = tpu.vector_load_idx %arg13[%add3A_648] : memref<4096xi32, #tpu.memory_space<vmem>>[vector<16xi32>], vector<16xi32>,
        %gather3A_766 = tpu.vector_load_idx %arg13[%add3A_671] : memref<4096xi32, #tpu.memory_space<vmem>>[vector<16xi32>], vector<16xi32>,
        %gather3A_767 = tpu.vector_load_idx %arg13[%add3A_694] : memref<4096xi32, #tpu.memory_space<vmem>>[vector<16xi32>], vector<16xi32>,
        %gather3A_768 = tpu.vector_load_idx %arg13[%add3A_717] : memref<4096xi32, #tpu.memory_space<vmem>>[vector<16xi32>], vector<16xi32>,
        %gather3A_769 = tpu.vector_load_idx %arg13[%add3A_740] : memref<4096xi32, #tpu.memory_space<vmem>>[vector<16xi32>], vector<16xi32>,
        %gather3A_770 = tpu.vector_load_idx %arg13[%add3A_763] : memref<4096xi32, #tpu.memory_space<vmem>>[vector<16xi32>], vector<16xi32>,
        %eq3A_771 = arith.cmpi eq, %and3A_598, %and3A_620 : vector<16xi32>
        %jit3A_772 = arith.constant 1 : i32
        %jit3A_773 = arith.constant 0 : i32
        %broadcast_in_dim3A_774 = vector.broadcast %jit3A_772 : i32 to vector<16xi32>
        %broadcast_in_dim3A_775 = vector.broadcast %jit3A_773 : i32 to vector<16xi32>
        %select_n3A_776 = arith.select %eq3A_771, %broadcast_in_dim3A_774, %broadcast_in_dim3A_775 : vector<16xi1>, vector<16xi32>
        %add3A_777 = arith.addi %gather3A_764, %select_n3A_776 : vector<16xi32>
        %eq3A_778 = arith.cmpi eq, %and3A_598, %and3A_643 : vector<16xi32>
        %jit3A_779 = arith.constant 1 : i32
        %jit3A_780 = arith.constant 0 : i32
        %broadcast_in_dim3A_781 = vector.broadcast %jit3A_779 : i32 to vector<16xi32>
        %broadcast_in_dim3A_782 = vector.broadcast %jit3A_780 : i32 to vector<16xi32>
        %select_n3A_783 = arith.select %eq3A_778, %broadcast_in_dim3A_781, %broadcast_in_dim3A_782 : vector<16xi1>, vector<16xi32>
        %add3A_784 = arith.addi %gather3A_765, %select_n3A_783 : vector<16xi32>
        %eq3A_785 = arith.cmpi eq, %and3A_620, %and3A_643 : vector<16xi32>
        %jit3A_786 = arith.constant 1 : i32
        %jit3A_787 = arith.constant 0 : i32
        %broadcast_in_dim3A_788 = vector.broadcast %jit3A_786 : i32 to vector<16xi32>
        %broadcast_in_dim3A_789 = vector.broadcast %jit3A_787 : i32 to vector<16xi32>
        %select_n3A_790 = arith.select %eq3A_785, %broadcast_in_dim3A_788, %broadcast_in_dim3A_789 : vector<16xi1>, vector<16xi32>
        %add3A_791 = arith.addi %add3A_784, %select_n3A_790 : vector<16xi32>
        %eq3A_792 = arith.cmpi eq, %and3A_598, %and3A_666 : vector<16xi32>
        %jit3A_793 = arith.constant 1 : i32
        %jit3A_794 = arith.constant 0 : i32
        %broadcast_in_dim3A_795 = vector.broadcast %jit3A_793 : i32 to vector<16xi32>
        %broadcast_in_dim3A_796 = vector.broadcast %jit3A_794 : i32 to vector<16xi32>
        %select_n3A_797 = arith.select %eq3A_792, %broadcast_in_dim3A_795, %broadcast_in_dim3A_796 : vector<16xi1>, vector<16xi32>
        %add3A_798 = arith.addi %gather3A_766, %select_n3A_797 : vector<16xi32>
        %eq3A_799 = arith.cmpi eq, %and3A_620, %and3A_666 : vector<16xi32>
        %jit3A_800 = arith.constant 1 : i32
        %jit3A_801 = arith.constant 0 : i32
        %broadcast_in_dim3A_802 = vector.broadcast %jit3A_800 : i32 to vector<16xi32>
        %broadcast_in_dim3A_803 = vector.broadcast %jit3A_801 : i32 to vector<16xi32>
        %select_n3A_804 = arith.select %eq3A_799, %broadcast_in_dim3A_802, %broadcast_in_dim3A_803 : vector<16xi1>, vector<16xi32>
        %add3A_805 = arith.addi %add3A_798, %select_n3A_804 : vector<16xi32>
        %eq3A_806 = arith.cmpi eq, %and3A_643, %and3A_666 : vector<16xi32>
        %jit3A_807 = arith.constant 1 : i32
        %jit3A_808 = arith.constant 0 : i32
        %broadcast_in_dim3A_809 = vector.broadcast %jit3A_807 : i32 to vector<16xi32>
        %broadcast_in_dim3A_810 = vector.broadcast %jit3A_808 : i32 to vector<16xi32>
        %select_n3A_811 = arith.select %eq3A_806, %broadcast_in_dim3A_809, %broadcast_in_dim3A_810 : vector<16xi1>, vector<16xi32>
        %add3A_812 = arith.addi %add3A_805, %select_n3A_811 : vector<16xi32>
        %eq3A_813 = arith.cmpi eq, %and3A_598, %and3A_689 : vector<16xi32>
        %jit3A_814 = arith.constant 1 : i32
        %jit3A_815 = arith.constant 0 : i32
        %broadcast_in_dim3A_816 = vector.broadcast %jit3A_814 : i32 to vector<16xi32>
        %broadcast_in_dim3A_817 = vector.broadcast %jit3A_815 : i32 to vector<16xi32>
        %select_n3A_818 = arith.select %eq3A_813, %broadcast_in_dim3A_816, %broadcast_in_dim3A_817 : vector<16xi1>, vector<16xi32>
        %add3A_819 = arith.addi %gather3A_767, %select_n3A_818 : vector<16xi32>
        %eq3A_820 = arith.cmpi eq, %and3A_620, %and3A_689 : vector<16xi32>
        %jit3A_821 = arith.constant 1 : i32
        %jit3A_822 = arith.constant 0 : i32
        %broadcast_in_dim3A_823 = vector.broadcast %jit3A_821 : i32 to vector<16xi32>
        %broadcast_in_dim3A_824 = vector.broadcast %jit3A_822 : i32 to vector<16xi32>
        %select_n3A_825 = arith.select %eq3A_820, %broadcast_in_dim3A_823, %broadcast_in_dim3A_824 : vector<16xi1>, vector<16xi32>
        %add3A_826 = arith.addi %add3A_819, %select_n3A_825 : vector<16xi32>
        %eq3A_827 = arith.cmpi eq, %and3A_643, %and3A_689 : vector<16xi32>
        %jit3A_828 = arith.constant 1 : i32
        %jit3A_829 = arith.constant 0 : i32
        %broadcast_in_dim3A_830 = vector.broadcast %jit3A_828 : i32 to vector<16xi32>
        %broadcast_in_dim3A_831 = vector.broadcast %jit3A_829 : i32 to vector<16xi32>
        %select_n3A_832 = arith.select %eq3A_827, %broadcast_in_dim3A_830, %broadcast_in_dim3A_831 : vector<16xi1>, vector<16xi32>
        %add3A_833 = arith.addi %add3A_826, %select_n3A_832 : vector<16xi32>
        %eq3A_834 = arith.cmpi eq, %and3A_666, %and3A_689 : vector<16xi32>
        %jit3A_835 = arith.constant 1 : i32
        %jit3A_836 = arith.constant 0 : i32
        %broadcast_in_dim3A_837 = vector.broadcast %jit3A_835 : i32 to vector<16xi32>
        %broadcast_in_dim3A_838 = vector.broadcast %jit3A_836 : i32 to vector<16xi32>
        %select_n3A_839 = arith.select %eq3A_834, %broadcast_in_dim3A_837, %broadcast_in_dim3A_838 : vector<16xi1>, vector<16xi32>
        %add3A_840 = arith.addi %add3A_833, %select_n3A_839 : vector<16xi32>
        %eq3A_841 = arith.cmpi eq, %and3A_598, %and3A_712 : vector<16xi32>
        %jit3A_842 = arith.constant 1 : i32
        %jit3A_843 = arith.constant 0 : i32
        %broadcast_in_dim3A_844 = vector.broadcast %jit3A_842 : i32 to vector<16xi32>
        %broadcast_in_dim3A_845 = vector.broadcast %jit3A_843 : i32 to vector<16xi32>
        %select_n3A_846 = arith.select %eq3A_841, %broadcast_in_dim3A_844, %broadcast_in_dim3A_845 : vector<16xi1>, vector<16xi32>
        %add3A_847 = arith.addi %gather3A_768, %select_n3A_846 : vector<16xi32>
        %eq3A_848 = arith.cmpi eq, %and3A_620, %and3A_712 : vector<16xi32>
        %jit3A_849 = arith.constant 1 : i32
        %jit3A_850 = arith.constant 0 : i32
        %broadcast_in_dim3A_851 = vector.broadcast %jit3A_849 : i32 to vector<16xi32>
        %broadcast_in_dim3A_852 = vector.broadcast %jit3A_850 : i32 to vector<16xi32>
        %select_n3A_853 = arith.select %eq3A_848, %broadcast_in_dim3A_851, %broadcast_in_dim3A_852 : vector<16xi1>, vector<16xi32>
        %add3A_854 = arith.addi %add3A_847, %select_n3A_853 : vector<16xi32>
        %eq3A_855 = arith.cmpi eq, %and3A_643, %and3A_712 : vector<16xi32>
        %jit3A_856 = arith.constant 1 : i32
        %jit3A_857 = arith.constant 0 : i32
        %broadcast_in_dim3A_858 = vector.broadcast %jit3A_856 : i32 to vector<16xi32>
        %broadcast_in_dim3A_859 = vector.broadcast %jit3A_857 : i32 to vector<16xi32>
        %select_n3A_860 = arith.select %eq3A_855, %broadcast_in_dim3A_858, %broadcast_in_dim3A_859 : vector<16xi1>, vector<16xi32>
        %add3A_861 = arith.addi %add3A_854, %select_n3A_860 : vector<16xi32>
        %eq3A_862 = arith.cmpi eq, %and3A_666, %and3A_712 : vector<16xi32>
        %jit3A_863 = arith.constant 1 : i32
        %jit3A_864 = arith.constant 0 : i32
        %broadcast_in_dim3A_865 = vector.broadcast %jit3A_863 : i32 to vector<16xi32>
        %broadcast_in_dim3A_866 = vector.broadcast %jit3A_864 : i32 to vector<16xi32>
        %select_n3A_867 = arith.select %eq3A_862, %broadcast_in_dim3A_865, %broadcast_in_dim3A_866 : vector<16xi1>, vector<16xi32>
        %add3A_868 = arith.addi %add3A_861, %select_n3A_867 : vector<16xi32>
        %eq3A_869 = arith.cmpi eq, %and3A_689, %and3A_712 : vector<16xi32>
        %jit3A_870 = arith.constant 1 : i32
        %jit3A_871 = arith.constant 0 : i32
        %broadcast_in_dim3A_872 = vector.broadcast %jit3A_870 : i32 to vector<16xi32>
        %broadcast_in_dim3A_873 = vector.broadcast %jit3A_871 : i32 to vector<16xi32>
        %select_n3A_874 = arith.select %eq3A_869, %broadcast_in_dim3A_872, %broadcast_in_dim3A_873 : vector<16xi1>, vector<16xi32>
        %add3A_875 = arith.addi %add3A_868, %select_n3A_874 : vector<16xi32>
        %eq3A_876 = arith.cmpi eq, %and3A_598, %and3A_735 : vector<16xi32>
        %jit3A_877 = arith.constant 1 : i32
        %jit3A_878 = arith.constant 0 : i32
        %broadcast_in_dim3A_879 = vector.broadcast %jit3A_877 : i32 to vector<16xi32>
        %broadcast_in_dim3A_880 = vector.broadcast %jit3A_878 : i32 to vector<16xi32>
        %select_n3A_881 = arith.select %eq3A_876, %broadcast_in_dim3A_879, %broadcast_in_dim3A_880 : vector<16xi1>, vector<16xi32>
        %add3A_882 = arith.addi %gather3A_769, %select_n3A_881 : vector<16xi32>
        %eq3A_883 = arith.cmpi eq, %and3A_620, %and3A_735 : vector<16xi32>
        %jit3A_884 = arith.constant 1 : i32
        %jit3A_885 = arith.constant 0 : i32
        %broadcast_in_dim3A_886 = vector.broadcast %jit3A_884 : i32 to vector<16xi32>
        %broadcast_in_dim3A_887 = vector.broadcast %jit3A_885 : i32 to vector<16xi32>
        %select_n3A_888 = arith.select %eq3A_883, %broadcast_in_dim3A_886, %broadcast_in_dim3A_887 : vector<16xi1>, vector<16xi32>
        %add3A_889 = arith.addi %add3A_882, %select_n3A_888 : vector<16xi32>
        %eq3A_890 = arith.cmpi eq, %and3A_643, %and3A_735 : vector<16xi32>
        %jit3A_891 = arith.constant 1 : i32
        %jit3A_892 = arith.constant 0 : i32
        %broadcast_in_dim3A_893 = vector.broadcast %jit3A_891 : i32 to vector<16xi32>
        %broadcast_in_dim3A_894 = vector.broadcast %jit3A_892 : i32 to vector<16xi32>
        %select_n3A_895 = arith.select %eq3A_890, %broadcast_in_dim3A_893, %broadcast_in_dim3A_894 : vector<16xi1>, vector<16xi32>
        %add3A_896 = arith.addi %add3A_889, %select_n3A_895 : vector<16xi32>
        %eq3A_897 = arith.cmpi eq, %and3A_666, %and3A_735 : vector<16xi32>
        %jit3A_898 = arith.constant 1 : i32
        %jit3A_899 = arith.constant 0 : i32
        %broadcast_in_dim3A_900 = vector.broadcast %jit3A_898 : i32 to vector<16xi32>
        %broadcast_in_dim3A_901 = vector.broadcast %jit3A_899 : i32 to vector<16xi32>
        %select_n3A_902 = arith.select %eq3A_897, %broadcast_in_dim3A_900, %broadcast_in_dim3A_901 : vector<16xi1>, vector<16xi32>
        %add3A_903 = arith.addi %add3A_896, %select_n3A_902 : vector<16xi32>
        %eq3A_904 = arith.cmpi eq, %and3A_689, %and3A_735 : vector<16xi32>
        %jit3A_905 = arith.constant 1 : i32
        %jit3A_906 = arith.constant 0 : i32
        %broadcast_in_dim3A_907 = vector.broadcast %jit3A_905 : i32 to vector<16xi32>
        %broadcast_in_dim3A_908 = vector.broadcast %jit3A_906 : i32 to vector<16xi32>
        %select_n3A_909 = arith.select %eq3A_904, %broadcast_in_dim3A_907, %broadcast_in_dim3A_908 : vector<16xi1>, vector<16xi32>
        %add3A_910 = arith.addi %add3A_903, %select_n3A_909 : vector<16xi32>
        %eq3A_911 = arith.cmpi eq, %and3A_712, %and3A_735 : vector<16xi32>
        %jit3A_912 = arith.constant 1 : i32
        %jit3A_913 = arith.constant 0 : i32
        %broadcast_in_dim3A_914 = vector.broadcast %jit3A_912 : i32 to vector<16xi32>
        %broadcast_in_dim3A_915 = vector.broadcast %jit3A_913 : i32 to vector<16xi32>
        %select_n3A_916 = arith.select %eq3A_911, %broadcast_in_dim3A_914, %broadcast_in_dim3A_915 : vector<16xi1>, vector<16xi32>
        %add3A_917 = arith.addi %add3A_910, %select_n3A_916 : vector<16xi32>
        %eq3A_918 = arith.cmpi eq, %and3A_598, %and3A_758 : vector<16xi32>
        %jit3A_919 = arith.constant 1 : i32
        %jit3A_920 = arith.constant 0 : i32
        %broadcast_in_dim3A_921 = vector.broadcast %jit3A_919 : i32 to vector<16xi32>
        %broadcast_in_dim3A_922 = vector.broadcast %jit3A_920 : i32 to vector<16xi32>
        %select_n3A_923 = arith.select %eq3A_918, %broadcast_in_dim3A_921, %broadcast_in_dim3A_922 : vector<16xi1>, vector<16xi32>
        %add3A_924 = arith.addi %gather3A_770, %select_n3A_923 : vector<16xi32>
        %eq3A_925 = arith.cmpi eq, %and3A_620, %and3A_758 : vector<16xi32>
        %jit3A_926 = arith.constant 1 : i32
        %jit3A_927 = arith.constant 0 : i32
        %broadcast_in_dim3A_928 = vector.broadcast %jit3A_926 : i32 to vector<16xi32>
        %broadcast_in_dim3A_929 = vector.broadcast %jit3A_927 : i32 to vector<16xi32>
        %select_n3A_930 = arith.select %eq3A_925, %broadcast_in_dim3A_928, %broadcast_in_dim3A_929 : vector<16xi1>, vector<16xi32>
        %add3A_931 = arith.addi %add3A_924, %select_n3A_930 : vector<16xi32>
        %eq3A_932 = arith.cmpi eq, %and3A_643, %and3A_758 : vector<16xi32>
        %jit3A_933 = arith.constant 1 : i32
        %jit3A_934 = arith.constant 0 : i32
        %broadcast_in_dim3A_935 = vector.broadcast %jit3A_933 : i32 to vector<16xi32>
        %broadcast_in_dim3A_936 = vector.broadcast %jit3A_934 : i32 to vector<16xi32>
        %select_n3A_937 = arith.select %eq3A_932, %broadcast_in_dim3A_935, %broadcast_in_dim3A_936 : vector<16xi1>, vector<16xi32>
        %add3A_938 = arith.addi %add3A_931, %select_n3A_937 : vector<16xi32>
        %eq3A_939 = arith.cmpi eq, %and3A_666, %and3A_758 : vector<16xi32>
        %jit3A_940 = arith.constant 1 : i32
        %jit3A_941 = arith.constant 0 : i32
        %broadcast_in_dim3A_942 = vector.broadcast %jit3A_940 : i32 to vector<16xi32>
        %broadcast_in_dim3A_943 = vector.broadcast %jit3A_941 : i32 to vector<16xi32>
        %select_n3A_944 = arith.select %eq3A_939, %broadcast_in_dim3A_942, %broadcast_in_dim3A_943 : vector<16xi1>, vector<16xi32>
        %add3A_945 = arith.addi %add3A_938, %select_n3A_944 : vector<16xi32>
        %eq3A_946 = arith.cmpi eq, %and3A_689, %and3A_758 : vector<16xi32>
        %jit3A_947 = arith.constant 1 : i32
        %jit3A_948 = arith.constant 0 : i32
        %broadcast_in_dim3A_949 = vector.broadcast %jit3A_947 : i32 to vector<16xi32>
        %broadcast_in_dim3A_950 = vector.broadcast %jit3A_948 : i32 to vector<16xi32>
        %select_n3A_951 = arith.select %eq3A_946, %broadcast_in_dim3A_949, %broadcast_in_dim3A_950 : vector<16xi1>, vector<16xi32>
        %add3A_952 = arith.addi %add3A_945, %select_n3A_951 : vector<16xi32>
        %eq3A_953 = arith.cmpi eq, %and3A_712, %and3A_758 : vector<16xi32>
        %jit3A_954 = arith.constant 1 : i32
        %jit3A_955 = arith.constant 0 : i32
        %broadcast_in_dim3A_956 = vector.broadcast %jit3A_954 : i32 to vector<16xi32>
        %broadcast_in_dim3A_957 = vector.broadcast %jit3A_955 : i32 to vector<16xi32>
        %select_n3A_958 = arith.select %eq3A_953, %broadcast_in_dim3A_956, %broadcast_in_dim3A_957 : vector<16xi1>, vector<16xi32>
        %add3A_959 = arith.addi %add3A_952, %select_n3A_958 : vector<16xi32>
        %eq3A_960 = arith.cmpi eq, %and3A_735, %and3A_758 : vector<16xi32>
        %jit3A_961 = arith.constant 1 : i32
        %jit3A_962 = arith.constant 0 : i32
        %broadcast_in_dim3A_963 = vector.broadcast %jit3A_961 : i32 to vector<16xi32>
        %broadcast_in_dim3A_964 = vector.broadcast %jit3A_962 : i32 to vector<16xi32>
        %select_n3A_965 = arith.select %eq3A_960, %broadcast_in_dim3A_963, %broadcast_in_dim3A_964 : vector<16xi1>, vector<16xi32>
        %add3A_966 = arith.addi %add3A_959, %select_n3A_965 : vector<16xi32>
        %add3A_967 = arith.constant 1 : i32
        %add3A_968 = vector.broadcast %add3A_967 : i32 to vector<16xi32>
        %add3A_969 = arith.addi %gather3A, %add3A_968 : vector<16xi32>
        tpu.vector_store_idx %arg13[%add3A_602], %add3A_969 : memref<4096xi32, #tpu.memory_space<vmem>>[vector<16xi32>], vector<16xi32>,
        %add3A_970 = arith.constant 1 : i32
        %add3A_971 = vector.broadcast %add3A_970 : i32 to vector<16xi32>
        %add3A_972 = arith.addi %add3A_777, %add3A_971 : vector<16xi32>
        tpu.vector_store_idx %arg13[%add3A_625], %add3A_972 : memref<4096xi32, #tpu.memory_space<vmem>>[vector<16xi32>], vector<16xi32>,
        %add3A_973 = arith.constant 1 : i32
        %add3A_974 = vector.broadcast %add3A_973 : i32 to vector<16xi32>
        %add3A_975 = arith.addi %add3A_791, %add3A_974 : vector<16xi32>
        tpu.vector_store_idx %arg13[%add3A_648], %add3A_975 : memref<4096xi32, #tpu.memory_space<vmem>>[vector<16xi32>], vector<16xi32>,
        %add3A_976 = arith.constant 1 : i32
        %add3A_977 = vector.broadcast %add3A_976 : i32 to vector<16xi32>
        %add3A_978 = arith.addi %add3A_812, %add3A_977 : vector<16xi32>
        tpu.vector_store_idx %arg13[%add3A_671], %add3A_978 : memref<4096xi32, #tpu.memory_space<vmem>>[vector<16xi32>], vector<16xi32>,
        %add3A_979 = arith.constant 1 : i32
        %add3A_980 = vector.broadcast %add3A_979 : i32 to vector<16xi32>
        %add3A_981 = arith.addi %add3A_840, %add3A_980 : vector<16xi32>
        tpu.vector_store_idx %arg13[%add3A_694], %add3A_981 : memref<4096xi32, #tpu.memory_space<vmem>>[vector<16xi32>], vector<16xi32>,
        %add3A_982 = arith.constant 1 : i32
        %add3A_983 = vector.broadcast %add3A_982 : i32 to vector<16xi32>
        %add3A_984 = arith.addi %add3A_875, %add3A_983 : vector<16xi32>
        tpu.vector_store_idx %arg13[%add3A_717], %add3A_984 : memref<4096xi32, #tpu.memory_space<vmem>>[vector<16xi32>], vector<16xi32>,
        %add3A_985 = arith.constant 1 : i32
        %add3A_986 = vector.broadcast %add3A_985 : i32 to vector<16xi32>
        %add3A_987 = arith.addi %add3A_917, %add3A_986 : vector<16xi32>
        tpu.vector_store_idx %arg13[%add3A_740], %add3A_987 : memref<4096xi32, #tpu.memory_space<vmem>>[vector<16xi32>], vector<16xi32>,
        %add3A_988 = arith.constant 1 : i32
        %add3A_989 = vector.broadcast %add3A_988 : i32 to vector<16xi32>
        %add3A_990 = arith.addi %add3A_966, %add3A_989 : vector<16xi32>
        tpu.vector_store_idx %arg13[%add3A_763], %add3A_990 : memref<4096xi32, #tpu.memory_space<vmem>>[vector<16xi32>], vector<16xi32>,
        %and3A_991 = arith.constant 255 : i32
        %and3A_992 = vector.broadcast %and3A_991 : i32 to vector<16xi32>
        %and3A_993 = arith.andi %gather3A, %and3A_992 : vector<16xi32>
        %shift_left3A_994 = arith.constant 4 : i32
        %shift_left3A_995 = vector.broadcast %shift_left3A_994 : i32 to vector<16xi32>
        %shift_left3A_996 = arith.shli %and3A_993, %shift_left3A_995 : vector<16xi32>
        %shift_right_arithmetic3A_997 = arith.constant 8 : i32
        %shift_right_arithmetic3A_998 = vector.broadcast %shift_right_arithmetic3A_997 : i32 to vector<16xi32>
        %shift_right_arithmetic3A_999 = arith.shrsi %gather3A, %shift_right_arithmetic3A_998 : vector<16xi32>
        %or3A = arith.ori %shift_left3A_996, %shift_right_arithmetic3A_999 : vector<16xi32>
        tpu.vector_store_idx %arg9[%or3A], %get3A_589 : memref<4096xi32, #tpu.memory_space<vmem>>[vector<16xi32>], vector<16xi32>,
        tpu.vector_store_idx %arg11[%or3A], %get3A_593 : memref<4096xi32, #tpu.memory_space<vmem>>[vector<16xi32>], vector<16xi32>,
        %and3A_1000 = arith.constant 255 : i32
        %and3A_1001 = vector.broadcast %and3A_1000 : i32 to vector<16xi32>
        %and3A_1002 = arith.andi %add3A_777, %and3A_1001 : vector<16xi32>
        %shift_left3A_1003 = arith.constant 4 : i32
        %shift_left3A_1004 = vector.broadcast %shift_left3A_1003 : i32 to vector<16xi32>
        %shift_left3A_1005 = arith.shli %and3A_1002, %shift_left3A_1004 : vector<16xi32>
        %shift_right_arithmetic3A_1006 = arith.constant 8 : i32
        %shift_right_arithmetic3A_1007 = vector.broadcast %shift_right_arithmetic3A_1006 : i32 to vector<16xi32>
        %shift_right_arithmetic3A_1008 = arith.shrsi %add3A_777, %shift_right_arithmetic3A_1007 : vector<16xi32>
        %or3A_1009 = arith.ori %shift_left3A_1005, %shift_right_arithmetic3A_1008 : vector<16xi32>
        tpu.vector_store_idx %arg9[%or3A_1009], %get3A_610 : memref<4096xi32, #tpu.memory_space<vmem>>[vector<16xi32>], vector<16xi32>,
        tpu.vector_store_idx %arg11[%or3A_1009], %get3A_614 : memref<4096xi32, #tpu.memory_space<vmem>>[vector<16xi32>], vector<16xi32>,
        %and3A_1010 = arith.constant 255 : i32
        %and3A_1011 = vector.broadcast %and3A_1010 : i32 to vector<16xi32>
        %and3A_1012 = arith.andi %add3A_791, %and3A_1011 : vector<16xi32>
        %shift_left3A_1013 = arith.constant 4 : i32
        %shift_left3A_1014 = vector.broadcast %shift_left3A_1013 : i32 to vector<16xi32>
        %shift_left3A_1015 = arith.shli %and3A_1012, %shift_left3A_1014 : vector<16xi32>
        %shift_right_arithmetic3A_1016 = arith.constant 8 : i32
        %shift_right_arithmetic3A_1017 = vector.broadcast %shift_right_arithmetic3A_1016 : i32 to vector<16xi32>
        %shift_right_arithmetic3A_1018 = arith.shrsi %add3A_791, %shift_right_arithmetic3A_1017 : vector<16xi32>
        %or3A_1019 = arith.ori %shift_left3A_1015, %shift_right_arithmetic3A_1018 : vector<16xi32>
        tpu.vector_store_idx %arg9[%or3A_1019], %get3A_633 : memref<4096xi32, #tpu.memory_space<vmem>>[vector<16xi32>], vector<16xi32>,
        tpu.vector_store_idx %arg11[%or3A_1019], %get3A_637 : memref<4096xi32, #tpu.memory_space<vmem>>[vector<16xi32>], vector<16xi32>,
        %and3A_1020 = arith.constant 255 : i32
        %and3A_1021 = vector.broadcast %and3A_1020 : i32 to vector<16xi32>
        %and3A_1022 = arith.andi %add3A_812, %and3A_1021 : vector<16xi32>
        %shift_left3A_1023 = arith.constant 4 : i32
        %shift_left3A_1024 = vector.broadcast %shift_left3A_1023 : i32 to vector<16xi32>
        %shift_left3A_1025 = arith.shli %and3A_1022, %shift_left3A_1024 : vector<16xi32>
        %shift_right_arithmetic3A_1026 = arith.constant 8 : i32
        %shift_right_arithmetic3A_1027 = vector.broadcast %shift_right_arithmetic3A_1026 : i32 to vector<16xi32>
        %shift_right_arithmetic3A_1028 = arith.shrsi %add3A_812, %shift_right_arithmetic3A_1027 : vector<16xi32>
        %or3A_1029 = arith.ori %shift_left3A_1025, %shift_right_arithmetic3A_1028 : vector<16xi32>
        tpu.vector_store_idx %arg9[%or3A_1029], %get3A_656 : memref<4096xi32, #tpu.memory_space<vmem>>[vector<16xi32>], vector<16xi32>,
        tpu.vector_store_idx %arg11[%or3A_1029], %get3A_660 : memref<4096xi32, #tpu.memory_space<vmem>>[vector<16xi32>], vector<16xi32>,
        %and3A_1030 = arith.constant 255 : i32
        %and3A_1031 = vector.broadcast %and3A_1030 : i32 to vector<16xi32>
        %and3A_1032 = arith.andi %add3A_840, %and3A_1031 : vector<16xi32>
        %shift_left3A_1033 = arith.constant 4 : i32
        %shift_left3A_1034 = vector.broadcast %shift_left3A_1033 : i32 to vector<16xi32>
        %shift_left3A_1035 = arith.shli %and3A_1032, %shift_left3A_1034 : vector<16xi32>
        %shift_right_arithmetic3A_1036 = arith.constant 8 : i32
        %shift_right_arithmetic3A_1037 = vector.broadcast %shift_right_arithmetic3A_1036 : i32 to vector<16xi32>
        %shift_right_arithmetic3A_1038 = arith.shrsi %add3A_840, %shift_right_arithmetic3A_1037 : vector<16xi32>
        %or3A_1039 = arith.ori %shift_left3A_1035, %shift_right_arithmetic3A_1038 : vector<16xi32>
        tpu.vector_store_idx %arg9[%or3A_1039], %get3A_679 : memref<4096xi32, #tpu.memory_space<vmem>>[vector<16xi32>], vector<16xi32>,
        tpu.vector_store_idx %arg11[%or3A_1039], %get3A_683 : memref<4096xi32, #tpu.memory_space<vmem>>[vector<16xi32>], vector<16xi32>,
        %and3A_1040 = arith.constant 255 : i32
        %and3A_1041 = vector.broadcast %and3A_1040 : i32 to vector<16xi32>
        %and3A_1042 = arith.andi %add3A_875, %and3A_1041 : vector<16xi32>
        %shift_left3A_1043 = arith.constant 4 : i32
        %shift_left3A_1044 = vector.broadcast %shift_left3A_1043 : i32 to vector<16xi32>
        %shift_left3A_1045 = arith.shli %and3A_1042, %shift_left3A_1044 : vector<16xi32>
        %shift_right_arithmetic3A_1046 = arith.constant 8 : i32
        %shift_right_arithmetic3A_1047 = vector.broadcast %shift_right_arithmetic3A_1046 : i32 to vector<16xi32>
        %shift_right_arithmetic3A_1048 = arith.shrsi %add3A_875, %shift_right_arithmetic3A_1047 : vector<16xi32>
        %or3A_1049 = arith.ori %shift_left3A_1045, %shift_right_arithmetic3A_1048 : vector<16xi32>
        tpu.vector_store_idx %arg9[%or3A_1049], %get3A_702 : memref<4096xi32, #tpu.memory_space<vmem>>[vector<16xi32>], vector<16xi32>,
        tpu.vector_store_idx %arg11[%or3A_1049], %get3A_706 : memref<4096xi32, #tpu.memory_space<vmem>>[vector<16xi32>], vector<16xi32>,
        %and3A_1050 = arith.constant 255 : i32
        %and3A_1051 = vector.broadcast %and3A_1050 : i32 to vector<16xi32>
        %and3A_1052 = arith.andi %add3A_917, %and3A_1051 : vector<16xi32>
        %shift_left3A_1053 = arith.constant 4 : i32
        %shift_left3A_1054 = vector.broadcast %shift_left3A_1053 : i32 to vector<16xi32>
        %shift_left3A_1055 = arith.shli %and3A_1052, %shift_left3A_1054 : vector<16xi32>
        %shift_right_arithmetic3A_1056 = arith.constant 8 : i32
        %shift_right_arithmetic3A_1057 = vector.broadcast %shift_right_arithmetic3A_1056 : i32 to vector<16xi32>
        %shift_right_arithmetic3A_1058 = arith.shrsi %add3A_917, %shift_right_arithmetic3A_1057 : vector<16xi32>
        %or3A_1059 = arith.ori %shift_left3A_1055, %shift_right_arithmetic3A_1058 : vector<16xi32>
        tpu.vector_store_idx %arg9[%or3A_1059], %get3A_725 : memref<4096xi32, #tpu.memory_space<vmem>>[vector<16xi32>], vector<16xi32>,
        tpu.vector_store_idx %arg11[%or3A_1059], %get3A_729 : memref<4096xi32, #tpu.memory_space<vmem>>[vector<16xi32>], vector<16xi32>,
        %and3A_1060 = arith.constant 255 : i32
        %and3A_1061 = vector.broadcast %and3A_1060 : i32 to vector<16xi32>
        %and3A_1062 = arith.andi %add3A_966, %and3A_1061 : vector<16xi32>
        %shift_left3A_1063 = arith.constant 4 : i32
        %shift_left3A_1064 = vector.broadcast %shift_left3A_1063 : i32 to vector<16xi32>
        %shift_left3A_1065 = arith.shli %and3A_1062, %shift_left3A_1064 : vector<16xi32>
        %shift_right_arithmetic3A_1066 = arith.constant 8 : i32
        %shift_right_arithmetic3A_1067 = vector.broadcast %shift_right_arithmetic3A_1066 : i32 to vector<16xi32>
        %shift_right_arithmetic3A_1068 = arith.shrsi %add3A_966, %shift_right_arithmetic3A_1067 : vector<16xi32>
        %or3A_1069 = arith.ori %shift_left3A_1065, %shift_right_arithmetic3A_1068 : vector<16xi32>
        tpu.vector_store_idx %arg9[%or3A_1069], %get3A_748 : memref<4096xi32, #tpu.memory_space<vmem>>[vector<16xi32>], vector<16xi32>,
        tpu.vector_store_idx %arg11[%or3A_1069], %get3A_752 : memref<4096xi32, #tpu.memory_space<vmem>>[vector<16xi32>], vector<16xi32>,
        %scan3A_1070 = arith.constant 0 : i32
        scf.yield %scan3A_1070 : i32
      }
      %scan3A_517 = arith.constant 32 : i32
      %parallel_loop3A_518 = arith.constant 0 : i32
      %parallel_loop3A_519 = arith.constant 256 : i32
      %parallel_loop3A_520 = arith.constant 1 : i32
      "tpu.trace_stop"() : () -> ()
      "tpu.trace_start"() <{level = 10 : i32, message = "p2_zero"}> : () -> ()
      scf.for %parallel_loop3A_581 = %parallel_loop3A_518 to %parallel_loop3A_519 step %parallel_loop3A_520  : i32 {
        %parallel_loop3A_582 = arith.constant 16 : i32
        %parallel_loop3A_583 = arith.muli %parallel_loop3A_581, %parallel_loop3A_582 : i32
        %parallel_loop3A_584 = arith.index_cast %parallel_loop3A_583 : i32 to index
        %parallel_loop3A_585 = tpu.vector_load %arg13[%parallel_loop3A_584] {strides = array<i32>} : memref<4096xi32, #tpu.memory_space<vmem>>, vector<16xi32>,
        tpu.vector_store %arg13[%parallel_loop3A_584], %broadcast_in_dim3A_457 {strides = array<i32>} : memref<4096xi32, #tpu.memory_space<vmem>>, vector<16xi32>,
      } {sc.loop_unroll_factor = 4 : i64, sc.parallel_access}
      %parallel_loop3A_521 = arith.constant 0 : i32
      %parallel_loop3A_522 = arith.constant 256 : i32
      %parallel_loop3A_523 = arith.constant 1 : i32
      "tpu.trace_stop"() : () -> ()
      "tpu.trace_start"() <{level = 10 : i32, message = "p2_hist"}> : () -> ()
      scf.for %parallel_loop3A_581 = %parallel_loop3A_521 to %parallel_loop3A_522 step %parallel_loop3A_523  : i32 {
        %parallel_loop3A_582 = arith.constant 16 : i32
        %parallel_loop3A_583 = arith.muli %parallel_loop3A_581, %parallel_loop3A_582 : i32
        %parallel_loop3A_584 = arith.index_cast %parallel_loop3A_583 : i32 to index
        %parallel_loop3A_585 = tpu.vector_load %arg9[%parallel_loop3A_584] {strides = array<i32>} : memref<4096xi32, #tpu.memory_space<vmem>>, vector<16xi32>,
        %parallel_loop3A_586 = arith.constant 16 : i32
        %parallel_loop3A_587 = vector.broadcast %parallel_loop3A_586 : i32 to vector<16xi32>
        %parallel_loop3A_588 = arith.shrsi %parallel_loop3A_585, %parallel_loop3A_587 : vector<16xi32>
        %parallel_loop3A_589 = arith.constant 255 : i32
        %parallel_loop3A_590 = vector.broadcast %parallel_loop3A_589 : i32 to vector<16xi32>
        %parallel_loop3A_591 = arith.andi %parallel_loop3A_588, %parallel_loop3A_590 : vector<16xi32>
        %parallel_loop3A_592 = arith.constant 4 : i32
        %parallel_loop3A_593 = vector.broadcast %parallel_loop3A_592 : i32 to vector<16xi32>
        %parallel_loop3A_594 = arith.shli %parallel_loop3A_591, %parallel_loop3A_593 : vector<16xi32>
        %parallel_loop3A_595 = tpu.iota {dimensions = array<i32: 0>} : vector<16xi32>
        %parallel_loop3A_596 = arith.addi %parallel_loop3A_594, %parallel_loop3A_595 : vector<16xi32>
        tpu.vector_store_idx %arg13[%parallel_loop3A_596], %broadcast_in_dim3A_459 {add = true} : memref<4096xi32, #tpu.memory_space<vmem>>[vector<16xi32>], vector<16xi32>,
      } {sc.loop_unroll_factor = 2 : i64, sc.parallel_access}
      "tpu.trace_stop"() : () -> ()
      %iota3A_524 = tpu.iota {dimensions = array<i32: 0>} : vector<16xi32>
      %eq3A_525 = arith.constant 0 : i32
      %eq3A_526 = vector.broadcast %eq3A_525 : i32 to vector<16xi32>
      %eq3A_527 = arith.cmpi eq, %iota3A_524, %eq3A_526 : vector<16xi32>
      %parallel_loop3A_528 = arith.constant 0 : i32
      %parallel_loop3A_529 = arith.constant 256 : i32
      %parallel_loop3A_530 = arith.constant 1 : i32
      "tpu.trace_start"() <{level = 10 : i32, message = "p2_scan"}> : () -> ()
      scf.for %parallel_loop3A_581 = %parallel_loop3A_528 to %parallel_loop3A_529 step %parallel_loop3A_530  : i32 {
        %parallel_loop3A_582 = arith.constant 16 : i32
        %parallel_loop3A_583 = arith.muli %parallel_loop3A_581, %parallel_loop3A_582 : i32
        %parallel_loop3A_584 = arith.index_cast %parallel_loop3A_583 : i32 to index
        %parallel_loop3A_585 = tpu.vector_load %arg13[%parallel_loop3A_584] {strides = array<i32>} : memref<4096xi32, #tpu.memory_space<vmem>>, vector<16xi32>,
        %parallel_loop3A_586 = arith.constant true
        %parallel_loop3A_587 = vector.broadcast %parallel_loop3A_586 : i1 to vector<16xi1>
        %parallel_loop3A_588 = tpu.scan <sum>, %parallel_loop3A_585 masked %parallel_loop3A_587 : vector<16xi32>, vector<16xi1> -> vector<16xi32>
        %parallel_loop3A_589 = arith.subi %parallel_loop3A_588, %parallel_loop3A_585 : vector<16xi32>
        %parallel_loop3A_590 = arith.constant 16 : i32
        %parallel_loop3A_591 = arith.muli %parallel_loop3A_581, %parallel_loop3A_590 : i32
        %parallel_loop3A_592 = arith.index_cast %parallel_loop3A_591 : i32 to index
        %parallel_loop3A_593 = tpu.vector_load %arg13[%parallel_loop3A_592] {strides = array<i32>} : memref<4096xi32, #tpu.memory_space<vmem>>, vector<16xi32>,
        tpu.vector_store %arg13[%parallel_loop3A_592], %parallel_loop3A_589 {strides = array<i32>} : memref<4096xi32, #tpu.memory_space<vmem>>, vector<16xi32>,
        %parallel_loop3A_594 = arith.constant true
        %parallel_loop3A_595 = vector.broadcast %parallel_loop3A_594 : i1 to vector<16xi1>
        %parallel_loop3A_596 = tpu.scan <sum>, %parallel_loop3A_585 masked %parallel_loop3A_595 : vector<16xi32>, vector<16xi1> -> vector<16xi32>
        %parallel_loop3A_597 = vector.extract %parallel_loop3A_596[15] : i32 from vector<16xi32>
        %parallel_loop3A_598 = vector.broadcast %parallel_loop3A_597 : i32 to vector<16xi32>
        %parallel_loop3A_599 = vector.broadcast %parallel_loop3A_581 : i32 to vector<16xi32>
        tpu.vector_store_idx %arg14[%parallel_loop3A_599], %parallel_loop3A_598 masked %eq3A_527 : memref<256xi32, #tpu.memory_space<vmem>>[vector<16xi32>], vector<16xi32>, vector<16xi1>
      } {sc.loop_unroll_factor = 2 : i64, sc.parallel_access}
      %scan3A_531 = arith.constant 0 : i32
      %scan3A_532 = arith.constant 0 : i32
      %scan3A_533 = arith.constant 16 : i32
      %scan3A_534 = arith.addi %scan3A_532, %scan3A_533 : i32
      %scan3A_535 = arith.constant 1 : i32
      %scan3A_536 = scf.for %scan3A_581 = %scan3A_532 to %scan3A_534 step %scan3A_535 iter_args(%scan3A_582 = %scan3A_531) -> (i32)  : i32 {
        %mul3A_583 = arith.constant 16 : i32
        %mul3A_584 = arith.muli %scan3A_581, %mul3A_583 : i32
        %get3A = arith.index_cast %mul3A_584 : i32 to index
        %get3A_585 = tpu.vector_load %arg14[%get3A] {strides = array<i32>} : memref<256xi32, #tpu.memory_space<vmem>>, vector<16xi32>,
        %broadcast_in_dim3A_586 = arith.constant true
        %broadcast_in_dim3A_587 = vector.broadcast %broadcast_in_dim3A_586 : i1 to vector<16xi1>
        %masked_cumsum3A = tpu.scan <sum>, %get3A_585 masked %broadcast_in_dim3A_587 : vector<16xi32>, vector<16xi1> -> vector<16xi32>
        %sub3A_588 = arith.subi %masked_cumsum3A, %get3A_585 : vector<16xi32>
        %add3A_589 = vector.broadcast %scan3A_582 : i32 to vector<16xi32>
        %add3A_590 = arith.addi %sub3A_588, %add3A_589 : vector<16xi32>
        %mul3A_591 = arith.constant 16 : i32
        %mul3A_592 = arith.muli %scan3A_581, %mul3A_591 : i32
        %swap3A = arith.index_cast %mul3A_592 : i32 to index
        %swap3A_593 = tpu.vector_load %arg14[%swap3A] {strides = array<i32>} : memref<256xi32, #tpu.memory_space<vmem>>, vector<16xi32>,
        tpu.vector_store %arg14[%swap3A], %add3A_590 {strides = array<i32>} : memref<256xi32, #tpu.memory_space<vmem>>, vector<16xi32>,
        %reduce_sum3A = arith.constant true
        %reduce_sum3A_594 = vector.broadcast %reduce_sum3A : i1 to vector<16xi1>
        %reduce_sum3A_595 = tpu.scan <sum>, %get3A_585 masked %reduce_sum3A_594 : vector<16xi32>, vector<16xi1> -> vector<16xi32>
        %reduce_sum3A_596 = vector.extract %reduce_sum3A_595[15] : i32 from vector<16xi32>
        %add3A_597 = arith.addi %scan3A_582, %reduce_sum3A_596 : i32
        scf.yield %add3A_597 : i32
      }
      %scan3A_537 = arith.constant 16 : i32
      %parallel_loop3A_538 = arith.constant 0 : i32
      %parallel_loop3A_539 = arith.constant 256 : i32
      %parallel_loop3A_540 = arith.constant 1 : i32
      scf.for %parallel_loop3A_581 = %parallel_loop3A_538 to %parallel_loop3A_539 step %parallel_loop3A_540  : i32 {
        %parallel_loop3A_582 = vector.broadcast %parallel_loop3A_581 : i32 to vector<16xi32>
        %parallel_loop3A_583 = tpu.vector_load_idx %arg14[%parallel_loop3A_582] : memref<256xi32, #tpu.memory_space<vmem>>[vector<16xi32>], vector<16xi32>,
        %parallel_loop3A_584 = arith.constant 16 : i32
        %parallel_loop3A_585 = arith.muli %parallel_loop3A_581, %parallel_loop3A_584 : i32
        %parallel_loop3A_586 = arith.index_cast %parallel_loop3A_585 : i32 to index
        %parallel_loop3A_587 = tpu.vector_load %arg13[%parallel_loop3A_586] {strides = array<i32>} : memref<4096xi32, #tpu.memory_space<vmem>>, vector<16xi32>,
        %parallel_loop3A_588 = arith.addi %parallel_loop3A_587, %parallel_loop3A_583 : vector<16xi32>
        %parallel_loop3A_589 = arith.constant 16 : i32
        %parallel_loop3A_590 = arith.muli %parallel_loop3A_581, %parallel_loop3A_589 : i32
        %parallel_loop3A_591 = arith.index_cast %parallel_loop3A_590 : i32 to index
        %parallel_loop3A_592 = tpu.vector_load %arg13[%parallel_loop3A_591] {strides = array<i32>} : memref<4096xi32, #tpu.memory_space<vmem>>, vector<16xi32>,
        tpu.vector_store %arg13[%parallel_loop3A_591], %parallel_loop3A_588 {strides = array<i32>} : memref<4096xi32, #tpu.memory_space<vmem>>, vector<16xi32>,
      } {sc.loop_unroll_factor = 2 : i64, sc.parallel_access}
      "tpu.trace_stop"() : () -> ()
      "tpu.trace_start"() <{level = 10 : i32, message = "p2_permute"}> : () -> ()
      %scan3A_541 = arith.constant 0 : i32
      %scan3A_542 = arith.constant 0 : i32
      %scan3A_543 = arith.constant 32 : i32
      %scan3A_544 = arith.addi %scan3A_542, %scan3A_543 : i32
      %scan3A_545 = arith.constant 1 : i32
      %scan3A_546 = scf.for %scan3A_581 = %scan3A_542 to %scan3A_544 step %scan3A_545 iter_args(%scan3A_582 = %scan3A_541) -> (i32)  : i32 {
        %mul3A_583 = arith.constant 8 : i32
        %mul3A_584 = arith.muli %scan3A_581, %mul3A_583 : i32
        %add3A_585 = arith.constant 0 : i32
        %add3A_586 = arith.addi %mul3A_584, %add3A_585 : i32
        %mul3A_587 = arith.constant 16 : i32
        %mul3A_588 = arith.muli %add3A_586, %mul3A_587 : i32
        %get3A = arith.index_cast %mul3A_588 : i32 to index
        %get3A_589 = tpu.vector_load %arg9[%get3A] {strides = array<i32>} : memref<4096xi32, #tpu.memory_space<vmem>>, vector<16xi32>,
        %mul3A_590 = arith.constant 16 : i32
        %mul3A_591 = arith.muli %add3A_586, %mul3A_590 : i32
        %get3A_592 = arith.index_cast %mul3A_591 : i32 to index
        %get3A_593 = tpu.vector_load %arg11[%get3A_592] {strides = array<i32>} : memref<4096xi32, #tpu.memory_space<vmem>>, vector<16xi32>,
        %shift_right_arithmetic3A = arith.constant 16 : i32
        %shift_right_arithmetic3A_594 = vector.broadcast %shift_right_arithmetic3A : i32 to vector<16xi32>
        %shift_right_arithmetic3A_595 = arith.shrsi %get3A_589, %shift_right_arithmetic3A_594 : vector<16xi32>
        %and3A_596 = arith.constant 255 : i32
        %and3A_597 = vector.broadcast %and3A_596 : i32 to vector<16xi32>
        %and3A_598 = arith.andi %shift_right_arithmetic3A_595, %and3A_597 : vector<16xi32>
        %shift_left3A = arith.constant 4 : i32
        %shift_left3A_599 = vector.broadcast %shift_left3A : i32 to vector<16xi32>
        %shift_left3A_600 = arith.shli %and3A_598, %shift_left3A_599 : vector<16xi32>
        %iota3A_601 = tpu.iota {dimensions = array<i32: 0>} : vector<16xi32>
        %add3A_602 = arith.addi %shift_left3A_600, %iota3A_601 : vector<16xi32>
        %mul3A_603 = arith.constant 8 : i32
        %mul3A_604 = arith.muli %scan3A_581, %mul3A_603 : i32
        %add3A_605 = arith.constant 1 : i32
        %add3A_606 = arith.addi %mul3A_604, %add3A_605 : i32
        %mul3A_607 = arith.constant 16 : i32
        %mul3A_608 = arith.muli %add3A_606, %mul3A_607 : i32
        %get3A_609 = arith.index_cast %mul3A_608 : i32 to index
        %get3A_610 = tpu.vector_load %arg9[%get3A_609] {strides = array<i32>} : memref<4096xi32, #tpu.memory_space<vmem>>, vector<16xi32>,
        %mul3A_611 = arith.constant 16 : i32
        %mul3A_612 = arith.muli %add3A_606, %mul3A_611 : i32
        %get3A_613 = arith.index_cast %mul3A_612 : i32 to index
        %get3A_614 = tpu.vector_load %arg11[%get3A_613] {strides = array<i32>} : memref<4096xi32, #tpu.memory_space<vmem>>, vector<16xi32>,
        %shift_right_arithmetic3A_615 = arith.constant 16 : i32
        %shift_right_arithmetic3A_616 = vector.broadcast %shift_right_arithmetic3A_615 : i32 to vector<16xi32>
        %shift_right_arithmetic3A_617 = arith.shrsi %get3A_610, %shift_right_arithmetic3A_616 : vector<16xi32>
        %and3A_618 = arith.constant 255 : i32
        %and3A_619 = vector.broadcast %and3A_618 : i32 to vector<16xi32>
        %and3A_620 = arith.andi %shift_right_arithmetic3A_617, %and3A_619 : vector<16xi32>
        %shift_left3A_621 = arith.constant 4 : i32
        %shift_left3A_622 = vector.broadcast %shift_left3A_621 : i32 to vector<16xi32>
        %shift_left3A_623 = arith.shli %and3A_620, %shift_left3A_622 : vector<16xi32>
        %iota3A_624 = tpu.iota {dimensions = array<i32: 0>} : vector<16xi32>
        %add3A_625 = arith.addi %shift_left3A_623, %iota3A_624 : vector<16xi32>
        %mul3A_626 = arith.constant 8 : i32
        %mul3A_627 = arith.muli %scan3A_581, %mul3A_626 : i32
        %add3A_628 = arith.constant 2 : i32
        %add3A_629 = arith.addi %mul3A_627, %add3A_628 : i32
        %mul3A_630 = arith.constant 16 : i32
        %mul3A_631 = arith.muli %add3A_629, %mul3A_630 : i32
        %get3A_632 = arith.index_cast %mul3A_631 : i32 to index
        %get3A_633 = tpu.vector_load %arg9[%get3A_632] {strides = array<i32>} : memref<4096xi32, #tpu.memory_space<vmem>>, vector<16xi32>,
        %mul3A_634 = arith.constant 16 : i32
        %mul3A_635 = arith.muli %add3A_629, %mul3A_634 : i32
        %get3A_636 = arith.index_cast %mul3A_635 : i32 to index
        %get3A_637 = tpu.vector_load %arg11[%get3A_636] {strides = array<i32>} : memref<4096xi32, #tpu.memory_space<vmem>>, vector<16xi32>,
        %shift_right_arithmetic3A_638 = arith.constant 16 : i32
        %shift_right_arithmetic3A_639 = vector.broadcast %shift_right_arithmetic3A_638 : i32 to vector<16xi32>
        %shift_right_arithmetic3A_640 = arith.shrsi %get3A_633, %shift_right_arithmetic3A_639 : vector<16xi32>
        %and3A_641 = arith.constant 255 : i32
        %and3A_642 = vector.broadcast %and3A_641 : i32 to vector<16xi32>
        %and3A_643 = arith.andi %shift_right_arithmetic3A_640, %and3A_642 : vector<16xi32>
        %shift_left3A_644 = arith.constant 4 : i32
        %shift_left3A_645 = vector.broadcast %shift_left3A_644 : i32 to vector<16xi32>
        %shift_left3A_646 = arith.shli %and3A_643, %shift_left3A_645 : vector<16xi32>
        %iota3A_647 = tpu.iota {dimensions = array<i32: 0>} : vector<16xi32>
        %add3A_648 = arith.addi %shift_left3A_646, %iota3A_647 : vector<16xi32>
        %mul3A_649 = arith.constant 8 : i32
        %mul3A_650 = arith.muli %scan3A_581, %mul3A_649 : i32
        %add3A_651 = arith.constant 3 : i32
        %add3A_652 = arith.addi %mul3A_650, %add3A_651 : i32
        %mul3A_653 = arith.constant 16 : i32
        %mul3A_654 = arith.muli %add3A_652, %mul3A_653 : i32
        %get3A_655 = arith.index_cast %mul3A_654 : i32 to index
        %get3A_656 = tpu.vector_load %arg9[%get3A_655] {strides = array<i32>} : memref<4096xi32, #tpu.memory_space<vmem>>, vector<16xi32>,
        %mul3A_657 = arith.constant 16 : i32
        %mul3A_658 = arith.muli %add3A_652, %mul3A_657 : i32
        %get3A_659 = arith.index_cast %mul3A_658 : i32 to index
        %get3A_660 = tpu.vector_load %arg11[%get3A_659] {strides = array<i32>} : memref<4096xi32, #tpu.memory_space<vmem>>, vector<16xi32>,
        %shift_right_arithmetic3A_661 = arith.constant 16 : i32
        %shift_right_arithmetic3A_662 = vector.broadcast %shift_right_arithmetic3A_661 : i32 to vector<16xi32>
        %shift_right_arithmetic3A_663 = arith.shrsi %get3A_656, %shift_right_arithmetic3A_662 : vector<16xi32>
        %and3A_664 = arith.constant 255 : i32
        %and3A_665 = vector.broadcast %and3A_664 : i32 to vector<16xi32>
        %and3A_666 = arith.andi %shift_right_arithmetic3A_663, %and3A_665 : vector<16xi32>
        %shift_left3A_667 = arith.constant 4 : i32
        %shift_left3A_668 = vector.broadcast %shift_left3A_667 : i32 to vector<16xi32>
        %shift_left3A_669 = arith.shli %and3A_666, %shift_left3A_668 : vector<16xi32>
        %iota3A_670 = tpu.iota {dimensions = array<i32: 0>} : vector<16xi32>
        %add3A_671 = arith.addi %shift_left3A_669, %iota3A_670 : vector<16xi32>
        %mul3A_672 = arith.constant 8 : i32
        %mul3A_673 = arith.muli %scan3A_581, %mul3A_672 : i32
        %add3A_674 = arith.constant 4 : i32
        %add3A_675 = arith.addi %mul3A_673, %add3A_674 : i32
        %mul3A_676 = arith.constant 16 : i32
        %mul3A_677 = arith.muli %add3A_675, %mul3A_676 : i32
        %get3A_678 = arith.index_cast %mul3A_677 : i32 to index
        %get3A_679 = tpu.vector_load %arg9[%get3A_678] {strides = array<i32>} : memref<4096xi32, #tpu.memory_space<vmem>>, vector<16xi32>,
        %mul3A_680 = arith.constant 16 : i32
        %mul3A_681 = arith.muli %add3A_675, %mul3A_680 : i32
        %get3A_682 = arith.index_cast %mul3A_681 : i32 to index
        %get3A_683 = tpu.vector_load %arg11[%get3A_682] {strides = array<i32>} : memref<4096xi32, #tpu.memory_space<vmem>>, vector<16xi32>,
        %shift_right_arithmetic3A_684 = arith.constant 16 : i32
        %shift_right_arithmetic3A_685 = vector.broadcast %shift_right_arithmetic3A_684 : i32 to vector<16xi32>
        %shift_right_arithmetic3A_686 = arith.shrsi %get3A_679, %shift_right_arithmetic3A_685 : vector<16xi32>
        %and3A_687 = arith.constant 255 : i32
        %and3A_688 = vector.broadcast %and3A_687 : i32 to vector<16xi32>
        %and3A_689 = arith.andi %shift_right_arithmetic3A_686, %and3A_688 : vector<16xi32>
        %shift_left3A_690 = arith.constant 4 : i32
        %shift_left3A_691 = vector.broadcast %shift_left3A_690 : i32 to vector<16xi32>
        %shift_left3A_692 = arith.shli %and3A_689, %shift_left3A_691 : vector<16xi32>
        %iota3A_693 = tpu.iota {dimensions = array<i32: 0>} : vector<16xi32>
        %add3A_694 = arith.addi %shift_left3A_692, %iota3A_693 : vector<16xi32>
        %mul3A_695 = arith.constant 8 : i32
        %mul3A_696 = arith.muli %scan3A_581, %mul3A_695 : i32
        %add3A_697 = arith.constant 5 : i32
        %add3A_698 = arith.addi %mul3A_696, %add3A_697 : i32
        %mul3A_699 = arith.constant 16 : i32
        %mul3A_700 = arith.muli %add3A_698, %mul3A_699 : i32
        %get3A_701 = arith.index_cast %mul3A_700 : i32 to index
        %get3A_702 = tpu.vector_load %arg9[%get3A_701] {strides = array<i32>} : memref<4096xi32, #tpu.memory_space<vmem>>, vector<16xi32>,
        %mul3A_703 = arith.constant 16 : i32
        %mul3A_704 = arith.muli %add3A_698, %mul3A_703 : i32
        %get3A_705 = arith.index_cast %mul3A_704 : i32 to index
        %get3A_706 = tpu.vector_load %arg11[%get3A_705] {strides = array<i32>} : memref<4096xi32, #tpu.memory_space<vmem>>, vector<16xi32>,
        %shift_right_arithmetic3A_707 = arith.constant 16 : i32
        %shift_right_arithmetic3A_708 = vector.broadcast %shift_right_arithmetic3A_707 : i32 to vector<16xi32>
        %shift_right_arithmetic3A_709 = arith.shrsi %get3A_702, %shift_right_arithmetic3A_708 : vector<16xi32>
        %and3A_710 = arith.constant 255 : i32
        %and3A_711 = vector.broadcast %and3A_710 : i32 to vector<16xi32>
        %and3A_712 = arith.andi %shift_right_arithmetic3A_709, %and3A_711 : vector<16xi32>
        %shift_left3A_713 = arith.constant 4 : i32
        %shift_left3A_714 = vector.broadcast %shift_left3A_713 : i32 to vector<16xi32>
        %shift_left3A_715 = arith.shli %and3A_712, %shift_left3A_714 : vector<16xi32>
        %iota3A_716 = tpu.iota {dimensions = array<i32: 0>} : vector<16xi32>
        %add3A_717 = arith.addi %shift_left3A_715, %iota3A_716 : vector<16xi32>
        %mul3A_718 = arith.constant 8 : i32
        %mul3A_719 = arith.muli %scan3A_581, %mul3A_718 : i32
        %add3A_720 = arith.constant 6 : i32
        %add3A_721 = arith.addi %mul3A_719, %add3A_720 : i32
        %mul3A_722 = arith.constant 16 : i32
        %mul3A_723 = arith.muli %add3A_721, %mul3A_722 : i32
        %get3A_724 = arith.index_cast %mul3A_723 : i32 to index
        %get3A_725 = tpu.vector_load %arg9[%get3A_724] {strides = array<i32>} : memref<4096xi32, #tpu.memory_space<vmem>>, vector<16xi32>,
        %mul3A_726 = arith.constant 16 : i32
        %mul3A_727 = arith.muli %add3A_721, %mul3A_726 : i32
        %get3A_728 = arith.index_cast %mul3A_727 : i32 to index
        %get3A_729 = tpu.vector_load %arg11[%get3A_728] {strides = array<i32>} : memref<4096xi32, #tpu.memory_space<vmem>>, vector<16xi32>,
        %shift_right_arithmetic3A_730 = arith.constant 16 : i32
        %shift_right_arithmetic3A_731 = vector.broadcast %shift_right_arithmetic3A_730 : i32 to vector<16xi32>
        %shift_right_arithmetic3A_732 = arith.shrsi %get3A_725, %shift_right_arithmetic3A_731 : vector<16xi32>
        %and3A_733 = arith.constant 255 : i32
        %and3A_734 = vector.broadcast %and3A_733 : i32 to vector<16xi32>
        %and3A_735 = arith.andi %shift_right_arithmetic3A_732, %and3A_734 : vector<16xi32>
        %shift_left3A_736 = arith.constant 4 : i32
        %shift_left3A_737 = vector.broadcast %shift_left3A_736 : i32 to vector<16xi32>
        %shift_left3A_738 = arith.shli %and3A_735, %shift_left3A_737 : vector<16xi32>
        %iota3A_739 = tpu.iota {dimensions = array<i32: 0>} : vector<16xi32>
        %add3A_740 = arith.addi %shift_left3A_738, %iota3A_739 : vector<16xi32>
        %mul3A_741 = arith.constant 8 : i32
        %mul3A_742 = arith.muli %scan3A_581, %mul3A_741 : i32
        %add3A_743 = arith.constant 7 : i32
        %add3A_744 = arith.addi %mul3A_742, %add3A_743 : i32
        %mul3A_745 = arith.constant 16 : i32
        %mul3A_746 = arith.muli %add3A_744, %mul3A_745 : i32
        %get3A_747 = arith.index_cast %mul3A_746 : i32 to index
        %get3A_748 = tpu.vector_load %arg9[%get3A_747] {strides = array<i32>} : memref<4096xi32, #tpu.memory_space<vmem>>, vector<16xi32>,
        %mul3A_749 = arith.constant 16 : i32
        %mul3A_750 = arith.muli %add3A_744, %mul3A_749 : i32
        %get3A_751 = arith.index_cast %mul3A_750 : i32 to index
        %get3A_752 = tpu.vector_load %arg11[%get3A_751] {strides = array<i32>} : memref<4096xi32, #tpu.memory_space<vmem>>, vector<16xi32>,
        %shift_right_arithmetic3A_753 = arith.constant 16 : i32
        %shift_right_arithmetic3A_754 = vector.broadcast %shift_right_arithmetic3A_753 : i32 to vector<16xi32>
        %shift_right_arithmetic3A_755 = arith.shrsi %get3A_748, %shift_right_arithmetic3A_754 : vector<16xi32>
        %and3A_756 = arith.constant 255 : i32
        %and3A_757 = vector.broadcast %and3A_756 : i32 to vector<16xi32>
        %and3A_758 = arith.andi %shift_right_arithmetic3A_755, %and3A_757 : vector<16xi32>
        %shift_left3A_759 = arith.constant 4 : i32
        %shift_left3A_760 = vector.broadcast %shift_left3A_759 : i32 to vector<16xi32>
        %shift_left3A_761 = arith.shli %and3A_758, %shift_left3A_760 : vector<16xi32>
        %iota3A_762 = tpu.iota {dimensions = array<i32: 0>} : vector<16xi32>
        %add3A_763 = arith.addi %shift_left3A_761, %iota3A_762 : vector<16xi32>
        %gather3A = tpu.vector_load_idx %arg13[%add3A_602] : memref<4096xi32, #tpu.memory_space<vmem>>[vector<16xi32>], vector<16xi32>,
        %gather3A_764 = tpu.vector_load_idx %arg13[%add3A_625] : memref<4096xi32, #tpu.memory_space<vmem>>[vector<16xi32>], vector<16xi32>,
        %gather3A_765 = tpu.vector_load_idx %arg13[%add3A_648] : memref<4096xi32, #tpu.memory_space<vmem>>[vector<16xi32>], vector<16xi32>,
        %gather3A_766 = tpu.vector_load_idx %arg13[%add3A_671] : memref<4096xi32, #tpu.memory_space<vmem>>[vector<16xi32>], vector<16xi32>,
        %gather3A_767 = tpu.vector_load_idx %arg13[%add3A_694] : memref<4096xi32, #tpu.memory_space<vmem>>[vector<16xi32>], vector<16xi32>,
        %gather3A_768 = tpu.vector_load_idx %arg13[%add3A_717] : memref<4096xi32, #tpu.memory_space<vmem>>[vector<16xi32>], vector<16xi32>,
        %gather3A_769 = tpu.vector_load_idx %arg13[%add3A_740] : memref<4096xi32, #tpu.memory_space<vmem>>[vector<16xi32>], vector<16xi32>,
        %gather3A_770 = tpu.vector_load_idx %arg13[%add3A_763] : memref<4096xi32, #tpu.memory_space<vmem>>[vector<16xi32>], vector<16xi32>,
        %eq3A_771 = arith.cmpi eq, %and3A_598, %and3A_620 : vector<16xi32>
        %jit3A_772 = arith.constant 1 : i32
        %jit3A_773 = arith.constant 0 : i32
        %broadcast_in_dim3A_774 = vector.broadcast %jit3A_772 : i32 to vector<16xi32>
        %broadcast_in_dim3A_775 = vector.broadcast %jit3A_773 : i32 to vector<16xi32>
        %select_n3A_776 = arith.select %eq3A_771, %broadcast_in_dim3A_774, %broadcast_in_dim3A_775 : vector<16xi1>, vector<16xi32>
        %add3A_777 = arith.addi %gather3A_764, %select_n3A_776 : vector<16xi32>
        %eq3A_778 = arith.cmpi eq, %and3A_598, %and3A_643 : vector<16xi32>
        %jit3A_779 = arith.constant 1 : i32
        %jit3A_780 = arith.constant 0 : i32
        %broadcast_in_dim3A_781 = vector.broadcast %jit3A_779 : i32 to vector<16xi32>
        %broadcast_in_dim3A_782 = vector.broadcast %jit3A_780 : i32 to vector<16xi32>
        %select_n3A_783 = arith.select %eq3A_778, %broadcast_in_dim3A_781, %broadcast_in_dim3A_782 : vector<16xi1>, vector<16xi32>
        %add3A_784 = arith.addi %gather3A_765, %select_n3A_783 : vector<16xi32>
        %eq3A_785 = arith.cmpi eq, %and3A_620, %and3A_643 : vector<16xi32>
        %jit3A_786 = arith.constant 1 : i32
        %jit3A_787 = arith.constant 0 : i32
        %broadcast_in_dim3A_788 = vector.broadcast %jit3A_786 : i32 to vector<16xi32>
        %broadcast_in_dim3A_789 = vector.broadcast %jit3A_787 : i32 to vector<16xi32>
        %select_n3A_790 = arith.select %eq3A_785, %broadcast_in_dim3A_788, %broadcast_in_dim3A_789 : vector<16xi1>, vector<16xi32>
        %add3A_791 = arith.addi %add3A_784, %select_n3A_790 : vector<16xi32>
        %eq3A_792 = arith.cmpi eq, %and3A_598, %and3A_666 : vector<16xi32>
        %jit3A_793 = arith.constant 1 : i32
        %jit3A_794 = arith.constant 0 : i32
        %broadcast_in_dim3A_795 = vector.broadcast %jit3A_793 : i32 to vector<16xi32>
        %broadcast_in_dim3A_796 = vector.broadcast %jit3A_794 : i32 to vector<16xi32>
        %select_n3A_797 = arith.select %eq3A_792, %broadcast_in_dim3A_795, %broadcast_in_dim3A_796 : vector<16xi1>, vector<16xi32>
        %add3A_798 = arith.addi %gather3A_766, %select_n3A_797 : vector<16xi32>
        %eq3A_799 = arith.cmpi eq, %and3A_620, %and3A_666 : vector<16xi32>
        %jit3A_800 = arith.constant 1 : i32
        %jit3A_801 = arith.constant 0 : i32
        %broadcast_in_dim3A_802 = vector.broadcast %jit3A_800 : i32 to vector<16xi32>
        %broadcast_in_dim3A_803 = vector.broadcast %jit3A_801 : i32 to vector<16xi32>
        %select_n3A_804 = arith.select %eq3A_799, %broadcast_in_dim3A_802, %broadcast_in_dim3A_803 : vector<16xi1>, vector<16xi32>
        %add3A_805 = arith.addi %add3A_798, %select_n3A_804 : vector<16xi32>
        %eq3A_806 = arith.cmpi eq, %and3A_643, %and3A_666 : vector<16xi32>
        %jit3A_807 = arith.constant 1 : i32
        %jit3A_808 = arith.constant 0 : i32
        %broadcast_in_dim3A_809 = vector.broadcast %jit3A_807 : i32 to vector<16xi32>
        %broadcast_in_dim3A_810 = vector.broadcast %jit3A_808 : i32 to vector<16xi32>
        %select_n3A_811 = arith.select %eq3A_806, %broadcast_in_dim3A_809, %broadcast_in_dim3A_810 : vector<16xi1>, vector<16xi32>
        %add3A_812 = arith.addi %add3A_805, %select_n3A_811 : vector<16xi32>
        %eq3A_813 = arith.cmpi eq, %and3A_598, %and3A_689 : vector<16xi32>
        %jit3A_814 = arith.constant 1 : i32
        %jit3A_815 = arith.constant 0 : i32
        %broadcast_in_dim3A_816 = vector.broadcast %jit3A_814 : i32 to vector<16xi32>
        %broadcast_in_dim3A_817 = vector.broadcast %jit3A_815 : i32 to vector<16xi32>
        %select_n3A_818 = arith.select %eq3A_813, %broadcast_in_dim3A_816, %broadcast_in_dim3A_817 : vector<16xi1>, vector<16xi32>
        %add3A_819 = arith.addi %gather3A_767, %select_n3A_818 : vector<16xi32>
        %eq3A_820 = arith.cmpi eq, %and3A_620, %and3A_689 : vector<16xi32>
        %jit3A_821 = arith.constant 1 : i32
        %jit3A_822 = arith.constant 0 : i32
        %broadcast_in_dim3A_823 = vector.broadcast %jit3A_821 : i32 to vector<16xi32>
        %broadcast_in_dim3A_824 = vector.broadcast %jit3A_822 : i32 to vector<16xi32>
        %select_n3A_825 = arith.select %eq3A_820, %broadcast_in_dim3A_823, %broadcast_in_dim3A_824 : vector<16xi1>, vector<16xi32>
        %add3A_826 = arith.addi %add3A_819, %select_n3A_825 : vector<16xi32>
        %eq3A_827 = arith.cmpi eq, %and3A_643, %and3A_689 : vector<16xi32>
        %jit3A_828 = arith.constant 1 : i32
        %jit3A_829 = arith.constant 0 : i32
        %broadcast_in_dim3A_830 = vector.broadcast %jit3A_828 : i32 to vector<16xi32>
        %broadcast_in_dim3A_831 = vector.broadcast %jit3A_829 : i32 to vector<16xi32>
        %select_n3A_832 = arith.select %eq3A_827, %broadcast_in_dim3A_830, %broadcast_in_dim3A_831 : vector<16xi1>, vector<16xi32>
        %add3A_833 = arith.addi %add3A_826, %select_n3A_832 : vector<16xi32>
        %eq3A_834 = arith.cmpi eq, %and3A_666, %and3A_689 : vector<16xi32>
        %jit3A_835 = arith.constant 1 : i32
        %jit3A_836 = arith.constant 0 : i32
        %broadcast_in_dim3A_837 = vector.broadcast %jit3A_835 : i32 to vector<16xi32>
        %broadcast_in_dim3A_838 = vector.broadcast %jit3A_836 : i32 to vector<16xi32>
        %select_n3A_839 = arith.select %eq3A_834, %broadcast_in_dim3A_837, %broadcast_in_dim3A_838 : vector<16xi1>, vector<16xi32>
        %add3A_840 = arith.addi %add3A_833, %select_n3A_839 : vector<16xi32>
        %eq3A_841 = arith.cmpi eq, %and3A_598, %and3A_712 : vector<16xi32>
        %jit3A_842 = arith.constant 1 : i32
        %jit3A_843 = arith.constant 0 : i32
        %broadcast_in_dim3A_844 = vector.broadcast %jit3A_842 : i32 to vector<16xi32>
        %broadcast_in_dim3A_845 = vector.broadcast %jit3A_843 : i32 to vector<16xi32>
        %select_n3A_846 = arith.select %eq3A_841, %broadcast_in_dim3A_844, %broadcast_in_dim3A_845 : vector<16xi1>, vector<16xi32>
        %add3A_847 = arith.addi %gather3A_768, %select_n3A_846 : vector<16xi32>
        %eq3A_848 = arith.cmpi eq, %and3A_620, %and3A_712 : vector<16xi32>
        %jit3A_849 = arith.constant 1 : i32
        %jit3A_850 = arith.constant 0 : i32
        %broadcast_in_dim3A_851 = vector.broadcast %jit3A_849 : i32 to vector<16xi32>
        %broadcast_in_dim3A_852 = vector.broadcast %jit3A_850 : i32 to vector<16xi32>
        %select_n3A_853 = arith.select %eq3A_848, %broadcast_in_dim3A_851, %broadcast_in_dim3A_852 : vector<16xi1>, vector<16xi32>
        %add3A_854 = arith.addi %add3A_847, %select_n3A_853 : vector<16xi32>
        %eq3A_855 = arith.cmpi eq, %and3A_643, %and3A_712 : vector<16xi32>
        %jit3A_856 = arith.constant 1 : i32
        %jit3A_857 = arith.constant 0 : i32
        %broadcast_in_dim3A_858 = vector.broadcast %jit3A_856 : i32 to vector<16xi32>
        %broadcast_in_dim3A_859 = vector.broadcast %jit3A_857 : i32 to vector<16xi32>
        %select_n3A_860 = arith.select %eq3A_855, %broadcast_in_dim3A_858, %broadcast_in_dim3A_859 : vector<16xi1>, vector<16xi32>
        %add3A_861 = arith.addi %add3A_854, %select_n3A_860 : vector<16xi32>
        %eq3A_862 = arith.cmpi eq, %and3A_666, %and3A_712 : vector<16xi32>
        %jit3A_863 = arith.constant 1 : i32
        %jit3A_864 = arith.constant 0 : i32
        %broadcast_in_dim3A_865 = vector.broadcast %jit3A_863 : i32 to vector<16xi32>
        %broadcast_in_dim3A_866 = vector.broadcast %jit3A_864 : i32 to vector<16xi32>
        %select_n3A_867 = arith.select %eq3A_862, %broadcast_in_dim3A_865, %broadcast_in_dim3A_866 : vector<16xi1>, vector<16xi32>
        %add3A_868 = arith.addi %add3A_861, %select_n3A_867 : vector<16xi32>
        %eq3A_869 = arith.cmpi eq, %and3A_689, %and3A_712 : vector<16xi32>
        %jit3A_870 = arith.constant 1 : i32
        %jit3A_871 = arith.constant 0 : i32
        %broadcast_in_dim3A_872 = vector.broadcast %jit3A_870 : i32 to vector<16xi32>
        %broadcast_in_dim3A_873 = vector.broadcast %jit3A_871 : i32 to vector<16xi32>
        %select_n3A_874 = arith.select %eq3A_869, %broadcast_in_dim3A_872, %broadcast_in_dim3A_873 : vector<16xi1>, vector<16xi32>
        %add3A_875 = arith.addi %add3A_868, %select_n3A_874 : vector<16xi32>
        %eq3A_876 = arith.cmpi eq, %and3A_598, %and3A_735 : vector<16xi32>
        %jit3A_877 = arith.constant 1 : i32
        %jit3A_878 = arith.constant 0 : i32
        %broadcast_in_dim3A_879 = vector.broadcast %jit3A_877 : i32 to vector<16xi32>
        %broadcast_in_dim3A_880 = vector.broadcast %jit3A_878 : i32 to vector<16xi32>
        %select_n3A_881 = arith.select %eq3A_876, %broadcast_in_dim3A_879, %broadcast_in_dim3A_880 : vector<16xi1>, vector<16xi32>
        %add3A_882 = arith.addi %gather3A_769, %select_n3A_881 : vector<16xi32>
        %eq3A_883 = arith.cmpi eq, %and3A_620, %and3A_735 : vector<16xi32>
        %jit3A_884 = arith.constant 1 : i32
        %jit3A_885 = arith.constant 0 : i32
        %broadcast_in_dim3A_886 = vector.broadcast %jit3A_884 : i32 to vector<16xi32>
        %broadcast_in_dim3A_887 = vector.broadcast %jit3A_885 : i32 to vector<16xi32>
        %select_n3A_888 = arith.select %eq3A_883, %broadcast_in_dim3A_886, %broadcast_in_dim3A_887 : vector<16xi1>, vector<16xi32>
        %add3A_889 = arith.addi %add3A_882, %select_n3A_888 : vector<16xi32>
        %eq3A_890 = arith.cmpi eq, %and3A_643, %and3A_735 : vector<16xi32>
        %jit3A_891 = arith.constant 1 : i32
        %jit3A_892 = arith.constant 0 : i32
        %broadcast_in_dim3A_893 = vector.broadcast %jit3A_891 : i32 to vector<16xi32>
        %broadcast_in_dim3A_894 = vector.broadcast %jit3A_892 : i32 to vector<16xi32>
        %select_n3A_895 = arith.select %eq3A_890, %broadcast_in_dim3A_893, %broadcast_in_dim3A_894 : vector<16xi1>, vector<16xi32>
        %add3A_896 = arith.addi %add3A_889, %select_n3A_895 : vector<16xi32>
        %eq3A_897 = arith.cmpi eq, %and3A_666, %and3A_735 : vector<16xi32>
        %jit3A_898 = arith.constant 1 : i32
        %jit3A_899 = arith.constant 0 : i32
        %broadcast_in_dim3A_900 = vector.broadcast %jit3A_898 : i32 to vector<16xi32>
        %broadcast_in_dim3A_901 = vector.broadcast %jit3A_899 : i32 to vector<16xi32>
        %select_n3A_902 = arith.select %eq3A_897, %broadcast_in_dim3A_900, %broadcast_in_dim3A_901 : vector<16xi1>, vector<16xi32>
        %add3A_903 = arith.addi %add3A_896, %select_n3A_902 : vector<16xi32>
        %eq3A_904 = arith.cmpi eq, %and3A_689, %and3A_735 : vector<16xi32>
        %jit3A_905 = arith.constant 1 : i32
        %jit3A_906 = arith.constant 0 : i32
        %broadcast_in_dim3A_907 = vector.broadcast %jit3A_905 : i32 to vector<16xi32>
        %broadcast_in_dim3A_908 = vector.broadcast %jit3A_906 : i32 to vector<16xi32>
        %select_n3A_909 = arith.select %eq3A_904, %broadcast_in_dim3A_907, %broadcast_in_dim3A_908 : vector<16xi1>, vector<16xi32>
        %add3A_910 = arith.addi %add3A_903, %select_n3A_909 : vector<16xi32>
        %eq3A_911 = arith.cmpi eq, %and3A_712, %and3A_735 : vector<16xi32>
        %jit3A_912 = arith.constant 1 : i32
        %jit3A_913 = arith.constant 0 : i32
        %broadcast_in_dim3A_914 = vector.broadcast %jit3A_912 : i32 to vector<16xi32>
        %broadcast_in_dim3A_915 = vector.broadcast %jit3A_913 : i32 to vector<16xi32>
        %select_n3A_916 = arith.select %eq3A_911, %broadcast_in_dim3A_914, %broadcast_in_dim3A_915 : vector<16xi1>, vector<16xi32>
        %add3A_917 = arith.addi %add3A_910, %select_n3A_916 : vector<16xi32>
        %eq3A_918 = arith.cmpi eq, %and3A_598, %and3A_758 : vector<16xi32>
        %jit3A_919 = arith.constant 1 : i32
        %jit3A_920 = arith.constant 0 : i32
        %broadcast_in_dim3A_921 = vector.broadcast %jit3A_919 : i32 to vector<16xi32>
        %broadcast_in_dim3A_922 = vector.broadcast %jit3A_920 : i32 to vector<16xi32>
        %select_n3A_923 = arith.select %eq3A_918, %broadcast_in_dim3A_921, %broadcast_in_dim3A_922 : vector<16xi1>, vector<16xi32>
        %add3A_924 = arith.addi %gather3A_770, %select_n3A_923 : vector<16xi32>
        %eq3A_925 = arith.cmpi eq, %and3A_620, %and3A_758 : vector<16xi32>
        %jit3A_926 = arith.constant 1 : i32
        %jit3A_927 = arith.constant 0 : i32
        %broadcast_in_dim3A_928 = vector.broadcast %jit3A_926 : i32 to vector<16xi32>
        %broadcast_in_dim3A_929 = vector.broadcast %jit3A_927 : i32 to vector<16xi32>
        %select_n3A_930 = arith.select %eq3A_925, %broadcast_in_dim3A_928, %broadcast_in_dim3A_929 : vector<16xi1>, vector<16xi32>
        %add3A_931 = arith.addi %add3A_924, %select_n3A_930 : vector<16xi32>
        %eq3A_932 = arith.cmpi eq, %and3A_643, %and3A_758 : vector<16xi32>
        %jit3A_933 = arith.constant 1 : i32
        %jit3A_934 = arith.constant 0 : i32
        %broadcast_in_dim3A_935 = vector.broadcast %jit3A_933 : i32 to vector<16xi32>
        %broadcast_in_dim3A_936 = vector.broadcast %jit3A_934 : i32 to vector<16xi32>
        %select_n3A_937 = arith.select %eq3A_932, %broadcast_in_dim3A_935, %broadcast_in_dim3A_936 : vector<16xi1>, vector<16xi32>
        %add3A_938 = arith.addi %add3A_931, %select_n3A_937 : vector<16xi32>
        %eq3A_939 = arith.cmpi eq, %and3A_666, %and3A_758 : vector<16xi32>
        %jit3A_940 = arith.constant 1 : i32
        %jit3A_941 = arith.constant 0 : i32
        %broadcast_in_dim3A_942 = vector.broadcast %jit3A_940 : i32 to vector<16xi32>
        %broadcast_in_dim3A_943 = vector.broadcast %jit3A_941 : i32 to vector<16xi32>
        %select_n3A_944 = arith.select %eq3A_939, %broadcast_in_dim3A_942, %broadcast_in_dim3A_943 : vector<16xi1>, vector<16xi32>
        %add3A_945 = arith.addi %add3A_938, %select_n3A_944 : vector<16xi32>
        %eq3A_946 = arith.cmpi eq, %and3A_689, %and3A_758 : vector<16xi32>
        %jit3A_947 = arith.constant 1 : i32
        %jit3A_948 = arith.constant 0 : i32
        %broadcast_in_dim3A_949 = vector.broadcast %jit3A_947 : i32 to vector<16xi32>
        %broadcast_in_dim3A_950 = vector.broadcast %jit3A_948 : i32 to vector<16xi32>
        %select_n3A_951 = arith.select %eq3A_946, %broadcast_in_dim3A_949, %broadcast_in_dim3A_950 : vector<16xi1>, vector<16xi32>
        %add3A_952 = arith.addi %add3A_945, %select_n3A_951 : vector<16xi32>
        %eq3A_953 = arith.cmpi eq, %and3A_712, %and3A_758 : vector<16xi32>
        %jit3A_954 = arith.constant 1 : i32
        %jit3A_955 = arith.constant 0 : i32
        %broadcast_in_dim3A_956 = vector.broadcast %jit3A_954 : i32 to vector<16xi32>
        %broadcast_in_dim3A_957 = vector.broadcast %jit3A_955 : i32 to vector<16xi32>
        %select_n3A_958 = arith.select %eq3A_953, %broadcast_in_dim3A_956, %broadcast_in_dim3A_957 : vector<16xi1>, vector<16xi32>
        %add3A_959 = arith.addi %add3A_952, %select_n3A_958 : vector<16xi32>
        %eq3A_960 = arith.cmpi eq, %and3A_735, %and3A_758 : vector<16xi32>
        %jit3A_961 = arith.constant 1 : i32
        %jit3A_962 = arith.constant 0 : i32
        %broadcast_in_dim3A_963 = vector.broadcast %jit3A_961 : i32 to vector<16xi32>
        %broadcast_in_dim3A_964 = vector.broadcast %jit3A_962 : i32 to vector<16xi32>
        %select_n3A_965 = arith.select %eq3A_960, %broadcast_in_dim3A_963, %broadcast_in_dim3A_964 : vector<16xi1>, vector<16xi32>
        %add3A_966 = arith.addi %add3A_959, %select_n3A_965 : vector<16xi32>
        %add3A_967 = arith.constant 1 : i32
        %add3A_968 = vector.broadcast %add3A_967 : i32 to vector<16xi32>
        %add3A_969 = arith.addi %gather3A, %add3A_968 : vector<16xi32>
        tpu.vector_store_idx %arg13[%add3A_602], %add3A_969 : memref<4096xi32, #tpu.memory_space<vmem>>[vector<16xi32>], vector<16xi32>,
        %add3A_970 = arith.constant 1 : i32
        %add3A_971 = vector.broadcast %add3A_970 : i32 to vector<16xi32>
        %add3A_972 = arith.addi %add3A_777, %add3A_971 : vector<16xi32>
        tpu.vector_store_idx %arg13[%add3A_625], %add3A_972 : memref<4096xi32, #tpu.memory_space<vmem>>[vector<16xi32>], vector<16xi32>,
        %add3A_973 = arith.constant 1 : i32
        %add3A_974 = vector.broadcast %add3A_973 : i32 to vector<16xi32>
        %add3A_975 = arith.addi %add3A_791, %add3A_974 : vector<16xi32>
        tpu.vector_store_idx %arg13[%add3A_648], %add3A_975 : memref<4096xi32, #tpu.memory_space<vmem>>[vector<16xi32>], vector<16xi32>,
        %add3A_976 = arith.constant 1 : i32
        %add3A_977 = vector.broadcast %add3A_976 : i32 to vector<16xi32>
        %add3A_978 = arith.addi %add3A_812, %add3A_977 : vector<16xi32>
        tpu.vector_store_idx %arg13[%add3A_671], %add3A_978 : memref<4096xi32, #tpu.memory_space<vmem>>[vector<16xi32>], vector<16xi32>,
        %add3A_979 = arith.constant 1 : i32
        %add3A_980 = vector.broadcast %add3A_979 : i32 to vector<16xi32>
        %add3A_981 = arith.addi %add3A_840, %add3A_980 : vector<16xi32>
        tpu.vector_store_idx %arg13[%add3A_694], %add3A_981 : memref<4096xi32, #tpu.memory_space<vmem>>[vector<16xi32>], vector<16xi32>,
        %add3A_982 = arith.constant 1 : i32
        %add3A_983 = vector.broadcast %add3A_982 : i32 to vector<16xi32>
        %add3A_984 = arith.addi %add3A_875, %add3A_983 : vector<16xi32>
        tpu.vector_store_idx %arg13[%add3A_717], %add3A_984 : memref<4096xi32, #tpu.memory_space<vmem>>[vector<16xi32>], vector<16xi32>,
        %add3A_985 = arith.constant 1 : i32
        %add3A_986 = vector.broadcast %add3A_985 : i32 to vector<16xi32>
        %add3A_987 = arith.addi %add3A_917, %add3A_986 : vector<16xi32>
        tpu.vector_store_idx %arg13[%add3A_740], %add3A_987 : memref<4096xi32, #tpu.memory_space<vmem>>[vector<16xi32>], vector<16xi32>,
        %add3A_988 = arith.constant 1 : i32
        %add3A_989 = vector.broadcast %add3A_988 : i32 to vector<16xi32>
        %add3A_990 = arith.addi %add3A_966, %add3A_989 : vector<16xi32>
        tpu.vector_store_idx %arg13[%add3A_763], %add3A_990 : memref<4096xi32, #tpu.memory_space<vmem>>[vector<16xi32>], vector<16xi32>,
        %and3A_991 = arith.constant 255 : i32
        %and3A_992 = vector.broadcast %and3A_991 : i32 to vector<16xi32>
        %and3A_993 = arith.andi %gather3A, %and3A_992 : vector<16xi32>
        %shift_left3A_994 = arith.constant 4 : i32
        %shift_left3A_995 = vector.broadcast %shift_left3A_994 : i32 to vector<16xi32>
        %shift_left3A_996 = arith.shli %and3A_993, %shift_left3A_995 : vector<16xi32>
        %shift_right_arithmetic3A_997 = arith.constant 8 : i32
        %shift_right_arithmetic3A_998 = vector.broadcast %shift_right_arithmetic3A_997 : i32 to vector<16xi32>
        %shift_right_arithmetic3A_999 = arith.shrsi %gather3A, %shift_right_arithmetic3A_998 : vector<16xi32>
        %or3A = arith.ori %shift_left3A_996, %shift_right_arithmetic3A_999 : vector<16xi32>
        tpu.vector_store_idx %arg10[%or3A], %get3A_589 : memref<4096xi32, #tpu.memory_space<vmem>>[vector<16xi32>], vector<16xi32>,
        tpu.vector_store_idx %arg12[%or3A], %get3A_593 : memref<4096xi32, #tpu.memory_space<vmem>>[vector<16xi32>], vector<16xi32>,
        %and3A_1000 = arith.constant 255 : i32
        %and3A_1001 = vector.broadcast %and3A_1000 : i32 to vector<16xi32>
        %and3A_1002 = arith.andi %add3A_777, %and3A_1001 : vector<16xi32>
        %shift_left3A_1003 = arith.constant 4 : i32
        %shift_left3A_1004 = vector.broadcast %shift_left3A_1003 : i32 to vector<16xi32>
        %shift_left3A_1005 = arith.shli %and3A_1002, %shift_left3A_1004 : vector<16xi32>
        %shift_right_arithmetic3A_1006 = arith.constant 8 : i32
        %shift_right_arithmetic3A_1007 = vector.broadcast %shift_right_arithmetic3A_1006 : i32 to vector<16xi32>
        %shift_right_arithmetic3A_1008 = arith.shrsi %add3A_777, %shift_right_arithmetic3A_1007 : vector<16xi32>
        %or3A_1009 = arith.ori %shift_left3A_1005, %shift_right_arithmetic3A_1008 : vector<16xi32>
        tpu.vector_store_idx %arg10[%or3A_1009], %get3A_610 : memref<4096xi32, #tpu.memory_space<vmem>>[vector<16xi32>], vector<16xi32>,
        tpu.vector_store_idx %arg12[%or3A_1009], %get3A_614 : memref<4096xi32, #tpu.memory_space<vmem>>[vector<16xi32>], vector<16xi32>,
        %and3A_1010 = arith.constant 255 : i32
        %and3A_1011 = vector.broadcast %and3A_1010 : i32 to vector<16xi32>
        %and3A_1012 = arith.andi %add3A_791, %and3A_1011 : vector<16xi32>
        %shift_left3A_1013 = arith.constant 4 : i32
        %shift_left3A_1014 = vector.broadcast %shift_left3A_1013 : i32 to vector<16xi32>
        %shift_left3A_1015 = arith.shli %and3A_1012, %shift_left3A_1014 : vector<16xi32>
        %shift_right_arithmetic3A_1016 = arith.constant 8 : i32
        %shift_right_arithmetic3A_1017 = vector.broadcast %shift_right_arithmetic3A_1016 : i32 to vector<16xi32>
        %shift_right_arithmetic3A_1018 = arith.shrsi %add3A_791, %shift_right_arithmetic3A_1017 : vector<16xi32>
        %or3A_1019 = arith.ori %shift_left3A_1015, %shift_right_arithmetic3A_1018 : vector<16xi32>
        tpu.vector_store_idx %arg10[%or3A_1019], %get3A_633 : memref<4096xi32, #tpu.memory_space<vmem>>[vector<16xi32>], vector<16xi32>,
        tpu.vector_store_idx %arg12[%or3A_1019], %get3A_637 : memref<4096xi32, #tpu.memory_space<vmem>>[vector<16xi32>], vector<16xi32>,
        %and3A_1020 = arith.constant 255 : i32
        %and3A_1021 = vector.broadcast %and3A_1020 : i32 to vector<16xi32>
        %and3A_1022 = arith.andi %add3A_812, %and3A_1021 : vector<16xi32>
        %shift_left3A_1023 = arith.constant 4 : i32
        %shift_left3A_1024 = vector.broadcast %shift_left3A_1023 : i32 to vector<16xi32>
        %shift_left3A_1025 = arith.shli %and3A_1022, %shift_left3A_1024 : vector<16xi32>
        %shift_right_arithmetic3A_1026 = arith.constant 8 : i32
        %shift_right_arithmetic3A_1027 = vector.broadcast %shift_right_arithmetic3A_1026 : i32 to vector<16xi32>
        %shift_right_arithmetic3A_1028 = arith.shrsi %add3A_812, %shift_right_arithmetic3A_1027 : vector<16xi32>
        %or3A_1029 = arith.ori %shift_left3A_1025, %shift_right_arithmetic3A_1028 : vector<16xi32>
        tpu.vector_store_idx %arg10[%or3A_1029], %get3A_656 : memref<4096xi32, #tpu.memory_space<vmem>>[vector<16xi32>], vector<16xi32>,
        tpu.vector_store_idx %arg12[%or3A_1029], %get3A_660 : memref<4096xi32, #tpu.memory_space<vmem>>[vector<16xi32>], vector<16xi32>,
        %and3A_1030 = arith.constant 255 : i32
        %and3A_1031 = vector.broadcast %and3A_1030 : i32 to vector<16xi32>
        %and3A_1032 = arith.andi %add3A_840, %and3A_1031 : vector<16xi32>
        %shift_left3A_1033 = arith.constant 4 : i32
        %shift_left3A_1034 = vector.broadcast %shift_left3A_1033 : i32 to vector<16xi32>
        %shift_left3A_1035 = arith.shli %and3A_1032, %shift_left3A_1034 : vector<16xi32>
        %shift_right_arithmetic3A_1036 = arith.constant 8 : i32
        %shift_right_arithmetic3A_1037 = vector.broadcast %shift_right_arithmetic3A_1036 : i32 to vector<16xi32>
        %shift_right_arithmetic3A_1038 = arith.shrsi %add3A_840, %shift_right_arithmetic3A_1037 : vector<16xi32>
        %or3A_1039 = arith.ori %shift_left3A_1035, %shift_right_arithmetic3A_1038 : vector<16xi32>
        tpu.vector_store_idx %arg10[%or3A_1039], %get3A_679 : memref<4096xi32, #tpu.memory_space<vmem>>[vector<16xi32>], vector<16xi32>,
        tpu.vector_store_idx %arg12[%or3A_1039], %get3A_683 : memref<4096xi32, #tpu.memory_space<vmem>>[vector<16xi32>], vector<16xi32>,
        %and3A_1040 = arith.constant 255 : i32
        %and3A_1041 = vector.broadcast %and3A_1040 : i32 to vector<16xi32>
        %and3A_1042 = arith.andi %add3A_875, %and3A_1041 : vector<16xi32>
        %shift_left3A_1043 = arith.constant 4 : i32
        %shift_left3A_1044 = vector.broadcast %shift_left3A_1043 : i32 to vector<16xi32>
        %shift_left3A_1045 = arith.shli %and3A_1042, %shift_left3A_1044 : vector<16xi32>
        %shift_right_arithmetic3A_1046 = arith.constant 8 : i32
        %shift_right_arithmetic3A_1047 = vector.broadcast %shift_right_arithmetic3A_1046 : i32 to vector<16xi32>
        %shift_right_arithmetic3A_1048 = arith.shrsi %add3A_875, %shift_right_arithmetic3A_1047 : vector<16xi32>
        %or3A_1049 = arith.ori %shift_left3A_1045, %shift_right_arithmetic3A_1048 : vector<16xi32>
        tpu.vector_store_idx %arg10[%or3A_1049], %get3A_702 : memref<4096xi32, #tpu.memory_space<vmem>>[vector<16xi32>], vector<16xi32>,
        tpu.vector_store_idx %arg12[%or3A_1049], %get3A_706 : memref<4096xi32, #tpu.memory_space<vmem>>[vector<16xi32>], vector<16xi32>,
        %and3A_1050 = arith.constant 255 : i32
        %and3A_1051 = vector.broadcast %and3A_1050 : i32 to vector<16xi32>
        %and3A_1052 = arith.andi %add3A_917, %and3A_1051 : vector<16xi32>
        %shift_left3A_1053 = arith.constant 4 : i32
        %shift_left3A_1054 = vector.broadcast %shift_left3A_1053 : i32 to vector<16xi32>
        %shift_left3A_1055 = arith.shli %and3A_1052, %shift_left3A_1054 : vector<16xi32>
        %shift_right_arithmetic3A_1056 = arith.constant 8 : i32
        %shift_right_arithmetic3A_1057 = vector.broadcast %shift_right_arithmetic3A_1056 : i32 to vector<16xi32>
        %shift_right_arithmetic3A_1058 = arith.shrsi %add3A_917, %shift_right_arithmetic3A_1057 : vector<16xi32>
        %or3A_1059 = arith.ori %shift_left3A_1055, %shift_right_arithmetic3A_1058 : vector<16xi32>
        tpu.vector_store_idx %arg10[%or3A_1059], %get3A_725 : memref<4096xi32, #tpu.memory_space<vmem>>[vector<16xi32>], vector<16xi32>,
        tpu.vector_store_idx %arg12[%or3A_1059], %get3A_729 : memref<4096xi32, #tpu.memory_space<vmem>>[vector<16xi32>], vector<16xi32>,
        %and3A_1060 = arith.constant 255 : i32
        %and3A_1061 = vector.broadcast %and3A_1060 : i32 to vector<16xi32>
        %and3A_1062 = arith.andi %add3A_966, %and3A_1061 : vector<16xi32>
        %shift_left3A_1063 = arith.constant 4 : i32
        %shift_left3A_1064 = vector.broadcast %shift_left3A_1063 : i32 to vector<16xi32>
        %shift_left3A_1065 = arith.shli %and3A_1062, %shift_left3A_1064 : vector<16xi32>
        %shift_right_arithmetic3A_1066 = arith.constant 8 : i32
        %shift_right_arithmetic3A_1067 = vector.broadcast %shift_right_arithmetic3A_1066 : i32 to vector<16xi32>
        %shift_right_arithmetic3A_1068 = arith.shrsi %add3A_966, %shift_right_arithmetic3A_1067 : vector<16xi32>
        %or3A_1069 = arith.ori %shift_left3A_1065, %shift_right_arithmetic3A_1068 : vector<16xi32>
        tpu.vector_store_idx %arg10[%or3A_1069], %get3A_748 : memref<4096xi32, #tpu.memory_space<vmem>>[vector<16xi32>], vector<16xi32>,
        tpu.vector_store_idx %arg12[%or3A_1069], %get3A_752 : memref<4096xi32, #tpu.memory_space<vmem>>[vector<16xi32>], vector<16xi32>,
        %scan3A_1070 = arith.constant 0 : i32
        scf.yield %scan3A_1070 : i32
      }
      %scan3A_547 = arith.constant 32 : i32
      %parallel_loop3A_548 = arith.constant 0 : i32
      %parallel_loop3A_549 = arith.constant 256 : i32
      %parallel_loop3A_550 = arith.constant 1 : i32
      "tpu.trace_stop"() : () -> ()
      "tpu.trace_start"() <{level = 10 : i32, message = "p3_zero"}> : () -> ()
      scf.for %parallel_loop3A_581 = %parallel_loop3A_548 to %parallel_loop3A_549 step %parallel_loop3A_550  : i32 {
        %parallel_loop3A_582 = arith.constant 16 : i32
        %parallel_loop3A_583 = arith.muli %parallel_loop3A_581, %parallel_loop3A_582 : i32
        %parallel_loop3A_584 = arith.index_cast %parallel_loop3A_583 : i32 to index
        %parallel_loop3A_585 = tpu.vector_load %arg13[%parallel_loop3A_584] {strides = array<i32>} : memref<4096xi32, #tpu.memory_space<vmem>>, vector<16xi32>,
        tpu.vector_store %arg13[%parallel_loop3A_584], %broadcast_in_dim3A_457 {strides = array<i32>} : memref<4096xi32, #tpu.memory_space<vmem>>, vector<16xi32>,
      } {sc.loop_unroll_factor = 4 : i64, sc.parallel_access}
      %parallel_loop3A_551 = arith.constant 0 : i32
      %parallel_loop3A_552 = arith.constant 256 : i32
      %parallel_loop3A_553 = arith.constant 1 : i32
      "tpu.trace_stop"() : () -> ()
      "tpu.trace_start"() <{level = 10 : i32, message = "p3_hist"}> : () -> ()
      scf.for %parallel_loop3A_581 = %parallel_loop3A_551 to %parallel_loop3A_552 step %parallel_loop3A_553  : i32 {
        %parallel_loop3A_582 = arith.constant 16 : i32
        %parallel_loop3A_583 = arith.muli %parallel_loop3A_581, %parallel_loop3A_582 : i32
        %parallel_loop3A_584 = arith.index_cast %parallel_loop3A_583 : i32 to index
        %parallel_loop3A_585 = tpu.vector_load %arg10[%parallel_loop3A_584] {strides = array<i32>} : memref<4096xi32, #tpu.memory_space<vmem>>, vector<16xi32>,
        %parallel_loop3A_586 = arith.constant 24 : i32
        %parallel_loop3A_587 = vector.broadcast %parallel_loop3A_586 : i32 to vector<16xi32>
        %parallel_loop3A_588 = arith.shrsi %parallel_loop3A_585, %parallel_loop3A_587 : vector<16xi32>
        %parallel_loop3A_589 = arith.constant 255 : i32
        %parallel_loop3A_590 = vector.broadcast %parallel_loop3A_589 : i32 to vector<16xi32>
        %parallel_loop3A_591 = arith.andi %parallel_loop3A_588, %parallel_loop3A_590 : vector<16xi32>
        %parallel_loop3A_592 = arith.constant 4 : i32
        %parallel_loop3A_593 = vector.broadcast %parallel_loop3A_592 : i32 to vector<16xi32>
        %parallel_loop3A_594 = arith.shli %parallel_loop3A_591, %parallel_loop3A_593 : vector<16xi32>
        %parallel_loop3A_595 = tpu.iota {dimensions = array<i32: 0>} : vector<16xi32>
        %parallel_loop3A_596 = arith.addi %parallel_loop3A_594, %parallel_loop3A_595 : vector<16xi32>
        tpu.vector_store_idx %arg13[%parallel_loop3A_596], %broadcast_in_dim3A_459 {add = true} : memref<4096xi32, #tpu.memory_space<vmem>>[vector<16xi32>], vector<16xi32>,
      } {sc.loop_unroll_factor = 2 : i64, sc.parallel_access}
      "tpu.trace_stop"() : () -> ()
      %iota3A_554 = tpu.iota {dimensions = array<i32: 0>} : vector<16xi32>
      %eq3A_555 = arith.constant 0 : i32
      %eq3A_556 = vector.broadcast %eq3A_555 : i32 to vector<16xi32>
      %eq3A_557 = arith.cmpi eq, %iota3A_554, %eq3A_556 : vector<16xi32>
      %parallel_loop3A_558 = arith.constant 0 : i32
      %parallel_loop3A_559 = arith.constant 256 : i32
      %parallel_loop3A_560 = arith.constant 1 : i32
      "tpu.trace_start"() <{level = 10 : i32, message = "p3_scan"}> : () -> ()
      scf.for %parallel_loop3A_581 = %parallel_loop3A_558 to %parallel_loop3A_559 step %parallel_loop3A_560  : i32 {
        %parallel_loop3A_582 = arith.constant 16 : i32
        %parallel_loop3A_583 = arith.muli %parallel_loop3A_581, %parallel_loop3A_582 : i32
        %parallel_loop3A_584 = arith.index_cast %parallel_loop3A_583 : i32 to index
        %parallel_loop3A_585 = tpu.vector_load %arg13[%parallel_loop3A_584] {strides = array<i32>} : memref<4096xi32, #tpu.memory_space<vmem>>, vector<16xi32>,
        %parallel_loop3A_586 = arith.constant true
        %parallel_loop3A_587 = vector.broadcast %parallel_loop3A_586 : i1 to vector<16xi1>
        %parallel_loop3A_588 = tpu.scan <sum>, %parallel_loop3A_585 masked %parallel_loop3A_587 : vector<16xi32>, vector<16xi1> -> vector<16xi32>
        %parallel_loop3A_589 = arith.subi %parallel_loop3A_588, %parallel_loop3A_585 : vector<16xi32>
        %parallel_loop3A_590 = arith.constant 16 : i32
        %parallel_loop3A_591 = arith.muli %parallel_loop3A_581, %parallel_loop3A_590 : i32
        %parallel_loop3A_592 = arith.index_cast %parallel_loop3A_591 : i32 to index
        %parallel_loop3A_593 = tpu.vector_load %arg13[%parallel_loop3A_592] {strides = array<i32>} : memref<4096xi32, #tpu.memory_space<vmem>>, vector<16xi32>,
        tpu.vector_store %arg13[%parallel_loop3A_592], %parallel_loop3A_589 {strides = array<i32>} : memref<4096xi32, #tpu.memory_space<vmem>>, vector<16xi32>,
        %parallel_loop3A_594 = arith.constant true
        %parallel_loop3A_595 = vector.broadcast %parallel_loop3A_594 : i1 to vector<16xi1>
        %parallel_loop3A_596 = tpu.scan <sum>, %parallel_loop3A_585 masked %parallel_loop3A_595 : vector<16xi32>, vector<16xi1> -> vector<16xi32>
        %parallel_loop3A_597 = vector.extract %parallel_loop3A_596[15] : i32 from vector<16xi32>
        %parallel_loop3A_598 = vector.broadcast %parallel_loop3A_597 : i32 to vector<16xi32>
        %parallel_loop3A_599 = vector.broadcast %parallel_loop3A_581 : i32 to vector<16xi32>
        tpu.vector_store_idx %arg14[%parallel_loop3A_599], %parallel_loop3A_598 masked %eq3A_557 : memref<256xi32, #tpu.memory_space<vmem>>[vector<16xi32>], vector<16xi32>, vector<16xi1>
      } {sc.loop_unroll_factor = 2 : i64, sc.parallel_access}
      %scan3A_561 = arith.constant 0 : i32
      %scan3A_562 = arith.constant 0 : i32
      %scan3A_563 = arith.constant 16 : i32
      %scan3A_564 = arith.addi %scan3A_562, %scan3A_563 : i32
      %scan3A_565 = arith.constant 1 : i32
      %scan3A_566 = scf.for %scan3A_581 = %scan3A_562 to %scan3A_564 step %scan3A_565 iter_args(%scan3A_582 = %scan3A_561) -> (i32)  : i32 {
        %mul3A_583 = arith.constant 16 : i32
        %mul3A_584 = arith.muli %scan3A_581, %mul3A_583 : i32
        %get3A = arith.index_cast %mul3A_584 : i32 to index
        %get3A_585 = tpu.vector_load %arg14[%get3A] {strides = array<i32>} : memref<256xi32, #tpu.memory_space<vmem>>, vector<16xi32>,
        %broadcast_in_dim3A_586 = arith.constant true
        %broadcast_in_dim3A_587 = vector.broadcast %broadcast_in_dim3A_586 : i1 to vector<16xi1>
        %masked_cumsum3A = tpu.scan <sum>, %get3A_585 masked %broadcast_in_dim3A_587 : vector<16xi32>, vector<16xi1> -> vector<16xi32>
        %sub3A_588 = arith.subi %masked_cumsum3A, %get3A_585 : vector<16xi32>
        %add3A_589 = vector.broadcast %scan3A_582 : i32 to vector<16xi32>
        %add3A_590 = arith.addi %sub3A_588, %add3A_589 : vector<16xi32>
        %mul3A_591 = arith.constant 16 : i32
        %mul3A_592 = arith.muli %scan3A_581, %mul3A_591 : i32
        %swap3A = arith.index_cast %mul3A_592 : i32 to index
        %swap3A_593 = tpu.vector_load %arg14[%swap3A] {strides = array<i32>} : memref<256xi32, #tpu.memory_space<vmem>>, vector<16xi32>,
        tpu.vector_store %arg14[%swap3A], %add3A_590 {strides = array<i32>} : memref<256xi32, #tpu.memory_space<vmem>>, vector<16xi32>,
        %reduce_sum3A = arith.constant true
        %reduce_sum3A_594 = vector.broadcast %reduce_sum3A : i1 to vector<16xi1>
        %reduce_sum3A_595 = tpu.scan <sum>, %get3A_585 masked %reduce_sum3A_594 : vector<16xi32>, vector<16xi1> -> vector<16xi32>
        %reduce_sum3A_596 = vector.extract %reduce_sum3A_595[15] : i32 from vector<16xi32>
        %add3A_597 = arith.addi %scan3A_582, %reduce_sum3A_596 : i32
        scf.yield %add3A_597 : i32
      }
      %scan3A_567 = arith.constant 16 : i32
      %parallel_loop3A_568 = arith.constant 0 : i32
      %parallel_loop3A_569 = arith.constant 256 : i32
      %parallel_loop3A_570 = arith.constant 1 : i32
      scf.for %parallel_loop3A_581 = %parallel_loop3A_568 to %parallel_loop3A_569 step %parallel_loop3A_570  : i32 {
        %parallel_loop3A_582 = vector.broadcast %parallel_loop3A_581 : i32 to vector<16xi32>
        %parallel_loop3A_583 = tpu.vector_load_idx %arg14[%parallel_loop3A_582] : memref<256xi32, #tpu.memory_space<vmem>>[vector<16xi32>], vector<16xi32>,
        %parallel_loop3A_584 = arith.constant 16 : i32
        %parallel_loop3A_585 = arith.muli %parallel_loop3A_581, %parallel_loop3A_584 : i32
        %parallel_loop3A_586 = arith.index_cast %parallel_loop3A_585 : i32 to index
        %parallel_loop3A_587 = tpu.vector_load %arg13[%parallel_loop3A_586] {strides = array<i32>} : memref<4096xi32, #tpu.memory_space<vmem>>, vector<16xi32>,
        %parallel_loop3A_588 = arith.addi %parallel_loop3A_587, %parallel_loop3A_583 : vector<16xi32>
        %parallel_loop3A_589 = arith.constant 16 : i32
        %parallel_loop3A_590 = arith.muli %parallel_loop3A_581, %parallel_loop3A_589 : i32
        %parallel_loop3A_591 = arith.index_cast %parallel_loop3A_590 : i32 to index
        %parallel_loop3A_592 = tpu.vector_load %arg13[%parallel_loop3A_591] {strides = array<i32>} : memref<4096xi32, #tpu.memory_space<vmem>>, vector<16xi32>,
        tpu.vector_store %arg13[%parallel_loop3A_591], %parallel_loop3A_588 {strides = array<i32>} : memref<4096xi32, #tpu.memory_space<vmem>>, vector<16xi32>,
      } {sc.loop_unroll_factor = 2 : i64, sc.parallel_access}
      "tpu.trace_stop"() : () -> ()
      "tpu.trace_start"() <{level = 10 : i32, message = "p3_permute"}> : () -> ()
      %scan3A_571 = arith.constant 0 : i32
      %scan3A_572 = arith.constant 0 : i32
      %scan3A_573 = arith.constant 32 : i32
      %scan3A_574 = arith.addi %scan3A_572, %scan3A_573 : i32
      %scan3A_575 = arith.constant 1 : i32
      %scan3A_576 = scf.for %scan3A_581 = %scan3A_572 to %scan3A_574 step %scan3A_575 iter_args(%scan3A_582 = %scan3A_571) -> (i32)  : i32 {
        %mul3A_583 = arith.constant 8 : i32
        %mul3A_584 = arith.muli %scan3A_581, %mul3A_583 : i32
        %add3A_585 = arith.constant 0 : i32
        %add3A_586 = arith.addi %mul3A_584, %add3A_585 : i32
        %mul3A_587 = arith.constant 16 : i32
        %mul3A_588 = arith.muli %add3A_586, %mul3A_587 : i32
        %get3A = arith.index_cast %mul3A_588 : i32 to index
        %get3A_589 = tpu.vector_load %arg10[%get3A] {strides = array<i32>} : memref<4096xi32, #tpu.memory_space<vmem>>, vector<16xi32>,
        %mul3A_590 = arith.constant 16 : i32
        %mul3A_591 = arith.muli %add3A_586, %mul3A_590 : i32
        %get3A_592 = arith.index_cast %mul3A_591 : i32 to index
        %get3A_593 = tpu.vector_load %arg12[%get3A_592] {strides = array<i32>} : memref<4096xi32, #tpu.memory_space<vmem>>, vector<16xi32>,
        %shift_right_arithmetic3A = arith.constant 24 : i32
        %shift_right_arithmetic3A_594 = vector.broadcast %shift_right_arithmetic3A : i32 to vector<16xi32>
        %shift_right_arithmetic3A_595 = arith.shrsi %get3A_589, %shift_right_arithmetic3A_594 : vector<16xi32>
        %and3A_596 = arith.constant 255 : i32
        %and3A_597 = vector.broadcast %and3A_596 : i32 to vector<16xi32>
        %and3A_598 = arith.andi %shift_right_arithmetic3A_595, %and3A_597 : vector<16xi32>
        %shift_left3A = arith.constant 4 : i32
        %shift_left3A_599 = vector.broadcast %shift_left3A : i32 to vector<16xi32>
        %shift_left3A_600 = arith.shli %and3A_598, %shift_left3A_599 : vector<16xi32>
        %iota3A_601 = tpu.iota {dimensions = array<i32: 0>} : vector<16xi32>
        %add3A_602 = arith.addi %shift_left3A_600, %iota3A_601 : vector<16xi32>
        %mul3A_603 = arith.constant 8 : i32
        %mul3A_604 = arith.muli %scan3A_581, %mul3A_603 : i32
        %add3A_605 = arith.constant 1 : i32
        %add3A_606 = arith.addi %mul3A_604, %add3A_605 : i32
        %mul3A_607 = arith.constant 16 : i32
        %mul3A_608 = arith.muli %add3A_606, %mul3A_607 : i32
        %get3A_609 = arith.index_cast %mul3A_608 : i32 to index
        %get3A_610 = tpu.vector_load %arg10[%get3A_609] {strides = array<i32>} : memref<4096xi32, #tpu.memory_space<vmem>>, vector<16xi32>,
        %mul3A_611 = arith.constant 16 : i32
        %mul3A_612 = arith.muli %add3A_606, %mul3A_611 : i32
        %get3A_613 = arith.index_cast %mul3A_612 : i32 to index
        %get3A_614 = tpu.vector_load %arg12[%get3A_613] {strides = array<i32>} : memref<4096xi32, #tpu.memory_space<vmem>>, vector<16xi32>,
        %shift_right_arithmetic3A_615 = arith.constant 24 : i32
        %shift_right_arithmetic3A_616 = vector.broadcast %shift_right_arithmetic3A_615 : i32 to vector<16xi32>
        %shift_right_arithmetic3A_617 = arith.shrsi %get3A_610, %shift_right_arithmetic3A_616 : vector<16xi32>
        %and3A_618 = arith.constant 255 : i32
        %and3A_619 = vector.broadcast %and3A_618 : i32 to vector<16xi32>
        %and3A_620 = arith.andi %shift_right_arithmetic3A_617, %and3A_619 : vector<16xi32>
        %shift_left3A_621 = arith.constant 4 : i32
        %shift_left3A_622 = vector.broadcast %shift_left3A_621 : i32 to vector<16xi32>
        %shift_left3A_623 = arith.shli %and3A_620, %shift_left3A_622 : vector<16xi32>
        %iota3A_624 = tpu.iota {dimensions = array<i32: 0>} : vector<16xi32>
        %add3A_625 = arith.addi %shift_left3A_623, %iota3A_624 : vector<16xi32>
        %mul3A_626 = arith.constant 8 : i32
        %mul3A_627 = arith.muli %scan3A_581, %mul3A_626 : i32
        %add3A_628 = arith.constant 2 : i32
        %add3A_629 = arith.addi %mul3A_627, %add3A_628 : i32
        %mul3A_630 = arith.constant 16 : i32
        %mul3A_631 = arith.muli %add3A_629, %mul3A_630 : i32
        %get3A_632 = arith.index_cast %mul3A_631 : i32 to index
        %get3A_633 = tpu.vector_load %arg10[%get3A_632] {strides = array<i32>} : memref<4096xi32, #tpu.memory_space<vmem>>, vector<16xi32>,
        %mul3A_634 = arith.constant 16 : i32
        %mul3A_635 = arith.muli %add3A_629, %mul3A_634 : i32
        %get3A_636 = arith.index_cast %mul3A_635 : i32 to index
        %get3A_637 = tpu.vector_load %arg12[%get3A_636] {strides = array<i32>} : memref<4096xi32, #tpu.memory_space<vmem>>, vector<16xi32>,
        %shift_right_arithmetic3A_638 = arith.constant 24 : i32
        %shift_right_arithmetic3A_639 = vector.broadcast %shift_right_arithmetic3A_638 : i32 to vector<16xi32>
        %shift_right_arithmetic3A_640 = arith.shrsi %get3A_633, %shift_right_arithmetic3A_639 : vector<16xi32>
        %and3A_641 = arith.constant 255 : i32
        %and3A_642 = vector.broadcast %and3A_641 : i32 to vector<16xi32>
        %and3A_643 = arith.andi %shift_right_arithmetic3A_640, %and3A_642 : vector<16xi32>
        %shift_left3A_644 = arith.constant 4 : i32
        %shift_left3A_645 = vector.broadcast %shift_left3A_644 : i32 to vector<16xi32>
        %shift_left3A_646 = arith.shli %and3A_643, %shift_left3A_645 : vector<16xi32>
        %iota3A_647 = tpu.iota {dimensions = array<i32: 0>} : vector<16xi32>
        %add3A_648 = arith.addi %shift_left3A_646, %iota3A_647 : vector<16xi32>
        %mul3A_649 = arith.constant 8 : i32
        %mul3A_650 = arith.muli %scan3A_581, %mul3A_649 : i32
        %add3A_651 = arith.constant 3 : i32
        %add3A_652 = arith.addi %mul3A_650, %add3A_651 : i32
        %mul3A_653 = arith.constant 16 : i32
        %mul3A_654 = arith.muli %add3A_652, %mul3A_653 : i32
        %get3A_655 = arith.index_cast %mul3A_654 : i32 to index
        %get3A_656 = tpu.vector_load %arg10[%get3A_655] {strides = array<i32>} : memref<4096xi32, #tpu.memory_space<vmem>>, vector<16xi32>,
        %mul3A_657 = arith.constant 16 : i32
        %mul3A_658 = arith.muli %add3A_652, %mul3A_657 : i32
        %get3A_659 = arith.index_cast %mul3A_658 : i32 to index
        %get3A_660 = tpu.vector_load %arg12[%get3A_659] {strides = array<i32>} : memref<4096xi32, #tpu.memory_space<vmem>>, vector<16xi32>,
        %shift_right_arithmetic3A_661 = arith.constant 24 : i32
        %shift_right_arithmetic3A_662 = vector.broadcast %shift_right_arithmetic3A_661 : i32 to vector<16xi32>
        %shift_right_arithmetic3A_663 = arith.shrsi %get3A_656, %shift_right_arithmetic3A_662 : vector<16xi32>
        %and3A_664 = arith.constant 255 : i32
        %and3A_665 = vector.broadcast %and3A_664 : i32 to vector<16xi32>
        %and3A_666 = arith.andi %shift_right_arithmetic3A_663, %and3A_665 : vector<16xi32>
        %shift_left3A_667 = arith.constant 4 : i32
        %shift_left3A_668 = vector.broadcast %shift_left3A_667 : i32 to vector<16xi32>
        %shift_left3A_669 = arith.shli %and3A_666, %shift_left3A_668 : vector<16xi32>
        %iota3A_670 = tpu.iota {dimensions = array<i32: 0>} : vector<16xi32>
        %add3A_671 = arith.addi %shift_left3A_669, %iota3A_670 : vector<16xi32>
        %mul3A_672 = arith.constant 8 : i32
        %mul3A_673 = arith.muli %scan3A_581, %mul3A_672 : i32
        %add3A_674 = arith.constant 4 : i32
        %add3A_675 = arith.addi %mul3A_673, %add3A_674 : i32
        %mul3A_676 = arith.constant 16 : i32
        %mul3A_677 = arith.muli %add3A_675, %mul3A_676 : i32
        %get3A_678 = arith.index_cast %mul3A_677 : i32 to index
        %get3A_679 = tpu.vector_load %arg10[%get3A_678] {strides = array<i32>} : memref<4096xi32, #tpu.memory_space<vmem>>, vector<16xi32>,
        %mul3A_680 = arith.constant 16 : i32
        %mul3A_681 = arith.muli %add3A_675, %mul3A_680 : i32
        %get3A_682 = arith.index_cast %mul3A_681 : i32 to index
        %get3A_683 = tpu.vector_load %arg12[%get3A_682] {strides = array<i32>} : memref<4096xi32, #tpu.memory_space<vmem>>, vector<16xi32>,
        %shift_right_arithmetic3A_684 = arith.constant 24 : i32
        %shift_right_arithmetic3A_685 = vector.broadcast %shift_right_arithmetic3A_684 : i32 to vector<16xi32>
        %shift_right_arithmetic3A_686 = arith.shrsi %get3A_679, %shift_right_arithmetic3A_685 : vector<16xi32>
        %and3A_687 = arith.constant 255 : i32
        %and3A_688 = vector.broadcast %and3A_687 : i32 to vector<16xi32>
        %and3A_689 = arith.andi %shift_right_arithmetic3A_686, %and3A_688 : vector<16xi32>
        %shift_left3A_690 = arith.constant 4 : i32
        %shift_left3A_691 = vector.broadcast %shift_left3A_690 : i32 to vector<16xi32>
        %shift_left3A_692 = arith.shli %and3A_689, %shift_left3A_691 : vector<16xi32>
        %iota3A_693 = tpu.iota {dimensions = array<i32: 0>} : vector<16xi32>
        %add3A_694 = arith.addi %shift_left3A_692, %iota3A_693 : vector<16xi32>
        %mul3A_695 = arith.constant 8 : i32
        %mul3A_696 = arith.muli %scan3A_581, %mul3A_695 : i32
        %add3A_697 = arith.constant 5 : i32
        %add3A_698 = arith.addi %mul3A_696, %add3A_697 : i32
        %mul3A_699 = arith.constant 16 : i32
        %mul3A_700 = arith.muli %add3A_698, %mul3A_699 : i32
        %get3A_701 = arith.index_cast %mul3A_700 : i32 to index
        %get3A_702 = tpu.vector_load %arg10[%get3A_701] {strides = array<i32>} : memref<4096xi32, #tpu.memory_space<vmem>>, vector<16xi32>,
        %mul3A_703 = arith.constant 16 : i32
        %mul3A_704 = arith.muli %add3A_698, %mul3A_703 : i32
        %get3A_705 = arith.index_cast %mul3A_704 : i32 to index
        %get3A_706 = tpu.vector_load %arg12[%get3A_705] {strides = array<i32>} : memref<4096xi32, #tpu.memory_space<vmem>>, vector<16xi32>,
        %shift_right_arithmetic3A_707 = arith.constant 24 : i32
        %shift_right_arithmetic3A_708 = vector.broadcast %shift_right_arithmetic3A_707 : i32 to vector<16xi32>
        %shift_right_arithmetic3A_709 = arith.shrsi %get3A_702, %shift_right_arithmetic3A_708 : vector<16xi32>
        %and3A_710 = arith.constant 255 : i32
        %and3A_711 = vector.broadcast %and3A_710 : i32 to vector<16xi32>
        %and3A_712 = arith.andi %shift_right_arithmetic3A_709, %and3A_711 : vector<16xi32>
        %shift_left3A_713 = arith.constant 4 : i32
        %shift_left3A_714 = vector.broadcast %shift_left3A_713 : i32 to vector<16xi32>
        %shift_left3A_715 = arith.shli %and3A_712, %shift_left3A_714 : vector<16xi32>
        %iota3A_716 = tpu.iota {dimensions = array<i32: 0>} : vector<16xi32>
        %add3A_717 = arith.addi %shift_left3A_715, %iota3A_716 : vector<16xi32>
        %mul3A_718 = arith.constant 8 : i32
        %mul3A_719 = arith.muli %scan3A_581, %mul3A_718 : i32
        %add3A_720 = arith.constant 6 : i32
        %add3A_721 = arith.addi %mul3A_719, %add3A_720 : i32
        %mul3A_722 = arith.constant 16 : i32
        %mul3A_723 = arith.muli %add3A_721, %mul3A_722 : i32
        %get3A_724 = arith.index_cast %mul3A_723 : i32 to index
        %get3A_725 = tpu.vector_load %arg10[%get3A_724] {strides = array<i32>} : memref<4096xi32, #tpu.memory_space<vmem>>, vector<16xi32>,
        %mul3A_726 = arith.constant 16 : i32
        %mul3A_727 = arith.muli %add3A_721, %mul3A_726 : i32
        %get3A_728 = arith.index_cast %mul3A_727 : i32 to index
        %get3A_729 = tpu.vector_load %arg12[%get3A_728] {strides = array<i32>} : memref<4096xi32, #tpu.memory_space<vmem>>, vector<16xi32>,
        %shift_right_arithmetic3A_730 = arith.constant 24 : i32
        %shift_right_arithmetic3A_731 = vector.broadcast %shift_right_arithmetic3A_730 : i32 to vector<16xi32>
        %shift_right_arithmetic3A_732 = arith.shrsi %get3A_725, %shift_right_arithmetic3A_731 : vector<16xi32>
        %and3A_733 = arith.constant 255 : i32
        %and3A_734 = vector.broadcast %and3A_733 : i32 to vector<16xi32>
        %and3A_735 = arith.andi %shift_right_arithmetic3A_732, %and3A_734 : vector<16xi32>
        %shift_left3A_736 = arith.constant 4 : i32
        %shift_left3A_737 = vector.broadcast %shift_left3A_736 : i32 to vector<16xi32>
        %shift_left3A_738 = arith.shli %and3A_735, %shift_left3A_737 : vector<16xi32>
        %iota3A_739 = tpu.iota {dimensions = array<i32: 0>} : vector<16xi32>
        %add3A_740 = arith.addi %shift_left3A_738, %iota3A_739 : vector<16xi32>
        %mul3A_741 = arith.constant 8 : i32
        %mul3A_742 = arith.muli %scan3A_581, %mul3A_741 : i32
        %add3A_743 = arith.constant 7 : i32
        %add3A_744 = arith.addi %mul3A_742, %add3A_743 : i32
        %mul3A_745 = arith.constant 16 : i32
        %mul3A_746 = arith.muli %add3A_744, %mul3A_745 : i32
        %get3A_747 = arith.index_cast %mul3A_746 : i32 to index
        %get3A_748 = tpu.vector_load %arg10[%get3A_747] {strides = array<i32>} : memref<4096xi32, #tpu.memory_space<vmem>>, vector<16xi32>,
        %mul3A_749 = arith.constant 16 : i32
        %mul3A_750 = arith.muli %add3A_744, %mul3A_749 : i32
        %get3A_751 = arith.index_cast %mul3A_750 : i32 to index
        %get3A_752 = tpu.vector_load %arg12[%get3A_751] {strides = array<i32>} : memref<4096xi32, #tpu.memory_space<vmem>>, vector<16xi32>,
        %shift_right_arithmetic3A_753 = arith.constant 24 : i32
        %shift_right_arithmetic3A_754 = vector.broadcast %shift_right_arithmetic3A_753 : i32 to vector<16xi32>
        %shift_right_arithmetic3A_755 = arith.shrsi %get3A_748, %shift_right_arithmetic3A_754 : vector<16xi32>
        %and3A_756 = arith.constant 255 : i32
        %and3A_757 = vector.broadcast %and3A_756 : i32 to vector<16xi32>
        %and3A_758 = arith.andi %shift_right_arithmetic3A_755, %and3A_757 : vector<16xi32>
        %shift_left3A_759 = arith.constant 4 : i32
        %shift_left3A_760 = vector.broadcast %shift_left3A_759 : i32 to vector<16xi32>
        %shift_left3A_761 = arith.shli %and3A_758, %shift_left3A_760 : vector<16xi32>
        %iota3A_762 = tpu.iota {dimensions = array<i32: 0>} : vector<16xi32>
        %add3A_763 = arith.addi %shift_left3A_761, %iota3A_762 : vector<16xi32>
        %gather3A = tpu.vector_load_idx %arg13[%add3A_602] : memref<4096xi32, #tpu.memory_space<vmem>>[vector<16xi32>], vector<16xi32>,
        %gather3A_764 = tpu.vector_load_idx %arg13[%add3A_625] : memref<4096xi32, #tpu.memory_space<vmem>>[vector<16xi32>], vector<16xi32>,
        %gather3A_765 = tpu.vector_load_idx %arg13[%add3A_648] : memref<4096xi32, #tpu.memory_space<vmem>>[vector<16xi32>], vector<16xi32>,
        %gather3A_766 = tpu.vector_load_idx %arg13[%add3A_671] : memref<4096xi32, #tpu.memory_space<vmem>>[vector<16xi32>], vector<16xi32>,
        %gather3A_767 = tpu.vector_load_idx %arg13[%add3A_694] : memref<4096xi32, #tpu.memory_space<vmem>>[vector<16xi32>], vector<16xi32>,
        %gather3A_768 = tpu.vector_load_idx %arg13[%add3A_717] : memref<4096xi32, #tpu.memory_space<vmem>>[vector<16xi32>], vector<16xi32>,
        %gather3A_769 = tpu.vector_load_idx %arg13[%add3A_740] : memref<4096xi32, #tpu.memory_space<vmem>>[vector<16xi32>], vector<16xi32>,
        %gather3A_770 = tpu.vector_load_idx %arg13[%add3A_763] : memref<4096xi32, #tpu.memory_space<vmem>>[vector<16xi32>], vector<16xi32>,
        %eq3A_771 = arith.cmpi eq, %and3A_598, %and3A_620 : vector<16xi32>
        %jit3A_772 = arith.constant 1 : i32
        %jit3A_773 = arith.constant 0 : i32
        %broadcast_in_dim3A_774 = vector.broadcast %jit3A_772 : i32 to vector<16xi32>
        %broadcast_in_dim3A_775 = vector.broadcast %jit3A_773 : i32 to vector<16xi32>
        %select_n3A_776 = arith.select %eq3A_771, %broadcast_in_dim3A_774, %broadcast_in_dim3A_775 : vector<16xi1>, vector<16xi32>
        %add3A_777 = arith.addi %gather3A_764, %select_n3A_776 : vector<16xi32>
        %eq3A_778 = arith.cmpi eq, %and3A_598, %and3A_643 : vector<16xi32>
        %jit3A_779 = arith.constant 1 : i32
        %jit3A_780 = arith.constant 0 : i32
        %broadcast_in_dim3A_781 = vector.broadcast %jit3A_779 : i32 to vector<16xi32>
        %broadcast_in_dim3A_782 = vector.broadcast %jit3A_780 : i32 to vector<16xi32>
        %select_n3A_783 = arith.select %eq3A_778, %broadcast_in_dim3A_781, %broadcast_in_dim3A_782 : vector<16xi1>, vector<16xi32>
        %add3A_784 = arith.addi %gather3A_765, %select_n3A_783 : vector<16xi32>
        %eq3A_785 = arith.cmpi eq, %and3A_620, %and3A_643 : vector<16xi32>
        %jit3A_786 = arith.constant 1 : i32
        %jit3A_787 = arith.constant 0 : i32
        %broadcast_in_dim3A_788 = vector.broadcast %jit3A_786 : i32 to vector<16xi32>
        %broadcast_in_dim3A_789 = vector.broadcast %jit3A_787 : i32 to vector<16xi32>
        %select_n3A_790 = arith.select %eq3A_785, %broadcast_in_dim3A_788, %broadcast_in_dim3A_789 : vector<16xi1>, vector<16xi32>
        %add3A_791 = arith.addi %add3A_784, %select_n3A_790 : vector<16xi32>
        %eq3A_792 = arith.cmpi eq, %and3A_598, %and3A_666 : vector<16xi32>
        %jit3A_793 = arith.constant 1 : i32
        %jit3A_794 = arith.constant 0 : i32
        %broadcast_in_dim3A_795 = vector.broadcast %jit3A_793 : i32 to vector<16xi32>
        %broadcast_in_dim3A_796 = vector.broadcast %jit3A_794 : i32 to vector<16xi32>
        %select_n3A_797 = arith.select %eq3A_792, %broadcast_in_dim3A_795, %broadcast_in_dim3A_796 : vector<16xi1>, vector<16xi32>
        %add3A_798 = arith.addi %gather3A_766, %select_n3A_797 : vector<16xi32>
        %eq3A_799 = arith.cmpi eq, %and3A_620, %and3A_666 : vector<16xi32>
        %jit3A_800 = arith.constant 1 : i32
        %jit3A_801 = arith.constant 0 : i32
        %broadcast_in_dim3A_802 = vector.broadcast %jit3A_800 : i32 to vector<16xi32>
        %broadcast_in_dim3A_803 = vector.broadcast %jit3A_801 : i32 to vector<16xi32>
        %select_n3A_804 = arith.select %eq3A_799, %broadcast_in_dim3A_802, %broadcast_in_dim3A_803 : vector<16xi1>, vector<16xi32>
        %add3A_805 = arith.addi %add3A_798, %select_n3A_804 : vector<16xi32>
        %eq3A_806 = arith.cmpi eq, %and3A_643, %and3A_666 : vector<16xi32>
        %jit3A_807 = arith.constant 1 : i32
        %jit3A_808 = arith.constant 0 : i32
        %broadcast_in_dim3A_809 = vector.broadcast %jit3A_807 : i32 to vector<16xi32>
        %broadcast_in_dim3A_810 = vector.broadcast %jit3A_808 : i32 to vector<16xi32>
        %select_n3A_811 = arith.select %eq3A_806, %broadcast_in_dim3A_809, %broadcast_in_dim3A_810 : vector<16xi1>, vector<16xi32>
        %add3A_812 = arith.addi %add3A_805, %select_n3A_811 : vector<16xi32>
        %eq3A_813 = arith.cmpi eq, %and3A_598, %and3A_689 : vector<16xi32>
        %jit3A_814 = arith.constant 1 : i32
        %jit3A_815 = arith.constant 0 : i32
        %broadcast_in_dim3A_816 = vector.broadcast %jit3A_814 : i32 to vector<16xi32>
        %broadcast_in_dim3A_817 = vector.broadcast %jit3A_815 : i32 to vector<16xi32>
        %select_n3A_818 = arith.select %eq3A_813, %broadcast_in_dim3A_816, %broadcast_in_dim3A_817 : vector<16xi1>, vector<16xi32>
        %add3A_819 = arith.addi %gather3A_767, %select_n3A_818 : vector<16xi32>
        %eq3A_820 = arith.cmpi eq, %and3A_620, %and3A_689 : vector<16xi32>
        %jit3A_821 = arith.constant 1 : i32
        %jit3A_822 = arith.constant 0 : i32
        %broadcast_in_dim3A_823 = vector.broadcast %jit3A_821 : i32 to vector<16xi32>
        %broadcast_in_dim3A_824 = vector.broadcast %jit3A_822 : i32 to vector<16xi32>
        %select_n3A_825 = arith.select %eq3A_820, %broadcast_in_dim3A_823, %broadcast_in_dim3A_824 : vector<16xi1>, vector<16xi32>
        %add3A_826 = arith.addi %add3A_819, %select_n3A_825 : vector<16xi32>
        %eq3A_827 = arith.cmpi eq, %and3A_643, %and3A_689 : vector<16xi32>
        %jit3A_828 = arith.constant 1 : i32
        %jit3A_829 = arith.constant 0 : i32
        %broadcast_in_dim3A_830 = vector.broadcast %jit3A_828 : i32 to vector<16xi32>
        %broadcast_in_dim3A_831 = vector.broadcast %jit3A_829 : i32 to vector<16xi32>
        %select_n3A_832 = arith.select %eq3A_827, %broadcast_in_dim3A_830, %broadcast_in_dim3A_831 : vector<16xi1>, vector<16xi32>
        %add3A_833 = arith.addi %add3A_826, %select_n3A_832 : vector<16xi32>
        %eq3A_834 = arith.cmpi eq, %and3A_666, %and3A_689 : vector<16xi32>
        %jit3A_835 = arith.constant 1 : i32
        %jit3A_836 = arith.constant 0 : i32
        %broadcast_in_dim3A_837 = vector.broadcast %jit3A_835 : i32 to vector<16xi32>
        %broadcast_in_dim3A_838 = vector.broadcast %jit3A_836 : i32 to vector<16xi32>
        %select_n3A_839 = arith.select %eq3A_834, %broadcast_in_dim3A_837, %broadcast_in_dim3A_838 : vector<16xi1>, vector<16xi32>
        %add3A_840 = arith.addi %add3A_833, %select_n3A_839 : vector<16xi32>
        %eq3A_841 = arith.cmpi eq, %and3A_598, %and3A_712 : vector<16xi32>
        %jit3A_842 = arith.constant 1 : i32
        %jit3A_843 = arith.constant 0 : i32
        %broadcast_in_dim3A_844 = vector.broadcast %jit3A_842 : i32 to vector<16xi32>
        %broadcast_in_dim3A_845 = vector.broadcast %jit3A_843 : i32 to vector<16xi32>
        %select_n3A_846 = arith.select %eq3A_841, %broadcast_in_dim3A_844, %broadcast_in_dim3A_845 : vector<16xi1>, vector<16xi32>
        %add3A_847 = arith.addi %gather3A_768, %select_n3A_846 : vector<16xi32>
        %eq3A_848 = arith.cmpi eq, %and3A_620, %and3A_712 : vector<16xi32>
        %jit3A_849 = arith.constant 1 : i32
        %jit3A_850 = arith.constant 0 : i32
        %broadcast_in_dim3A_851 = vector.broadcast %jit3A_849 : i32 to vector<16xi32>
        %broadcast_in_dim3A_852 = vector.broadcast %jit3A_850 : i32 to vector<16xi32>
        %select_n3A_853 = arith.select %eq3A_848, %broadcast_in_dim3A_851, %broadcast_in_dim3A_852 : vector<16xi1>, vector<16xi32>
        %add3A_854 = arith.addi %add3A_847, %select_n3A_853 : vector<16xi32>
        %eq3A_855 = arith.cmpi eq, %and3A_643, %and3A_712 : vector<16xi32>
        %jit3A_856 = arith.constant 1 : i32
        %jit3A_857 = arith.constant 0 : i32
        %broadcast_in_dim3A_858 = vector.broadcast %jit3A_856 : i32 to vector<16xi32>
        %broadcast_in_dim3A_859 = vector.broadcast %jit3A_857 : i32 to vector<16xi32>
        %select_n3A_860 = arith.select %eq3A_855, %broadcast_in_dim3A_858, %broadcast_in_dim3A_859 : vector<16xi1>, vector<16xi32>
        %add3A_861 = arith.addi %add3A_854, %select_n3A_860 : vector<16xi32>
        %eq3A_862 = arith.cmpi eq, %and3A_666, %and3A_712 : vector<16xi32>
        %jit3A_863 = arith.constant 1 : i32
        %jit3A_864 = arith.constant 0 : i32
        %broadcast_in_dim3A_865 = vector.broadcast %jit3A_863 : i32 to vector<16xi32>
        %broadcast_in_dim3A_866 = vector.broadcast %jit3A_864 : i32 to vector<16xi32>
        %select_n3A_867 = arith.select %eq3A_862, %broadcast_in_dim3A_865, %broadcast_in_dim3A_866 : vector<16xi1>, vector<16xi32>
        %add3A_868 = arith.addi %add3A_861, %select_n3A_867 : vector<16xi32>
        %eq3A_869 = arith.cmpi eq, %and3A_689, %and3A_712 : vector<16xi32>
        %jit3A_870 = arith.constant 1 : i32
        %jit3A_871 = arith.constant 0 : i32
        %broadcast_in_dim3A_872 = vector.broadcast %jit3A_870 : i32 to vector<16xi32>
        %broadcast_in_dim3A_873 = vector.broadcast %jit3A_871 : i32 to vector<16xi32>
        %select_n3A_874 = arith.select %eq3A_869, %broadcast_in_dim3A_872, %broadcast_in_dim3A_873 : vector<16xi1>, vector<16xi32>
        %add3A_875 = arith.addi %add3A_868, %select_n3A_874 : vector<16xi32>
        %eq3A_876 = arith.cmpi eq, %and3A_598, %and3A_735 : vector<16xi32>
        %jit3A_877 = arith.constant 1 : i32
        %jit3A_878 = arith.constant 0 : i32
        %broadcast_in_dim3A_879 = vector.broadcast %jit3A_877 : i32 to vector<16xi32>
        %broadcast_in_dim3A_880 = vector.broadcast %jit3A_878 : i32 to vector<16xi32>
        %select_n3A_881 = arith.select %eq3A_876, %broadcast_in_dim3A_879, %broadcast_in_dim3A_880 : vector<16xi1>, vector<16xi32>
        %add3A_882 = arith.addi %gather3A_769, %select_n3A_881 : vector<16xi32>
        %eq3A_883 = arith.cmpi eq, %and3A_620, %and3A_735 : vector<16xi32>
        %jit3A_884 = arith.constant 1 : i32
        %jit3A_885 = arith.constant 0 : i32
        %broadcast_in_dim3A_886 = vector.broadcast %jit3A_884 : i32 to vector<16xi32>
        %broadcast_in_dim3A_887 = vector.broadcast %jit3A_885 : i32 to vector<16xi32>
        %select_n3A_888 = arith.select %eq3A_883, %broadcast_in_dim3A_886, %broadcast_in_dim3A_887 : vector<16xi1>, vector<16xi32>
        %add3A_889 = arith.addi %add3A_882, %select_n3A_888 : vector<16xi32>
        %eq3A_890 = arith.cmpi eq, %and3A_643, %and3A_735 : vector<16xi32>
        %jit3A_891 = arith.constant 1 : i32
        %jit3A_892 = arith.constant 0 : i32
        %broadcast_in_dim3A_893 = vector.broadcast %jit3A_891 : i32 to vector<16xi32>
        %broadcast_in_dim3A_894 = vector.broadcast %jit3A_892 : i32 to vector<16xi32>
        %select_n3A_895 = arith.select %eq3A_890, %broadcast_in_dim3A_893, %broadcast_in_dim3A_894 : vector<16xi1>, vector<16xi32>
        %add3A_896 = arith.addi %add3A_889, %select_n3A_895 : vector<16xi32>
        %eq3A_897 = arith.cmpi eq, %and3A_666, %and3A_735 : vector<16xi32>
        %jit3A_898 = arith.constant 1 : i32
        %jit3A_899 = arith.constant 0 : i32
        %broadcast_in_dim3A_900 = vector.broadcast %jit3A_898 : i32 to vector<16xi32>
        %broadcast_in_dim3A_901 = vector.broadcast %jit3A_899 : i32 to vector<16xi32>
        %select_n3A_902 = arith.select %eq3A_897, %broadcast_in_dim3A_900, %broadcast_in_dim3A_901 : vector<16xi1>, vector<16xi32>
        %add3A_903 = arith.addi %add3A_896, %select_n3A_902 : vector<16xi32>
        %eq3A_904 = arith.cmpi eq, %and3A_689, %and3A_735 : vector<16xi32>
        %jit3A_905 = arith.constant 1 : i32
        %jit3A_906 = arith.constant 0 : i32
        %broadcast_in_dim3A_907 = vector.broadcast %jit3A_905 : i32 to vector<16xi32>
        %broadcast_in_dim3A_908 = vector.broadcast %jit3A_906 : i32 to vector<16xi32>
        %select_n3A_909 = arith.select %eq3A_904, %broadcast_in_dim3A_907, %broadcast_in_dim3A_908 : vector<16xi1>, vector<16xi32>
        %add3A_910 = arith.addi %add3A_903, %select_n3A_909 : vector<16xi32>
        %eq3A_911 = arith.cmpi eq, %and3A_712, %and3A_735 : vector<16xi32>
        %jit3A_912 = arith.constant 1 : i32
        %jit3A_913 = arith.constant 0 : i32
        %broadcast_in_dim3A_914 = vector.broadcast %jit3A_912 : i32 to vector<16xi32>
        %broadcast_in_dim3A_915 = vector.broadcast %jit3A_913 : i32 to vector<16xi32>
        %select_n3A_916 = arith.select %eq3A_911, %broadcast_in_dim3A_914, %broadcast_in_dim3A_915 : vector<16xi1>, vector<16xi32>
        %add3A_917 = arith.addi %add3A_910, %select_n3A_916 : vector<16xi32>
        %eq3A_918 = arith.cmpi eq, %and3A_598, %and3A_758 : vector<16xi32>
        %jit3A_919 = arith.constant 1 : i32
        %jit3A_920 = arith.constant 0 : i32
        %broadcast_in_dim3A_921 = vector.broadcast %jit3A_919 : i32 to vector<16xi32>
        %broadcast_in_dim3A_922 = vector.broadcast %jit3A_920 : i32 to vector<16xi32>
        %select_n3A_923 = arith.select %eq3A_918, %broadcast_in_dim3A_921, %broadcast_in_dim3A_922 : vector<16xi1>, vector<16xi32>
        %add3A_924 = arith.addi %gather3A_770, %select_n3A_923 : vector<16xi32>
        %eq3A_925 = arith.cmpi eq, %and3A_620, %and3A_758 : vector<16xi32>
        %jit3A_926 = arith.constant 1 : i32
        %jit3A_927 = arith.constant 0 : i32
        %broadcast_in_dim3A_928 = vector.broadcast %jit3A_926 : i32 to vector<16xi32>
        %broadcast_in_dim3A_929 = vector.broadcast %jit3A_927 : i32 to vector<16xi32>
        %select_n3A_930 = arith.select %eq3A_925, %broadcast_in_dim3A_928, %broadcast_in_dim3A_929 : vector<16xi1>, vector<16xi32>
        %add3A_931 = arith.addi %add3A_924, %select_n3A_930 : vector<16xi32>
        %eq3A_932 = arith.cmpi eq, %and3A_643, %and3A_758 : vector<16xi32>
        %jit3A_933 = arith.constant 1 : i32
        %jit3A_934 = arith.constant 0 : i32
        %broadcast_in_dim3A_935 = vector.broadcast %jit3A_933 : i32 to vector<16xi32>
        %broadcast_in_dim3A_936 = vector.broadcast %jit3A_934 : i32 to vector<16xi32>
        %select_n3A_937 = arith.select %eq3A_932, %broadcast_in_dim3A_935, %broadcast_in_dim3A_936 : vector<16xi1>, vector<16xi32>
        %add3A_938 = arith.addi %add3A_931, %select_n3A_937 : vector<16xi32>
        %eq3A_939 = arith.cmpi eq, %and3A_666, %and3A_758 : vector<16xi32>
        %jit3A_940 = arith.constant 1 : i32
        %jit3A_941 = arith.constant 0 : i32
        %broadcast_in_dim3A_942 = vector.broadcast %jit3A_940 : i32 to vector<16xi32>
        %broadcast_in_dim3A_943 = vector.broadcast %jit3A_941 : i32 to vector<16xi32>
        %select_n3A_944 = arith.select %eq3A_939, %broadcast_in_dim3A_942, %broadcast_in_dim3A_943 : vector<16xi1>, vector<16xi32>
        %add3A_945 = arith.addi %add3A_938, %select_n3A_944 : vector<16xi32>
        %eq3A_946 = arith.cmpi eq, %and3A_689, %and3A_758 : vector<16xi32>
        %jit3A_947 = arith.constant 1 : i32
        %jit3A_948 = arith.constant 0 : i32
        %broadcast_in_dim3A_949 = vector.broadcast %jit3A_947 : i32 to vector<16xi32>
        %broadcast_in_dim3A_950 = vector.broadcast %jit3A_948 : i32 to vector<16xi32>
        %select_n3A_951 = arith.select %eq3A_946, %broadcast_in_dim3A_949, %broadcast_in_dim3A_950 : vector<16xi1>, vector<16xi32>
        %add3A_952 = arith.addi %add3A_945, %select_n3A_951 : vector<16xi32>
        %eq3A_953 = arith.cmpi eq, %and3A_712, %and3A_758 : vector<16xi32>
        %jit3A_954 = arith.constant 1 : i32
        %jit3A_955 = arith.constant 0 : i32
        %broadcast_in_dim3A_956 = vector.broadcast %jit3A_954 : i32 to vector<16xi32>
        %broadcast_in_dim3A_957 = vector.broadcast %jit3A_955 : i32 to vector<16xi32>
        %select_n3A_958 = arith.select %eq3A_953, %broadcast_in_dim3A_956, %broadcast_in_dim3A_957 : vector<16xi1>, vector<16xi32>
        %add3A_959 = arith.addi %add3A_952, %select_n3A_958 : vector<16xi32>
        %eq3A_960 = arith.cmpi eq, %and3A_735, %and3A_758 : vector<16xi32>
        %jit3A_961 = arith.constant 1 : i32
        %jit3A_962 = arith.constant 0 : i32
        %broadcast_in_dim3A_963 = vector.broadcast %jit3A_961 : i32 to vector<16xi32>
        %broadcast_in_dim3A_964 = vector.broadcast %jit3A_962 : i32 to vector<16xi32>
        %select_n3A_965 = arith.select %eq3A_960, %broadcast_in_dim3A_963, %broadcast_in_dim3A_964 : vector<16xi1>, vector<16xi32>
        %add3A_966 = arith.addi %add3A_959, %select_n3A_965 : vector<16xi32>
        %add3A_967 = arith.constant 1 : i32
        %add3A_968 = vector.broadcast %add3A_967 : i32 to vector<16xi32>
        %add3A_969 = arith.addi %gather3A, %add3A_968 : vector<16xi32>
        tpu.vector_store_idx %arg13[%add3A_602], %add3A_969 : memref<4096xi32, #tpu.memory_space<vmem>>[vector<16xi32>], vector<16xi32>,
        %add3A_970 = arith.constant 1 : i32
        %add3A_971 = vector.broadcast %add3A_970 : i32 to vector<16xi32>
        %add3A_972 = arith.addi %add3A_777, %add3A_971 : vector<16xi32>
        tpu.vector_store_idx %arg13[%add3A_625], %add3A_972 : memref<4096xi32, #tpu.memory_space<vmem>>[vector<16xi32>], vector<16xi32>,
        %add3A_973 = arith.constant 1 : i32
        %add3A_974 = vector.broadcast %add3A_973 : i32 to vector<16xi32>
        %add3A_975 = arith.addi %add3A_791, %add3A_974 : vector<16xi32>
        tpu.vector_store_idx %arg13[%add3A_648], %add3A_975 : memref<4096xi32, #tpu.memory_space<vmem>>[vector<16xi32>], vector<16xi32>,
        %add3A_976 = arith.constant 1 : i32
        %add3A_977 = vector.broadcast %add3A_976 : i32 to vector<16xi32>
        %add3A_978 = arith.addi %add3A_812, %add3A_977 : vector<16xi32>
        tpu.vector_store_idx %arg13[%add3A_671], %add3A_978 : memref<4096xi32, #tpu.memory_space<vmem>>[vector<16xi32>], vector<16xi32>,
        %add3A_979 = arith.constant 1 : i32
        %add3A_980 = vector.broadcast %add3A_979 : i32 to vector<16xi32>
        %add3A_981 = arith.addi %add3A_840, %add3A_980 : vector<16xi32>
        tpu.vector_store_idx %arg13[%add3A_694], %add3A_981 : memref<4096xi32, #tpu.memory_space<vmem>>[vector<16xi32>], vector<16xi32>,
        %add3A_982 = arith.constant 1 : i32
        %add3A_983 = vector.broadcast %add3A_982 : i32 to vector<16xi32>
        %add3A_984 = arith.addi %add3A_875, %add3A_983 : vector<16xi32>
        tpu.vector_store_idx %arg13[%add3A_717], %add3A_984 : memref<4096xi32, #tpu.memory_space<vmem>>[vector<16xi32>], vector<16xi32>,
        %add3A_985 = arith.constant 1 : i32
        %add3A_986 = vector.broadcast %add3A_985 : i32 to vector<16xi32>
        %add3A_987 = arith.addi %add3A_917, %add3A_986 : vector<16xi32>
        tpu.vector_store_idx %arg13[%add3A_740], %add3A_987 : memref<4096xi32, #tpu.memory_space<vmem>>[vector<16xi32>], vector<16xi32>,
        %add3A_988 = arith.constant 1 : i32
        %add3A_989 = vector.broadcast %add3A_988 : i32 to vector<16xi32>
        %add3A_990 = arith.addi %add3A_966, %add3A_989 : vector<16xi32>
        tpu.vector_store_idx %arg13[%add3A_763], %add3A_990 : memref<4096xi32, #tpu.memory_space<vmem>>[vector<16xi32>], vector<16xi32>,
        %and3A_991 = arith.constant 255 : i32
        %and3A_992 = vector.broadcast %and3A_991 : i32 to vector<16xi32>
        %and3A_993 = arith.andi %gather3A, %and3A_992 : vector<16xi32>
        %shift_left3A_994 = arith.constant 4 : i32
        %shift_left3A_995 = vector.broadcast %shift_left3A_994 : i32 to vector<16xi32>
        %shift_left3A_996 = arith.shli %and3A_993, %shift_left3A_995 : vector<16xi32>
        %shift_right_arithmetic3A_997 = arith.constant 8 : i32
        %shift_right_arithmetic3A_998 = vector.broadcast %shift_right_arithmetic3A_997 : i32 to vector<16xi32>
        %shift_right_arithmetic3A_999 = arith.shrsi %gather3A, %shift_right_arithmetic3A_998 : vector<16xi32>
        %or3A = arith.ori %shift_left3A_996, %shift_right_arithmetic3A_999 : vector<16xi32>
        tpu.vector_store_idx %arg9[%or3A], %get3A_589 : memref<4096xi32, #tpu.memory_space<vmem>>[vector<16xi32>], vector<16xi32>,
        tpu.vector_store_idx %arg11[%or3A], %get3A_593 : memref<4096xi32, #tpu.memory_space<vmem>>[vector<16xi32>], vector<16xi32>,
        %and3A_1000 = arith.constant 255 : i32
        %and3A_1001 = vector.broadcast %and3A_1000 : i32 to vector<16xi32>
        %and3A_1002 = arith.andi %add3A_777, %and3A_1001 : vector<16xi32>
        %shift_left3A_1003 = arith.constant 4 : i32
        %shift_left3A_1004 = vector.broadcast %shift_left3A_1003 : i32 to vector<16xi32>
        %shift_left3A_1005 = arith.shli %and3A_1002, %shift_left3A_1004 : vector<16xi32>
        %shift_right_arithmetic3A_1006 = arith.constant 8 : i32
        %shift_right_arithmetic3A_1007 = vector.broadcast %shift_right_arithmetic3A_1006 : i32 to vector<16xi32>
        %shift_right_arithmetic3A_1008 = arith.shrsi %add3A_777, %shift_right_arithmetic3A_1007 : vector<16xi32>
        %or3A_1009 = arith.ori %shift_left3A_1005, %shift_right_arithmetic3A_1008 : vector<16xi32>
        tpu.vector_store_idx %arg9[%or3A_1009], %get3A_610 : memref<4096xi32, #tpu.memory_space<vmem>>[vector<16xi32>], vector<16xi32>,
        tpu.vector_store_idx %arg11[%or3A_1009], %get3A_614 : memref<4096xi32, #tpu.memory_space<vmem>>[vector<16xi32>], vector<16xi32>,
        %and3A_1010 = arith.constant 255 : i32
        %and3A_1011 = vector.broadcast %and3A_1010 : i32 to vector<16xi32>
        %and3A_1012 = arith.andi %add3A_791, %and3A_1011 : vector<16xi32>
        %shift_left3A_1013 = arith.constant 4 : i32
        %shift_left3A_1014 = vector.broadcast %shift_left3A_1013 : i32 to vector<16xi32>
        %shift_left3A_1015 = arith.shli %and3A_1012, %shift_left3A_1014 : vector<16xi32>
        %shift_right_arithmetic3A_1016 = arith.constant 8 : i32
        %shift_right_arithmetic3A_1017 = vector.broadcast %shift_right_arithmetic3A_1016 : i32 to vector<16xi32>
        %shift_right_arithmetic3A_1018 = arith.shrsi %add3A_791, %shift_right_arithmetic3A_1017 : vector<16xi32>
        %or3A_1019 = arith.ori %shift_left3A_1015, %shift_right_arithmetic3A_1018 : vector<16xi32>
        tpu.vector_store_idx %arg9[%or3A_1019], %get3A_633 : memref<4096xi32, #tpu.memory_space<vmem>>[vector<16xi32>], vector<16xi32>,
        tpu.vector_store_idx %arg11[%or3A_1019], %get3A_637 : memref<4096xi32, #tpu.memory_space<vmem>>[vector<16xi32>], vector<16xi32>,
        %and3A_1020 = arith.constant 255 : i32
        %and3A_1021 = vector.broadcast %and3A_1020 : i32 to vector<16xi32>
        %and3A_1022 = arith.andi %add3A_812, %and3A_1021 : vector<16xi32>
        %shift_left3A_1023 = arith.constant 4 : i32
        %shift_left3A_1024 = vector.broadcast %shift_left3A_1023 : i32 to vector<16xi32>
        %shift_left3A_1025 = arith.shli %and3A_1022, %shift_left3A_1024 : vector<16xi32>
        %shift_right_arithmetic3A_1026 = arith.constant 8 : i32
        %shift_right_arithmetic3A_1027 = vector.broadcast %shift_right_arithmetic3A_1026 : i32 to vector<16xi32>
        %shift_right_arithmetic3A_1028 = arith.shrsi %add3A_812, %shift_right_arithmetic3A_1027 : vector<16xi32>
        %or3A_1029 = arith.ori %shift_left3A_1025, %shift_right_arithmetic3A_1028 : vector<16xi32>
        tpu.vector_store_idx %arg9[%or3A_1029], %get3A_656 : memref<4096xi32, #tpu.memory_space<vmem>>[vector<16xi32>], vector<16xi32>,
        tpu.vector_store_idx %arg11[%or3A_1029], %get3A_660 : memref<4096xi32, #tpu.memory_space<vmem>>[vector<16xi32>], vector<16xi32>,
        %and3A_1030 = arith.constant 255 : i32
        %and3A_1031 = vector.broadcast %and3A_1030 : i32 to vector<16xi32>
        %and3A_1032 = arith.andi %add3A_840, %and3A_1031 : vector<16xi32>
        %shift_left3A_1033 = arith.constant 4 : i32
        %shift_left3A_1034 = vector.broadcast %shift_left3A_1033 : i32 to vector<16xi32>
        %shift_left3A_1035 = arith.shli %and3A_1032, %shift_left3A_1034 : vector<16xi32>
        %shift_right_arithmetic3A_1036 = arith.constant 8 : i32
        %shift_right_arithmetic3A_1037 = vector.broadcast %shift_right_arithmetic3A_1036 : i32 to vector<16xi32>
        %shift_right_arithmetic3A_1038 = arith.shrsi %add3A_840, %shift_right_arithmetic3A_1037 : vector<16xi32>
        %or3A_1039 = arith.ori %shift_left3A_1035, %shift_right_arithmetic3A_1038 : vector<16xi32>
        tpu.vector_store_idx %arg9[%or3A_1039], %get3A_679 : memref<4096xi32, #tpu.memory_space<vmem>>[vector<16xi32>], vector<16xi32>,
        tpu.vector_store_idx %arg11[%or3A_1039], %get3A_683 : memref<4096xi32, #tpu.memory_space<vmem>>[vector<16xi32>], vector<16xi32>,
        %and3A_1040 = arith.constant 255 : i32
        %and3A_1041 = vector.broadcast %and3A_1040 : i32 to vector<16xi32>
        %and3A_1042 = arith.andi %add3A_875, %and3A_1041 : vector<16xi32>
        %shift_left3A_1043 = arith.constant 4 : i32
        %shift_left3A_1044 = vector.broadcast %shift_left3A_1043 : i32 to vector<16xi32>
        %shift_left3A_1045 = arith.shli %and3A_1042, %shift_left3A_1044 : vector<16xi32>
        %shift_right_arithmetic3A_1046 = arith.constant 8 : i32
        %shift_right_arithmetic3A_1047 = vector.broadcast %shift_right_arithmetic3A_1046 : i32 to vector<16xi32>
        %shift_right_arithmetic3A_1048 = arith.shrsi %add3A_875, %shift_right_arithmetic3A_1047 : vector<16xi32>
        %or3A_1049 = arith.ori %shift_left3A_1045, %shift_right_arithmetic3A_1048 : vector<16xi32>
        tpu.vector_store_idx %arg9[%or3A_1049], %get3A_702 : memref<4096xi32, #tpu.memory_space<vmem>>[vector<16xi32>], vector<16xi32>,
        tpu.vector_store_idx %arg11[%or3A_1049], %get3A_706 : memref<4096xi32, #tpu.memory_space<vmem>>[vector<16xi32>], vector<16xi32>,
        %and3A_1050 = arith.constant 255 : i32
        %and3A_1051 = vector.broadcast %and3A_1050 : i32 to vector<16xi32>
        %and3A_1052 = arith.andi %add3A_917, %and3A_1051 : vector<16xi32>
        %shift_left3A_1053 = arith.constant 4 : i32
        %shift_left3A_1054 = vector.broadcast %shift_left3A_1053 : i32 to vector<16xi32>
        %shift_left3A_1055 = arith.shli %and3A_1052, %shift_left3A_1054 : vector<16xi32>
        %shift_right_arithmetic3A_1056 = arith.constant 8 : i32
        %shift_right_arithmetic3A_1057 = vector.broadcast %shift_right_arithmetic3A_1056 : i32 to vector<16xi32>
        %shift_right_arithmetic3A_1058 = arith.shrsi %add3A_917, %shift_right_arithmetic3A_1057 : vector<16xi32>
        %or3A_1059 = arith.ori %shift_left3A_1055, %shift_right_arithmetic3A_1058 : vector<16xi32>
        tpu.vector_store_idx %arg9[%or3A_1059], %get3A_725 : memref<4096xi32, #tpu.memory_space<vmem>>[vector<16xi32>], vector<16xi32>,
        tpu.vector_store_idx %arg11[%or3A_1059], %get3A_729 : memref<4096xi32, #tpu.memory_space<vmem>>[vector<16xi32>], vector<16xi32>,
        %and3A_1060 = arith.constant 255 : i32
        %and3A_1061 = vector.broadcast %and3A_1060 : i32 to vector<16xi32>
        %and3A_1062 = arith.andi %add3A_966, %and3A_1061 : vector<16xi32>
        %shift_left3A_1063 = arith.constant 4 : i32
        %shift_left3A_1064 = vector.broadcast %shift_left3A_1063 : i32 to vector<16xi32>
        %shift_left3A_1065 = arith.shli %and3A_1062, %shift_left3A_1064 : vector<16xi32>
        %shift_right_arithmetic3A_1066 = arith.constant 8 : i32
        %shift_right_arithmetic3A_1067 = vector.broadcast %shift_right_arithmetic3A_1066 : i32 to vector<16xi32>
        %shift_right_arithmetic3A_1068 = arith.shrsi %add3A_966, %shift_right_arithmetic3A_1067 : vector<16xi32>
        %or3A_1069 = arith.ori %shift_left3A_1065, %shift_right_arithmetic3A_1068 : vector<16xi32>
        tpu.vector_store_idx %arg9[%or3A_1069], %get3A_748 : memref<4096xi32, #tpu.memory_space<vmem>>[vector<16xi32>], vector<16xi32>,
        tpu.vector_store_idx %arg11[%or3A_1069], %get3A_752 : memref<4096xi32, #tpu.memory_space<vmem>>[vector<16xi32>], vector<16xi32>,
        %scan3A_1070 = arith.constant 0 : i32
        scf.yield %scan3A_1070 : i32
      }
      %scan3A_577 = arith.constant 32 : i32
      %parallel_loop3A_578 = arith.constant 0 : i32
      %parallel_loop3A_579 = arith.constant 64 : i32
      %parallel_loop3A_580 = arith.constant 1 : i32
      "tpu.trace_stop"() : () -> ()
      scf.for %parallel_loop3A_581 = %parallel_loop3A_578 to %parallel_loop3A_579 step %parallel_loop3A_580  : i32 {
        %parallel_loop3A_582 = arith.constant 16 : i32
        %parallel_loop3A_583 = arith.muli %parallel_loop3A_581, %parallel_loop3A_582 : i32
        %parallel_loop3A_584 = tpu.iota {dimensions = array<i32: 0>} : vector<16xi32>
        %parallel_loop3A_585 = vector.broadcast %parallel_loop3A_583 : i32 to vector<16xi32>
        %parallel_loop3A_586 = arith.addi %parallel_loop3A_585, %parallel_loop3A_584 : vector<16xi32>
        %parallel_loop3A_587 = arith.constant 255 : i32
        %parallel_loop3A_588 = vector.broadcast %parallel_loop3A_587 : i32 to vector<16xi32>
        %parallel_loop3A_589 = arith.andi %parallel_loop3A_586, %parallel_loop3A_588 : vector<16xi32>
        %parallel_loop3A_590 = arith.constant 4 : i32
        %parallel_loop3A_591 = vector.broadcast %parallel_loop3A_590 : i32 to vector<16xi32>
        %parallel_loop3A_592 = arith.shli %parallel_loop3A_589, %parallel_loop3A_591 : vector<16xi32>
        %parallel_loop3A_593 = arith.constant 8 : i32
        %parallel_loop3A_594 = vector.broadcast %parallel_loop3A_593 : i32 to vector<16xi32>
        %parallel_loop3A_595 = arith.shrsi %parallel_loop3A_586, %parallel_loop3A_594 : vector<16xi32>
        %parallel_loop3A_596 = arith.ori %parallel_loop3A_592, %parallel_loop3A_595 : vector<16xi32>
        %parallel_loop3A_597 = tpu.vector_load_idx %arg11[%parallel_loop3A_596] : memref<4096xi32, #tpu.memory_space<vmem>>[vector<16xi32>], vector<16xi32>,
        %parallel_loop3A_598 = vector.broadcast %mul3A_453 : i32 to vector<16xi32>
        %parallel_loop3A_599 = arith.addi %parallel_loop3A_597, %parallel_loop3A_598 : vector<16xi32>
        %parallel_loop3A_600 = arith.constant 16 : i32
        %parallel_loop3A_601 = arith.muli %parallel_loop3A_581, %parallel_loop3A_600 : i32
        %parallel_loop3A_602 = arith.index_cast %parallel_loop3A_601 : i32 to index
        %parallel_loop3A_603 = tpu.vector_load %arg15[%parallel_loop3A_602] {strides = array<i32>} : memref<1024xi32, #tpu.memory_space<vmem>>, vector<16xi32>,
        tpu.vector_store %arg15[%parallel_loop3A_602], %parallel_loop3A_599 {strides = array<i32>} : memref<1024xi32, #tpu.memory_space<vmem>>, vector<16xi32>,
      } {sc.loop_unroll_factor = 2 : i64, sc.parallel_access}
      "tpu.region"() ({
        %run_scoped3A_581 = tpu.sem_alloc : memref<!tpu.dma_semaphore, #tpu.memory_space<semaphore_mem>>
        %dma_start3A_582 = arith.constant 0 : i32
        %dma_start3A_583 = tpu.memref_slice %arg20[%arg1, %dma_start3A_582] : memref<2x1024xi32, #tpu.memory_space<vmem_shared>> -> memref<1x1024xi32, #tpu.memory_space<vmem_shared>>
        %dma_start3A_584 = tpu.memref_squeeze %dma_start3A_583 : memref<1x1024xi32, #tpu.memory_space<vmem_shared>> -> memref<1024xi32, #tpu.memory_space<vmem_shared>>
        %dma_start3A_585 = arith.constant 0 : i32
        %dma_start3A_586 = tpu.memref_slice %arg20[%arg1, %dma_start3A_585] : memref<2x1024xi32, #tpu.memory_space<vmem_shared>> -> memref<1x1024xi32, #tpu.memory_space<vmem_shared>>
        %dma_start3A_587 = tpu.memref_squeeze %dma_start3A_586 : memref<1x1024xi32, #tpu.memory_space<vmem_shared>> -> memref<1024xi32, #tpu.memory_space<vmem_shared>>
        tpu.enqueue_dma source(%arg15 : memref<1024xi32, #tpu.memory_space<vmem>>) target(%dma_start3A_587 : memref<1024xi32, #tpu.memory_space<vmem_shared>>) target_semaphore(%run_scoped3A_581 : memref<!tpu.dma_semaphore, #tpu.memory_space<semaphore_mem>>)
        %dma_wait3A_588 = arith.constant 0 : i32
        %dma_wait3A_589 = tpu.memref_slice %arg20[%arg1, %dma_wait3A_588] : memref<2x1024xi32, #tpu.memory_space<vmem_shared>> -> memref<1x1024xi32, #tpu.memory_space<vmem_shared>>
        %dma_wait3A_590 = tpu.memref_squeeze %dma_wait3A_589 : memref<1x1024xi32, #tpu.memory_space<vmem_shared>> -> memref<1024xi32, #tpu.memory_space<vmem_shared>>
        %dma_wait3A_591 = arith.constant 0 : i32
        %dma_wait3A_592 = tpu.memref_slice %arg20[%arg1, %dma_wait3A_591] : memref<2x1024xi32, #tpu.memory_space<vmem_shared>> -> memref<1x1024xi32, #tpu.memory_space<vmem_shared>>
        %dma_wait3A_593 = tpu.memref_squeeze %dma_wait3A_592 : memref<1x1024xi32, #tpu.memory_space<vmem_shared>> -> memref<1024xi32, #tpu.memory_space<vmem_shared>>
        tpu.wait_dma2 semaphore(%run_scoped3A_581 : memref<!tpu.dma_semaphore, #tpu.memory_space<semaphore_mem>>) src(%arg15 : memref<1024xi32, #tpu.memory_space<vmem>>) dst(%dma_wait3A_593 : memref<1024xi32, #tpu.memory_space<vmem_shared>>)
        tpu.yield
      }) : () -> ()
    } else {
    }
    %barrier3A_88 = arith.constant 0 : index
    tpu.barrier barrier_id(%barrier3A_88)
    %jit3A = arith.constant 8 : i32
    %div3A = arith.divsi %arg1, %jit3A : i32
    %sign3A = arith.constant 0 : i32
    %sign3A_89 = arith.cmpi sgt, %arg1, %sign3A : i32
    %sign3A_90 = arith.extui %sign3A_89 : i1 to i32
    %sign3A_91 = arith.constant 0 : i32
    %sign3A_92 = arith.cmpi slt, %arg1, %sign3A_91 : i32
    %sign3A_93 = arith.extui %sign3A_92 : i1 to i32
    %sign3A_94 = arith.subi %sign3A_90, %sign3A_93 : i32
    %sign3A_95 = arith.constant 0 : i32
    %sign3A_96 = arith.cmpi sgt, %jit3A, %sign3A_95 : i32
    %sign3A_97 = arith.extui %sign3A_96 : i1 to i32
    %sign3A_98 = arith.constant 0 : i32
    %sign3A_99 = arith.cmpi slt, %jit3A, %sign3A_98 : i32
    %sign3A_100 = arith.extui %sign3A_99 : i1 to i32
    %sign3A_101 = arith.subi %sign3A_97, %sign3A_100 : i32
    %ne3A = arith.cmpi ne, %sign3A_94, %sign3A_101 : i32
    %rem3A = arith.remsi %arg1, %jit3A : i32
    %ne3A_102 = arith.constant 0 : i32
    %ne3A_103 = arith.cmpi ne, %rem3A, %ne3A_102 : i32
    %and3A = arith.andi %ne3A, %ne3A_103 : i1
    %sub3A = arith.constant 1 : i32
    %sub3A_104 = arith.subi %div3A, %sub3A : i32
    %select_n3A = arith.select %and3A, %sub3A_104, %div3A : i32
    %jit3A_105 = arith.constant 8 : i32
    %eq3A = arith.constant 0 : i32
    %eq3A_106 = arith.cmpi eq, %jit3A_105, %eq3A : i32
    %jit3A_107 = arith.constant 1 : i32
    %select_n3A_108 = arith.select %eq3A_106, %jit3A_107, %jit3A_105 : i32
    %rem3A_109 = arith.remsi %arg1, %select_n3A_108 : i32
    %ne3A_110 = arith.constant 0 : i32
    %ne3A_111 = arith.cmpi ne, %rem3A_109, %ne3A_110 : i32
    %lt3A_112 = arith.constant 0 : i32
    %lt3A_113 = arith.cmpi slt, %rem3A_109, %lt3A_112 : i32
    %lt3A_114 = arith.constant 0 : i32
    %lt3A_115 = arith.cmpi slt, %select_n3A_108, %lt3A_114 : i32
    %ne3A_116 = arith.xori %lt3A_113, %lt3A_115 : i1
    %and3A_117 = arith.andi %ne3A_116, %ne3A_111 : i1
    %add3A_118 = arith.addi %rem3A_109, %select_n3A_108 : i32
    %select_n3A_119 = arith.select %and3A_117, %add3A_118, %rem3A_109 : i32
    %mul3A_120 = arith.constant 128 : i32
    %mul3A_121 = arith.muli %select_n3A_119, %mul3A_120 : i32
    "tpu.region"() ({
      %run_scoped3A_449 = tpu.sem_alloc : memref<!tpu.dma_semaphore, #tpu.memory_space<semaphore_mem>>
      %dma_start3A_450 = tpu.memref_slice %arg20[%select_n3A, %mul3A_121] : memref<2x1024xi32, #tpu.memory_space<vmem_shared>> -> memref<1x128xi32, #tpu.memory_space<vmem_shared>>
      %dma_start3A_451 = tpu.memref_squeeze %dma_start3A_450 : memref<1x128xi32, #tpu.memory_space<vmem_shared>> -> memref<128xi32, #tpu.memory_space<vmem_shared>>
      %dma_start3A_452 = tpu.memref_slice %arg20[%select_n3A, %mul3A_121] : memref<2x1024xi32, #tpu.memory_space<vmem_shared>> -> memref<1x128xi32, #tpu.memory_space<vmem_shared>>
      %dma_start3A_453 = tpu.memref_squeeze %dma_start3A_452 : memref<1x128xi32, #tpu.memory_space<vmem_shared>> -> memref<128xi32, #tpu.memory_space<vmem_shared>>
      tpu.enqueue_dma source(%dma_start3A_453 : memref<128xi32, #tpu.memory_space<vmem_shared>>) target(%arg16 : memref<128xi32, #tpu.memory_space<vmem>>) target_semaphore(%run_scoped3A_449 : memref<!tpu.dma_semaphore, #tpu.memory_space<semaphore_mem>>)
      %dma_wait3A_454 = tpu.memref_slice %arg20[%select_n3A, %mul3A_121] : memref<2x1024xi32, #tpu.memory_space<vmem_shared>> -> memref<1x128xi32, #tpu.memory_space<vmem_shared>>
      %dma_wait3A_455 = tpu.memref_squeeze %dma_wait3A_454 : memref<1x128xi32, #tpu.memory_space<vmem_shared>> -> memref<128xi32, #tpu.memory_space<vmem_shared>>
      %dma_wait3A_456 = tpu.memref_slice %arg20[%select_n3A, %mul3A_121] : memref<2x1024xi32, #tpu.memory_space<vmem_shared>> -> memref<1x128xi32, #tpu.memory_space<vmem_shared>>
      %dma_wait3A_457 = tpu.memref_squeeze %dma_wait3A_456 : memref<1x128xi32, #tpu.memory_space<vmem_shared>> -> memref<128xi32, #tpu.memory_space<vmem_shared>>
      tpu.wait_dma2 semaphore(%run_scoped3A_449 : memref<!tpu.dma_semaphore, #tpu.memory_space<semaphore_mem>>) src(%dma_wait3A_457 : memref<128xi32, #tpu.memory_space<vmem_shared>>) dst(%arg16 : memref<128xi32, #tpu.memory_space<vmem>>)
      tpu.yield
    }) : () -> ()
    %mul3A_122 = arith.constant 2 : i32
    %mul3A_123 = arith.muli %mul3A_122, %arg0 : i32
    %mul3A_124 = arith.constant 1024 : i32
    %mul3A_125 = arith.muli %mul3A_123, %mul3A_124 : i32
    %mul3A_126 = arith.constant 128 : i32
    %mul3A_127 = arith.muli %arg1, %mul3A_126 : i32
    %add3A_128 = arith.addi %mul3A_125, %mul3A_127 : i32
    "tpu.trace_start"() <{level = 10 : i32, message = "rowgather"}> : () -> ()
    %dma_start3A_129 = arith.constant 0 : i32
    %dma_start3A_130 = tpu.memref_slice %arg16[%dma_start3A_129] : memref<128xi32, #tpu.memory_space<vmem>> -> memref<8xi32, #tpu.memory_space<vmem>>
    %dma_start3A_131 = arith.constant 0 : i32
    %dma_start3A_132 = arith.constant 0 : i32
    %dma_start3A_133 = tpu.memref_slice %arg4[%dma_start3A_131, %dma_start3A_132] : memref<16384x2048xf32, #tpu.memory_space<hbm>> -> memref<16384x2048xf32, #tpu.memory_space<hbm>>
    tpu.enqueue_indirect_dma source(%dma_start3A_133 : memref<16384x2048xf32, #tpu.memory_space<hbm>>) target(%arg17 : memref<8x2048xf32, #tpu.memory_space<vmem>>) offsets(%dma_start3A_130 : memref<8xi32, #tpu.memory_space<vmem>>) semaphore(%arg21 : memref<!tpu.dma_semaphore, #tpu.memory_space<semaphore_mem>>)
    %dma_start3A_134 = arith.constant 8 : i32
    %dma_start3A_135 = tpu.memref_slice %arg16[%dma_start3A_134] : memref<128xi32, #tpu.memory_space<vmem>> -> memref<8xi32, #tpu.memory_space<vmem>>
    %dma_start3A_136 = arith.constant 0 : i32
    %dma_start3A_137 = arith.constant 0 : i32
    %dma_start3A_138 = tpu.memref_slice %arg4[%dma_start3A_136, %dma_start3A_137] : memref<16384x2048xf32, #tpu.memory_space<hbm>> -> memref<16384x2048xf32, #tpu.memory_space<hbm>>
    tpu.enqueue_indirect_dma source(%dma_start3A_138 : memref<16384x2048xf32, #tpu.memory_space<hbm>>) target(%arg18 : memref<8x2048xf32, #tpu.memory_space<vmem>>) offsets(%dma_start3A_135 : memref<8xi32, #tpu.memory_space<vmem>>) semaphore(%arg22 : memref<!tpu.dma_semaphore, #tpu.memory_space<semaphore_mem>>)
    %dma_wait3A_139 = arith.constant 0 : i32
    %dma_wait3A_140 = tpu.memref_slice %arg16[%dma_wait3A_139] : memref<128xi32, #tpu.memory_space<vmem>> -> memref<8xi32, #tpu.memory_space<vmem>>
    %dma_wait3A_141 = arith.constant 0 : i32
    %dma_wait3A_142 = arith.constant 0 : i32
    %dma_wait3A_143 = tpu.memref_slice %arg4[%dma_wait3A_141, %dma_wait3A_142] : memref<16384x2048xf32, #tpu.memory_space<hbm>> -> memref<16384x2048xf32, #tpu.memory_space<hbm>>
    tpu.wait_indirect_dma semaphore(%arg21 : memref<!tpu.dma_semaphore, #tpu.memory_space<semaphore_mem>>) src(%dma_wait3A_143 : memref<16384x2048xf32, #tpu.memory_space<hbm>>) dst(%arg17 : memref<8x2048xf32, #tpu.memory_space<vmem>>)
    %add3A_144 = arith.constant 0 : i32
    %add3A_145 = arith.addi %add3A_128, %add3A_144 : i32
    %dma_start3A_146 = arith.constant 0 : i32
    %dma_start3A_147 = tpu.memref_slice %arg5[%add3A_145, %dma_start3A_146] : memref<4096x2048xf32, #tpu.memory_space<hbm>> -> memref<8x2048xf32, #tpu.memory_space<hbm>>
    %dma_start3A_148 = arith.constant 0 : i32
    %dma_start3A_149 = tpu.memref_slice %arg5[%add3A_145, %dma_start3A_148] : memref<4096x2048xf32, #tpu.memory_space<hbm>> -> memref<8x2048xf32, #tpu.memory_space<hbm>>
    tpu.enqueue_dma source(%arg17 : memref<8x2048xf32, #tpu.memory_space<vmem>>) target(%dma_start3A_149 : memref<8x2048xf32, #tpu.memory_space<hbm>>) target_semaphore(%arg23 : memref<!tpu.dma_semaphore, #tpu.memory_space<semaphore_mem>>)
    %dma_wait3A_150 = arith.constant 0 : i32
    %dma_wait3A_151 = tpu.memref_slice %arg5[%add3A_145, %dma_wait3A_150] : memref<4096x2048xf32, #tpu.memory_space<hbm>> -> memref<8x2048xf32, #tpu.memory_space<hbm>>
    %dma_wait3A_152 = arith.constant 0 : i32
    %dma_wait3A_153 = tpu.memref_slice %arg5[%add3A_145, %dma_wait3A_152] : memref<4096x2048xf32, #tpu.memory_space<hbm>> -> memref<8x2048xf32, #tpu.memory_space<hbm>>
    tpu.wait_dma2 semaphore(%arg23 : memref<!tpu.dma_semaphore, #tpu.memory_space<semaphore_mem>>) src(%arg17 : memref<8x2048xf32, #tpu.memory_space<vmem>>) dst(%dma_wait3A_153 : memref<8x2048xf32, #tpu.memory_space<hbm>>)
    %dma_start3A_154 = arith.constant 16 : i32
    %dma_start3A_155 = tpu.memref_slice %arg16[%dma_start3A_154] : memref<128xi32, #tpu.memory_space<vmem>> -> memref<8xi32, #tpu.memory_space<vmem>>
    %dma_start3A_156 = arith.constant 0 : i32
    %dma_start3A_157 = arith.constant 0 : i32
    %dma_start3A_158 = tpu.memref_slice %arg4[%dma_start3A_156, %dma_start3A_157] : memref<16384x2048xf32, #tpu.memory_space<hbm>> -> memref<16384x2048xf32, #tpu.memory_space<hbm>>
    tpu.enqueue_indirect_dma source(%dma_start3A_158 : memref<16384x2048xf32, #tpu.memory_space<hbm>>) target(%arg17 : memref<8x2048xf32, #tpu.memory_space<vmem>>) offsets(%dma_start3A_155 : memref<8xi32, #tpu.memory_space<vmem>>) semaphore(%arg21 : memref<!tpu.dma_semaphore, #tpu.memory_space<semaphore_mem>>)
    %dma_wait3A_159 = arith.constant 8 : i32
    %dma_wait3A_160 = tpu.memref_slice %arg16[%dma_wait3A_159] : memref<128xi32, #tpu.memory_space<vmem>> -> memref<8xi32, #tpu.memory_space<vmem>>
    %dma_wait3A_161 = arith.constant 0 : i32
    %dma_wait3A_162 = arith.constant 0 : i32
    %dma_wait3A_163 = tpu.memref_slice %arg4[%dma_wait3A_161, %dma_wait3A_162] : memref<16384x2048xf32, #tpu.memory_space<hbm>> -> memref<16384x2048xf32, #tpu.memory_space<hbm>>
    tpu.wait_indirect_dma semaphore(%arg22 : memref<!tpu.dma_semaphore, #tpu.memory_space<semaphore_mem>>) src(%dma_wait3A_163 : memref<16384x2048xf32, #tpu.memory_space<hbm>>) dst(%arg18 : memref<8x2048xf32, #tpu.memory_space<vmem>>)
    %add3A_164 = arith.constant 8 : i32
    %add3A_165 = arith.addi %add3A_128, %add3A_164 : i32
    %dma_start3A_166 = arith.constant 0 : i32
    %dma_start3A_167 = tpu.memref_slice %arg5[%add3A_165, %dma_start3A_166] : memref<4096x2048xf32, #tpu.memory_space<hbm>> -> memref<8x2048xf32, #tpu.memory_space<hbm>>
    %dma_start3A_168 = arith.constant 0 : i32
    %dma_start3A_169 = tpu.memref_slice %arg5[%add3A_165, %dma_start3A_168] : memref<4096x2048xf32, #tpu.memory_space<hbm>> -> memref<8x2048xf32, #tpu.memory_space<hbm>>
    tpu.enqueue_dma source(%arg18 : memref<8x2048xf32, #tpu.memory_space<vmem>>) target(%dma_start3A_169 : memref<8x2048xf32, #tpu.memory_space<hbm>>) target_semaphore(%arg24 : memref<!tpu.dma_semaphore, #tpu.memory_space<semaphore_mem>>)
    %dma_wait3A_170 = arith.constant 0 : i32
    %dma_wait3A_171 = tpu.memref_slice %arg5[%add3A_165, %dma_wait3A_170] : memref<4096x2048xf32, #tpu.memory_space<hbm>> -> memref<8x2048xf32, #tpu.memory_space<hbm>>
    %dma_wait3A_172 = arith.constant 0 : i32
    %dma_wait3A_173 = tpu.memref_slice %arg5[%add3A_165, %dma_wait3A_172] : memref<4096x2048xf32, #tpu.memory_space<hbm>> -> memref<8x2048xf32, #tpu.memory_space<hbm>>
    tpu.wait_dma2 semaphore(%arg24 : memref<!tpu.dma_semaphore, #tpu.memory_space<semaphore_mem>>) src(%arg18 : memref<8x2048xf32, #tpu.memory_space<vmem>>) dst(%dma_wait3A_173 : memref<8x2048xf32, #tpu.memory_space<hbm>>)
    %dma_start3A_174 = arith.constant 24 : i32
    %dma_start3A_175 = tpu.memref_slice %arg16[%dma_start3A_174] : memref<128xi32, #tpu.memory_space<vmem>> -> memref<8xi32, #tpu.memory_space<vmem>>
    %dma_start3A_176 = arith.constant 0 : i32
    %dma_start3A_177 = arith.constant 0 : i32
    %dma_start3A_178 = tpu.memref_slice %arg4[%dma_start3A_176, %dma_start3A_177] : memref<16384x2048xf32, #tpu.memory_space<hbm>> -> memref<16384x2048xf32, #tpu.memory_space<hbm>>
    tpu.enqueue_indirect_dma source(%dma_start3A_178 : memref<16384x2048xf32, #tpu.memory_space<hbm>>) target(%arg18 : memref<8x2048xf32, #tpu.memory_space<vmem>>) offsets(%dma_start3A_175 : memref<8xi32, #tpu.memory_space<vmem>>) semaphore(%arg22 : memref<!tpu.dma_semaphore, #tpu.memory_space<semaphore_mem>>)
    %dma_wait3A_179 = arith.constant 16 : i32
    %dma_wait3A_180 = tpu.memref_slice %arg16[%dma_wait3A_179] : memref<128xi32, #tpu.memory_space<vmem>> -> memref<8xi32, #tpu.memory_space<vmem>>
    %dma_wait3A_181 = arith.constant 0 : i32
    %dma_wait3A_182 = arith.constant 0 : i32
    %dma_wait3A_183 = tpu.memref_slice %arg4[%dma_wait3A_181, %dma_wait3A_182] : memref<16384x2048xf32, #tpu.memory_space<hbm>> -> memref<16384x2048xf32, #tpu.memory_space<hbm>>
    tpu.wait_indirect_dma semaphore(%arg21 : memref<!tpu.dma_semaphore, #tpu.memory_space<semaphore_mem>>) src(%dma_wait3A_183 : memref<16384x2048xf32, #tpu.memory_space<hbm>>) dst(%arg17 : memref<8x2048xf32, #tpu.memory_space<vmem>>)
    %add3A_184 = arith.constant 16 : i32
    %add3A_185 = arith.addi %add3A_128, %add3A_184 : i32
    %dma_start3A_186 = arith.constant 0 : i32
    %dma_start3A_187 = tpu.memref_slice %arg5[%add3A_185, %dma_start3A_186] : memref<4096x2048xf32, #tpu.memory_space<hbm>> -> memref<8x2048xf32, #tpu.memory_space<hbm>>
    %dma_start3A_188 = arith.constant 0 : i32
    %dma_start3A_189 = tpu.memref_slice %arg5[%add3A_185, %dma_start3A_188] : memref<4096x2048xf32, #tpu.memory_space<hbm>> -> memref<8x2048xf32, #tpu.memory_space<hbm>>
    tpu.enqueue_dma source(%arg17 : memref<8x2048xf32, #tpu.memory_space<vmem>>) target(%dma_start3A_189 : memref<8x2048xf32, #tpu.memory_space<hbm>>) target_semaphore(%arg23 : memref<!tpu.dma_semaphore, #tpu.memory_space<semaphore_mem>>)
    %dma_wait3A_190 = arith.constant 0 : i32
    %dma_wait3A_191 = tpu.memref_slice %arg5[%add3A_185, %dma_wait3A_190] : memref<4096x2048xf32, #tpu.memory_space<hbm>> -> memref<8x2048xf32, #tpu.memory_space<hbm>>
    %dma_wait3A_192 = arith.constant 0 : i32
    %dma_wait3A_193 = tpu.memref_slice %arg5[%add3A_185, %dma_wait3A_192] : memref<4096x2048xf32, #tpu.memory_space<hbm>> -> memref<8x2048xf32, #tpu.memory_space<hbm>>
    tpu.wait_dma2 semaphore(%arg23 : memref<!tpu.dma_semaphore, #tpu.memory_space<semaphore_mem>>) src(%arg17 : memref<8x2048xf32, #tpu.memory_space<vmem>>) dst(%dma_wait3A_193 : memref<8x2048xf32, #tpu.memory_space<hbm>>)
    %dma_start3A_194 = arith.constant 32 : i32
    %dma_start3A_195 = tpu.memref_slice %arg16[%dma_start3A_194] : memref<128xi32, #tpu.memory_space<vmem>> -> memref<8xi32, #tpu.memory_space<vmem>>
    %dma_start3A_196 = arith.constant 0 : i32
    %dma_start3A_197 = arith.constant 0 : i32
    %dma_start3A_198 = tpu.memref_slice %arg4[%dma_start3A_196, %dma_start3A_197] : memref<16384x2048xf32, #tpu.memory_space<hbm>> -> memref<16384x2048xf32, #tpu.memory_space<hbm>>
    tpu.enqueue_indirect_dma source(%dma_start3A_198 : memref<16384x2048xf32, #tpu.memory_space<hbm>>) target(%arg17 : memref<8x2048xf32, #tpu.memory_space<vmem>>) offsets(%dma_start3A_195 : memref<8xi32, #tpu.memory_space<vmem>>) semaphore(%arg21 : memref<!tpu.dma_semaphore, #tpu.memory_space<semaphore_mem>>)
    %dma_wait3A_199 = arith.constant 24 : i32
    %dma_wait3A_200 = tpu.memref_slice %arg16[%dma_wait3A_199] : memref<128xi32, #tpu.memory_space<vmem>> -> memref<8xi32, #tpu.memory_space<vmem>>
    %dma_wait3A_201 = arith.constant 0 : i32
    %dma_wait3A_202 = arith.constant 0 : i32
    %dma_wait3A_203 = tpu.memref_slice %arg4[%dma_wait3A_201, %dma_wait3A_202] : memref<16384x2048xf32, #tpu.memory_space<hbm>> -> memref<16384x2048xf32, #tpu.memory_space<hbm>>
    tpu.wait_indirect_dma semaphore(%arg22 : memref<!tpu.dma_semaphore, #tpu.memory_space<semaphore_mem>>) src(%dma_wait3A_203 : memref<16384x2048xf32, #tpu.memory_space<hbm>>) dst(%arg18 : memref<8x2048xf32, #tpu.memory_space<vmem>>)
    %add3A_204 = arith.constant 24 : i32
    %add3A_205 = arith.addi %add3A_128, %add3A_204 : i32
    %dma_start3A_206 = arith.constant 0 : i32
    %dma_start3A_207 = tpu.memref_slice %arg5[%add3A_205, %dma_start3A_206] : memref<4096x2048xf32, #tpu.memory_space<hbm>> -> memref<8x2048xf32, #tpu.memory_space<hbm>>
    %dma_start3A_208 = arith.constant 0 : i32
    %dma_start3A_209 = tpu.memref_slice %arg5[%add3A_205, %dma_start3A_208] : memref<4096x2048xf32, #tpu.memory_space<hbm>> -> memref<8x2048xf32, #tpu.memory_space<hbm>>
    tpu.enqueue_dma source(%arg18 : memref<8x2048xf32, #tpu.memory_space<vmem>>) target(%dma_start3A_209 : memref<8x2048xf32, #tpu.memory_space<hbm>>) target_semaphore(%arg24 : memref<!tpu.dma_semaphore, #tpu.memory_space<semaphore_mem>>)
    %dma_wait3A_210 = arith.constant 0 : i32
    %dma_wait3A_211 = tpu.memref_slice %arg5[%add3A_205, %dma_wait3A_210] : memref<4096x2048xf32, #tpu.memory_space<hbm>> -> memref<8x2048xf32, #tpu.memory_space<hbm>>
    %dma_wait3A_212 = arith.constant 0 : i32
    %dma_wait3A_213 = tpu.memref_slice %arg5[%add3A_205, %dma_wait3A_212] : memref<4096x2048xf32, #tpu.memory_space<hbm>> -> memref<8x2048xf32, #tpu.memory_space<hbm>>
    tpu.wait_dma2 semaphore(%arg24 : memref<!tpu.dma_semaphore, #tpu.memory_space<semaphore_mem>>) src(%arg18 : memref<8x2048xf32, #tpu.memory_space<vmem>>) dst(%dma_wait3A_213 : memref<8x2048xf32, #tpu.memory_space<hbm>>)
    %dma_start3A_214 = arith.constant 40 : i32
    %dma_start3A_215 = tpu.memref_slice %arg16[%dma_start3A_214] : memref<128xi32, #tpu.memory_space<vmem>> -> memref<8xi32, #tpu.memory_space<vmem>>
    %dma_start3A_216 = arith.constant 0 : i32
    %dma_start3A_217 = arith.constant 0 : i32
    %dma_start3A_218 = tpu.memref_slice %arg4[%dma_start3A_216, %dma_start3A_217] : memref<16384x2048xf32, #tpu.memory_space<hbm>> -> memref<16384x2048xf32, #tpu.memory_space<hbm>>
    tpu.enqueue_indirect_dma source(%dma_start3A_218 : memref<16384x2048xf32, #tpu.memory_space<hbm>>) target(%arg18 : memref<8x2048xf32, #tpu.memory_space<vmem>>) offsets(%dma_start3A_215 : memref<8xi32, #tpu.memory_space<vmem>>) semaphore(%arg22 : memref<!tpu.dma_semaphore, #tpu.memory_space<semaphore_mem>>)
    %dma_wait3A_219 = arith.constant 32 : i32
    %dma_wait3A_220 = tpu.memref_slice %arg16[%dma_wait3A_219] : memref<128xi32, #tpu.memory_space<vmem>> -> memref<8xi32, #tpu.memory_space<vmem>>
    %dma_wait3A_221 = arith.constant 0 : i32
    %dma_wait3A_222 = arith.constant 0 : i32
    %dma_wait3A_223 = tpu.memref_slice %arg4[%dma_wait3A_221, %dma_wait3A_222] : memref<16384x2048xf32, #tpu.memory_space<hbm>> -> memref<16384x2048xf32, #tpu.memory_space<hbm>>
    tpu.wait_indirect_dma semaphore(%arg21 : memref<!tpu.dma_semaphore, #tpu.memory_space<semaphore_mem>>) src(%dma_wait3A_223 : memref<16384x2048xf32, #tpu.memory_space<hbm>>) dst(%arg17 : memref<8x2048xf32, #tpu.memory_space<vmem>>)
    %add3A_224 = arith.constant 32 : i32
    %add3A_225 = arith.addi %add3A_128, %add3A_224 : i32
    %dma_start3A_226 = arith.constant 0 : i32
    %dma_start3A_227 = tpu.memref_slice %arg5[%add3A_225, %dma_start3A_226] : memref<4096x2048xf32, #tpu.memory_space<hbm>> -> memref<8x2048xf32, #tpu.memory_space<hbm>>
    %dma_start3A_228 = arith.constant 0 : i32
    %dma_start3A_229 = tpu.memref_slice %arg5[%add3A_225, %dma_start3A_228] : memref<4096x2048xf32, #tpu.memory_space<hbm>> -> memref<8x2048xf32, #tpu.memory_space<hbm>>
    tpu.enqueue_dma source(%arg17 : memref<8x2048xf32, #tpu.memory_space<vmem>>) target(%dma_start3A_229 : memref<8x2048xf32, #tpu.memory_space<hbm>>) target_semaphore(%arg23 : memref<!tpu.dma_semaphore, #tpu.memory_space<semaphore_mem>>)
    %dma_wait3A_230 = arith.constant 0 : i32
    %dma_wait3A_231 = tpu.memref_slice %arg5[%add3A_225, %dma_wait3A_230] : memref<4096x2048xf32, #tpu.memory_space<hbm>> -> memref<8x2048xf32, #tpu.memory_space<hbm>>
    %dma_wait3A_232 = arith.constant 0 : i32
    %dma_wait3A_233 = tpu.memref_slice %arg5[%add3A_225, %dma_wait3A_232] : memref<4096x2048xf32, #tpu.memory_space<hbm>> -> memref<8x2048xf32, #tpu.memory_space<hbm>>
    tpu.wait_dma2 semaphore(%arg23 : memref<!tpu.dma_semaphore, #tpu.memory_space<semaphore_mem>>) src(%arg17 : memref<8x2048xf32, #tpu.memory_space<vmem>>) dst(%dma_wait3A_233 : memref<8x2048xf32, #tpu.memory_space<hbm>>)
    %dma_start3A_234 = arith.constant 48 : i32
    %dma_start3A_235 = tpu.memref_slice %arg16[%dma_start3A_234] : memref<128xi32, #tpu.memory_space<vmem>> -> memref<8xi32, #tpu.memory_space<vmem>>
    %dma_start3A_236 = arith.constant 0 : i32
    %dma_start3A_237 = arith.constant 0 : i32
    %dma_start3A_238 = tpu.memref_slice %arg4[%dma_start3A_236, %dma_start3A_237] : memref<16384x2048xf32, #tpu.memory_space<hbm>> -> memref<16384x2048xf32, #tpu.memory_space<hbm>>
    tpu.enqueue_indirect_dma source(%dma_start3A_238 : memref<16384x2048xf32, #tpu.memory_space<hbm>>) target(%arg17 : memref<8x2048xf32, #tpu.memory_space<vmem>>) offsets(%dma_start3A_235 : memref<8xi32, #tpu.memory_space<vmem>>) semaphore(%arg21 : memref<!tpu.dma_semaphore, #tpu.memory_space<semaphore_mem>>)
    %dma_wait3A_239 = arith.constant 40 : i32
    %dma_wait3A_240 = tpu.memref_slice %arg16[%dma_wait3A_239] : memref<128xi32, #tpu.memory_space<vmem>> -> memref<8xi32, #tpu.memory_space<vmem>>
    %dma_wait3A_241 = arith.constant 0 : i32
    %dma_wait3A_242 = arith.constant 0 : i32
    %dma_wait3A_243 = tpu.memref_slice %arg4[%dma_wait3A_241, %dma_wait3A_242] : memref<16384x2048xf32, #tpu.memory_space<hbm>> -> memref<16384x2048xf32, #tpu.memory_space<hbm>>
    tpu.wait_indirect_dma semaphore(%arg22 : memref<!tpu.dma_semaphore, #tpu.memory_space<semaphore_mem>>) src(%dma_wait3A_243 : memref<16384x2048xf32, #tpu.memory_space<hbm>>) dst(%arg18 : memref<8x2048xf32, #tpu.memory_space<vmem>>)
    %add3A_244 = arith.constant 40 : i32
    %add3A_245 = arith.addi %add3A_128, %add3A_244 : i32
    %dma_start3A_246 = arith.constant 0 : i32
    %dma_start3A_247 = tpu.memref_slice %arg5[%add3A_245, %dma_start3A_246] : memref<4096x2048xf32, #tpu.memory_space<hbm>> -> memref<8x2048xf32, #tpu.memory_space<hbm>>
    %dma_start3A_248 = arith.constant 0 : i32
    %dma_start3A_249 = tpu.memref_slice %arg5[%add3A_245, %dma_start3A_248] : memref<4096x2048xf32, #tpu.memory_space<hbm>> -> memref<8x2048xf32, #tpu.memory_space<hbm>>
    tpu.enqueue_dma source(%arg18 : memref<8x2048xf32, #tpu.memory_space<vmem>>) target(%dma_start3A_249 : memref<8x2048xf32, #tpu.memory_space<hbm>>) target_semaphore(%arg24 : memref<!tpu.dma_semaphore, #tpu.memory_space<semaphore_mem>>)
    %dma_wait3A_250 = arith.constant 0 : i32
    %dma_wait3A_251 = tpu.memref_slice %arg5[%add3A_245, %dma_wait3A_250] : memref<4096x2048xf32, #tpu.memory_space<hbm>> -> memref<8x2048xf32, #tpu.memory_space<hbm>>
    %dma_wait3A_252 = arith.constant 0 : i32
    %dma_wait3A_253 = tpu.memref_slice %arg5[%add3A_245, %dma_wait3A_252] : memref<4096x2048xf32, #tpu.memory_space<hbm>> -> memref<8x2048xf32, #tpu.memory_space<hbm>>
    tpu.wait_dma2 semaphore(%arg24 : memref<!tpu.dma_semaphore, #tpu.memory_space<semaphore_mem>>) src(%arg18 : memref<8x2048xf32, #tpu.memory_space<vmem>>) dst(%dma_wait3A_253 : memref<8x2048xf32, #tpu.memory_space<hbm>>)
    %dma_start3A_254 = arith.constant 56 : i32
    %dma_start3A_255 = tpu.memref_slice %arg16[%dma_start3A_254] : memref<128xi32, #tpu.memory_space<vmem>> -> memref<8xi32, #tpu.memory_space<vmem>>
    %dma_start3A_256 = arith.constant 0 : i32
    %dma_start3A_257 = arith.constant 0 : i32
    %dma_start3A_258 = tpu.memref_slice %arg4[%dma_start3A_256, %dma_start3A_257] : memref<16384x2048xf32, #tpu.memory_space<hbm>> -> memref<16384x2048xf32, #tpu.memory_space<hbm>>
    tpu.enqueue_indirect_dma source(%dma_start3A_258 : memref<16384x2048xf32, #tpu.memory_space<hbm>>) target(%arg18 : memref<8x2048xf32, #tpu.memory_space<vmem>>) offsets(%dma_start3A_255 : memref<8xi32, #tpu.memory_space<vmem>>) semaphore(%arg22 : memref<!tpu.dma_semaphore, #tpu.memory_space<semaphore_mem>>)
    %dma_wait3A_259 = arith.constant 48 : i32
    %dma_wait3A_260 = tpu.memref_slice %arg16[%dma_wait3A_259] : memref<128xi32, #tpu.memory_space<vmem>> -> memref<8xi32, #tpu.memory_space<vmem>>
    %dma_wait3A_261 = arith.constant 0 : i32
    %dma_wait3A_262 = arith.constant 0 : i32
    %dma_wait3A_263 = tpu.memref_slice %arg4[%dma_wait3A_261, %dma_wait3A_262] : memref<16384x2048xf32, #tpu.memory_space<hbm>> -> memref<16384x2048xf32, #tpu.memory_space<hbm>>
    tpu.wait_indirect_dma semaphore(%arg21 : memref<!tpu.dma_semaphore, #tpu.memory_space<semaphore_mem>>) src(%dma_wait3A_263 : memref<16384x2048xf32, #tpu.memory_space<hbm>>) dst(%arg17 : memref<8x2048xf32, #tpu.memory_space<vmem>>)
    %add3A_264 = arith.constant 48 : i32
    %add3A_265 = arith.addi %add3A_128, %add3A_264 : i32
    %dma_start3A_266 = arith.constant 0 : i32
    %dma_start3A_267 = tpu.memref_slice %arg5[%add3A_265, %dma_start3A_266] : memref<4096x2048xf32, #tpu.memory_space<hbm>> -> memref<8x2048xf32, #tpu.memory_space<hbm>>
    %dma_start3A_268 = arith.constant 0 : i32
    %dma_start3A_269 = tpu.memref_slice %arg5[%add3A_265, %dma_start3A_268] : memref<4096x2048xf32, #tpu.memory_space<hbm>> -> memref<8x2048xf32, #tpu.memory_space<hbm>>
    tpu.enqueue_dma source(%arg17 : memref<8x2048xf32, #tpu.memory_space<vmem>>) target(%dma_start3A_269 : memref<8x2048xf32, #tpu.memory_space<hbm>>) target_semaphore(%arg23 : memref<!tpu.dma_semaphore, #tpu.memory_space<semaphore_mem>>)
    %dma_wait3A_270 = arith.constant 0 : i32
    %dma_wait3A_271 = tpu.memref_slice %arg5[%add3A_265, %dma_wait3A_270] : memref<4096x2048xf32, #tpu.memory_space<hbm>> -> memref<8x2048xf32, #tpu.memory_space<hbm>>
    %dma_wait3A_272 = arith.constant 0 : i32
    %dma_wait3A_273 = tpu.memref_slice %arg5[%add3A_265, %dma_wait3A_272] : memref<4096x2048xf32, #tpu.memory_space<hbm>> -> memref<8x2048xf32, #tpu.memory_space<hbm>>
    tpu.wait_dma2 semaphore(%arg23 : memref<!tpu.dma_semaphore, #tpu.memory_space<semaphore_mem>>) src(%arg17 : memref<8x2048xf32, #tpu.memory_space<vmem>>) dst(%dma_wait3A_273 : memref<8x2048xf32, #tpu.memory_space<hbm>>)
    %dma_start3A_274 = arith.constant 64 : i32
    %dma_start3A_275 = tpu.memref_slice %arg16[%dma_start3A_274] : memref<128xi32, #tpu.memory_space<vmem>> -> memref<8xi32, #tpu.memory_space<vmem>>
    %dma_start3A_276 = arith.constant 0 : i32
    %dma_start3A_277 = arith.constant 0 : i32
    %dma_start3A_278 = tpu.memref_slice %arg4[%dma_start3A_276, %dma_start3A_277] : memref<16384x2048xf32, #tpu.memory_space<hbm>> -> memref<16384x2048xf32, #tpu.memory_space<hbm>>
    tpu.enqueue_indirect_dma source(%dma_start3A_278 : memref<16384x2048xf32, #tpu.memory_space<hbm>>) target(%arg17 : memref<8x2048xf32, #tpu.memory_space<vmem>>) offsets(%dma_start3A_275 : memref<8xi32, #tpu.memory_space<vmem>>) semaphore(%arg21 : memref<!tpu.dma_semaphore, #tpu.memory_space<semaphore_mem>>)
    %dma_wait3A_279 = arith.constant 56 : i32
    %dma_wait3A_280 = tpu.memref_slice %arg16[%dma_wait3A_279] : memref<128xi32, #tpu.memory_space<vmem>> -> memref<8xi32, #tpu.memory_space<vmem>>
    %dma_wait3A_281 = arith.constant 0 : i32
    %dma_wait3A_282 = arith.constant 0 : i32
    %dma_wait3A_283 = tpu.memref_slice %arg4[%dma_wait3A_281, %dma_wait3A_282] : memref<16384x2048xf32, #tpu.memory_space<hbm>> -> memref<16384x2048xf32, #tpu.memory_space<hbm>>
    tpu.wait_indirect_dma semaphore(%arg22 : memref<!tpu.dma_semaphore, #tpu.memory_space<semaphore_mem>>) src(%dma_wait3A_283 : memref<16384x2048xf32, #tpu.memory_space<hbm>>) dst(%arg18 : memref<8x2048xf32, #tpu.memory_space<vmem>>)
    %add3A_284 = arith.constant 56 : i32
    %add3A_285 = arith.addi %add3A_128, %add3A_284 : i32
    %dma_start3A_286 = arith.constant 0 : i32
    %dma_start3A_287 = tpu.memref_slice %arg5[%add3A_285, %dma_start3A_286] : memref<4096x2048xf32, #tpu.memory_space<hbm>> -> memref<8x2048xf32, #tpu.memory_space<hbm>>
    %dma_start3A_288 = arith.constant 0 : i32
    %dma_start3A_289 = tpu.memref_slice %arg5[%add3A_285, %dma_start3A_288] : memref<4096x2048xf32, #tpu.memory_space<hbm>> -> memref<8x2048xf32, #tpu.memory_space<hbm>>
    tpu.enqueue_dma source(%arg18 : memref<8x2048xf32, #tpu.memory_space<vmem>>) target(%dma_start3A_289 : memref<8x2048xf32, #tpu.memory_space<hbm>>) target_semaphore(%arg24 : memref<!tpu.dma_semaphore, #tpu.memory_space<semaphore_mem>>)
    %dma_wait3A_290 = arith.constant 0 : i32
    %dma_wait3A_291 = tpu.memref_slice %arg5[%add3A_285, %dma_wait3A_290] : memref<4096x2048xf32, #tpu.memory_space<hbm>> -> memref<8x2048xf32, #tpu.memory_space<hbm>>
    %dma_wait3A_292 = arith.constant 0 : i32
    %dma_wait3A_293 = tpu.memref_slice %arg5[%add3A_285, %dma_wait3A_292] : memref<4096x2048xf32, #tpu.memory_space<hbm>> -> memref<8x2048xf32, #tpu.memory_space<hbm>>
    tpu.wait_dma2 semaphore(%arg24 : memref<!tpu.dma_semaphore, #tpu.memory_space<semaphore_mem>>) src(%arg18 : memref<8x2048xf32, #tpu.memory_space<vmem>>) dst(%dma_wait3A_293 : memref<8x2048xf32, #tpu.memory_space<hbm>>)
    %dma_start3A_294 = arith.constant 72 : i32
    %dma_start3A_295 = tpu.memref_slice %arg16[%dma_start3A_294] : memref<128xi32, #tpu.memory_space<vmem>> -> memref<8xi32, #tpu.memory_space<vmem>>
    %dma_start3A_296 = arith.constant 0 : i32
    %dma_start3A_297 = arith.constant 0 : i32
    %dma_start3A_298 = tpu.memref_slice %arg4[%dma_start3A_296, %dma_start3A_297] : memref<16384x2048xf32, #tpu.memory_space<hbm>> -> memref<16384x2048xf32, #tpu.memory_space<hbm>>
    tpu.enqueue_indirect_dma source(%dma_start3A_298 : memref<16384x2048xf32, #tpu.memory_space<hbm>>) target(%arg18 : memref<8x2048xf32, #tpu.memory_space<vmem>>) offsets(%dma_start3A_295 : memref<8xi32, #tpu.memory_space<vmem>>) semaphore(%arg22 : memref<!tpu.dma_semaphore, #tpu.memory_space<semaphore_mem>>)
    %dma_wait3A_299 = arith.constant 64 : i32
    %dma_wait3A_300 = tpu.memref_slice %arg16[%dma_wait3A_299] : memref<128xi32, #tpu.memory_space<vmem>> -> memref<8xi32, #tpu.memory_space<vmem>>
    %dma_wait3A_301 = arith.constant 0 : i32
    %dma_wait3A_302 = arith.constant 0 : i32
    %dma_wait3A_303 = tpu.memref_slice %arg4[%dma_wait3A_301, %dma_wait3A_302] : memref<16384x2048xf32, #tpu.memory_space<hbm>> -> memref<16384x2048xf32, #tpu.memory_space<hbm>>
    tpu.wait_indirect_dma semaphore(%arg21 : memref<!tpu.dma_semaphore, #tpu.memory_space<semaphore_mem>>) src(%dma_wait3A_303 : memref<16384x2048xf32, #tpu.memory_space<hbm>>) dst(%arg17 : memref<8x2048xf32, #tpu.memory_space<vmem>>)
    %add3A_304 = arith.constant 64 : i32
    %add3A_305 = arith.addi %add3A_128, %add3A_304 : i32
    %dma_start3A_306 = arith.constant 0 : i32
    %dma_start3A_307 = tpu.memref_slice %arg5[%add3A_305, %dma_start3A_306] : memref<4096x2048xf32, #tpu.memory_space<hbm>> -> memref<8x2048xf32, #tpu.memory_space<hbm>>
    %dma_start3A_308 = arith.constant 0 : i32
    %dma_start3A_309 = tpu.memref_slice %arg5[%add3A_305, %dma_start3A_308] : memref<4096x2048xf32, #tpu.memory_space<hbm>> -> memref<8x2048xf32, #tpu.memory_space<hbm>>
    tpu.enqueue_dma source(%arg17 : memref<8x2048xf32, #tpu.memory_space<vmem>>) target(%dma_start3A_309 : memref<8x2048xf32, #tpu.memory_space<hbm>>) target_semaphore(%arg23 : memref<!tpu.dma_semaphore, #tpu.memory_space<semaphore_mem>>)
    %dma_wait3A_310 = arith.constant 0 : i32
    %dma_wait3A_311 = tpu.memref_slice %arg5[%add3A_305, %dma_wait3A_310] : memref<4096x2048xf32, #tpu.memory_space<hbm>> -> memref<8x2048xf32, #tpu.memory_space<hbm>>
    %dma_wait3A_312 = arith.constant 0 : i32
    %dma_wait3A_313 = tpu.memref_slice %arg5[%add3A_305, %dma_wait3A_312] : memref<4096x2048xf32, #tpu.memory_space<hbm>> -> memref<8x2048xf32, #tpu.memory_space<hbm>>
    tpu.wait_dma2 semaphore(%arg23 : memref<!tpu.dma_semaphore, #tpu.memory_space<semaphore_mem>>) src(%arg17 : memref<8x2048xf32, #tpu.memory_space<vmem>>) dst(%dma_wait3A_313 : memref<8x2048xf32, #tpu.memory_space<hbm>>)
    %dma_start3A_314 = arith.constant 80 : i32
    %dma_start3A_315 = tpu.memref_slice %arg16[%dma_start3A_314] : memref<128xi32, #tpu.memory_space<vmem>> -> memref<8xi32, #tpu.memory_space<vmem>>
    %dma_start3A_316 = arith.constant 0 : i32
    %dma_start3A_317 = arith.constant 0 : i32
    %dma_start3A_318 = tpu.memref_slice %arg4[%dma_start3A_316, %dma_start3A_317] : memref<16384x2048xf32, #tpu.memory_space<hbm>> -> memref<16384x2048xf32, #tpu.memory_space<hbm>>
    tpu.enqueue_indirect_dma source(%dma_start3A_318 : memref<16384x2048xf32, #tpu.memory_space<hbm>>) target(%arg17 : memref<8x2048xf32, #tpu.memory_space<vmem>>) offsets(%dma_start3A_315 : memref<8xi32, #tpu.memory_space<vmem>>) semaphore(%arg21 : memref<!tpu.dma_semaphore, #tpu.memory_space<semaphore_mem>>)
    %dma_wait3A_319 = arith.constant 72 : i32
    %dma_wait3A_320 = tpu.memref_slice %arg16[%dma_wait3A_319] : memref<128xi32, #tpu.memory_space<vmem>> -> memref<8xi32, #tpu.memory_space<vmem>>
    %dma_wait3A_321 = arith.constant 0 : i32
    %dma_wait3A_322 = arith.constant 0 : i32
    %dma_wait3A_323 = tpu.memref_slice %arg4[%dma_wait3A_321, %dma_wait3A_322] : memref<16384x2048xf32, #tpu.memory_space<hbm>> -> memref<16384x2048xf32, #tpu.memory_space<hbm>>
    tpu.wait_indirect_dma semaphore(%arg22 : memref<!tpu.dma_semaphore, #tpu.memory_space<semaphore_mem>>) src(%dma_wait3A_323 : memref<16384x2048xf32, #tpu.memory_space<hbm>>) dst(%arg18 : memref<8x2048xf32, #tpu.memory_space<vmem>>)
    %add3A_324 = arith.constant 72 : i32
    %add3A_325 = arith.addi %add3A_128, %add3A_324 : i32
    %dma_start3A_326 = arith.constant 0 : i32
    %dma_start3A_327 = tpu.memref_slice %arg5[%add3A_325, %dma_start3A_326] : memref<4096x2048xf32, #tpu.memory_space<hbm>> -> memref<8x2048xf32, #tpu.memory_space<hbm>>
    %dma_start3A_328 = arith.constant 0 : i32
    %dma_start3A_329 = tpu.memref_slice %arg5[%add3A_325, %dma_start3A_328] : memref<4096x2048xf32, #tpu.memory_space<hbm>> -> memref<8x2048xf32, #tpu.memory_space<hbm>>
    tpu.enqueue_dma source(%arg18 : memref<8x2048xf32, #tpu.memory_space<vmem>>) target(%dma_start3A_329 : memref<8x2048xf32, #tpu.memory_space<hbm>>) target_semaphore(%arg24 : memref<!tpu.dma_semaphore, #tpu.memory_space<semaphore_mem>>)
    %dma_wait3A_330 = arith.constant 0 : i32
    %dma_wait3A_331 = tpu.memref_slice %arg5[%add3A_325, %dma_wait3A_330] : memref<4096x2048xf32, #tpu.memory_space<hbm>> -> memref<8x2048xf32, #tpu.memory_space<hbm>>
    %dma_wait3A_332 = arith.constant 0 : i32
    %dma_wait3A_333 = tpu.memref_slice %arg5[%add3A_325, %dma_wait3A_332] : memref<4096x2048xf32, #tpu.memory_space<hbm>> -> memref<8x2048xf32, #tpu.memory_space<hbm>>
    tpu.wait_dma2 semaphore(%arg24 : memref<!tpu.dma_semaphore, #tpu.memory_space<semaphore_mem>>) src(%arg18 : memref<8x2048xf32, #tpu.memory_space<vmem>>) dst(%dma_wait3A_333 : memref<8x2048xf32, #tpu.memory_space<hbm>>)
    %dma_start3A_334 = arith.constant 88 : i32
    %dma_start3A_335 = tpu.memref_slice %arg16[%dma_start3A_334] : memref<128xi32, #tpu.memory_space<vmem>> -> memref<8xi32, #tpu.memory_space<vmem>>
    %dma_start3A_336 = arith.constant 0 : i32
    %dma_start3A_337 = arith.constant 0 : i32
    %dma_start3A_338 = tpu.memref_slice %arg4[%dma_start3A_336, %dma_start3A_337] : memref<16384x2048xf32, #tpu.memory_space<hbm>> -> memref<16384x2048xf32, #tpu.memory_space<hbm>>
    tpu.enqueue_indirect_dma source(%dma_start3A_338 : memref<16384x2048xf32, #tpu.memory_space<hbm>>) target(%arg18 : memref<8x2048xf32, #tpu.memory_space<vmem>>) offsets(%dma_start3A_335 : memref<8xi32, #tpu.memory_space<vmem>>) semaphore(%arg22 : memref<!tpu.dma_semaphore, #tpu.memory_space<semaphore_mem>>)
    %dma_wait3A_339 = arith.constant 80 : i32
    %dma_wait3A_340 = tpu.memref_slice %arg16[%dma_wait3A_339] : memref<128xi32, #tpu.memory_space<vmem>> -> memref<8xi32, #tpu.memory_space<vmem>>
    %dma_wait3A_341 = arith.constant 0 : i32
    %dma_wait3A_342 = arith.constant 0 : i32
    %dma_wait3A_343 = tpu.memref_slice %arg4[%dma_wait3A_341, %dma_wait3A_342] : memref<16384x2048xf32, #tpu.memory_space<hbm>> -> memref<16384x2048xf32, #tpu.memory_space<hbm>>
    tpu.wait_indirect_dma semaphore(%arg21 : memref<!tpu.dma_semaphore, #tpu.memory_space<semaphore_mem>>) src(%dma_wait3A_343 : memref<16384x2048xf32, #tpu.memory_space<hbm>>) dst(%arg17 : memref<8x2048xf32, #tpu.memory_space<vmem>>)
    %add3A_344 = arith.constant 80 : i32
    %add3A_345 = arith.addi %add3A_128, %add3A_344 : i32
    %dma_start3A_346 = arith.constant 0 : i32
    %dma_start3A_347 = tpu.memref_slice %arg5[%add3A_345, %dma_start3A_346] : memref<4096x2048xf32, #tpu.memory_space<hbm>> -> memref<8x2048xf32, #tpu.memory_space<hbm>>
    %dma_start3A_348 = arith.constant 0 : i32
    %dma_start3A_349 = tpu.memref_slice %arg5[%add3A_345, %dma_start3A_348] : memref<4096x2048xf32, #tpu.memory_space<hbm>> -> memref<8x2048xf32, #tpu.memory_space<hbm>>
    tpu.enqueue_dma source(%arg17 : memref<8x2048xf32, #tpu.memory_space<vmem>>) target(%dma_start3A_349 : memref<8x2048xf32, #tpu.memory_space<hbm>>) target_semaphore(%arg23 : memref<!tpu.dma_semaphore, #tpu.memory_space<semaphore_mem>>)
    %dma_wait3A_350 = arith.constant 0 : i32
    %dma_wait3A_351 = tpu.memref_slice %arg5[%add3A_345, %dma_wait3A_350] : memref<4096x2048xf32, #tpu.memory_space<hbm>> -> memref<8x2048xf32, #tpu.memory_space<hbm>>
    %dma_wait3A_352 = arith.constant 0 : i32
    %dma_wait3A_353 = tpu.memref_slice %arg5[%add3A_345, %dma_wait3A_352] : memref<4096x2048xf32, #tpu.memory_space<hbm>> -> memref<8x2048xf32, #tpu.memory_space<hbm>>
    tpu.wait_dma2 semaphore(%arg23 : memref<!tpu.dma_semaphore, #tpu.memory_space<semaphore_mem>>) src(%arg17 : memref<8x2048xf32, #tpu.memory_space<vmem>>) dst(%dma_wait3A_353 : memref<8x2048xf32, #tpu.memory_space<hbm>>)
    %dma_start3A_354 = arith.constant 96 : i32
    %dma_start3A_355 = tpu.memref_slice %arg16[%dma_start3A_354] : memref<128xi32, #tpu.memory_space<vmem>> -> memref<8xi32, #tpu.memory_space<vmem>>
    %dma_start3A_356 = arith.constant 0 : i32
    %dma_start3A_357 = arith.constant 0 : i32
    %dma_start3A_358 = tpu.memref_slice %arg4[%dma_start3A_356, %dma_start3A_357] : memref<16384x2048xf32, #tpu.memory_space<hbm>> -> memref<16384x2048xf32, #tpu.memory_space<hbm>>
    tpu.enqueue_indirect_dma source(%dma_start3A_358 : memref<16384x2048xf32, #tpu.memory_space<hbm>>) target(%arg17 : memref<8x2048xf32, #tpu.memory_space<vmem>>) offsets(%dma_start3A_355 : memref<8xi32, #tpu.memory_space<vmem>>) semaphore(%arg21 : memref<!tpu.dma_semaphore, #tpu.memory_space<semaphore_mem>>)
    %dma_wait3A_359 = arith.constant 88 : i32
    %dma_wait3A_360 = tpu.memref_slice %arg16[%dma_wait3A_359] : memref<128xi32, #tpu.memory_space<vmem>> -> memref<8xi32, #tpu.memory_space<vmem>>
    %dma_wait3A_361 = arith.constant 0 : i32
    %dma_wait3A_362 = arith.constant 0 : i32
    %dma_wait3A_363 = tpu.memref_slice %arg4[%dma_wait3A_361, %dma_wait3A_362] : memref<16384x2048xf32, #tpu.memory_space<hbm>> -> memref<16384x2048xf32, #tpu.memory_space<hbm>>
    tpu.wait_indirect_dma semaphore(%arg22 : memref<!tpu.dma_semaphore, #tpu.memory_space<semaphore_mem>>) src(%dma_wait3A_363 : memref<16384x2048xf32, #tpu.memory_space<hbm>>) dst(%arg18 : memref<8x2048xf32, #tpu.memory_space<vmem>>)
    %add3A_364 = arith.constant 88 : i32
    %add3A_365 = arith.addi %add3A_128, %add3A_364 : i32
    %dma_start3A_366 = arith.constant 0 : i32
    %dma_start3A_367 = tpu.memref_slice %arg5[%add3A_365, %dma_start3A_366] : memref<4096x2048xf32, #tpu.memory_space<hbm>> -> memref<8x2048xf32, #tpu.memory_space<hbm>>
    %dma_start3A_368 = arith.constant 0 : i32
    %dma_start3A_369 = tpu.memref_slice %arg5[%add3A_365, %dma_start3A_368] : memref<4096x2048xf32, #tpu.memory_space<hbm>> -> memref<8x2048xf32, #tpu.memory_space<hbm>>
    tpu.enqueue_dma source(%arg18 : memref<8x2048xf32, #tpu.memory_space<vmem>>) target(%dma_start3A_369 : memref<8x2048xf32, #tpu.memory_space<hbm>>) target_semaphore(%arg24 : memref<!tpu.dma_semaphore, #tpu.memory_space<semaphore_mem>>)
    %dma_wait3A_370 = arith.constant 0 : i32
    %dma_wait3A_371 = tpu.memref_slice %arg5[%add3A_365, %dma_wait3A_370] : memref<4096x2048xf32, #tpu.memory_space<hbm>> -> memref<8x2048xf32, #tpu.memory_space<hbm>>
    %dma_wait3A_372 = arith.constant 0 : i32
    %dma_wait3A_373 = tpu.memref_slice %arg5[%add3A_365, %dma_wait3A_372] : memref<4096x2048xf32, #tpu.memory_space<hbm>> -> memref<8x2048xf32, #tpu.memory_space<hbm>>
    tpu.wait_dma2 semaphore(%arg24 : memref<!tpu.dma_semaphore, #tpu.memory_space<semaphore_mem>>) src(%arg18 : memref<8x2048xf32, #tpu.memory_space<vmem>>) dst(%dma_wait3A_373 : memref<8x2048xf32, #tpu.memory_space<hbm>>)
    %dma_start3A_374 = arith.constant 104 : i32
    %dma_start3A_375 = tpu.memref_slice %arg16[%dma_start3A_374] : memref<128xi32, #tpu.memory_space<vmem>> -> memref<8xi32, #tpu.memory_space<vmem>>
    %dma_start3A_376 = arith.constant 0 : i32
    %dma_start3A_377 = arith.constant 0 : i32
    %dma_start3A_378 = tpu.memref_slice %arg4[%dma_start3A_376, %dma_start3A_377] : memref<16384x2048xf32, #tpu.memory_space<hbm>> -> memref<16384x2048xf32, #tpu.memory_space<hbm>>
    tpu.enqueue_indirect_dma source(%dma_start3A_378 : memref<16384x2048xf32, #tpu.memory_space<hbm>>) target(%arg18 : memref<8x2048xf32, #tpu.memory_space<vmem>>) offsets(%dma_start3A_375 : memref<8xi32, #tpu.memory_space<vmem>>) semaphore(%arg22 : memref<!tpu.dma_semaphore, #tpu.memory_space<semaphore_mem>>)
    %dma_wait3A_379 = arith.constant 96 : i32
    %dma_wait3A_380 = tpu.memref_slice %arg16[%dma_wait3A_379] : memref<128xi32, #tpu.memory_space<vmem>> -> memref<8xi32, #tpu.memory_space<vmem>>
    %dma_wait3A_381 = arith.constant 0 : i32
    %dma_wait3A_382 = arith.constant 0 : i32
    %dma_wait3A_383 = tpu.memref_slice %arg4[%dma_wait3A_381, %dma_wait3A_382] : memref<16384x2048xf32, #tpu.memory_space<hbm>> -> memref<16384x2048xf32, #tpu.memory_space<hbm>>
    tpu.wait_indirect_dma semaphore(%arg21 : memref<!tpu.dma_semaphore, #tpu.memory_space<semaphore_mem>>) src(%dma_wait3A_383 : memref<16384x2048xf32, #tpu.memory_space<hbm>>) dst(%arg17 : memref<8x2048xf32, #tpu.memory_space<vmem>>)
    %add3A_384 = arith.constant 96 : i32
    %add3A_385 = arith.addi %add3A_128, %add3A_384 : i32
    %dma_start3A_386 = arith.constant 0 : i32
    %dma_start3A_387 = tpu.memref_slice %arg5[%add3A_385, %dma_start3A_386] : memref<4096x2048xf32, #tpu.memory_space<hbm>> -> memref<8x2048xf32, #tpu.memory_space<hbm>>
    %dma_start3A_388 = arith.constant 0 : i32
    %dma_start3A_389 = tpu.memref_slice %arg5[%add3A_385, %dma_start3A_388] : memref<4096x2048xf32, #tpu.memory_space<hbm>> -> memref<8x2048xf32, #tpu.memory_space<hbm>>
    tpu.enqueue_dma source(%arg17 : memref<8x2048xf32, #tpu.memory_space<vmem>>) target(%dma_start3A_389 : memref<8x2048xf32, #tpu.memory_space<hbm>>) target_semaphore(%arg23 : memref<!tpu.dma_semaphore, #tpu.memory_space<semaphore_mem>>)
    %dma_wait3A_390 = arith.constant 0 : i32
    %dma_wait3A_391 = tpu.memref_slice %arg5[%add3A_385, %dma_wait3A_390] : memref<4096x2048xf32, #tpu.memory_space<hbm>> -> memref<8x2048xf32, #tpu.memory_space<hbm>>
    %dma_wait3A_392 = arith.constant 0 : i32
    %dma_wait3A_393 = tpu.memref_slice %arg5[%add3A_385, %dma_wait3A_392] : memref<4096x2048xf32, #tpu.memory_space<hbm>> -> memref<8x2048xf32, #tpu.memory_space<hbm>>
    tpu.wait_dma2 semaphore(%arg23 : memref<!tpu.dma_semaphore, #tpu.memory_space<semaphore_mem>>) src(%arg17 : memref<8x2048xf32, #tpu.memory_space<vmem>>) dst(%dma_wait3A_393 : memref<8x2048xf32, #tpu.memory_space<hbm>>)
    %dma_start3A_394 = arith.constant 112 : i32
    %dma_start3A_395 = tpu.memref_slice %arg16[%dma_start3A_394] : memref<128xi32, #tpu.memory_space<vmem>> -> memref<8xi32, #tpu.memory_space<vmem>>
    %dma_start3A_396 = arith.constant 0 : i32
    %dma_start3A_397 = arith.constant 0 : i32
    %dma_start3A_398 = tpu.memref_slice %arg4[%dma_start3A_396, %dma_start3A_397] : memref<16384x2048xf32, #tpu.memory_space<hbm>> -> memref<16384x2048xf32, #tpu.memory_space<hbm>>
    tpu.enqueue_indirect_dma source(%dma_start3A_398 : memref<16384x2048xf32, #tpu.memory_space<hbm>>) target(%arg17 : memref<8x2048xf32, #tpu.memory_space<vmem>>) offsets(%dma_start3A_395 : memref<8xi32, #tpu.memory_space<vmem>>) semaphore(%arg21 : memref<!tpu.dma_semaphore, #tpu.memory_space<semaphore_mem>>)
    %dma_wait3A_399 = arith.constant 104 : i32
    %dma_wait3A_400 = tpu.memref_slice %arg16[%dma_wait3A_399] : memref<128xi32, #tpu.memory_space<vmem>> -> memref<8xi32, #tpu.memory_space<vmem>>
    %dma_wait3A_401 = arith.constant 0 : i32
    %dma_wait3A_402 = arith.constant 0 : i32
    %dma_wait3A_403 = tpu.memref_slice %arg4[%dma_wait3A_401, %dma_wait3A_402] : memref<16384x2048xf32, #tpu.memory_space<hbm>> -> memref<16384x2048xf32, #tpu.memory_space<hbm>>
    tpu.wait_indirect_dma semaphore(%arg22 : memref<!tpu.dma_semaphore, #tpu.memory_space<semaphore_mem>>) src(%dma_wait3A_403 : memref<16384x2048xf32, #tpu.memory_space<hbm>>) dst(%arg18 : memref<8x2048xf32, #tpu.memory_space<vmem>>)
    %add3A_404 = arith.constant 104 : i32
    %add3A_405 = arith.addi %add3A_128, %add3A_404 : i32
    %dma_start3A_406 = arith.constant 0 : i32
    %dma_start3A_407 = tpu.memref_slice %arg5[%add3A_405, %dma_start3A_406] : memref<4096x2048xf32, #tpu.memory_space<hbm>> -> memref<8x2048xf32, #tpu.memory_space<hbm>>
    %dma_start3A_408 = arith.constant 0 : i32
    %dma_start3A_409 = tpu.memref_slice %arg5[%add3A_405, %dma_start3A_408] : memref<4096x2048xf32, #tpu.memory_space<hbm>> -> memref<8x2048xf32, #tpu.memory_space<hbm>>
    tpu.enqueue_dma source(%arg18 : memref<8x2048xf32, #tpu.memory_space<vmem>>) target(%dma_start3A_409 : memref<8x2048xf32, #tpu.memory_space<hbm>>) target_semaphore(%arg24 : memref<!tpu.dma_semaphore, #tpu.memory_space<semaphore_mem>>)
    %dma_wait3A_410 = arith.constant 0 : i32
    %dma_wait3A_411 = tpu.memref_slice %arg5[%add3A_405, %dma_wait3A_410] : memref<4096x2048xf32, #tpu.memory_space<hbm>> -> memref<8x2048xf32, #tpu.memory_space<hbm>>
    %dma_wait3A_412 = arith.constant 0 : i32
    %dma_wait3A_413 = tpu.memref_slice %arg5[%add3A_405, %dma_wait3A_412] : memref<4096x2048xf32, #tpu.memory_space<hbm>> -> memref<8x2048xf32, #tpu.memory_space<hbm>>
    tpu.wait_dma2 semaphore(%arg24 : memref<!tpu.dma_semaphore, #tpu.memory_space<semaphore_mem>>) src(%arg18 : memref<8x2048xf32, #tpu.memory_space<vmem>>) dst(%dma_wait3A_413 : memref<8x2048xf32, #tpu.memory_space<hbm>>)
    %dma_start3A_414 = arith.constant 120 : i32
    %dma_start3A_415 = tpu.memref_slice %arg16[%dma_start3A_414] : memref<128xi32, #tpu.memory_space<vmem>> -> memref<8xi32, #tpu.memory_space<vmem>>
    %dma_start3A_416 = arith.constant 0 : i32
    %dma_start3A_417 = arith.constant 0 : i32
    %dma_start3A_418 = tpu.memref_slice %arg4[%dma_start3A_416, %dma_start3A_417] : memref<16384x2048xf32, #tpu.memory_space<hbm>> -> memref<16384x2048xf32, #tpu.memory_space<hbm>>
    tpu.enqueue_indirect_dma source(%dma_start3A_418 : memref<16384x2048xf32, #tpu.memory_space<hbm>>) target(%arg18 : memref<8x2048xf32, #tpu.memory_space<vmem>>) offsets(%dma_start3A_415 : memref<8xi32, #tpu.memory_space<vmem>>) semaphore(%arg22 : memref<!tpu.dma_semaphore, #tpu.memory_space<semaphore_mem>>)
    %dma_wait3A_419 = arith.constant 112 : i32
    %dma_wait3A_420 = tpu.memref_slice %arg16[%dma_wait3A_419] : memref<128xi32, #tpu.memory_space<vmem>> -> memref<8xi32, #tpu.memory_space<vmem>>
    %dma_wait3A_421 = arith.constant 0 : i32
    %dma_wait3A_422 = arith.constant 0 : i32
    %dma_wait3A_423 = tpu.memref_slice %arg4[%dma_wait3A_421, %dma_wait3A_422] : memref<16384x2048xf32, #tpu.memory_space<hbm>> -> memref<16384x2048xf32, #tpu.memory_space<hbm>>
    tpu.wait_indirect_dma semaphore(%arg21 : memref<!tpu.dma_semaphore, #tpu.memory_space<semaphore_mem>>) src(%dma_wait3A_423 : memref<16384x2048xf32, #tpu.memory_space<hbm>>) dst(%arg17 : memref<8x2048xf32, #tpu.memory_space<vmem>>)
    %add3A_424 = arith.constant 112 : i32
    %add3A_425 = arith.addi %add3A_128, %add3A_424 : i32
    %dma_start3A_426 = arith.constant 0 : i32
    %dma_start3A_427 = tpu.memref_slice %arg5[%add3A_425, %dma_start3A_426] : memref<4096x2048xf32, #tpu.memory_space<hbm>> -> memref<8x2048xf32, #tpu.memory_space<hbm>>
    %dma_start3A_428 = arith.constant 0 : i32
    %dma_start3A_429 = tpu.memref_slice %arg5[%add3A_425, %dma_start3A_428] : memref<4096x2048xf32, #tpu.memory_space<hbm>> -> memref<8x2048xf32, #tpu.memory_space<hbm>>
    tpu.enqueue_dma source(%arg17 : memref<8x2048xf32, #tpu.memory_space<vmem>>) target(%dma_start3A_429 : memref<8x2048xf32, #tpu.memory_space<hbm>>) target_semaphore(%arg23 : memref<!tpu.dma_semaphore, #tpu.memory_space<semaphore_mem>>)
    %dma_wait3A_430 = arith.constant 120 : i32
    %dma_wait3A_431 = tpu.memref_slice %arg16[%dma_wait3A_430] : memref<128xi32, #tpu.memory_space<vmem>> -> memref<8xi32, #tpu.memory_space<vmem>>
    %dma_wait3A_432 = arith.constant 0 : i32
    %dma_wait3A_433 = arith.constant 0 : i32
    %dma_wait3A_434 = tpu.memref_slice %arg4[%dma_wait3A_432, %dma_wait3A_433] : memref<16384x2048xf32, #tpu.memory_space<hbm>> -> memref<16384x2048xf32, #tpu.memory_space<hbm>>
    tpu.wait_indirect_dma semaphore(%arg22 : memref<!tpu.dma_semaphore, #tpu.memory_space<semaphore_mem>>) src(%dma_wait3A_434 : memref<16384x2048xf32, #tpu.memory_space<hbm>>) dst(%arg18 : memref<8x2048xf32, #tpu.memory_space<vmem>>)
    %add3A_435 = arith.constant 120 : i32
    %add3A_436 = arith.addi %add3A_128, %add3A_435 : i32
    %dma_start3A_437 = arith.constant 0 : i32
    %dma_start3A_438 = tpu.memref_slice %arg5[%add3A_436, %dma_start3A_437] : memref<4096x2048xf32, #tpu.memory_space<hbm>> -> memref<8x2048xf32, #tpu.memory_space<hbm>>
    %dma_start3A_439 = arith.constant 0 : i32
    %dma_start3A_440 = tpu.memref_slice %arg5[%add3A_436, %dma_start3A_439] : memref<4096x2048xf32, #tpu.memory_space<hbm>> -> memref<8x2048xf32, #tpu.memory_space<hbm>>
    tpu.enqueue_dma source(%arg18 : memref<8x2048xf32, #tpu.memory_space<vmem>>) target(%dma_start3A_440 : memref<8x2048xf32, #tpu.memory_space<hbm>>) target_semaphore(%arg24 : memref<!tpu.dma_semaphore, #tpu.memory_space<semaphore_mem>>)
    %dma_wait3A_441 = arith.constant 0 : i32
    %dma_wait3A_442 = tpu.memref_slice %arg5[%add3A_425, %dma_wait3A_441] : memref<4096x2048xf32, #tpu.memory_space<hbm>> -> memref<8x2048xf32, #tpu.memory_space<hbm>>
    %dma_wait3A_443 = arith.constant 0 : i32
    %dma_wait3A_444 = tpu.memref_slice %arg5[%add3A_425, %dma_wait3A_443] : memref<4096x2048xf32, #tpu.memory_space<hbm>> -> memref<8x2048xf32, #tpu.memory_space<hbm>>
    tpu.wait_dma2 semaphore(%arg23 : memref<!tpu.dma_semaphore, #tpu.memory_space<semaphore_mem>>) src(%arg17 : memref<8x2048xf32, #tpu.memory_space<vmem>>) dst(%dma_wait3A_444 : memref<8x2048xf32, #tpu.memory_space<hbm>>)
    %dma_wait3A_445 = arith.constant 0 : i32
    %dma_wait3A_446 = tpu.memref_slice %arg5[%add3A_436, %dma_wait3A_445] : memref<4096x2048xf32, #tpu.memory_space<hbm>> -> memref<8x2048xf32, #tpu.memory_space<hbm>>
    %dma_wait3A_447 = arith.constant 0 : i32
    %dma_wait3A_448 = tpu.memref_slice %arg5[%add3A_436, %dma_wait3A_447] : memref<4096x2048xf32, #tpu.memory_space<hbm>> -> memref<8x2048xf32, #tpu.memory_space<hbm>>
    tpu.wait_dma2 semaphore(%arg24 : memref<!tpu.dma_semaphore, #tpu.memory_space<semaphore_mem>>) src(%arg18 : memref<8x2048xf32, #tpu.memory_space<vmem>>) dst(%dma_wait3A_448 : memref<8x2048xf32, #tpu.memory_space<hbm>>)
    "tpu.trace_stop"() : () -> ()
    return
  }
}

</mosaic_0001>

<sc_bundles>
// kernel: kernel.3.cloned.1.call-start
scs
__scs_entry_jumppad:
0x0: {  	(pc) =	sbr.rel $0x88, $3  }
0x1: {  	(tag) =	ssettag $0x0;
	lr =	simm.s32 $0x1  }
0x2: {  	[smem:$0x3F9E] =	sst lr;
	_ =	strace $0xD0000000  }
0x3: {  	_ = 	snop  }
0x4: {  	_ = 	snop  }
0x5: {  	_ = 	snop  }
0x6: {  	_ = 	snop  }
0x7: {  	_ = 	snop  }
__scs_overlays_trampoline_lowered:
0x8: {  	[smem:$0x3FAD] =	sst s0  }
0x9: {  	[smem:$0x3FAE] =	sst s1  }
0xa: {  	[smem:$0x3FAF] =	sst s2  }
0xb: {  	[smem:$0x3FB0] =	sst s3  }
0xc: {  	[smem:$0x3FB1] =	sst s4  }
0xd: {  	[smem:$0x3FB2] =	sst s5  }
0xe: {  	[smem:$0x3FB3] =	sst s6  }
0xf: {  	[smem:$0x3FB4] =	sst s7  }
0x10: {  	[smem:$0x3FB5] =	sst s8  }
0x11: {  	[smem:$0x3FB6] =	sst s9;
	s0 =	simm.s32 @!p0 $0x0  }
0x12: {  	s1 =	sld [smem:$0x3F9C];
	s0 =	simm.s32 @p0 $0x1  }
0x13: {  	[smem:$0x3FB7] =	sst s0;
	s0 =	simm.s32 @!p1 $0x0  }
0x14: {  	s2 =	sld [smem:$0x3F9B];
	s0 =	simm.s32 @p1 $0x1  }
0x15: {  	[smem:$0x3FB8] =	sst s0;
	s0 =	simm.s32 @!p2 $0x0  }
0x16: {  	s3 =	sld [smem:$0x3FDB];
	s0 =	simm.s32 @p2 $0x1  }
0x17: {  	s4 =	simm.s32 $0x1BF5;
	[smem:$0x3FBA] =	sst s0  }
0x18: {  	s0 =	sld [smem:$0x3F9D];
	_ =	swait.ge [sflag:s4], $0x0  }
0x19: {  	s7 =	sld [smem:$0x3F9E]  }
0x1a: {  	s8 =	sadd.s32 $0xFFFFE003, lr  }
0x1b: {  	s9 =	sadd.s32 $0xFFFFFEF7, lr;
	s5 =	simm.s32 $0xFFFFFFFF;
	p2 =	slt.u32 s8, $0xFFFFF086  }
0x1c: {  	p1 =	slt.u32 s9, $0xF7A;
	s5 =	simm.s32 @!p2 $0x0  }
0x1d: {  	s5 =	simm.s32 @p1 $0x1;
	p0 =	seq.s32 s7, s2  }
0x1e: {  	s7 =	smul.u32 @!p0 $0xF7A, s2;
	p2 =	seq.s32 @!p0 s5, $0x0  }
0x1f: {  	s9 =	smul.u32 $0xF7A, s1;
	s8 =	simm.s32 @!p0 $0x1BF5;
	p2 =	por !p2, p0  }
0x20: {  	[sflag:s8] =	ssyncset.s32 @!p0 $0xFFFFF086;
	s6 =	sadd.s32 @!p0 s3, s7;
	s7 =	simm.s32 @!p0 $0x108  }
0x21: {  	s3 =	sadd.s32 s3, s9;
	s6 =	sadd.s32 @!p0 $0x88, s6;
	s7 =	simm.s32 @p2 $0x1082  }
0x22: {  	[simem:s7], [sflag:s8] =	dma.local @!p0 [hbm:s6], $0xF7A  }
0x23: {  	s9 =	sor.u32 $0xD0000000, s2;
	s6 =	simm.s32 $0x108;
	_ =	swait.ge @!p0 [sflag:s8], $0x0  }
0x24: {  	s3 =	sadd.s32 $0x88, s3;
	s6 =	simm.s32 @!p1 $0x1082;
	[sflag:s4] =	ssyncset.s32 $0xFFFFF086  }
0x25: {  	[simem:s6], [sflag:s4] =	dma.local [hbm:s3], $0xF7A  }
0x26: {  	[smem:$0x3F9E] =	sst s1;
	(tag) =	ssettag s2;
	_ =	strace s9  }
0x27: {  	s1 =	sld [smem:$0x3FAE]  }
0x28: {  	s2 =	sld [smem:$0x3FAF]  }
0x29: {  	s4 =	sld [smem:$0x3FB1]  }
0x2a: {  	p0 =	seq.s32 s5, $0x0;
	s5 =	sld [smem:$0x3FB2]  }
0x2b: {  	s6 =	sld [smem:$0x3FB3]  }
0x2c: {  	s7 =	sld [smem:$0x3FB4]  }
0x2d: {  	s3 =	simm.s32 $0x108;
	s8 =	sld [smem:$0x3FB5]  }
0x2e: {  	s3 =	simm.s32 @!p0 $0x1082;
	s9 =	sld [smem:$0x3FB6]  }
0x2f: {  	lr =	sadd.s32 s0, s3;
	s0 =	sld [smem:$0x3FAD]  }
0x30: {  	s3 =	sld [smem:$0x3FB0]  }
0x31: {  	[smem:$0x3FB9] =	sst s10  }
0x32: {  	s10 =	sld [smem:$0x3FB7];
	_ =	sdelay $0x3  }
0x33: {  	p0 =	seq.s32 s10, $0x1;
	s10 =	sld [smem:$0x3FB9];
	_ =	sdelay $0x3  }
0x34: {  	[smem:$0x3FB9] =	sst s10  }
0x35: {  	s10 =	sld [smem:$0x3FB8];
	_ =	sdelay $0x3  }
0x36: {  	p1 =	seq.s32 s10, $0x1;
	s10 =	sld [smem:$0x3FB9];
	_ =	sdelay $0x3  }
0x37: {  	[smem:$0x3FB9] =	sst s10  }
0x38: {  	s10 =	sld [smem:$0x3FBA]  }
0x39: {  	_ = 	snop;
	(pc) =	sbr.ind lr, $3  }
0x3a: {  	_ = 	snop  }
0x3b: {  	_ = 	snop  }
0x3c: {  	p2 =	seq.s32 s10, $0x1;
	s10 =	sld [smem:$0x3FB9]  }
0x3d: {  	_ =	shalt  }
0x3e: {  	_ =	shalt  }
0x3f: {  	_ =	shalt  }
0x40: {  	_ =	shalt  }
0x41: {  	_ =	shalt  }
0x42: {  	_ =	shalt  }
0x43: {  	_ =	shalt  }
0x44: {  	_ =	shalt  }
0x45: {  	_ =	shalt  }
0x46: {  	_ =	shalt  }
0x47: {  	_ =	shalt  }
0x48: {  	_ =	shalt  }
0x49: {  	_ =	shalt  }
0x4a: {  	_ =	shalt  }
0x4b: {  	_ =	shalt  }
0x4c: {  	_ =	shalt  }
0x4d: {  	_ =	shalt  }
0x4e: {  	_ =	shalt  }
0x4f: {  	_ =	shalt  }
0x50: {  	_ =	shalt  }
0x51: {  	_ =	shalt  }
0x52: {  	_ =	shalt  }
0x53: {  	_ =	shalt  }
0x54: {  	_ =	shalt  }
0x55: {  	_ =	shalt  }
0x56: {  	_ =	shalt  }
0x57: {  	_ =	shalt  }
0x58: {  	_ =	shalt  }
0x59: {  	_ =	shalt  }
0x5a: {  	_ =	shalt  }
0x5b: {  	_ =	shalt  }
0x5c: {  	_ =	shalt  }
0x5d: {  	_ =	shalt  }
0x5e: {  	_ =	shalt  }
0x5f: {  	_ =	shalt  }
0x60: {  	_ =	shalt  }
0x61: {  	_ =	shalt  }
0x62: {  	_ =	shalt  }
0x63: {  	_ =	shalt  }
0x64: {  	_ =	shalt  }
0x65: {  	_ =	shalt  }
0x66: {  	_ =	shalt  }
0x67: {  	_ =	shalt  }
0x68: {  	_ =	shalt  }
0x69: {  	_ =	shalt  }
0x6a: {  	_ =	shalt  }
0x6b: {  	_ =	shalt  }
0x6c: {  	_ =	shalt  }
0x6d: {  	_ =	shalt  }
0x6e: {  	_ =	shalt  }
0x6f: {  	_ =	shalt  }
0x70: {  	_ =	shalt  }
0x71: {  	_ =	shalt  }
0x72: {  	_ =	shalt  }
0x73: {  	_ =	shalt  }
0x74: {  	_ =	shalt  }
0x75: {  	_ =	shalt  }
0x76: {  	_ =	shalt  }
0x77: {  	_ =	shalt  }
0x78: {  	_ =	shalt  }
0x79: {  	_ =	shalt  }
0x7a: {  	_ =	shalt  }
0x7b: {  	_ =	shalt  }
0x7c: {  	_ =	shalt  }
0x7d: {  	_ =	shalt  }
0x7e: {  	_ =	shalt  }
0x7f: {  	_ =	shalt  }
0x80: {  	_ =	shalt  }
0x81: {  	_ =	shalt  }
0x82: {  	_ =	shalt  }
0x83: {  	_ =	shalt  }
0x84: {  	_ =	shalt  }
0x85: {  	_ =	shalt  }
0x86: {  	_ =	shalt  }
0x87: {  	_ =	shalt  }
.Lfunc_end0:
.L_simem_size_0:
called_computation_lowered:
.L_overlay_start_0:
0x88: {  	s2 =	sld [smem:$0x3FD9]  }
0x89: {  	s3 =	sld [smem:$0x3FFE];
	_ =	sdelay $0x1  }
0x8a: {  	s1 =	srdreg.scid  }
0x8b: {  	s0 =	sand.u32 $0x1, s1  }
0x8c: {  	s17 =	sshll.u32 s0, $0xA;
	s2 =	sadd.s32 s3, s2  }
0x8d: {  	s2 =	sadd.s32 s2, s17  }
0x8e: {  	[smem:$0x3FC5] =	sst s2  }
0x8f: {  	_ = 	snop  }
0x90: {  	s2 =	sld [smem:$0x3FC9]  }
0x91: {  	s18 =	sld [smem:$0x3FC7]  }
0x92: {  	s4 =	sld [smem:$0x3FD0];
	(tm) =	ssettm $0x1  }
0x93: {  	s5 =	sld [smem:$0x3FFB];
	_ =	sdelay $0x3  }
0x94: {  	_ =	strace s5  }
0x95: {  	s5 =	sld [smem:$0x3FFC];
	_ =	sdelay $0x3  }
0x96: {  	_ =	strace s5  }
0x97: {  	s5 =	sld [smem:$0x3FFD];
	_ =	sdelay $0x3  }
0x98: {  	_ =	strace s5  }
0x99: {  	_ =	strace $0x8FFFFFFF  }
0x9a: {  	s19 =	sld [smem:$0x3FDB];
	_ =	sdelay $0x1  }
0x9b: {  	s6 =	simm.s32 $_scs_section_size  }
0x9c: {  	s7 =	simm.s32 $_size__tile_overlayer_lowered;
	s8 =	simm.s32 $_tile_overlayer_lowered  }
0x9d: {  	s22 =	simm.s32 $0x1BFF;
	s21 =	sshll.u32 s8, $0x1;
	s5 =	sadd.s32 s6, s19  }
0x9e: {  	s9 =	simm.s32 $0x0;
	s20 =	sshll.u32 s7, $0x1;
	s7 =	sadd.s32 s21, s5  }
0x9f: {  	[timem:s9], [sflag:s22] =	dma.local [hbm:s7], s20  }
0xa0: {  	_ =	swait.ge [sflag:s22], s20  }
0xa1: {  	s6 =	ssub.s32 $0x0, s20;
	[sflag:s22] =	ssyncset.done $0x0  }
0xa2: {  	[sflag:s22] =	ssyncadd.s32 s6;
	_ =	sdelay $0x1  }
0xa3: {  	s23 =	simm.s32 $0x1B8B  }
0xa4: {  	_ =	swait.ge [sflag:s23], $0x1  }
0xa5: {  	[sflag:s23] =	ssyncset.done $0x0  }
0xa6: {  	s25 =	simm.s32 $0x1B8E;
	s24 =	sld [smem:$0x3FFE];
	[sflag:s23] =	ssyncadd.s32 $0xFFFFFFFF  }
0xa7: {  	s26 =	simm.s32 $execute0_lowered;
	[smem:$0x3FD2] =	sst s25  }
0xa8: {  	s7 =	sshll.u32 s26, $0x1;
	_ =	strace $0x80000046;
	[dreg:$0x1] =	wrdreg $0xFFFFFFFF  }
0xa9: {  	s28 =	simm.s32 $_size_execute0_lowered;
	s5 =	sadd.s32 s5, s7;
	[dreg:$0x0] =	wrdreg $0x0  }
0xaa: {  	s7 =	sshll.u32 s28, $0x1;
	[dreg:$0x2] =	wrdreg s5  }
0xab: {  	[dreg:$0x3] =	wrdreg s7  }
0xac: {  	[dreg:$0x4] =	wrdreg $0xC0  }
0xad: {  	_ =	task [dreg:s9], $0x5FFFF  }
0xae: {  	[dreg:$0x1] =	wrdreg $0xFFFFFFFF  }
0xaf: {  	[dreg:$0x0] =	wrdreg $0x60  }
0xb0: {  	[dreg:$0x2] =	wrdreg s18  }
0xb1: {  	[dreg:$0x3] =	wrdreg s24  }
0xb2: {  	[dreg:$0x4] =	wrdreg s2  }
0xb3: {  	[dreg:$0x5] =	wrdreg s4  }
0xb4: {  	[dreg:$0x6] =	wrdreg $0xF9800  }
0xb5: {  	[dreg:$0x7] =	wrdreg $0xFB800  }
0xb6: {  	[dreg:$0x8] =	wrdreg $0x9  }
0xb7: {  	_ =	task.clear_ibuf [dreg:s9], $0x9FFFF;
	_ =	strace $0x90000046  }
0xb8: {  	s29 =	simm.s32 $0x9;
	_ =	strace $0x8000005C  }
0xb9: {  	_ =	swait.ge [sflag:s29], $0x1  }
0xba: {  	[sflag:s29] =	ssyncadd.s32 $0xFFFFFFFF  }
0xbb: {  	_ =	strace $0x9000005C  }
0xbc: {  	_ =	sfence  }
0xbd: {  	s30 =	sld [smem:$0x0];
	_ =	sdelay $0x2  }
0xbe: {  	s31 =	sshll.u32 s1, $0xD;
	s1 =	sshrl.u32 s1, $0x2  }
0xbf: {  	s3 =	sand.u32 $0x4000, s31;
	s1 =	sadd.s32 s1, s30  }
0xc0: {  	s0 =	sor.u32 s3, s0;
	s1 =	sshll.u32 s1, $0x11  }
0xc1: {  	s0 =	sor.u32 s1, s0  }
0xc2: {  	s0 =	sadd.s32 $0x8F2B, s0  }
0xc3: {  	[sflag:s0] =	ssyncadd.remote.s32 $0x1  }
0xc4: {  	_ =	sfence.sel $0xFFFF  }
0xc5: {  	[dreg:$0x0] =	wrdreg $0xFFFFFFFF;
	(pc) =	sbr.abs _section_cstart, $3  }
0xc6: {  	[dreg:$0x1] =	wrdreg $0xFFFFFFFF  }
0xc7: {  	_ =	task.clear_ibuf [dreg:s9], $0x2FFFF;
	_ =	strace $0x9FFFFFFF  }
0xc8: {  	(tm) =	ssettm $0x7FFFFFFF  }
0xc9: {  	_ =	shalt  }
tec
execute0_lowered:
.L_overlay_start_1:
0x0: {  	(tag) =	ssettag $0x1  }
0x1: {  	s0 =	rddreg [dreg:$0x0]  }
0x2: {  	s1 =	rddreg [dreg:$0x1]  }
0x3: {  	s14 =	rddreg [dreg:$0x2]  }
0x4: {  	s2 =	rddreg [dreg:$0x3]  }
0x5: {  	s4 =	rddreg [dreg:$0x4]  }
0x6: {  	s5 =	rddreg [dreg:$0x5];
	s3 =	simm.s32 $0x0;
	s6 =	srdreg.scid  }
0x7: {  	s15 =	stileid.u32;
	[smem:$0x7FF] =	sst s3  }
0x8: {  	s6 =	sand.u32 $0x1, s6;
	s8 =	sshll.u32 s15, $0xB;
	s1 =	sadd.s32 $0x400, s1  }
0x9: {  	s11 =	sshll.u32 s15, $0xA;
	_ =	strace $0x80000047;
	s7 =	ssub.s32 $0x2, s6  }
0xa: {  	s9 =	sshll.u32 s6, $0x11;
	s30 =	sshll.u32 s6, $0x1;
	s12 =	sshll.u32 s6, $0x8  }
0xb: {  	s13 =	sshllo.u32 s6, $0x1;
	s24 =	sshll.u32 s6, $0x13;
	s6 =	sadd.s32 $0x500, s14  }
0xc: {  	s10 =	sshrl.u32 s7, $0x1;
	s9 =	sor.u32 s8, s9;
	s31 =	sor.u32 s12, s11  }
0xd: {  	s3 =	sshll.u32 s13, $0x10;
	s13 =	sshll.u32 s13, $0x7;
	s17 =	sadd.s32 s15, s30  }
0xe: {  	s30 =	sadd.s32 $0x100, s14;
	[dreg:$0x14] =	wrdreg s6;
	s7 =	ssub.s32 s7, s10  }
0xf: {  	s12 =	sor.u32 s8, s3;
	[dreg:$0x10] =	wrdreg s30;
	s3 =	sadd.s32 $0x300, s14  }
0x10: {  	s9 =	sshrl.u32 s9, $0x3;
	s10 =	sadd.s32 $0x700, s14;
	[dreg:$0x12] =	wrdreg s3  }
0x11: {  	s9 =	sadd.s32 s0, s9;
	s12 =	sshrl.u32 s12, $0x3;
	[smem:$0x7F4] =	sst s10  }
0x12: {  	s11 =	sor.u32 s11, s13;
	[dreg:$0x7] =	wrdreg s9;
	s0 =	sadd.s32 s0, s12  }
0x13: {  	s9 =	sshrl.u32 s31, $0x3;
	s31 =	sadd.s32 $0x200, s14;
	[dreg:$0x9] =	wrdreg s0  }
0x14: {  	s16 =	sshrl.u32 s11, $0x3;
	s9 =	sadd.s32 s1, s9;
	[dreg:$0x11] =	wrdreg s31  }
0x15: {  	s19 =	sshll.u32 s15, $0x7;
	s0 =	sadd.s32 s1, s16;
	[dreg:$0x8] =	wrdreg s9  }
0x16: {  	s8 =	sshrl.u32 s8, $0x2;
	s1 =	sadd.s32 s19, s5;
	[dreg:$0xa] =	wrdreg s0  }
0x17: {  	s9 =	sadd.s32 s8, s4;
	s4 =	sadd.s32 s19, s4;
	[dreg:$0xe] =	wrdreg s1  }
0x18: {  	s8 =	sadd.s32 $0x600, s14;
	[dreg:$0xd] =	wrdreg s4  }
0x19: {  	s21 =	sshll.u32 s15, $0x8;
	[dreg:$0x15] =	wrdreg s8  }
0x1a: {  	s23 =	sand.u32 $0x700, s21;
	s18 =	sadd.s32 $0x80, s9;
	[dreg:$0xb] =	wrdreg s9  }
0x1b: {  	s4 =	sadd.s32 s23, s5;
	s5 =	sadd.s32 $0x400, s14;
	[dreg:$0xc] =	wrdreg s18  }
0x1c: {  	s20 =	sshll.u32 s15, $0x4;
	s14 =	smax.u32 s7, $0x1;
	[dreg:$0x13] =	wrdreg s5  }
0x1d: {  	s25 =	sshll.u32 s15, $0xF;
	s30 =	sadd.s32 $0x100, s9;
	[dreg:$0x1a] =	wrdreg s14  }
0x1e: {  	s22 =	sand.u32 $0x80, s20;
	s31 =	sadd.s32 $0x180, s9;
	[smem:$0x7FC] =	sst s30  }
0x1f: {  	s26 =	sor.u32 s25, s24;
	s1 =	sadd.s32 s22, s4;
	[smem:$0x7FD] =	sst s31  }
0x20: {  	[dreg:$0xf] =	wrdreg s1;
	s1 =	sadd.s32 s2, s26  }
0x21: {  	s11 =	sadd.s32 $0x800, s1;
	[dreg:$0x16] =	wrdreg s1  }
0x22: {  	s12 =	sadd.s32 $0x1000, s1;
	[dreg:$0x17] =	wrdreg s11  }
0x23: {  	s13 =	sadd.s32 $0x1800, s1;
	[dreg:$0x18] =	wrdreg s12  }
0x24: {  	s16 =	sadd.s32 $0x2000, s1;
	[dreg:$0x19] =	wrdreg s13  }
0x25: {  	s0 =	sshll.u32 s17, $0xC;
	s17 =	sadd.s32 $0x2800, s1;
	[dreg:$0x1b] =	wrdreg s16  }
0x26: {  	s18 =	sadd.s32 $0x3000, s1;
	[dreg:$0x1c] =	wrdreg s17  }
0x27: {  	s19 =	sadd.s32 $0x3800, s1;
	[dreg:$0x1d] =	wrdreg s18  }
0x28: {  	s20 =	sadd.s32 $0x4000, s1;
	[dreg:$0x1e] =	wrdreg s19  }
0x29: {  	s21 =	sadd.s32 $0x4800, s1;
	[dreg:$0x1f] =	wrdreg s20  }
0x2a: {  	s22 =	sadd.s32 $0x5000, s1;
	[smem:$0x7F5] =	sst s21  }
0x2b: {  	s23 =	sadd.s32 $0x5800, s1;
	[smem:$0x7F6] =	sst s22  }
0x2c: {  	s24 =	sadd.s32 $0x6000, s1;
	[smem:$0x7F7] =	sst s23  }
0x2d: {  	s28 =	simm.s32 $0x2400;
	s25 =	sadd.s32 $0x6800, s1;
	[smem:$0x7F8] =	sst s24  }
.Ltmp0:
0x2e: {  	s26 =	sadd.s32 $0x7000, s1;
	[smem:$0x7F9] =	sst s25;
	(pc) =	sbr.rel .LBB2_1-.Ltmp0, $4  }
0x2f: {  	s29 =	simm.s32 $0x4400;
	s1 =	sadd.s32 $0x7800, s1;
	[smem:$0x7FA] =	sst s26  }
0x30: {  	p0 =	sgt.u32 s15, $0x1;
	s5 =	simm.s32 $0x1;
	[smem:$0x7FB] =	sst s1  }
0x31: {  	v1 =	vimm.s32 $0x7FFFFFFF;
	v2 =	vlaneseq.u32;
	v4 =	vimm.s32 $0x0;
	s16 =	simm.s32 $0x5;
	s23 =	simm.s32 $0x3400;
	s24 =	simm.s32 $0x6400  }
0x32: {  	v5 =	vimm.s32 $0x1;
	v3 =	vmul.u32 $0x100, v2;
	v0 =	vmov s0;
	s25 =	simm.s32 $0x7400;
	s26 =	simm.s32 $0x5400;
	s22 =	simm.s32 $0x0  }
.LBB2_58:
0x33: {  	v8 =	vor.u32 v11, v14  }
0x34: {  	v10 =	vor.u32 v10, v12;
	_ =	sdelay $0x2  }
0x35: {  	v6 =	vld.idx.msk [tilespmem:v6+s29+$0x0], $0xffff  }
0x36: {  	v8 =	vld.idx.msk [tilespmem:v8+s29+$0x0], $0xffff  }
0x37: {  	v10 =	vld.idx.msk [tilespmem:v10+s29+$0x0], $0xffff  }
0x38: {  	[tilespmem:s1+$0xFFFFFFF0] =	vst v13;
	v7 =	vadd.s32 v0, v7  }
0x39: {  	s0 =	sadd.s32 $0x20, s2;
	[tilespmem:s1+$0x0] =	vst v7;
	v7 =	vadd.s32 v0, v9  }
0x3a: {  	[tilespmem:s0+$0xFFFFFFF0] =	vst v7;
	v6 =	vadd.s32 v0, v6  }
0x3b: {  	s22 =	sadd.s32 $0x20, s0;
	[tilespmem:s0+$0x0] =	vst v6;
	v6 =	vadd.s32 v0, v8  }
0x3c: {  	[tilespmem:s22+$0xFFFFFFF0] =	vst v6;
	v6 =	vadd.s32 v0, v10  }
0x3d: {  	s30 =	simm.s32 $0x80;
	[tilespmem:s22+$0x0] =	vst v6  }
0x3e: {  	s31 =	simm.s32 $0x100;
	s4 =	simm.s32 $0x7500;
	s0 =	rddreg [dreg:$0xe]  }
0x3f: {  	[spmem:s0] =	stream.strided.scatter [tilespmem:s4], [sflag:$0x5], $0x400, s31, s30, $0x38;
	[tilespmem:$0xFC00] =	vst v63  }
0x40: {  	_ =	swait.ge [sflag:s9], $0x400  }
0x41: {  	[sflag:s9] =	ssyncset.done $0x0  }
0x42: {  	s0 =	smov.u32 s3;
	[sflag:s9] =	ssyncadd.s32 $0xFFFFFC00  }
.LBB2_59:
0x43: {  	[smem:$0x7F3] =	sst s0  }
0x44: {  	[bflag:$0x0] =	sbarrier.arrive $0xFFFF  }
0x45: {  	s1 =	simm.s32 $0x7900;
	s3 =	rddreg [dreg:$0xf]  }
0x46: {  	[tilespmem:s1], [sflag:$0x5] =	stream.linear.gather [spmem:s3], $0x80, $0x38;
	[tilespmem:$0xFC00] =	vst v63  }
0x47: {  	_ =	swait.ge [sflag:s9], $0x80  }
0x48: {  	[sflag:s9] =	ssyncset.done $0x0  }
0x49: {  	[sflag:s9] =	ssyncadd.s32 $0xFFFFFF80  }
0x4a: {  	_ =	strace $0x8000005B  }
0x4b: {  	v6 =	vld.msk [tilespmem:$0x7900], $0xff;
	_ =	sdelay $0x4  }
0x4c: {  	v7 =	vshll.u32 v6, $0x4  }
0x4d: {  	v6 =	vand.u32 $0x7, v6;
	v7 =	vand.u32 $0xFFFFFF80, v7  }
0x4e: {  	v8 =	vshrl.u32 v2, $0x3;
	v7 =	vor.u32 v6, v7;
	v6 =	vand.u32 $0x7, v2  }
0x4f: {  	v9 =	vperm.xlane v7, v6;
	v7 =	vmul.u32 $0x8, v8;
	_ =	sdelay $0x1  }
0x50: {  	v8 =	vadd.s32 v7, v9;
	_ =	sdelay $0x2  }
0x51: {  	s10 =	rddreg [dreg:$0x2]  }
0x52: {  	vm0 =	vmmov $0xffff;
	s11 =	simm.s32 $0x7980;
	s30 =	simm.s32 $0x0;
	s0 =	rddreg [dreg:$0x10]  }
0x53: {  	[tilespmem:s11], [sflag:$0x1] =	stream.indirect_vreg.gather [hbm4b:s10+s30], $0x80, v8, vm0, $0x2000b8;
	[tilespmem:$0xFC00] =	vst v63  }
0x54: {  	s4 =	simm.s32 $0x8180;
	s2 =	rddreg [dreg:$0x11]  }
0x55: {  	[tilespmem:s4], [sflag:$0x1] =	stream.indirect_vreg.gather [hbm4b:s0+s30], $0x80, v8, vm0, $0x2000b8;
	[tilespmem:$0xFC00] =	vst v63  }
0x56: {  	s5 =	simm.s32 $0x8980;
	s16 =	sld [smem:$0x7F4]  }
0x57: {  	[tilespmem:s5], [sflag:$0x1] =	stream.indirect_vreg.gather [hbm4b:s2+s30], $0x80, v8, vm0, $0x2000b8;
	[tilespmem:$0xFC00] =	vst v63  }
0x58: {  	s6 =	simm.s32 $0x9180;
	s4 =	rddreg [dreg:$0x12]  }
0x59: {  	[tilespmem:s6], [sflag:$0x1] =	stream.indirect_vreg.gather [hbm4b:s4+s30], $0x80, v8, vm0, $0x2000b8;
	[tilespmem:$0xFC00] =	vst v63  }
0x5a: {  	s7 =	simm.s32 $0x9980;
	s5 =	rddreg [dreg:$0x13]  }
0x5b: {  	[tilespmem:s7], [sflag:$0x1] =	stream.indirect_vreg.gather [hbm4b:s5+s30], $0x80, v8, vm0, $0x2000b8;
	[tilespmem:$0xFC00] =	vst v63  }
0x5c: {  	s8 =	simm.s32 $0xA180;
	s6 =	rddreg [dreg:$0x14]  }
0x5d: {  	[tilespmem:s8], [sflag:$0x1] =	stream.indirect_vreg.gather [hbm4b:s6+s30], $0x80, v8, vm0, $0x2000b8;
	[tilespmem:$0xFC00] =	vst v63  }
0x5e: {  	s9 =	simm.s32 $0xA980;
	s7 =	rddreg [dreg:$0x15]  }
0x5f: {  	[tilespmem:s9], [sflag:$0x1] =	stream.indirect_vreg.gather [hbm4b:s7+s30], $0x80, v8, vm0, $0x2000b8;
	[tilespmem:$0xFC00] =	vst v63  }
0x60: {  	s12 =	simm.s32 $0xB180  }
0x61: {  	[tilespmem:s12], [sflag:$0x1] =	stream.indirect_vreg.gather [hbm4b:s16+s30], $0x80, v8, vm0, $0x2000b8;
	[tilespmem:$0xFC00] =	vst v63  }
0x62: {  	v8 =	vld.msk [tilespmem:$0x7908], $0xff;
	_ =	sdelay $0x4  }
0x63: {  	v35 =	vshll.u32 v8, $0x4  }
0x64: {  	v8 =	vand.u32 $0x7, v8;
	v9 =	vand.u32 $0xFFFFFF80, v35  }
0x65: {  	v8 =	vor.u32 v8, v9  }
0x66: {  	v8 =	vperm.xlane v8, v6;
	_ =	sdelay $0x1  }
0x67: {  	v8 =	vadd.s32 v7, v8;
	_ =	sdelay $0x3  }
0x68: {  	s19 =	simm.s32 $0xB980  }
0x69: {  	[tilespmem:s19], [sflag:$0x2] =	stream.indirect_vreg.gather [hbm4b:s10+s30], $0x80, v8, vm0, $0x2000b8;
	[tilespmem:$0xFC00] =	vst v63  }
0x6a: {  	s18 =	simm.s32 $0xC180  }
0x6b: {  	[tilespmem:s18], [sflag:$0x2] =	stream.indirect_vreg.gather [hbm4b:s0+s30], $0x80, v8, vm0, $0x2000b8;
	[tilespmem:$0xFC00] =	vst v63  }
0x6c: {  	s21 =	simm.s32 $0xC980  }
0x6d: {  	[tilespmem:s21], [sflag:$0x2] =	stream.indirect_vreg.gather [hbm4b:s2+s30], $0x80, v8, vm0, $0x2000b8;
	[tilespmem:$0xFC00] =	vst v63  }
0x6e: {  	s22 =	simm.s32 $0xD180  }
0x6f: {  	[tilespmem:s22], [sflag:$0x2] =	stream.indirect_vreg.gather [hbm4b:s4+s30], $0x80, v8, vm0, $0x2000b8;
	[tilespmem:$0xFC00] =	vst v63  }
0x70: {  	s8 =	simm.s32 $0xD980  }
0x71: {  	[tilespmem:s8], [sflag:$0x2] =	stream.indirect_vreg.gather [hbm4b:s5+s30], $0x80, v8, vm0, $0x2000b8;
	[tilespmem:$0xFC00] =	vst v63  }
0x72: {  	s9 =	simm.s32 $0xE180  }
0x73: {  	[tilespmem:s9], [sflag:$0x2] =	stream.indirect_vreg.gather [hbm4b:s6+s30], $0x80, v8, vm0, $0x2000b8;
	[tilespmem:$0xFC00] =	vst v63  }
0x74: {  	s18 =	simm.s32 $0xE980  }
0x75: {  	[tilespmem:s18], [sflag:$0x2] =	stream.indirect_vreg.gather [hbm4b:s7+s30], $0x80, v8, vm0, $0x2000b8;
	[tilespmem:$0xFC00] =	vst v63  }
0x76: {  	s22 =	simm.s32 $0xF180  }
0x77: {  	[tilespmem:s22], [sflag:$0x2] =	stream.indirect_vreg.gather [hbm4b:s16+s30], $0x80, v8, vm0, $0x2000b8;
	[tilespmem:$0xFC00] =	vst v63  }
0x78: {  	s22 =	simm.s32 $0x1  }
0x79: {  	_ =	swait.ge [sflag:s22], $0x4000  }
0x7a: {  	[sflag:s22] =	ssyncset.done $0x0  }
0x7b: {  	s9 =	simm.s32 $0x3;
	s8 =	rddreg [dreg:$0x16];
	[sflag:s22] =	ssyncadd.s32 $0xFFFFC000  }
0x7c: {  	[hbm4b:s8+s30] =	stream.linear.scatter [tilespmem:s11], [sflag:$0x3], $0x4000, $0x200038;
	[tilespmem:$0xFC00] =	vst v63  }
0x7d: {  	_ =	swait.ge [sflag:s9], $0x4000  }
0x7e: {  	[sflag:s9] =	ssyncset.done $0x0  }
0x7f: {  	[sflag:s9] =	ssyncadd.s32 $0xFFFFC000  }
0x80: {  	v36 =	vld.msk [tilespmem:$0x7910], $0xff;
	_ =	sdelay $0x4  }
0x81: {  	v37 =	vshll.u32 v36, $0x4  }
0x82: {  	v8 =	vand.u32 $0x7, v36;
	v9 =	vand.u32 $0xFFFFFF80, v37  }
0x83: {  	v8 =	vor.u32 v8, v9  }
0x84: {  	v8 =	vperm.xlane v8, v6;
	_ =	sdelay $0x1  }
0x85: {  	v8 =	vadd.s32 v7, v8;
	_ =	sdelay $0x4  }
0x86: {  	[tilespmem:s11], [sflag:$0x1] =	stream.indirect_vreg.gather [hbm4b:s10+s30], $0x80, v8, vm0, $0x2000b8;
	[tilespmem:$0xFC00] =	vst v63  }
0x87: {  	s17 =	simm.s32 $0x8180  }
0x88: {  	[tilespmem:s17], [sflag:$0x1] =	stream.indirect_vreg.gather [hbm4b:s0+s30], $0x80, v8, vm0, $0x2000b8;
	[tilespmem:$0xFC00] =	vst v63  }
0x89: {  	s20 =	simm.s32 $0x8980  }
0x8a: {  	[tilespmem:s20], [sflag:$0x1] =	stream.indirect_vreg.gather [hbm4b:s2+s30], $0x80, v8, vm0, $0x2000b8;
	[tilespmem:$0xFC00] =	vst v63  }
0x8b: {  	s15 =	simm.s32 $0x9180  }
0x8c: {  	[tilespmem:s15], [sflag:$0x1] =	stream.indirect_vreg.gather [hbm4b:s4+s30], $0x80, v8, vm0, $0x2000b8;
	[tilespmem:$0xFC00] =	vst v63  }
0x8d: {  	s31 =	simm.s32 $0x9980  }
0x8e: {  	[tilespmem:s31], [sflag:$0x1] =	stream.indirect_vreg.gather [hbm4b:s5+s30], $0x80, v8, vm0, $0x2000b8;
	[tilespmem:$0xFC00] =	vst v63  }
0x8f: {  	s14 =	simm.s32 $0xA180  }
0x90: {  	[tilespmem:s14], [sflag:$0x1] =	stream.indirect_vreg.gather [hbm4b:s6+s30], $0x80, v8, vm0, $0x2000b8;
	[tilespmem:$0xFC00] =	vst v63  }
0x91: {  	s13 =	simm.s32 $0xA980  }
0x92: {  	[tilespmem:s13], [sflag:$0x1] =	stream.indirect_vreg.gather [hbm4b:s7+s30], $0x80, v8, vm0, $0x2000b8;
	[tilespmem:$0xFC00] =	vst v63  }
0x93: {  	s3 =	simm.s32 $0xB180;
	s20 =	simm.s32 $0x2  }
0x94: {  	[tilespmem:s3], [sflag:$0x1] =	stream.indirect_vreg.gather [hbm4b:s16+s30], $0x80, v8, vm0, $0x2000b8;
	[tilespmem:$0xFC00] =	vst v63  }
0x95: {  	_ =	swait.ge [sflag:s20], $0x4000  }
0x96: {  	[sflag:s20] =	ssyncset.done $0x0  }
0x97: {  	s1 =	simm.s32 $0x0;
	s3 =	rddreg [dreg:$0x17];
	[sflag:s20] =	ssyncadd.s32 $0xFFFFC000  }
0x98: {  	[hbm4b:s3+s1] =	stream.linear.scatter [tilespmem:s19], [sflag:$0x4], $0x4000, $0x200038;
	[tilespmem:$0xFC00] =	vst v63  }
0x99: {  	s3 =	simm.s32 $0x4  }
0x9a: {  	_ =	swait.ge [sflag:s3], $0x4000  }
0x9b: {  	[sflag:s3] =	ssyncset.done $0x0  }
0x9c: {  	[sflag:s3] =	ssyncadd.s32 $0xFFFFC000  }
0x9d: {  	v38 =	vld.msk [tilespmem:$0x7918], $0xff;
	_ =	sdelay $0x4  }
0x9e: {  	v39 =	vshll.u32 v38, $0x4  }
0x9f: {  	v8 =	vand.u32 $0x7, v38;
	v9 =	vand.u32 $0xFFFFFF80, v39  }
0xa0: {  	v8 =	vor.u32 v8, v9  }
0xa1: {  	v8 =	vperm.xlane v8, v6;
	_ =	sdelay $0x1  }
0xa2: {  	v8 =	vadd.s32 v7, v8;
	_ =	sdelay $0x4  }
0xa3: {  	[tilespmem:s19], [sflag:$0x2] =	stream.indirect_vreg.gather [hbm4b:s10+s1], $0x80, v8, vm0, $0x2000b8;
	[tilespmem:$0xFC00] =	vst v63  }
0xa4: {  	s12 =	simm.s32 $0xC180  }
0xa5: {  	[tilespmem:s12], [sflag:$0x2] =	stream.indirect_vreg.gather [hbm4b:s0+s1], $0x80, v8, vm0, $0x2000b8;
	[tilespmem:$0xFC00] =	vst v63  }
0xa6: {  	s12 =	simm.s32 $0xC980  }
0xa7: {  	[tilespmem:s12], [sflag:$0x2] =	stream.indirect_vreg.gather [hbm4b:s2+s1], $0x80, v8, vm0, $0x2000b8;
	[tilespmem:$0xFC00] =	vst v63  }
0xa8: {  	s13 =	simm.s32 $0xD180  }
0xa9: {  	[tilespmem:s13], [sflag:$0x2] =	stream.indirect_vreg.gather [hbm4b:s4+s1], $0x80, v8, vm0, $0x2000b8;
	[tilespmem:$0xFC00] =	vst v63  }
0xaa: {  	s21 =	simm.s32 $0xD980  }
0xab: {  	[tilespmem:s21], [sflag:$0x2] =	stream.indirect_vreg.gather [hbm4b:s5+s1], $0x80, v8, vm0, $0x2000b8;
	[tilespmem:$0xFC00] =	vst v63  }
0xac: {  	s14 =	simm.s32 $0xE180  }
0xad: {  	[tilespmem:s14], [sflag:$0x2] =	stream.indirect_vreg.gather [hbm4b:s6+s1], $0x80, v8, vm0, $0x2000b8;
	[tilespmem:$0xFC00] =	vst v63  }
0xae: {  	s15 =	simm.s32 $0xE980  }
0xaf: {  	[tilespmem:s15], [sflag:$0x2] =	stream.indirect_vreg.gather [hbm4b:s7+s1], $0x80, v8, vm0, $0x2000b8;
	[tilespmem:$0xFC00] =	vst v63  }
0xb0: {  	s18 =	simm.s32 $0xF180  }
0xb1: {  	[tilespmem:s18], [sflag:$0x2] =	stream.indirect_vreg.gather [hbm4b:s16+s1], $0x80, v8, vm0, $0x2000b8;
	[tilespmem:$0xFC00] =	vst v63  }
0xb2: {  	_ =	swait.ge [sflag:s22], $0x4000  }
0xb3: {  	[sflag:s22] =	ssyncset.done $0x0  }
0xb4: {  	s21 =	rddreg [dreg:$0x18];
	[sflag:s22] =	ssyncadd.s32 $0xFFFFC000  }
0xb5: {  	[hbm4b:s21+s1] =	stream.linear.scatter [tilespmem:s11], [sflag:$0x3], $0x4000, $0x200038;
	[tilespmem:$0xFC00] =	vst v63  }
0xb6: {  	_ =	swait.ge [sflag:s9], $0x4000  }
0xb7: {  	[sflag:s9] =	ssyncset.done $0x0  }
0xb8: {  	[sflag:s9] =	ssyncadd.s32 $0xFFFFC000  }
0xb9: {  	v40 =	vld.msk [tilespmem:$0x7920], $0xff;
	_ =	sdelay $0x4  }
0xba: {  	v41 =	vshll.u32 v40, $0x4  }
0xbb: {  	v8 =	vand.u32 $0x7, v40;
	v9 =	vand.u32 $0xFFFFFF80, v41  }
0xbc: {  	v8 =	vor.u32 v8, v9  }
0xbd: {  	v8 =	vperm.xlane v8, v6;
	_ =	sdelay $0x1  }
0xbe: {  	v8 =	vadd.s32 v7, v8;
	_ =	sdelay $0x4  }
0xbf: {  	[tilespmem:s11], [sflag:$0x1] =	stream.indirect_vreg.gather [hbm4b:s10+s1], $0x80, v8, vm0, $0x2000b8;
	[tilespmem:$0xFC00] =	vst v63  }
0xc0: {  	s12 =	simm.s32 $0x8180  }
0xc1: {  	[tilespmem:s12], [sflag:$0x1] =	stream.indirect_vreg.gather [hbm4b:s0+s1], $0x80, v8, vm0, $0x2000b8;
	[tilespmem:$0xFC00] =	vst v63  }
0xc2: {  	s15 =	simm.s32 $0x8980  }
0xc3: {  	[tilespmem:s15], [sflag:$0x1] =	stream.indirect_vreg.gather [hbm4b:s2+s1], $0x80, v8, vm0, $0x2000b8;
	[tilespmem:$0xFC00] =	vst v63  }
0xc4: {  	s14 =	simm.s32 $0x9180  }
0xc5: {  	[tilespmem:s14], [sflag:$0x1] =	stream.indirect_vreg.gather [hbm4b:s4+s1], $0x80, v8, vm0, $0x2000b8;
	[tilespmem:$0xFC00] =	vst v63  }
0xc6: {  	s18 =	simm.s32 $0x9980  }
0xc7: {  	[tilespmem:s18], [sflag:$0x1] =	stream.indirect_vreg.gather [hbm4b:s5+s1], $0x80, v8, vm0, $0x2000b8;
	[tilespmem:$0xFC00] =	vst v63  }
0xc8: {  	s21 =	simm.s32 $0xA180  }
0xc9: {  	[tilespmem:s21], [sflag:$0x1] =	stream.indirect_vreg.gather [hbm4b:s6+s1], $0x80, v8, vm0, $0x2000b8;
	[tilespmem:$0xFC00] =	vst v63  }
0xca: {  	s31 =	simm.s32 $0xA980  }
0xcb: {  	[tilespmem:s31], [sflag:$0x1] =	stream.indirect_vreg.gather [hbm4b:s7+s1], $0x80, v8, vm0, $0x2000b8;
	[tilespmem:$0xFC00] =	vst v63  }
0xcc: {  	s13 =	simm.s32 $0xB180  }
0xcd: {  	[tilespmem:s13], [sflag:$0x1] =	stream.indirect_vreg.gather [hbm4b:s16+s1], $0x80, v8, vm0, $0x2000b8;
	[tilespmem:$0xFC00] =	vst v63  }
0xce: {  	_ =	swait.ge [sflag:s20], $0x4000  }
0xcf: {  	[sflag:s20] =	ssyncset.done $0x0  }
0xd0: {  	s8 =	rddreg [dreg:$0x19];
	[sflag:s20] =	ssyncadd.s32 $0xFFFFC000  }
0xd1: {  	[hbm4b:s8+s1] =	stream.linear.scatter [tilespmem:s19], [sflag:$0x4], $0x4000, $0x200038;
	[tilespmem:$0xFC00] =	vst v63  }
0xd2: {  	_ =	swait.ge [sflag:s3], $0x4000  }
0xd3: {  	[sflag:s3] =	ssyncset.done $0x0  }
0xd4: {  	[sflag:s3] =	ssyncadd.s32 $0xFFFFC000  }
0xd5: {  	v42 =	vld.msk [tilespmem:$0x7928], $0xff;
	_ =	sdelay $0x4  }
0xd6: {  	v43 =	vshll.u32 v42, $0x4  }
0xd7: {  	v8 =	vand.u32 $0x7, v42;
	v9 =	vand.u32 $0xFFFFFF80, v43  }
0xd8: {  	v8 =	vor.u32 v8, v9  }
0xd9: {  	v8 =	vperm.xlane v8, v6;
	_ =	sdelay $0x1  }
0xda: {  	v8 =	vadd.s32 v7, v8;
	_ =	sdelay $0x4  }
0xdb: {  	[tilespmem:s19], [sflag:$0x2] =	stream.indirect_vreg.gather [hbm4b:s10+s1], $0x80, v8, vm0, $0x2000b8;
	[tilespmem:$0xFC00] =	vst v63  }
0xdc: {  	s8 =	simm.s32 $0xC180  }
0xdd: {  	[tilespmem:s8], [sflag:$0x2] =	stream.indirect_vreg.gather [hbm4b:s0+s1], $0x80, v8, vm0, $0x2000b8;
	[tilespmem:$0xFC00] =	vst v63  }
0xde: {  	s8 =	simm.s32 $0xC980  }
0xdf: {  	[tilespmem:s8], [sflag:$0x2] =	stream.indirect_vreg.gather [hbm4b:s2+s1], $0x80, v8, vm0, $0x2000b8;
	[tilespmem:$0xFC00] =	vst v63  }
0xe0: {  	s17 =	simm.s32 $0xD180  }
0xe1: {  	[tilespmem:s17], [sflag:$0x2] =	stream.indirect_vreg.gather [hbm4b:s4+s1], $0x80, v8, vm0, $0x2000b8;
	[tilespmem:$0xFC00] =	vst v63  }
0xe2: {  	s8 =	simm.s32 $0xD980  }
0xe3: {  	[tilespmem:s8], [sflag:$0x2] =	stream.indirect_vreg.gather [hbm4b:s5+s1], $0x80, v8, vm0, $0x2000b8;
	[tilespmem:$0xFC00] =	vst v63  }
0xe4: {  	s30 =	simm.s32 $0xE180  }
0xe5: {  	[tilespmem:s30], [sflag:$0x2] =	stream.indirect_vreg.gather [hbm4b:s6+s1], $0x80, v8, vm0, $0x2000b8;
	[tilespmem:$0xFC00] =	vst v63  }
0xe6: {  	s8 =	simm.s32 $0xE980  }
0xe7: {  	[tilespmem:s8], [sflag:$0x2] =	stream.indirect_vreg.gather [hbm4b:s7+s1], $0x80, v8, vm0, $0x2000b8;
	[tilespmem:$0xFC00] =	vst v63  }
0xe8: {  	s8 =	simm.s32 $0xF180  }
0xe9: {  	[tilespmem:s8], [sflag:$0x2] =	stream.indirect_vreg.gather [hbm4b:s16+s1], $0x80, v8, vm0, $0x2000b8;
	[tilespmem:$0xFC00] =	vst v63  }
0xea: {  	_ =	swait.ge [sflag:s22], $0x4000  }
0xeb: {  	[sflag:s22] =	ssyncset.done $0x0  }
0xec: {  	s8 =	rddreg [dreg:$0x1b];
	[sflag:s22] =	ssyncadd.s32 $0xFFFFC000  }
0xed: {  	[hbm4b:s8+s1] =	stream.linear.scatter [tilespmem:s11], [sflag:$0x3], $0x4000, $0x200038;
	[tilespmem:$0xFC00] =	vst v63  }
0xee: {  	_ =	swait.ge [sflag:s9], $0x4000  }
0xef: {  	[sflag:s9] =	ssyncset.done $0x0  }
0xf0: {  	[sflag:s9] =	ssyncadd.s32 $0xFFFFC000  }
0xf1: {  	v44 =	vld.msk [tilespmem:$0x7930], $0xff;
	_ =	sdelay $0x4  }
0xf2: {  	v45 =	vshll.u32 v44, $0x4  }
0xf3: {  	v8 =	vand.u32 $0x7, v44;
	v9 =	vand.u32 $0xFFFFFF80, v45  }
0xf4: {  	v8 =	vor.u32 v8, v9  }
0xf5: {  	v8 =	vperm.xlane v8, v6;
	_ =	sdelay $0x1  }
0xf6: {  	v8 =	vadd.s32 v7, v8;
	_ =	sdelay $0x4  }
0xf7: {  	[tilespmem:s11], [sflag:$0x1] =	stream.indirect_vreg.gather [hbm4b:s10+s1], $0x80, v8, vm0, $0x2000b8;
	[tilespmem:$0xFC00] =	vst v63  }
0xf8: {  	_ = 	snop  }
0xf9: {  	[tilespmem:s12], [sflag:$0x1] =	stream.indirect_vreg.gather [hbm4b:s0+s1], $0x80, v8, vm0, $0x2000b8;
	[tilespmem:$0xFC00] =	vst v63  }
0xfa: {  	_ = 	snop  }
0xfb: {  	[tilespmem:s15], [sflag:$0x1] =	stream.indirect_vreg.gather [hbm4b:s2+s1], $0x80, v8, vm0, $0x2000b8;
	[tilespmem:$0xFC00] =	vst v63  }
0xfc: {  	_ = 	snop  }
0xfd: {  	[tilespmem:s14], [sflag:$0x1] =	stream.indirect_vreg.gather [hbm4b:s4+s1], $0x80, v8, vm0, $0x2000b8;
	[tilespmem:$0xFC00] =	vst v63  }
0xfe: {  	_ = 	snop  }
0xff: {  	[tilespmem:s18], [sflag:$0x1] =	stream.indirect_vreg.gather [hbm4b:s5+s1], $0x80, v8, vm0, $0x2000b8;
	[tilespmem:$0xFC00] =	vst v63  }
0x100: {  	_ = 	snop  }
0x101: {  	[tilespmem:s21], [sflag:$0x1] =	stream.indirect_vreg.gather [hbm4b:s6+s1], $0x80, v8, vm0, $0x2000b8;
	[tilespmem:$0xFC00] =	vst v63  }
0x102: {  	_ = 	snop  }
0x103: {  	[tilespmem:s31], [sflag:$0x1] =	stream.indirect_vreg.gather [hbm4b:s7+s1], $0x80, v8, vm0, $0x2000b8;
	[tilespmem:$0xFC00] =	vst v63  }
0x104: {  	_ = 	snop  }
0x105: {  	[tilespmem:s13], [sflag:$0x1] =	stream.indirect_vreg.gather [hbm4b:s16+s1], $0x80, v8, vm0, $0x2000b8;
	[tilespmem:$0xFC00] =	vst v63  }
0x106: {  	_ =	swait.ge [sflag:s20], $0x4000  }
0x107: {  	[sflag:s20] =	ssyncset.done $0x0  }
0x108: {  	s31 =	rddreg [dreg:$0x1c];
	[sflag:s20] =	ssyncadd.s32 $0xFFFFC000  }
0x109: {  	[hbm4b:s31+s1] =	stream.linear.scatter [tilespmem:s19], [sflag:$0x4], $0x4000, $0x200038;
	[tilespmem:$0xFC00] =	vst v63  }
0x10a: {  	_ =	swait.ge [sflag:s3], $0x4000  }
0x10b: {  	[sflag:s3] =	ssyncset.done $0x0  }
0x10c: {  	[sflag:s3] =	ssyncadd.s32 $0xFFFFC000  }
0x10d: {  	v46 =	vld.msk [tilespmem:$0x7938], $0xff;
	_ =	sdelay $0x4  }
0x10e: {  	v47 =	vshll.u32 v46, $0x4  }
0x10f: {  	v8 =	vand.u32 $0x7, v46;
	v9 =	vand.u32 $0xFFFFFF80, v47  }
0x110: {  	v8 =	vor.u32 v8, v9  }
0x111: {  	v8 =	vperm.xlane v8, v6;
	_ =	sdelay $0x1  }
0x112: {  	v8 =	vadd.s32 v7, v8;
	_ =	sdelay $0x4  }
0x113: {  	[tilespmem:s19], [sflag:$0x2] =	stream.indirect_vreg.gather [hbm4b:s10+s1], $0x80, v8, vm0, $0x2000b8;
	[tilespmem:$0xFC00] =	vst v63  }
0x114: {  	s31 =	simm.s32 $0xC180  }
0x115: {  	[tilespmem:s31], [sflag:$0x2] =	stream.indirect_vreg.gather [hbm4b:s0+s1], $0x80, v8, vm0, $0x2000b8;
	[tilespmem:$0xFC00] =	vst v63  }
0x116: {  	s8 =	simm.s32 $0xC980  }
0x117: {  	[tilespmem:s8], [sflag:$0x2] =	stream.indirect_vreg.gather [hbm4b:s2+s1], $0x80, v8, vm0, $0x2000b8;
	[tilespmem:$0xFC00] =	vst v63  }
0x118: {  	s17 =	simm.s32 $0xD180  }
0x119: {  	[tilespmem:s17], [sflag:$0x2] =	stream.indirect_vreg.gather [hbm4b:s4+s1], $0x80, v8, vm0, $0x2000b8;
	[tilespmem:$0xFC00] =	vst v63  }
0x11a: {  	s8 =	simm.s32 $0xD980  }
0x11b: {  	[tilespmem:s8], [sflag:$0x2] =	stream.indirect_vreg.gather [hbm4b:s5+s1], $0x80, v8, vm0, $0x2000b8;
	[tilespmem:$0xFC00] =	vst v63  }
0x11c: {  	s30 =	simm.s32 $0xE180  }
0x11d: {  	[tilespmem:s30], [sflag:$0x2] =	stream.indirect_vreg.gather [hbm4b:s6+s1], $0x80, v8, vm0, $0x2000b8;
	[tilespmem:$0xFC00] =	vst v63  }
0x11e: {  	s8 =	simm.s32 $0xE980  }
0x11f: {  	[tilespmem:s8], [sflag:$0x2] =	stream.indirect_vreg.gather [hbm4b:s7+s1], $0x80, v8, vm0, $0x2000b8;
	[tilespmem:$0xFC00] =	vst v63  }
0x120: {  	s8 =	simm.s32 $0xF180  }
0x121: {  	[tilespmem:s8], [sflag:$0x2] =	stream.indirect_vreg.gather [hbm4b:s16+s1], $0x80, v8, vm0, $0x2000b8;
	[tilespmem:$0xFC00] =	vst v63  }
0x122: {  	_ =	swait.ge [sflag:s22], $0x4000  }
0x123: {  	[sflag:s22] =	ssyncset.done $0x0  }
0x124: {  	s8 =	rddreg [dreg:$0x1d];
	[sflag:s22] =	ssyncadd.s32 $0xFFFFC000  }
0x125: {  	[hbm4b:s8+s1] =	stream.linear.scatter [tilespmem:s11], [sflag:$0x3], $0x4000, $0x200038;
	[tilespmem:$0xFC00] =	vst v63  }
0x126: {  	_ =	swait.ge [sflag:s9], $0x4000  }
0x127: {  	[sflag:s9] =	ssyncset.done $0x0  }
0x128: {  	[sflag:s9] =	ssyncadd.s32 $0xFFFFC000  }
0x129: {  	v48 =	vld.msk [tilespmem:$0x7940], $0xff;
	_ =	sdelay $0x4  }
0x12a: {  	v49 =	vshll.u32 v48, $0x4  }
0x12b: {  	v8 =	vand.u32 $0x7, v48;
	v9 =	vand.u32 $0xFFFFFF80, v49  }
0x12c: {  	v8 =	vor.u32 v8, v9  }
0x12d: {  	v8 =	vperm.xlane v8, v6;
	_ =	sdelay $0x1  }
0x12e: {  	v8 =	vadd.s32 v7, v8;
	_ =	sdelay $0x4  }
0x12f: {  	[tilespmem:s11], [sflag:$0x1] =	stream.indirect_vreg.gather [hbm4b:s10+s1], $0x80, v8, vm0, $0x2000b8;
	[tilespmem:$0xFC00] =	vst v63  }
0x130: {  	s12 =	simm.s32 $0x8180  }
0x131: {  	[tilespmem:s12], [sflag:$0x1] =	stream.indirect_vreg.gather [hbm4b:s0+s1], $0x80, v8, vm0, $0x2000b8;
	[tilespmem:$0xFC00] =	vst v63  }
0x132: {  	s15 =	simm.s32 $0x8980  }
0x133: {  	[tilespmem:s15], [sflag:$0x1] =	stream.indirect_vreg.gather [hbm4b:s2+s1], $0x80, v8, vm0, $0x2000b8;
	[tilespmem:$0xFC00] =	vst v63  }
0x134: {  	s14 =	simm.s32 $0x9180  }
0x135: {  	[tilespmem:s14], [sflag:$0x1] =	stream.indirect_vreg.gather [hbm4b:s4+s1], $0x80, v8, vm0, $0x2000b8;
	[tilespmem:$0xFC00] =	vst v63  }
0x136: {  	s18 =	simm.s32 $0x9980  }
0x137: {  	[tilespmem:s18], [sflag:$0x1] =	stream.indirect_vreg.gather [hbm4b:s5+s1], $0x80, v8, vm0, $0x2000b8;
	[tilespmem:$0xFC00] =	vst v63  }
0x138: {  	s21 =	simm.s32 $0xA180  }
0x139: {  	[tilespmem:s21], [sflag:$0x1] =	stream.indirect_vreg.gather [hbm4b:s6+s1], $0x80, v8, vm0, $0x2000b8;
	[tilespmem:$0xFC00] =	vst v63  }
0x13a: {  	s18 =	simm.s32 $0xA980  }
0x13b: {  	[tilespmem:s18], [sflag:$0x1] =	stream.indirect_vreg.gather [hbm4b:s7+s1], $0x80, v8, vm0, $0x2000b8;
	[tilespmem:$0xFC00] =	vst v63  }
0x13c: {  	s13 =	simm.s32 $0xB180  }
0x13d: {  	[tilespmem:s13], [sflag:$0x1] =	stream.indirect_vreg.gather [hbm4b:s16+s1], $0x80, v8, vm0, $0x2000b8;
	[tilespmem:$0xFC00] =	vst v63  }
0x13e: {  	_ =	swait.ge [sflag:s20], $0x4000  }
0x13f: {  	[sflag:s20] =	ssyncset.done $0x0  }
0x140: {  	s18 =	rddreg [dreg:$0x1e];
	[sflag:s20] =	ssyncadd.s32 $0xFFFFC000  }
0x141: {  	[hbm4b:s18+s1] =	stream.linear.scatter [tilespmem:s19], [sflag:$0x4], $0x4000, $0x200038;
	[tilespmem:$0xFC00] =	vst v63  }
0x142: {  	_ =	swait.ge [sflag:s3], $0x4000  }
0x143: {  	[sflag:s3] =	ssyncset.done $0x0  }
0x144: {  	[sflag:s3] =	ssyncadd.s32 $0xFFFFC000  }
0x145: {  	v50 =	vld.msk [tilespmem:$0x7948], $0xff;
	_ =	sdelay $0x4  }
0x146: {  	v51 =	vshll.u32 v50, $0x4  }
0x147: {  	v8 =	vand.u32 $0x7, v50;
	v9 =	vand.u32 $0xFFFFFF80, v51  }
0x148: {  	v8 =	vor.u32 v8, v9  }
0x149: {  	v8 =	vperm.xlane v8, v6;
	_ =	sdelay $0x1  }
0x14a: {  	v8 =	vadd.s32 v7, v8;
	_ =	sdelay $0x4  }
0x14b: {  	[tilespmem:s19], [sflag:$0x2] =	stream.indirect_vreg.gather [hbm4b:s10+s1], $0x80, v8, vm0, $0x2000b8;
	[tilespmem:$0xFC00] =	vst v63  }
0x14c: {  	s31 =	simm.s32 $0xC180  }
0x14d: {  	[tilespmem:s31], [sflag:$0x2] =	stream.indirect_vreg.gather [hbm4b:s0+s1], $0x80, v8, vm0, $0x2000b8;
	[tilespmem:$0xFC00] =	vst v63  }
0x14e: {  	s31 =	simm.s32 $0xC980  }
0x14f: {  	[tilespmem:s31], [sflag:$0x2] =	stream.indirect_vreg.gather [hbm4b:s2+s1], $0x80, v8, vm0, $0x2000b8;
	[tilespmem:$0xFC00] =	vst v63  }
0x150: {  	s17 =	simm.s32 $0xD180  }
0x151: {  	[tilespmem:s17], [sflag:$0x2] =	stream.indirect_vreg.gather [hbm4b:s4+s1], $0x80, v8, vm0, $0x2000b8;
	[tilespmem:$0xFC00] =	vst v63  }
0x152: {  	s8 =	simm.s32 $0xD980  }
0x153: {  	[tilespmem:s8], [sflag:$0x2] =	stream.indirect_vreg.gather [hbm4b:s5+s1], $0x80, v8, vm0, $0x2000b8;
	[tilespmem:$0xFC00] =	vst v63  }
0x154: {  	s30 =	simm.s32 $0xE180  }
0x155: {  	[tilespmem:s30], [sflag:$0x2] =	stream.indirect_vreg.gather [hbm4b:s6+s1], $0x80, v8, vm0, $0x2000b8;
	[tilespmem:$0xFC00] =	vst v63  }
0x156: {  	s8 =	simm.s32 $0xE980  }
0x157: {  	[tilespmem:s8], [sflag:$0x2] =	stream.indirect_vreg.gather [hbm4b:s7+s1], $0x80, v8, vm0, $0x2000b8;
	[tilespmem:$0xFC00] =	vst v63  }
0x158: {  	s8 =	simm.s32 $0xF180  }
0x159: {  	[tilespmem:s8], [sflag:$0x2] =	stream.indirect_vreg.gather [hbm4b:s16+s1], $0x80, v8, vm0, $0x2000b8;
	[tilespmem:$0xFC00] =	vst v63  }
0x15a: {  	_ =	swait.ge [sflag:s22], $0x4000  }
0x15b: {  	[sflag:s22] =	ssyncset.done $0x0  }
0x15c: {  	s8 =	rddreg [dreg:$0x1f];
	[sflag:s22] =	ssyncadd.s32 $0xFFFFC000  }
0x15d: {  	[hbm4b:s8+s1] =	stream.linear.scatter [tilespmem:s11], [sflag:$0x3], $0x4000, $0x200038;
	[tilespmem:$0xFC00] =	vst v63  }
0x15e: {  	_ =	swait.ge [sflag:s9], $0x4000  }
0x15f: {  	[sflag:s9] =	ssyncset.done $0x0  }
0x160: {  	[sflag:s9] =	ssyncadd.s32 $0xFFFFC000  }
0x161: {  	v52 =	vld.msk [tilespmem:$0x7950], $0xff;
	_ =	sdelay $0x4  }
0x162: {  	v53 =	vshll.u32 v52, $0x4  }
0x163: {  	v8 =	vand.u32 $0x7, v52;
	v9 =	vand.u32 $0xFFFFFF80, v53  }
0x164: {  	v8 =	vor.u32 v8, v9  }
0x165: {  	v8 =	vperm.xlane v8, v6;
	_ =	sdelay $0x1  }
0x166: {  	v8 =	vadd.s32 v7, v8;
	_ =	sdelay $0x4  }
0x167: {  	[tilespmem:s11], [sflag:$0x1] =	stream.indirect_vreg.gather [hbm4b:s10+s1], $0x80, v8, vm0, $0x2000b8;
	[tilespmem:$0xFC00] =	vst v63  }
0x168: {  	s8 =	simm.s32 $0x8180  }
0x169: {  	[tilespmem:s8], [sflag:$0x1] =	stream.indirect_vreg.gather [hbm4b:s0+s1], $0x80, v8, vm0, $0x2000b8;
	[tilespmem:$0xFC00] =	vst v63  }
0x16a: {  	s12 =	simm.s32 $0x8980  }
0x16b: {  	[tilespmem:s12], [sflag:$0x1] =	stream.indirect_vreg.gather [hbm4b:s2+s1], $0x80, v8, vm0, $0x2000b8;
	[tilespmem:$0xFC00] =	vst v63  }
0x16c: {  	s14 =	simm.s32 $0x9180  }
0x16d: {  	[tilespmem:s14], [sflag:$0x1] =	stream.indirect_vreg.gather [hbm4b:s4+s1], $0x80, v8, vm0, $0x2000b8;
	[tilespmem:$0xFC00] =	vst v63  }
0x16e: {  	s15 =	simm.s32 $0x9980  }
0x16f: {  	[tilespmem:s15], [sflag:$0x1] =	stream.indirect_vreg.gather [hbm4b:s5+s1], $0x80, v8, vm0, $0x2000b8;
	[tilespmem:$0xFC00] =	vst v63  }
0x170: {  	s21 =	simm.s32 $0xA180  }
0x171: {  	[tilespmem:s21], [sflag:$0x1] =	stream.indirect_vreg.gather [hbm4b:s6+s1], $0x80, v8, vm0, $0x2000b8;
	[tilespmem:$0xFC00] =	vst v63  }
0x172: {  	s21 =	simm.s32 $0xA980  }
0x173: {  	[tilespmem:s21], [sflag:$0x1] =	stream.indirect_vreg.gather [hbm4b:s7+s1], $0x80, v8, vm0, $0x2000b8;
	[tilespmem:$0xFC00] =	vst v63  }
0x174: {  	s13 =	simm.s32 $0xB180  }
0x175: {  	[tilespmem:s13], [sflag:$0x1] =	stream.indirect_vreg.gather [hbm4b:s16+s1], $0x80, v8, vm0, $0x2000b8;
	[tilespmem:$0xFC00] =	vst v63  }
0x176: {  	_ =	swait.ge [sflag:s20], $0x4000  }
0x177: {  	s12 =	sld [smem:$0x7F5]  }
0x178: {  	[sflag:s20] =	ssyncset.done $0x0  }
0x179: {  	[sflag:s20] =	ssyncadd.s32 $0xFFFFC000  }
0x17a: {  	[hbm4b:s12+s1] =	stream.linear.scatter [tilespmem:s19], [sflag:$0x4], $0x4000, $0x200038;
	[tilespmem:$0xFC00] =	vst v63  }
0x17b: {  	_ =	swait.ge [sflag:s3], $0x4000  }
0x17c: {  	[sflag:s3] =	ssyncset.done $0x0  }
0x17d: {  	[sflag:s3] =	ssyncadd.s32 $0xFFFFC000  }
0x17e: {  	v54 =	vld.msk [tilespmem:$0x7958], $0xff;
	_ =	sdelay $0x4  }
0x17f: {  	v55 =	vshll.u32 v54, $0x4  }
0x180: {  	v8 =	vand.u32 $0x7, v54;
	v9 =	vand.u32 $0xFFFFFF80, v55  }
0x181: {  	v8 =	vor.u32 v8, v9  }
0x182: {  	v8 =	vperm.xlane v8, v6;
	_ =	sdelay $0x1  }
0x183: {  	v8 =	vadd.s32 v7, v8;
	_ =	sdelay $0x4  }
0x184: {  	[tilespmem:s19], [sflag:$0x2] =	stream.indirect_vreg.gather [hbm4b:s10+s1], $0x80, v8, vm0, $0x2000b8;
	[tilespmem:$0xFC00] =	vst v63  }
0x185: {  	s18 =	simm.s32 $0xC180  }
0x186: {  	[tilespmem:s18], [sflag:$0x2] =	stream.indirect_vreg.gather [hbm4b:s0+s1], $0x80, v8, vm0, $0x2000b8;
	[tilespmem:$0xFC00] =	vst v63  }
0x187: {  	s31 =	simm.s32 $0xC980  }
0x188: {  	[tilespmem:s31], [sflag:$0x2] =	stream.indirect_vreg.gather [hbm4b:s2+s1], $0x80, v8, vm0, $0x2000b8;
	[tilespmem:$0xFC00] =	vst v63  }
0x189: {  	s17 =	simm.s32 $0xD180  }
0x18a: {  	[tilespmem:s17], [sflag:$0x2] =	stream.indirect_vreg.gather [hbm4b:s4+s1], $0x80, v8, vm0, $0x2000b8;
	[tilespmem:$0xFC00] =	vst v63  }
0x18b: {  	s13 =	simm.s32 $0xD980  }
0x18c: {  	[tilespmem:s13], [sflag:$0x2] =	stream.indirect_vreg.gather [hbm4b:s5+s1], $0x80, v8, vm0, $0x2000b8;
	[tilespmem:$0xFC00] =	vst v63  }
0x18d: {  	s30 =	simm.s32 $0xE180  }
0x18e: {  	[tilespmem:s30], [sflag:$0x2] =	stream.indirect_vreg.gather [hbm4b:s6+s1], $0x80, v8, vm0, $0x2000b8;
	[tilespmem:$0xFC00] =	vst v63  }
0x18f: {  	s15 =	simm.s32 $0xE980  }
0x190: {  	[tilespmem:s15], [sflag:$0x2] =	stream.indirect_vreg.gather [hbm4b:s7+s1], $0x80, v8, vm0, $0x2000b8;
	[tilespmem:$0xFC00] =	vst v63  }
0x191: {  	s17 =	simm.s32 $0xF180  }
0x192: {  	[tilespmem:s17], [sflag:$0x2] =	stream.indirect_vreg.gather [hbm4b:s16+s1], $0x80, v8, vm0, $0x2000b8;
	[tilespmem:$0xFC00] =	vst v63  }
0x193: {  	_ =	swait.ge [sflag:s22], $0x4000  }
0x194: {  	s30 =	sld [smem:$0x7F6]  }
0x195: {  	[sflag:s22] =	ssyncset.done $0x0  }
0x196: {  	[sflag:s22] =	ssyncadd.s32 $0xFFFFC000  }
0x197: {  	[hbm4b:s30+s1] =	stream.linear.scatter [tilespmem:s11], [sflag:$0x3], $0x4000, $0x200038;
	[tilespmem:$0xFC00] =	vst v63  }
0x198: {  	_ =	swait.ge [sflag:s9], $0x4000  }
0x199: {  	[sflag:s9] =	ssyncset.done $0x0  }
0x19a: {  	[sflag:s9] =	ssyncadd.s32 $0xFFFFC000  }
0x19b: {  	v56 =	vld.msk [tilespmem:$0x7960], $0xff;
	_ =	sdelay $0x4  }
0x19c: {  	v57 =	vshll.u32 v56, $0x4  }
0x19d: {  	v8 =	vand.u32 $0x7, v56;
	v9 =	vand.u32 $0xFFFFFF80, v57  }
0x19e: {  	v8 =	vor.u32 v8, v9  }
0x19f: {  	v8 =	vperm.xlane v8, v6;
	_ =	sdelay $0x1  }
0x1a0: {  	v8 =	vadd.s32 v7, v8;
	_ =	sdelay $0x4  }
0x1a1: {  	[tilespmem:s11], [sflag:$0x1] =	stream.indirect_vreg.gather [hbm4b:s10+s1], $0x80, v8, vm0, $0x2000b8;
	[tilespmem:$0xFC00] =	vst v63  }
0x1a2: {  	s12 =	simm.s32 $0x8180  }
0x1a3: {  	[tilespmem:s12], [sflag:$0x1] =	stream.indirect_vreg.gather [hbm4b:s0+s1], $0x80, v8, vm0, $0x2000b8;
	[tilespmem:$0xFC00] =	vst v63  }
0x1a4: {  	s13 =	simm.s32 $0x8980  }
0x1a5: {  	[tilespmem:s13], [sflag:$0x1] =	stream.indirect_vreg.gather [hbm4b:s2+s1], $0x80, v8, vm0, $0x2000b8;
	[tilespmem:$0xFC00] =	vst v63  }
0x1a6: {  	s15 =	simm.s32 $0x9180  }
0x1a7: {  	[tilespmem:s15], [sflag:$0x1] =	stream.indirect_vreg.gather [hbm4b:s4+s1], $0x80, v8, vm0, $0x2000b8;
	[tilespmem:$0xFC00] =	vst v63  }
0x1a8: {  	s17 =	simm.s32 $0x9980  }
0x1a9: {  	[tilespmem:s17], [sflag:$0x1] =	stream.indirect_vreg.gather [hbm4b:s5+s1], $0x80, v8, vm0, $0x2000b8;
	[tilespmem:$0xFC00] =	vst v63  }
0x1aa: {  	s30 =	simm.s32 $0xA180  }
0x1ab: {  	[tilespmem:s30], [sflag:$0x1] =	stream.indirect_vreg.gather [hbm4b:s6+s1], $0x80, v8, vm0, $0x2000b8;
	[tilespmem:$0xFC00] =	vst v63  }
0x1ac: {  	s21 =	simm.s32 $0xA980  }
0x1ad: {  	[tilespmem:s21], [sflag:$0x1] =	stream.indirect_vreg.gather [hbm4b:s7+s1], $0x80, v8, vm0, $0x2000b8;
	[tilespmem:$0xFC00] =	vst v63  }
0x1ae: {  	s14 =	simm.s32 $0xB180  }
0x1af: {  	[tilespmem:s14], [sflag:$0x1] =	stream.indirect_vreg.gather [hbm4b:s16+s1], $0x80, v8, vm0, $0x2000b8;
	[tilespmem:$0xFC00] =	vst v63  }
0x1b0: {  	_ =	swait.ge [sflag:s20], $0x4000  }
0x1b1: {  	s8 =	sld [smem:$0x7F7]  }
0x1b2: {  	[sflag:s20] =	ssyncset.done $0x0  }
0x1b3: {  	[sflag:s20] =	ssyncadd.s32 $0xFFFFC000  }
0x1b4: {  	[hbm4b:s8+s1] =	stream.linear.scatter [tilespmem:s19], [sflag:$0x4], $0x4000, $0x200038;
	[tilespmem:$0xFC00] =	vst v63  }
0x1b5: {  	_ =	swait.ge [sflag:s3], $0x4000  }
0x1b6: {  	[sflag:s3] =	ssyncset.done $0x0  }
0x1b7: {  	[sflag:s3] =	ssyncadd.s32 $0xFFFFC000  }
0x1b8: {  	v58 =	vld.msk [tilespmem:$0x7968], $0xff;
	_ =	sdelay $0x4  }
0x1b9: {  	v59 =	vshll.u32 v58, $0x4  }
0x1ba: {  	v8 =	vand.u32 $0x7, v58;
	v9 =	vand.u32 $0xFFFFFF80, v59  }
0x1bb: {  	v8 =	vor.u32 v8, v9  }
0x1bc: {  	v8 =	vperm.xlane v8, v6;
	_ =	sdelay $0x1  }
0x1bd: {  	v8 =	vadd.s32 v7, v8;
	_ =	sdelay $0x4  }
0x1be: {  	[tilespmem:s19], [sflag:$0x2] =	stream.indirect_vreg.gather [hbm4b:s10+s1], $0x80, v8, vm0, $0x2000b8;
	[tilespmem:$0xFC00] =	vst v63  }
0x1bf: {  	s18 =	simm.s32 $0xC180  }
0x1c0: {  	[tilespmem:s18], [sflag:$0x2] =	stream.indirect_vreg.gather [hbm4b:s0+s1], $0x80, v8, vm0, $0x2000b8;
	[tilespmem:$0xFC00] =	vst v63  }
0x1c1: {  	s8 =	simm.s32 $0xC980  }
0x1c2: {  	[tilespmem:s8], [sflag:$0x2] =	stream.indirect_vreg.gather [hbm4b:s2+s1], $0x80, v8, vm0, $0x2000b8;
	[tilespmem:$0xFC00] =	vst v63  }
0x1c3: {  	s31 =	simm.s32 $0xD180  }
0x1c4: {  	[tilespmem:s31], [sflag:$0x2] =	stream.indirect_vreg.gather [hbm4b:s4+s1], $0x80, v8, vm0, $0x2000b8;
	[tilespmem:$0xFC00] =	vst v63  }
0x1c5: {  	s8 =	simm.s32 $0xD980  }
0x1c6: {  	[tilespmem:s8], [sflag:$0x2] =	stream.indirect_vreg.gather [hbm4b:s5+s1], $0x80, v8, vm0, $0x2000b8;
	[tilespmem:$0xFC00] =	vst v63  }
0x1c7: {  	s8 =	simm.s32 $0xE180  }
0x1c8: {  	[tilespmem:s8], [sflag:$0x2] =	stream.indirect_vreg.gather [hbm4b:s6+s1], $0x80, v8, vm0, $0x2000b8;
	[tilespmem:$0xFC00] =	vst v63  }
0x1c9: {  	s8 =	simm.s32 $0xE980  }
0x1ca: {  	[tilespmem:s8], [sflag:$0x2] =	stream.indirect_vreg.gather [hbm4b:s7+s1], $0x80, v8, vm0, $0x2000b8;
	[tilespmem:$0xFC00] =	vst v63  }
0x1cb: {  	s8 =	simm.s32 $0xF180  }
0x1cc: {  	[tilespmem:s8], [sflag:$0x2] =	stream.indirect_vreg.gather [hbm4b:s16+s1], $0x80, v8, vm0, $0x2000b8;
	[tilespmem:$0xFC00] =	vst v63  }
0x1cd: {  	_ =	swait.ge [sflag:s22], $0x4000  }
0x1ce: {  	[sflag:s22] =	ssyncset.done $0x0  }
0x1cf: {  	[sflag:s22] =	ssyncadd.s32 $0xFFFFC000;
	s22 =	sld [smem:$0x7F8];
	_ =	sdelay $0x2  }
0x1d0: {  	[hbm4b:s22+s1] =	stream.linear.scatter [tilespmem:s11], [sflag:$0x3], $0x4000, $0x200038;
	[tilespmem:$0xFC00] =	vst v63  }
0x1d1: {  	_ =	swait.ge [sflag:s9], $0x4000  }
0x1d2: {  	[sflag:s9] =	ssyncset.done $0x0  }
0x1d3: {  	[sflag:s9] =	ssyncadd.s32 $0xFFFFC000  }
0x1d4: {  	v60 =	vld.msk [tilespmem:$0x7970], $0xff;
	_ =	sdelay $0x4  }
0x1d5: {  	v61 =	vshll.u32 v60, $0x4  }
0x1d6: {  	v8 =	vand.u32 $0x7, v60;
	v9 =	vand.u32 $0xFFFFFF80, v61  }
0x1d7: {  	v8 =	vor.u32 v8, v9  }
0x1d8: {  	v8 =	vperm.xlane v8, v6;
	_ =	sdelay $0x1  }
0x1d9: {  	v8 =	vadd.s32 v7, v8;
	_ =	sdelay $0x4  }
0x1da: {  	[tilespmem:s11], [sflag:$0x1] =	stream.indirect_vreg.gather [hbm4b:s10+s1], $0x80, v8, vm0, $0x2000b8;
	[tilespmem:$0xFC00] =	vst v63  }
0x1db: {  	s12 =	simm.s32 $0x8180  }
0x1dc: {  	[tilespmem:s12], [sflag:$0x1] =	stream.indirect_vreg.gather [hbm4b:s0+s1], $0x80, v8, vm0, $0x2000b8;
	[tilespmem:$0xFC00] =	vst v63  }
0x1dd: {  	s13 =	simm.s32 $0x8980  }
0x1de: {  	[tilespmem:s13], [sflag:$0x1] =	stream.indirect_vreg.gather [hbm4b:s2+s1], $0x80, v8, vm0, $0x2000b8;
	[tilespmem:$0xFC00] =	vst v63  }
0x1df: {  	s15 =	simm.s32 $0x9180  }
0x1e0: {  	[tilespmem:s15], [sflag:$0x1] =	stream.indirect_vreg.gather [hbm4b:s4+s1], $0x80, v8, vm0, $0x2000b8;
	[tilespmem:$0xFC00] =	vst v63  }
0x1e1: {  	s17 =	simm.s32 $0x9980  }
0x1e2: {  	[tilespmem:s17], [sflag:$0x1] =	stream.indirect_vreg.gather [hbm4b:s5+s1], $0x80, v8, vm0, $0x2000b8;
	[tilespmem:$0xFC00] =	vst v63  }
0x1e3: {  	s30 =	simm.s32 $0xA180  }
0x1e4: {  	[tilespmem:s30], [sflag:$0x1] =	stream.indirect_vreg.gather [hbm4b:s6+s1], $0x80, v8, vm0, $0x2000b8;
	[tilespmem:$0xFC00] =	vst v63  }
0x1e5: {  	s21 =	simm.s32 $0xA980  }
0x1e6: {  	[tilespmem:s21], [sflag:$0x1] =	stream.indirect_vreg.gather [hbm4b:s7+s1], $0x80, v8, vm0, $0x2000b8;
	[tilespmem:$0xFC00] =	vst v63  }
0x1e7: {  	s14 =	simm.s32 $0xB180  }
0x1e8: {  	[tilespmem:s14], [sflag:$0x1] =	stream.indirect_vreg.gather [hbm4b:s16+s1], $0x80, v8, vm0, $0x2000b8;
	[tilespmem:$0xFC00] =	vst v63  }
0x1e9: {  	_ =	swait.ge [sflag:s20], $0x4000  }
0x1ea: {  	s30 =	sld [smem:$0x7F9]  }
0x1eb: {  	[sflag:s20] =	ssyncset.done $0x0  }
0x1ec: {  	[sflag:s20] =	ssyncadd.s32 $0xFFFFC000  }
0x1ed: {  	[hbm4b:s30+s1] =	stream.linear.scatter [tilespmem:s19], [sflag:$0x4], $0x4000, $0x200038;
	[tilespmem:$0xFC00] =	vst v63  }
0x1ee: {  	_ =	swait.ge [sflag:s3], $0x4000  }
0x1ef: {  	[sflag:s3] =	ssyncset.done $0x0  }
0x1f0: {  	[sflag:s3] =	ssyncadd.s32 $0xFFFFC000  }
0x1f1: {  	v62 =	vld.msk [tilespmem:$0x7978], $0xff;
	_ =	sdelay $0x4  }
0x1f2: {  	v63 =	vshll.u32 v62, $0x4  }
0x1f3: {  	v8 =	vand.u32 $0x7, v62;
	v9 =	vand.u32 $0xFFFFFF80, v63  }
0x1f4: {  	v8 =	vor.u32 v8, v9  }
0x1f5: {  	v6 =	vperm.xlane v8, v6;
	_ =	sdelay $0x1  }
0x1f6: {  	v6 =	vadd.s32 v7, v6;
	_ =	sdelay $0x4  }
0x1f7: {  	[tilespmem:s19], [sflag:$0x2] =	stream.indirect_vreg.gather [hbm4b:s10+s1], $0x80, v6, vm0, $0x2000b8;
	[tilespmem:$0xFC00] =	vst v63  }
0x1f8: {  	s18 =	simm.s32 $0xC180  }
0x1f9: {  	[tilespmem:s18], [sflag:$0x2] =	stream.indirect_vreg.gather [hbm4b:s0+s1], $0x80, v6, vm0, $0x2000b8;
	[tilespmem:$0xFC00] =	vst v63  }
0x1fa: {  	s12 =	simm.s32 $0xC980  }
0x1fb: {  	[tilespmem:s12], [sflag:$0x2] =	stream.indirect_vreg.gather [hbm4b:s2+s1], $0x80, v6, vm0, $0x2000b8;
	[tilespmem:$0xFC00] =	vst v63  }
0x1fc: {  	s31 =	simm.s32 $0xD180  }
0x1fd: {  	[tilespmem:s31], [sflag:$0x2] =	stream.indirect_vreg.gather [hbm4b:s4+s1], $0x80, v6, vm0, $0x2000b8;
	[tilespmem:$0xFC00] =	vst v63  }
0x1fe: {  	s13 =	simm.s32 $0xD980  }
0x1ff: {  	[tilespmem:s13], [sflag:$0x2] =	stream.indirect_vreg.gather [hbm4b:s5+s1], $0x80, v6, vm0, $0x2000b8;
	[tilespmem:$0xFC00] =	vst v63  }
0x200: {  	s14 =	simm.s32 $0xE180  }
0x201: {  	[tilespmem:s14], [sflag:$0x2] =	stream.indirect_vreg.gather [hbm4b:s6+s1], $0x80, v6, vm0, $0x2000b8;
	[tilespmem:$0xFC00] =	vst v63  }
0x202: {  	s15 =	simm.s32 $0xE980  }
0x203: {  	[tilespmem:s15], [sflag:$0x2] =	stream.indirect_vreg.gather [hbm4b:s7+s1], $0x80, v6, vm0, $0x2000b8;
	[tilespmem:$0xFC00] =	vst v63  }
0x204: {  	s17 =	simm.s32 $0xF180;
	s5 =	simm.s32 $0x1  }
0x205: {  	[tilespmem:s17], [sflag:$0x2] =	stream.indirect_vreg.gather [hbm4b:s16+s1], $0x80, v6, vm0, $0x2000b8;
	[tilespmem:$0xFC00] =	vst v63  }
0x206: {  	_ =	swait.ge [sflag:s5], $0x4000  }
0x207: {  	s18 =	sld [smem:$0x7FA]  }
0x208: {  	[sflag:s5] =	ssyncset.done $0x0  }
0x209: {  	[sflag:s5] =	ssyncadd.s32 $0xFFFFC000  }
0x20a: {  	[hbm4b:s18+s1] =	stream.linear.scatter [tilespmem:s11], [sflag:$0x3], $0x4000, $0x200038;
	[tilespmem:$0xFC00] =	vst v63  }
0x20b: {  	_ =	swait.ge [sflag:s20], $0x4000  }
0x20c: {  	s22 =	sld [smem:$0x7FB]  }
0x20d: {  	[sflag:s20] =	ssyncset.done $0x0  }
0x20e: {  	s21 =	simm.s32 $0x0;
	[sflag:s20] =	ssyncadd.s32 $0xFFFFC000  }
0x20f: {  	[hbm4b:s22+s21] =	stream.linear.scatter [tilespmem:s19], [sflag:$0x4], $0x4000, $0x200038;
	[tilespmem:$0xFC00] =	vst v63  }
0x210: {  	_ =	swait.ge [sflag:s9], $0x4000  }
0x211: {  	[sflag:s9] =	ssyncset.done $0x0  }
0x212: {  	[sflag:s9] =	ssyncadd.s32 $0xFFFFC000  }
0x213: {  	_ =	swait.ge [sflag:s3], $0x4000  }
0x214: {  	s30 =	sld [smem:$0x7F3];
	_ =	sdelay $0x2  }
0x215: {  	s31 =	rddreg [dreg:$0x1a];
	s22 =	sadd.s32 $0x1, s30  }
0x216: {  	p1 =	sne.s32 s22, s31  }
.Ltmp1:
0x217: {  	_ = 	snop;
	(pc) =	sbr.rel @!p1 .LBB2_60-.Ltmp1, $4  }
0x218: {  	_ = 	snop  }
0x219: {  	[sflag:s3] =	ssyncset.done $0x0  }
0x21a: {  	[sflag:s3] =	ssyncadd.s32 $0xFFFFC000  }
0x21b: {  	s16 =	simm.s32 $0x5;
	_ =	strace $0x9000005B  }
.LBB2_1:
0x21c: {  	_ =	strace $0x80000048;
	s1 =	simm.s32 $0x800  }
0x21d: {  	s2 =	simm.s32 $0x8000;
	s6 =	simm.s32 $0x0;
	s0 =	rddreg [dreg:$0x7]  }
0x21e: {  	[tilespmem:s6], [sflag:$0x1] =	stream.strided.gather [hbm4b:s0+s1], $0x1000, s2, s1, $0x200038;
	[tilespmem:$0xFC00] =	vst v63  }
0x21f: {  	s3 =	smov.u32 s22;
	s4 =	simm.s32 $0x2000;
	s22 =	rddreg [dreg:$0x8]  }
0x220: {  	[tilespmem:s4], [sflag:$0x5] =	stream.linear.gather [hbm4b:s22+s6], $0x80, $0x200038;
	[tilespmem:$0xFC00] =	vst v63  }
0x221: {  	s30 =	simm.s32 $0x2100;
	s0 =	sadd.s32 $0x40, s22  }
0x222: {  	[tilespmem:s30], [sflag:$0x5] =	stream.linear.gather [hbm4b:s0+s6], $0x80, $0x200038;
	[tilespmem:$0xFC00] =	vst v63  }
0x223: {  	_ =	swait.ge [sflag:s16], $0x100  }
0x224: {  	[sflag:s16] =	ssyncset.done $0x0  }
0x225: {  	s8 =	simm.s32 $0x1000;
	s7 =	rddreg [dreg:$0x9];
	[sflag:s16] =	ssyncadd.s32 $0xFFFFFF00  }
0x226: {  	[tilespmem:s8], [sflag:$0x1] =	stream.strided.gather [hbm4b:s7+s1], $0x1000, s2, s1, $0x200038;
	[tilespmem:$0xFC00] =	vst v63  }
0x227: {  	s10 =	simm.s32 $0x2080;
	s9 =	rddreg [dreg:$0xa]  }
0x228: {  	[tilespmem:s10], [sflag:$0x5] =	stream.linear.gather [hbm4b:s9+s6], $0x80, $0x200038;
	[tilespmem:$0xFC00] =	vst v63  }
0x229: {  	s11 =	simm.s32 $0x2180;
	s0 =	sadd.s32 $0x40, s9  }
0x22a: {  	[tilespmem:s11], [sflag:$0x5] =	stream.linear.gather [hbm4b:s0+s6], $0x80, $0x200038;
	[tilespmem:$0xFC00] =	vst v63  }
0x22b: {  	_ =	swait.ge [sflag:s16], $0x100  }
0x22c: {  	[sflag:s16] =	ssyncset.done $0x0  }
0x22d: {  	[sflag:s16] =	ssyncadd.s32 $0xFFFFFF00  }
0x22e: {  	_ =	swait.ge [sflag:s5], $0x1000  }
0x22f: {  	[sflag:s5] =	ssyncset.done $0x0  }
0x230: {  	[sflag:s5] =	ssyncadd.s32 $0xFFFFF000  }
0x231: {  	s12 =	simm.s32 $0x0;
	s0 =	sand.u32 $0x60, s6;
	_ =	swait.ge [sflag:s5], $0x1000  }
0x232: {  	s1 =	sand.u32 $0x3FFFFC00, s12;
	s2 =	sor.u32 $0x10, s0;
	[sflag:s5] =	ssyncset.done $0x0  }
0x233: {  	s13 =	sor.u32 s2, s1;
	[sflag:s5] =	ssyncadd.s32 $0xFFFFF000  }
0x234: {  	v7 =	vld [tilespmem:s13+$0x0]  }
0x235: {  	v9 =	vld [tilespmem:s13+$0x80]  }
0x236: {  	v10 =	vld [tilespmem:s13+$0x100]  }
0x237: {  	v11 =	vld [tilespmem:s13+$0x180]  }
0x238: {  	v12 =	vld [tilespmem:s13+$0x200]  }
0x239: {  	v13 =	vld [tilespmem:s13+$0x280]  }
0x23a: {  	s14 =	sadd.s32 $0x800, s1;
	v14 =	vld [tilespmem:s13+$0x300]  }
0x23b: {  	s15 =	sadd.s32 $0x880, s1;
	s17 =	sor.u32 s2, s14;
	v15 =	vld [tilespmem:s13+$0x380]  }
0x23c: {  	s7 =	sadd.s32 $0x900, s1;
	s18 =	sor.u32 s2, s15;
	v16 =	vld [tilespmem:s17+$0x0]  }
0x23d: {  	s8 =	sadd.s32 $0x980, s1;
	s19 =	sor.u32 s2, s7;
	v17 =	vld [tilespmem:s18+$0x0]  }
0x23e: {  	s9 =	sadd.s32 $0xA00, s1;
	s20 =	sor.u32 s2, s8;
	v18 =	vld [tilespmem:s19+$0x0]  }
0x23f: {  	s10 =	sadd.s32 $0xA80, s1;
	s21 =	sor.u32 s2, s9;
	v19 =	vld [tilespmem:s20+$0x0]  }
0x240: {  	s11 =	sadd.s32 $0xB00, s1;
	s22 =	sor.u32 s2, s10;
	v20 =	vld [tilespmem:s21+$0x0]  }
0x241: {  	s12 =	sadd.s32 $0xB80, s1;
	s30 =	sor.u32 s2, s11;
	v21 =	vld [tilespmem:s22+$0x0]  }
0x242: {  	v22 =	vld [tilespmem:s30+$0x0];
	s13 =	sor.u32 s2, s12  }
0x243: {  	s14 =	sor.u32 s0, s14;
	v23 =	vld [tilespmem:s13+$0x0]  }
0x244: {  	s15 =	sor.u32 s0, s15;
	v8 =	vld [tilespmem:s14+$0x0]  }
0x245: {  	v6 =	vld [tilespmem:s15+$0x0];
	s17 =	sor.u32 s0, s7;
	v16 =	vadd.f32 v16, v7;
	v17 =	vadd.f32 v17, v9  }
0x246: {  	s18 =	sor.u32 s0, s8;
	v7 =	vld [tilespmem:s17+$0x0];
	v18 =	vadd.f32 v18, v10;
	v19 =	vadd.f32 v19, v11  }
0x247: {  	s19 =	sor.u32 s0, s9;
	s20 =	simm.s32 $0x0;
	v9 =	vld [tilespmem:s18+$0x0];
	v12 =	vadd.f32 v20, v12;
	v13 =	vadd.f32 v21, v13  }
0x248: {  	s21 =	sor.u32 s0, s10;
	s4 =	sand.u32 $0xFFFFFF00, s20;
	v10 =	vld [tilespmem:s19+$0x0];
	v14 =	vadd.f32 v22, v14;
	v15 =	vadd.f32 v23, v15  }
0x249: {  	s31 =	sor.u32 s4, s2;
	v11 =	vld [tilespmem:s21+$0x0];
	v16 =	vadd.f32 v12, v16;
	v17 =	vadd.f32 v13, v17  }
0x24a: {  	s22 =	sor.u32 s0, s11;
	v14 =	vadd.f32 v14, v18;
	v18 =	vld [tilespmem:s31+$0x2000];
	v15 =	vadd.f32 v15, v19  }
0x24b: {  	s30 =	sor.u32 s0, s12;
	v12 =	vld [tilespmem:s22+$0x0]  }
0x24c: {  	s8 =	sor.u32 s0, s1;
	v13 =	vld [tilespmem:s30+$0x0];
	v14 =	vadd.f32 v14, v16;
	v15 =	vadd.f32 v15, v17  }
0x24d: {  	v19 =	vld [tilespmem:s8+$0x0]  }
0x24e: {  	v17 =	vld [tilespmem:s8+$0x80];
	v16 =	vadd.f32 v15, v14  }
0x24f: {  	v15 =	vld [tilespmem:s8+$0x100];
	vm0 =	veq.s32 v18, $0x0  }
0x250: {  	v14 =	vld [tilespmem:s8+$0x180];
	v18 =	vsel vm0, $0xFF7FFFFF, v16  }
0x251: {  	s12 =	simm.s32 $0x0;
	s6 =	sor.u32 s0, s4;
	s19 =	simm.s32 $0x0;
	v16 =	vld [tilespmem:s8+$0x200];
	vm0 =	veq.f32 v18, $0.0e+00  }
.LBB2_2:
0x252: {  	s12 =	sadd.s32 $0x2, s12;
	v20 =	vld [tilespmem:s8+$0x280];
	v8 =	vadd.f32 v8, v19;
	v18 =	vsel vm0, $0x0, v18;
	s19 =	sadd.s32 $0x20, s19  }
0x253: {  	s5 =	sand.u32 $0x60, s19;
	s0 =	sshll.u32 s12, $0x7;
	p1 =	slt.u32 s12, $0xE;
	v19 =	vld [tilespmem:s8+$0x300];
	v6 =	vadd.f32 v6, v17;
	vm0 =	vlt.s32 v18, $0x0  }
0x254: {  	s0 =	sand.u32 $0x3FFFFC00, s0;
	s7 =	sor.u32 $0x10, s5;
	v17 =	vld [tilespmem:s8+$0x380];
	v7 =	vadd.f32 v7, v15;
	v15 =	vsel vm0, $0x0, v1  }
0x255: {  	s8 =	sor.u32 s5, s0;
	s1 =	sor.u32 s7, s0;
	v9 =	vadd.f32 v9, v14;
	v14 =	vld [tilespmem:s6+$0x2000];
	v15 =	vxor.u32 v18, v15  }
0x256: {  	v18 =	vld [tilespmem:s1+$0x0];
	v10 =	vadd.f32 v10, v16;
	[tilespmem:s31+$0x2200] =	vst v15  }
0x257: {  	v15 =	vld [tilespmem:s1+$0x80];
	v11 =	vadd.f32 v11, v20  }
0x258: {  	v16 =	vld [tilespmem:s1+$0x100];
	v12 =	vadd.f32 v12, v19;
	v8 =	vadd.f32 v10, v8  }
0x259: {  	v10 =	vld [tilespmem:s1+$0x180];
	v13 =	vadd.f32 v13, v17;
	v6 =	vadd.f32 v11, v6  }
0x25a: {  	v11 =	vld [tilespmem:s1+$0x200];
	v7 =	vadd.f32 v12, v7;
	vm0 =	veq.s32 v14, $0x0  }
0x25b: {  	v12 =	vld [tilespmem:s1+$0x280];
	v9 =	vadd.f32 v13, v9  }
0x25c: {  	s2 =	sadd.s32 $0x800, s0;
	v13 =	vld [tilespmem:s1+$0x300];
	v7 =	vadd.f32 v7, v8  }
0x25d: {  	s9 =	sadd.s32 $0x880, s0;
	s4 =	sor.u32 s5, s2;
	v14 =	vld [tilespmem:s1+$0x380];
	s1 =	sor.u32 s7, s2;
	v6 =	vadd.f32 v9, v6  }
0x25e: {  	s10 =	sadd.s32 $0x900, s0;
	s2 =	sor.u32 s5, s9;
	v9 =	vld [tilespmem:s1+$0x0];
	s1 =	sor.u32 s7, s9  }
0x25f: {  	s11 =	sadd.s32 $0x980, s0;
	s9 =	sor.u32 s5, s10;
	v17 =	vld [tilespmem:s1+$0x0];
	s1 =	sor.u32 s7, s10;
	v6 =	vadd.f32 v6, v7  }
0x260: {  	s13 =	sadd.s32 $0xA00, s0;
	s10 =	sor.u32 s5, s11;
	v19 =	vld [tilespmem:s1+$0x0];
	s1 =	sor.u32 s7, s11  }
0x261: {  	s14 =	sadd.s32 $0xA80, s0;
	s11 =	sor.u32 s5, s13;
	v20 =	vld [tilespmem:s1+$0x0];
	s1 =	sor.u32 s7, s13;
	v6 =	vsel vm0, $0xFF7FFFFF, v6  }
0x262: {  	s15 =	sadd.s32 $0xB00, s0;
	s13 =	sor.u32 s5, s14;
	v21 =	vld [tilespmem:s1+$0x0];
	s1 =	sor.u32 s7, s14;
	vm0 =	veq.f32 v6, $0.0e+00  }
0x263: {  	s0 =	sadd.s32 $0xB80, s0;
	s14 =	sor.u32 s5, s15;
	v22 =	vld [tilespmem:s1+$0x0];
	s1 =	sor.u32 s7, s15;
	v6 =	vsel vm0, $0x0, v6  }
0x264: {  	s15 =	sor.u32 s5, s0;
	s0 =	sor.u32 s7, s0;
	v23 =	vld [tilespmem:s1+$0x0];
	vm0 =	vlt.s32 v6, $0x0  }
0x265: {  	v24 =	vld [tilespmem:s0+$0x0];
	v7 =	vsel vm0, $0x0, v1  }
0x266: {  	v8 =	vld [tilespmem:s4+$0x0];
	v7 =	vxor.u32 v6, v7  }
0x267: {  	v18 =	vadd.f32 v9, v18;
	v15 =	vadd.f32 v17, v15;
	v6 =	vld [tilespmem:s2+$0x0];
	[tilespmem:s6+$0x2200] =	vst v7  }
0x268: {  	v16 =	vadd.f32 v19, v16;
	v17 =	vadd.f32 v20, v10;
	v7 =	vld [tilespmem:s9+$0x0]  }
0x269: {  	s0 =	sshll.u32 s12, $0x5;
	v19 =	vadd.f32 v21, v11;
	v12 =	vadd.f32 v22, v12;
	v9 =	vld [tilespmem:s10+$0x0]  }
0x26a: {  	s0 =	sand.u32 $0xFFFFFF00, s0;
	v13 =	vadd.f32 v23, v13;
	v10 =	vld [tilespmem:s11+$0x0];
	v14 =	vadd.f32 v24, v14  }
0x26b: {  	s6 =	sor.u32 s5, s0;
	s31 =	sor.u32 s0, s7;
	v18 =	vadd.f32 v19, v18;
	v15 =	vadd.f32 v12, v15;
	v11 =	vld [tilespmem:s13+$0x0]  }
0x26c: {  	v16 =	vadd.f32 v13, v16;
	v14 =	vadd.f32 v14, v17;
	v20 =	vld [tilespmem:s31+$0x2000]  }
0x26d: {  	v12 =	vld [tilespmem:s14+$0x0]  }
0x26e: {  	v16 =	vadd.f32 v16, v18;
	v13 =	vld [tilespmem:s15+$0x0];
	v14 =	vadd.f32 v14, v15  }
.Ltmp2:
0x26f: {  	v19 =	vld [tilespmem:s8+$0x0];
	(pc) =	sbr.rel @p1 .LBB2_2-.Ltmp2, $4  }
0x270: {  	v17 =	vld [tilespmem:s8+$0x80];
	v16 =	vadd.f32 v14, v16  }
0x271: {  	v15 =	vld [tilespmem:s8+$0x100];
	vm0 =	veq.s32 v20, $0x0  }
0x272: {  	v14 =	vld [tilespmem:s8+$0x180];
	v18 =	vsel vm0, $0xFF7FFFFF, v16  }
0x273: {  	v16 =	vld [tilespmem:s8+$0x200];
	vm0 =	veq.f32 v18, $0.0e+00  }
0x274: {  	v20 =	vld [tilespmem:s8+$0x280]  }
0x275: {  	v21 =	vld [tilespmem:s8+$0x300]  }
0x276: {  	v22 =	vld [tilespmem:s8+$0x380];
	_ =	sdelay $0x1  }
0x277: {  	v8 =	vadd.f32 v8, v19;
	v6 =	vadd.f32 v6, v17  }
0x278: {  	v7 =	vadd.f32 v7, v15;
	v9 =	vadd.f32 v9, v14  }
0x279: {  	v10 =	vadd.f32 v10, v16;
	v11 =	vadd.f32 v11, v20  }
0x27a: {  	v12 =	vadd.f32 v12, v21;
	v13 =	vadd.f32 v13, v22  }
0x27b: {  	v8 =	vadd.f32 v10, v8;
	v6 =	vadd.f32 v11, v6  }
0x27c: {  	v10 =	vld [tilespmem:s6+$0x2000];
	v7 =	vadd.f32 v12, v7;
	v9 =	vadd.f32 v13, v9;
	_ =	sdelay $0x1  }
0x27d: {  	v7 =	vadd.f32 v7, v8;
	v6 =	vadd.f32 v9, v6;
	_ =	sdelay $0x1  }
0x27e: {  	v6 =	vadd.f32 v6, v7  }
0x27f: {  	vm1 =	veq.s32 v10, $0x0  }
0x280: {  	v6 =	vsel vm1, $0xFF7FFFFF, v6  }
0x281: {  	v7 =	vsel vm0, $0x0, v18;
	vm12 =	veq.f32 v6, $0.0e+00  }
0x282: {  	vm13 =	vlt.s32 v7, $0x0;
	v6 =	vsel vm12, $0x0, v6  }
0x283: {  	v8 =	vsel vm13, $0x0, v1;
	vm14 =	vlt.s32 v6, $0x0  }
0x284: {  	v7 =	vxor.u32 v7, v8;
	v8 =	vsel vm14, $0x0, v1  }
0x285: {  	[tilespmem:s31+$0x2200] =	vst v7;
	v6 =	vxor.u32 v6, v8  }
0x286: {  	[tilespmem:s6+$0x2200] =	vst v6  }
0x287: {  	s0 =	rddreg [dreg:$0xb]  }
0x288: {  	s1 =	simm.s32 $0x2200;
	s10 =	sld [smem:$0x7FC]  }
0x289: {  	[spmem:s0] =	stream.linear.scatter [tilespmem:s1], [sflag:$0x5], $0x80, $0x200038;
	[tilespmem:$0xFC00] =	vst v63  }
0x28a: {  	s11 =	simm.s32 $0x2300;
	s12 =	simm.s32 $0x0;
	s6 =	simm.s32 $0x0  }
0x28b: {  	[spmem:s10] =	stream.linear.scatter [tilespmem:s11], [sflag:$0x5], $0x80, $0x200038;
	[tilespmem:$0xFC00] =	vst v63  }
0x28c: {  	s7 =	sand.u32 $0x60, s6;
	s1 =	sand.u32 $0x3FFFFC00, s12;
	_ =	swait.ge [sflag:s16], $0x100  }
0x28d: {  	s0 =	sor.u32 $0x10, s7;
	s2 =	sadd.s32 $0x1000, s1;
	[sflag:s16] =	ssyncset.done $0x0  }
0x28e: {  	s4 =	sadd.s32 $0x1080, s1;
	s5 =	sor.u32 s0, s2;
	[sflag:s16] =	ssyncadd.s32 $0xFFFFFF00  }
0x28f: {  	s8 =	sadd.s32 $0x1100, s1;
	s13 =	sor.u32 s0, s4;
	v7 =	vld [tilespmem:s5+$0x0]  }
0x290: {  	s9 =	sadd.s32 $0x1180, s1;
	s14 =	sor.u32 s0, s8;
	v9 =	vld [tilespmem:s13+$0x0]  }
0x291: {  	s10 =	sadd.s32 $0x1200, s1;
	s15 =	sor.u32 s0, s9;
	v10 =	vld [tilespmem:s14+$0x0]  }
0x292: {  	s11 =	sadd.s32 $0x1280, s1;
	s16 =	sor.u32 s0, s10;
	v11 =	vld [tilespmem:s15+$0x0]  }
0x293: {  	s12 =	sadd.s32 $0x1300, s1;
	s17 =	sor.u32 s0, s11;
	v12 =	vld [tilespmem:s16+$0x0]  }
0x294: {  	s18 =	sor.u32 s0, s12;
	s13 =	sadd.s32 $0x1380, s1;
	v13 =	vld [tilespmem:s17+$0x0]  }
0x295: {  	s14 =	sadd.s32 $0x1800, s1;
	v14 =	vld [tilespmem:s18+$0x0];
	s19 =	sor.u32 s0, s13  }
0x296: {  	s15 =	sadd.s32 $0x1880, s1;
	s20 =	sor.u32 s0, s14;
	v15 =	vld [tilespmem:s19+$0x0]  }
0x297: {  	s16 =	sadd.s32 $0x1900, s1;
	s21 =	sor.u32 s0, s15;
	v16 =	vld [tilespmem:s20+$0x0]  }
0x298: {  	s17 =	sadd.s32 $0x1980, s1;
	s22 =	sor.u32 s0, s16;
	v17 =	vld [tilespmem:s21+$0x0]  }
0x299: {  	s30 =	sor.u32 s0, s17;
	s19 =	sadd.s32 $0x1A00, s1;
	v18 =	vld [tilespmem:s22+$0x0]  }
0x29a: {  	s21 =	sadd.s32 $0x1A80, s1;
	v19 =	vld [tilespmem:s30+$0x0];
	s31 =	sor.u32 s0, s19  }
0x29b: {  	s22 =	sadd.s32 $0x1B00, s1;
	s18 =	sor.u32 s0, s21;
	v20 =	vld [tilespmem:s31+$0x0]  }
0x29c: {  	s1 =	sadd.s32 $0x1B80, s1;
	s20 =	sor.u32 s0, s22;
	v62 =	vld [tilespmem:s18+$0x0]  }
0x29d: {  	s30 =	sor.u32 s0, s1;
	v63 =	vld [tilespmem:s20+$0x0]  }
0x29e: {  	s2 =	sor.u32 s7, s2;
	v23 =	vld [tilespmem:s30+$0x0]  }
0x29f: {  	v8 =	vld [tilespmem:s2+$0x0];
	s31 =	sor.u32 s7, s4  }
0x2a0: {  	s4 =	sor.u32 s7, s8;
	v6 =	vld [tilespmem:s31+$0x0];
	v16 =	vadd.f32 v16, v7;
	v17 =	vadd.f32 v17, v9  }
0x2a1: {  	s5 =	sor.u32 s7, s9;
	v7 =	vld [tilespmem:s4+$0x0];
	v18 =	vadd.f32 v18, v10;
	v19 =	vadd.f32 v19, v11  }
0x2a2: {  	s9 =	simm.s32 $0x0;
	s8 =	sor.u32 s7, s10;
	v9 =	vld [tilespmem:s5+$0x0];
	v12 =	vadd.f32 v20, v12;
	v13 =	vadd.f32 v62, v13  }
0x2a3: {  	s10 =	sor.u32 s7, s11;
	s11 =	sand.u32 $0xFFFFFF00, s9;
	v10 =	vld [tilespmem:s8+$0x0];
	v14 =	vadd.f32 v63, v14;
	v15 =	vadd.f32 v23, v15  }
0x2a4: {  	v11 =	vld [tilespmem:s10+$0x0];
	s5 =	sor.u32 s0, s11;
	v16 =	vadd.f32 v12, v16;
	v17 =	vadd.f32 v13, v17  }
0x2a5: {  	s12 =	sor.u32 s7, s12;
	v14 =	vadd.f32 v14, v18;
	v15 =	vadd.f32 v15, v19;
	v18 =	vld [tilespmem:s5+$0x2080]  }
0x2a6: {  	s13 =	sor.u32 s7, s13;
	v13 =	vld [tilespmem:s12+$0x0]  }
0x2a7: {  	s14 =	sor.u32 s7, s14;
	v12 =	vld [tilespmem:s13+$0x0];
	v16 =	vadd.f32 v14, v16;
	v15 =	vadd.f32 v15, v17  }
0x2a8: {  	s18 =	sor.u32 s7, s15;
	v17 =	vld [tilespmem:s14+$0x0]  }
0x2a9: {  	s2 =	sor.u32 s7, s22;
	s20 =	sor.u32 s7, s16;
	s30 =	sor.u32 s7, s17;
	v14 =	vld [tilespmem:s18+$0x0];
	v19 =	vadd.f32 v15, v16  }
0x2aa: {  	s9 =	sor.u32 s7, s19;
	s31 =	sor.u32 s6, s11;
	s10 =	sor.u32 s7, s21;
	v15 =	vld [tilespmem:s20+$0x0];
	vm15 =	veq.s32 v18, $0x0  }
0x2ab: {  	s8 =	simm.s32 $0x0;
	s13 =	sor.u32 s7, s1;
	s12 =	sor.u32 $0x80, s31;
	v16 =	vld [tilespmem:s30+$0x0];
	v18 =	vsel vm15, $0xFF7FFFFF, v19  }
.LBB2_4:
0x2ac: {  	s8 =	sadd.s32 $0x2, s8;
	v19 =	vld [tilespmem:s9+$0x0];
	vm0 =	veq.f32 v18, $0.0e+00  }
0x2ad: {  	s6 =	sadd.s32 $0x20, s6;
	s0 =	sshll.u32 s8, $0x7;
	p1 =	slt.u32 s8, $0xE;
	v20 =	vld [tilespmem:s10+$0x0];
	v8 =	vadd.f32 v17, v8;
	v17 =	vsel vm0, $0x0, v18  }
0x2ae: {  	s7 =	sand.u32 $0x60, s6;
	s0 =	sand.u32 $0x3FFFFC00, s0;
	v18 =	vld [tilespmem:s2+$0x0];
	v6 =	vadd.f32 v14, v6;
	vm0 =	vlt.s32 v17, $0x0  }
0x2af: {  	s19 =	sor.u32 $0x10, s7;
	s1 =	sadd.s32 $0x1000, s0;
	v14 =	vld [tilespmem:s13+$0x0];
	v7 =	vadd.f32 v15, v7;
	v15 =	vsel vm0, $0x0, v1  }
0x2b0: {  	s2 =	sadd.s32 $0x1080, s0;
	s31 =	sor.u32 s7, s1;
	s1 =	sor.u32 s19, s1;
	v9 =	vadd.f32 v16, v9;
	v16 =	vld [tilespmem:s12+$0x2000];
	v15 =	vxor.u32 v17, v15  }
0x2b1: {  	s9 =	sadd.s32 $0x1100, s0;
	s4 =	sor.u32 s7, s2;
	v17 =	vld [tilespmem:s1+$0x0];
	s1 =	sor.u32 s19, s2;
	v10 =	vadd.f32 v19, v10;
	[tilespmem:s5+$0x2280] =	vst v15  }
0x2b2: {  	s5 =	sor.u32 s7, s9;
	s2 =	sadd.s32 $0x1180, s0;
	s9 =	sor.u32 s19, s9;
	v15 =	vld [tilespmem:s1+$0x0];
	v11 =	vadd.f32 v20, v11  }
0x2b3: {  	s10 =	sadd.s32 $0x1200, s0;
	s1 =	sor.u32 s7, s2;
	s2 =	sor.u32 s19, s2;
	v19 =	vld [tilespmem:s9+$0x0];
	v13 =	vadd.f32 v18, v13;
	v8 =	vadd.f32 v10, v8  }
0x2b4: {  	s21 =	sor.u32 s7, s10;
	s9 =	sadd.s32 $0x1280, s0;
	v10 =	vld [tilespmem:s2+$0x0];
	s2 =	sor.u32 s19, s10;
	v12 =	vadd.f32 v14, v12;
	v6 =	vadd.f32 v11, v6  }
0x2b5: {  	s11 =	sor.u32 s7, s9;
	s10 =	sadd.s32 $0x1300, s0;
	v11 =	vld [tilespmem:s2+$0x0];
	s2 =	sor.u32 s19, s9;
	v7 =	vadd.f32 v13, v7;
	vm0 =	veq.s32 v16, $0x0  }
0x2b6: {  	s30 =	sor.u32 s7, s10;
	s9 =	sadd.s32 $0x1380, s0;
	v13 =	vld [tilespmem:s2+$0x0];
	s2 =	sor.u32 s19, s10;
	v9 =	vadd.f32 v12, v9  }
0x2b7: {  	s22 =	sor.u32 s7, s9;
	s10 =	sadd.s32 $0x1800, s0;
	v12 =	vld [tilespmem:s2+$0x0];
	s2 =	sor.u32 s19, s9;
	v7 =	vadd.f32 v7, v8  }
0x2b8: {  	s14 =	sor.u32 s7, s10;
	s9 =	sadd.s32 $0x1880, s0;
	v14 =	vld [tilespmem:s2+$0x0];
	s2 =	sor.u32 s19, s10;
	v6 =	vadd.f32 v9, v6  }
0x2b9: {  	s15 =	sor.u32 s7, s9;
	s10 =	sadd.s32 $0x1900, s0;
	v9 =	vld [tilespmem:s2+$0x0];
	s2 =	sor.u32 s19, s9  }
0x2ba: {  	s16 =	sor.u32 s7, s10;
	s9 =	sadd.s32 $0x1980, s0;
	v16 =	vld [tilespmem:s2+$0x0];
	s2 =	sor.u32 s19, s10;
	v6 =	vadd.f32 v6, v7  }
0x2bb: {  	s17 =	sor.u32 s7, s9;
	s10 =	sadd.s32 $0x1A00, s0;
	v18 =	vld [tilespmem:s2+$0x0];
	s2 =	sor.u32 s19, s9  }
0x2bc: {  	s13 =	sadd.s32 $0x1A80, s0;
	s9 =	sor.u32 s7, s10;
	v20 =	vld [tilespmem:s2+$0x0];
	s2 =	sor.u32 s19, s10;
	v6 =	vsel vm0, $0xFF7FFFFF, v6  }
0x2bd: {  	s18 =	sadd.s32 $0x1B00, s0;
	s10 =	sor.u32 s7, s13;
	s13 =	sor.u32 s19, s13;
	v21 =	vld [tilespmem:s2+$0x0];
	vm0 =	veq.f32 v6, $0.0e+00  }
0x2be: {  	s0 =	sadd.s32 $0x1B80, s0;
	s2 =	sor.u32 s7, s18;
	s18 =	sor.u32 s19, s18;
	v22 =	vld [tilespmem:s13+$0x0];
	v6 =	vsel vm0, $0x0, v6  }
0x2bf: {  	s13 =	sor.u32 s7, s0;
	s0 =	sor.u32 s19, s0;
	v23 =	vld [tilespmem:s18+$0x0];
	vm0 =	vlt.s32 v6, $0x0  }
0x2c0: {  	v24 =	vld [tilespmem:s0+$0x0];
	v7 =	vsel vm0, $0x0, v1  }
0x2c1: {  	v8 =	vld [tilespmem:s31+$0x0];
	v7 =	vxor.u32 v6, v7  }
0x2c2: {  	v17 =	vadd.f32 v9, v17;
	v15 =	vadd.f32 v16, v15;
	v6 =	vld [tilespmem:s4+$0x0];
	[tilespmem:s12+$0x2200] =	vst v7  }
0x2c3: {  	v16 =	vadd.f32 v18, v19;
	v18 =	vadd.f32 v20, v10;
	v7 =	vld [tilespmem:s5+$0x0]  }
0x2c4: {  	s0 =	sshll.u32 s8, $0x5;
	v19 =	vadd.f32 v21, v11;
	v13 =	vadd.f32 v22, v13;
	v9 =	vld [tilespmem:s1+$0x0]  }
0x2c5: {  	s0 =	sand.u32 $0xFFFFFF00, s0;
	v12 =	vadd.f32 v23, v12;
	v10 =	vld [tilespmem:s21+$0x0];
	v14 =	vadd.f32 v24, v14  }
0x2c6: {  	s5 =	sor.u32 s19, s0;
	s1 =	sor.u32 s6, s0;
	v17 =	vadd.f32 v19, v17;
	v15 =	vadd.f32 v13, v15;
	v11 =	vld [tilespmem:s11+$0x0]  }
0x2c7: {  	s12 =	sor.u32 $0x80, s1;
	v16 =	vadd.f32 v12, v16;
	v14 =	vadd.f32 v14, v18;
	v18 =	vld [tilespmem:s5+$0x2080]  }
0x2c8: {  	v13 =	vld [tilespmem:s30+$0x0]  }
.Ltmp3:
0x2c9: {  	v16 =	vadd.f32 v16, v17;
	v12 =	vld [tilespmem:s22+$0x0];
	v15 =	vadd.f32 v14, v15;
	(pc) =	sbr.rel @p1 .LBB2_4-.Ltmp3, $4  }
0x2ca: {  	v17 =	vld [tilespmem:s14+$0x0]  }
0x2cb: {  	v14 =	vld [tilespmem:s15+$0x0];
	v19 =	vadd.f32 v15, v16  }
0x2cc: {  	v15 =	vld [tilespmem:s16+$0x0];
	vm0 =	veq.s32 v18, $0x0  }
0x2cd: {  	v16 =	vld [tilespmem:s17+$0x0];
	v18 =	vsel vm0, $0xFF7FFFFF, v19  }
0x2ce: {  	v19 =	vld [tilespmem:s9+$0x0]  }
0x2cf: {  	v20 =	vld [tilespmem:s10+$0x0]  }
0x2d0: {  	v21 =	vld [tilespmem:s2+$0x0]  }
0x2d1: {  	v22 =	vld [tilespmem:s13+$0x0];
	_ =	sdelay $0x1  }
0x2d2: {  	v8 =	vadd.f32 v17, v8;
	v6 =	vadd.f32 v14, v6  }
0x2d3: {  	v7 =	vadd.f32 v15, v7;
	v9 =	vadd.f32 v16, v9  }
0x2d4: {  	v10 =	vadd.f32 v19, v10;
	v11 =	vadd.f32 v20, v11  }
0x2d5: {  	v13 =	vadd.f32 v21, v13;
	v12 =	vadd.f32 v22, v12  }
0x2d6: {  	v8 =	vadd.f32 v10, v8;
	v6 =	vadd.f32 v11, v6  }
0x2d7: {  	v61 =	vld [tilespmem:s12+$0x2000];
	v7 =	vadd.f32 v13, v7;
	v9 =	vadd.f32 v12, v9;
	_ =	sdelay $0x1  }
0x2d8: {  	v7 =	vadd.f32 v7, v8;
	v6 =	vadd.f32 v9, v6;
	_ =	sdelay $0x1  }
0x2d9: {  	v6 =	vadd.f32 v6, v7  }
0x2da: {  	vm0 =	veq.s32 v61, $0x0  }
0x2db: {  	vm12 =	veq.f32 v18, $0.0e+00;
	v6 =	vsel vm0, $0xFF7FFFFF, v6  }
0x2dc: {  	v7 =	vsel vm12, $0x0, v18;
	vm13 =	veq.f32 v6, $0.0e+00  }
0x2dd: {  	vm14 =	vlt.s32 v7, $0x0;
	v6 =	vsel vm13, $0x0, v6  }
0x2de: {  	v62 =	vsel vm14, $0x0, v1;
	vm15 =	vlt.s32 v6, $0x0  }
0x2df: {  	v7 =	vxor.u32 v7, v62;
	v63 =	vsel vm15, $0x0, v1  }
0x2e0: {  	[tilespmem:s5+$0x2280] =	vst v7;
	v6 =	vxor.u32 v6, v63  }
0x2e1: {  	[tilespmem:s12+$0x2200] =	vst v6  }
0x2e2: {  	s0 =	rddreg [dreg:$0xc]  }
0x2e3: {  	s1 =	simm.s32 $0x2280;
	s30 =	sld [smem:$0x7FD]  }
0x2e4: {  	[spmem:s0] =	stream.linear.scatter [tilespmem:s1], [sflag:$0x5], $0x80, $0x200038;
	[tilespmem:$0xFC00] =	vst v63  }
0x2e5: {  	s31 =	simm.s32 $0x2380;
	s9 =	simm.s32 $0x5  }
0x2e6: {  	[spmem:s30] =	stream.linear.scatter [tilespmem:s31], [sflag:$0x5], $0x80, $0x200038;
	[tilespmem:$0xFC00] =	vst v63  }
0x2e7: {  	_ =	swait.ge [sflag:s9], $0x100  }
.Ltmp4:
0x2e8: {  	[sflag:s9] =	ssyncset.done $0x0;
	(pc) =	sbr.rel @p0 .LBB2_59-.Ltmp4, $4  }
0x2e9: {  	[sflag:s9] =	ssyncadd.s32 $0xFFFFFF00  }
0x2ea: {  	_ =	strace $0x90000048  }
0x2eb: {  	[bflag:$0x0] =	sbarrier.arrive $0xFFFF  }
0x2ec: {  	s0 =	smov.u32 s3  }
0x2ed: {  	_ =	strace $0x80000049;
	s1 =	simm.s32 $0x80  }
0x2ee: {  	s2 =	simm.s32 $0x100;
	s19 =	simm.s32 $0x1;
	s0 =	rddreg [dreg:$0xd]  }
0x2ef: {  	[tilespmem:s23], [sflag:$0x5] =	stream.strided.gather [spmem:s0], $0x1000, s2, s1, $0x200038;
	[tilespmem:$0xFC00] =	vst v63  }
0x2f0: {  	v8 =	vor.u32 s19, v3;
	_ =	swait.ge [sflag:s9], $0x1000  }
0x2f1: {  	[sflag:s9] =	ssyncset.done $0x0  }
0x2f2: {  	s20 =	simm.s32 $0x0;
	[sflag:s9] =	ssyncadd.s32 $0xFFFFF000  }
0x2f3: {  	v12 =	vor.u32 s20, v3;
	_ =	strace $0x90000049  }
0x2f4: {  	_ =	strace $0x8000004A  }
0x2f5: {  	s21 =	simm.s32 $0x3;
	v9 =	vld.idx.msk [tilespmem:v8+s23+$0x0], $0xffff  }
0x2f6: {  	v7 =	vor.u32 s21, v3  }
0x2f7: {  	s22 =	simm.s32 $0x2  }
0x2f8: {  	v6 =	vor.u32 s22, v3;
	v11 =	vld.idx.msk [tilespmem:v12+s23+$0x0], $0xffff  }
0x2f9: {  	s30 =	simm.s32 $0x2410  }
0x2fa: {  	s31 =	simm.s32 $0x5;
	s0 =	simm.s32 $0x4410;
	[tilespmem:s30+$0x0] =	vst v9  }
0x2fb: {  	v10 =	vld.idx.msk [tilespmem:v7+s23+$0x0], $0xffff;
	[tilespmem:s0+$0x0] =	vst v8;
	v8 =	vor.u32 s31, v3  }
0x2fc: {  	s4 =	simm.s32 $0x4  }
0x2fd: {  	[tilespmem:s30+$0xFFFFFFF0] =	vst v11;
	v11 =	vld.idx.msk [tilespmem:v6+s23+$0x0], $0xffff;
	v9 =	vor.u32 s4, v3  }
0x2fe: {  	s2 =	simm.s32 $0x6;
	s1 =	simm.s32 $0x2430;
	[tilespmem:s0+$0xFFFFFFF0] =	vst v12  }
.LBB2_7:
0x2ff: {  	s4 =	sadd.s32 $0x1, s2  }
0x300: {  	[tilespmem:s1+$0x0] =	vst v10;
	v10 =	vld.idx.msk [tilespmem:v8+s23+$0x0], $0xffff;
	s0 =	sadd.s32 $0x20, s0;
	s5 =	smov.u32 s2;
	p1 =	slt.u32 s2, $0xFE  }
.Ltmp5:
0x301: {  	s2 =	sadd.s32 $0x2, s2;
	[tilespmem:s0+$0x0] =	vst v7;
	v7 =	vmov v8;
	v8 =	vor.u32 s4, v3;
	(pc) =	sbr.rel @p1 .LBB2_7-.Ltmp5, $3  }
0x302: {  	[tilespmem:s1+$0xFFFFFFF0] =	vst v11;
	v11 =	vld.idx.msk [tilespmem:v9+s23+$0x0], $0xffff  }
0x303: {  	[tilespmem:s0+$0xFFFFFFF0] =	vst v6;
	v6 =	vmov v9;
	v9 =	vor.u32 s5, v3;
	_ =	sdelay $0x1  }
0x304: {  	s1 =	sadd.s32 $0x20, s1  }
0x305: {  	_ =	sdelay $0x3  }
0x306: {  	v12 =	vld.idx.msk [tilespmem:v8+s23+$0x0], $0xffff  }
0x307: {  	[tilespmem:s1+$0x0] =	vst v10;
	s0 =	sadd.s32 $0x20, s0  }
0x308: {  	[tilespmem:s0+$0x0] =	vst v7;
	v7 =	vld.idx.msk [tilespmem:v9+s23+$0x0], $0xffff  }
0x309: {  	[tilespmem:s1+$0xFFFFFFF0] =	vst v11  }
0x30a: {  	s31 =	sadd.s32 $0x20, s1;
	[tilespmem:s0+$0xFFFFFFF0] =	vst v6  }
0x30b: {  	s0 =	sadd.s32 $0x20, s0;
	[tilespmem:s31+$0x0] =	vst v12  }
0x30c: {  	[tilespmem:s0+$0x0] =	vst v8  }
0x30d: {  	[tilespmem:s31+$0xFFFFFFF0] =	vst v7  }
0x30e: {  	[tilespmem:s0+$0xFFFFFFF0] =	vst v9  }
0x30f: {  	s0 =	simm.s32 $0x6420;
	_ =	strace $0x9000004A  }
0x310: {  	_ =	strace $0x8000004B;
	[tilespmem:s0+$0xFFFFFFE0] =	vst v4  }
0x311: {  	[tilespmem:s0+$0x10] =	vst v4  }
0x312: {  	s1 =	simm.s32 $0x0;
	[tilespmem:s0+$0x0] =	vst v4  }
.LBB2_9:
0x313: {  	s1 =	sadd.s32 $0x4, s1  }
0x314: {  	[tilespmem:s0+$0xFFFFFFF0] =	vst v4;
	s0 =	sadd.s32 $0x40, s0;
	p1 =	slt.u32 s1, $0xFC  }
.Ltmp6:
0x315: {  	[tilespmem:s0+$0xFFFFFFE0] =	vst v4;
	(pc) =	sbr.rel @p1 .LBB2_9-.Ltmp6, $3  }
0x316: {  	_ =	sdelay $0x1  }
0x317: {  	[tilespmem:s0+$0x10] =	vst v4  }
0x318: {  	[tilespmem:s0+$0x0] =	vst v4  }
0x319: {  	[tilespmem:s0+$0xFFFFFFF0] =	vst v4  }
0x31a: {  	_ =	strace $0x9000004B  }
0x31b: {  	s30 =	simm.s32 $0x2410;
	_ =	strace $0x8000004C  }
0x31c: {  	v6 =	vld [tilespmem:s30+$0xFFFFFFF0]  }
0x31d: {  	v7 =	vld [tilespmem:s30+$0x0];
	_ =	sdelay $0x1  }
0x31e: {  	s31 =	simm.s32 $0x2430  }
0x31f: {  	v9 =	vld [tilespmem:s31+$0xFFFFFFF0]  }
0x320: {  	v11 =	vld [tilespmem:s31+$0x0];
	v6 =	vshll.u32 v6, $0x4  }
0x321: {  	v7 =	vshll.u32 v7, $0x4;
	v6 =	vor.u32 v2, v6  }
0x322: {  	s0 =	simm.s32 $0x2450;
	v10 =	vor.u32 v2, v7;
	v7 =	vand.u32 $0xFFF, v6  }
0x323: {  	v8 =	vld [tilespmem:s0+$0x0];
	v6 =	vand.u32 $0xFFF, v10  }
0x324: {  	v12 =	vshll.u32 v9, $0x4  }
0x325: {  	s1 =	simm.s32 $0x4;
	v9 =	vld [tilespmem:s0+$0xFFFFFFF0];
	v11 =	vshll.u32 v11, $0x4;
	v10 =	vor.u32 v2, v12  }
.LBB2_11:
0x326: {  	s1 =	sadd.s32 $0x2, s1  }
0x327: {  	v12 =	vor.u32 v2, v11;
	[tilespmem:v7+s24+$0x0] =	vst.idx.add.s32.msk $0xffff, v5;
	p1 =	slt.u32 s1, $0xFE  }
.Ltmp7:
0x328: {  	s0 =	sadd.s32 $0x20, s0;
	v7 =	vand.u32 $0xFFF, v10;
	[tilespmem:v6+s24+$0x0] =	vst.idx.add.s32.msk $0xffff, v5;
	v6 =	vand.u32 $0xFFF, v12;
	v11 =	vmov v8;
	(pc) =	sbr.rel @p1 .LBB2_11-.Ltmp7, $3  }
0x329: {  	v8 =	vld [tilespmem:s0+$0x0];
	_ =	sdelay $0x1  }
0x32a: {  	v10 =	vshll.u32 v9, $0x4  }
0x32b: {  	v11 =	vshll.u32 v11, $0x4;
	v9 =	vld [tilespmem:s0+$0xFFFFFFF0];
	v10 =	vor.u32 v2, v10  }
0x32c: {  	_ =	sdelay $0x2  }
0x32d: {  	v11 =	vor.u32 v2, v11;
	v10 =	vand.u32 $0xFFF, v10;
	v8 =	vshll.u32 v8, $0x4  }
0x32e: {  	v11 =	vand.u32 $0xFFF, v11;
	v8 =	vor.u32 v2, v8;
	v9 =	vshll.u32 v9, $0x4  }
0x32f: {  	[tilespmem:v7+s24+$0x0] =	vst.idx.add.s32.msk $0xffff, v5;
	v7 =	vand.u32 $0xFFF, v8;
	v9 =	vor.u32 v2, v9  }
0x330: {  	v9 =	vand.u32 $0xFFF, v9  }
0x331: {  	[tilespmem:v6+s24+$0x0] =	vst.idx.add.s32.msk $0xffff, v5  }
0x332: {  	[tilespmem:v10+s24+$0x0] =	vst.idx.add.s32.msk $0xffff, v5  }
0x333: {  	[tilespmem:v11+s24+$0x0] =	vst.idx.add.s32.msk $0xffff, v5  }
0x334: {  	[tilespmem:v7+s24+$0x0] =	vst.idx.add.s32.msk $0xffff, v5  }
0x335: {  	[tilespmem:v9+s24+$0x0] =	vst.idx.add.s32.msk $0xffff, v5  }
0x336: {  	_ =	strace $0x9000004C  }
0x337: {  	s1 =	simm.s32 $0x6410;
	_ =	strace $0x8000004D  }
0x338: {  	v10 =	vld [tilespmem:s1+$0x0]  }
0x339: {  	v8 =	vld [tilespmem:s1+$0xFFFFFFF0];
	_ =	sdelay $0x3  }
0x33a: {  	s0 =	simm.s32 $0x6430;
	s6 =	simm.s32 $0x0;
	(xrf0) =	vadd.scan.msk.s32 $0xffff, v10  }
0x33b: {  	v7 =	vmov s6;
	v6 =	vld [tilespmem:s0+$0x0];
	(xrf0) =	vadd.scan.msk.s32 $0xffff, v8  }
0x33c: {  	v9 =	vand.u32 $0xFFFFFFFE, v7;
	v7 =	vld [tilespmem:s0+$0xFFFFFFF0]  }
0x33d: {  	s5 =	simm.s32 $0x1  }
0x33e: {  	v11 =	vmov s5  }
0x33f: {  	v9 =	vbroadcast v9, $0x0  }
0x340: {  	s2 =	simm.s32 $0x2;
	s4 =	simm.s32 $0x4;
	s5 =	simm.s32 $0x6450;
	(xrf0) =	vadd.scan.msk.s32 $0xffff, v6;
	v12, _, _ =	vpop (xrf0)  }
.LBB2_13:
0x341: {  	p1 =	slt.u32 s4, $0xFE;
	(xrf0) =	vadd.scan.msk.s32 $0xffff, v7;
	v13 =	vsub.s32 v12, v10;
	v12 =	vbroadcast v12, $0xF;
	v14, _, _ =	vpop (xrf0);
	v10 =	vmov v6;
	v6 =	vld [tilespmem:s5+$0x0];
	s7 =	smov.u32 s4;
	s4 =	sadd.s32 $0x2, s4  }
.Ltmp8:
0x342: {  	v15 =	vsub.s32 v14, v8;
	v14 =	vbroadcast v14, $0xF;
	[tilespmem:s1+$0x0] =	vst v13;
	v8 =	vmov v7;
	v7 =	vld [tilespmem:s5+$0xFFFFFFF0];
	(pc) =	sbr.rel @p1 .LBB2_13-.Ltmp8, $4  }
0x343: {  	s8 =	sadd.s32 $0x1, s2;
	v13 =	vmov s2;
	s2 =	smov.u32 s7;
	[tilespmem:v11+s25+$0x0] =	vst.idx.msk $0x1, v12  }
0x344: {  	v13 =	vand.u32 $0xFFFFFFFE, v13;
	v11 =	vmov s8;
	[tilespmem:s1+$0xFFFFFFF0] =	vst v15;
	s1 =	smov.u32 s0;
	s0 =	smov.u32 s5  }
0x345: {  	[tilespmem:v9+s25+$0x0] =	vst.idx.msk $0x1, v14;
	v9 =	vbroadcast v13, $0x0  }
0x346: {  	s5 =	sadd.s32 $0x20, s5;
	(xrf0) =	vadd.scan.msk.s32 $0xffff, v6;
	v12, _, _ =	vpop (xrf0)  }
0x347: {  	_ = 	snop  }
0x348: {  	(xrf0) =	vadd.scan.msk.s32 $0xffff, v7  }
0x349: {  	v10 =	vsub.s32 v12, v10;
	v58 =	vbroadcast v12, $0xF;
	v13 =	vmov s2;
	s30 =	sadd.s32 $0x1, s2  }
0x34a: {  	v14, _, _ =	vpop (xrf0);
	[tilespmem:s1+$0x0] =	vst v10;
	v59 =	vand.u32 $0xFFFFFFFE, v13;
	v60 =	vmov s30  }
0x34b: {  	v8 =	vsub.s32 v14, v8;
	v61 =	vbroadcast v14, $0xF;
	[tilespmem:v11+s25+$0x0] =	vst.idx.msk $0x1, v58;
	v10 =	vbroadcast v59, $0x0  }
0x34c: {  	[tilespmem:s1+$0xFFFFFFF0] =	vst v8;
	v62, _, _ =	vpop (xrf0)  }
0x34d: {  	[tilespmem:v9+s25+$0x0] =	vst.idx.msk $0x1, v61;
	v6 =	vsub.s32 v62, v6;
	v8 =	vbroadcast v62, $0xF  }
0x34e: {  	v63, _, _ =	vpop (xrf0);
	[tilespmem:s0+$0x0] =	vst v6  }
0x34f: {  	v6 =	vsub.s32 v63, v7;
	v7 =	vbroadcast v63, $0xF;
	[tilespmem:v60+s25+$0x0] =	vst.idx.msk $0x1, v8  }
0x350: {  	[tilespmem:s0+$0xFFFFFFF0] =	vst v6  }
0x351: {  	s31 =	simm.s32 $0x0;
	[tilespmem:v10+s25+$0x0] =	vst.idx.msk $0x1, v7  }
0x352: {  	v6 =	vld [tilespmem:s31+$0x7400];
	_ =	sdelay $0x4  }
0x353: {  	(xrf0) =	vadd.scan.msk.s32 $0xffff, v6;
	_ =	sdelay $0x5  }
0x354: {  	v7, _, _ =	vpop (xrf0)  }
0x355: {  	(v2sf) =	vpush v7, $0xF  }
0x356: {  	v6 =	vsub.s32 s6, v6  }
0x357: {  	v6 =	vadd.s32 v7, v6  }
0x358: {  	s1 =	simm.s32 $0x80;
	s0 =	simm.s32 $0x10;
	[tilespmem:s31+$0x7400] =	vst v6  }
.LBB2_15:
0x359: {  	p1 =	sne.s32 s1, $0x3C0;
	v6 =	vld [tilespmem:s0+$0x7400];
	_ =	sdelay $0x4  }
0x35a: {  	(xrf0) =	vadd.scan.msk.s32 $0xffff, v6;
	_ =	sdelay $0x5  }
.Ltmp9:
0x35b: {  	v7, _, _ =	vpop (xrf0);
	s2 =	spop (v2sf);
	(pc) =	sbr.rel @p1 .LBB2_15-.Ltmp9, $4  }
0x35c: {  	(v2sf) =	vpush v7, $0xF;
	s6 =	sadd.s32 s6, s2  }
0x35d: {  	v6 =	vsub.s32 s6, v6  }
0x35e: {  	v6 =	vadd.s32 v7, v6  }
0x35f: {  	[tilespmem:s0+$0x7400] =	vst v6;
	s0 =	sshra.s32 s1, $0x2;
	s1 =	sadd.s32 $0x40, s1  }
0x360: {  	v6 =	vld [tilespmem:s0+$0x7400];
	_ =	sdelay $0x4  }
0x361: {  	(xrf0) =	vadd.scan.msk.s32 $0xffff, v6;
	_ =	sdelay $0x5  }
0x362: {  	v7, _, _ =	vpop (xrf0)  }
0x363: {  	(v2sf) =	vpush v7, $0xF;
	_ =	sdelay $0x4  }
0x364: {  	s1 =	simm.s32 $0x0  }
0x365: {  	s21 =	simm.s32 $0x1;
	v8 =	vmov s1  }
0x366: {  	v9 =	vmov s21;
	v8 =	vand.u32 $0xFFFFFFFE, v8;
	s22 =	spop (v2sf)  }
0x367: {  	v8 =	vbroadcast v8, $0x0;
	s1 =	sadd.s32 s6, s22  }
0x368: {  	v6 =	vsub.s32 s1, v6  }
0x369: {  	v6 =	vadd.s32 v7, v6  }
0x36a: {  	s30 =	simm.s32 $0x2;
	[tilespmem:s0+$0x7400] =	vst v6  }
0x36b: {  	v6 =	vld.idx.msk [tilespmem:v9+s25+$0x0], $0xffff;
	v9 =	vmov s30  }
0x36c: {  	s31 =	simm.s32 $0x3;
	v9 =	vand.u32 $0xFFFFFFFE, v9  }
0x36d: {  	v11 =	vmov s31;
	s0 =	simm.s32 $0x6410;
	v7 =	vld.idx.msk [tilespmem:v8+s25+$0x0], $0xffff;
	v10 =	vbroadcast v9, $0x0  }
0x36e: {  	v8 =	vld [tilespmem:s0+$0xFFFFFFF0];
	s2 =	spop (v2sf)  }
0x36f: {  	s1 =	simm.s32 $0x6410;
	v9 =	vld [tilespmem:s0+$0x0];
	s2 =	simm.s32 $0x4  }
.LBB2_17:
0x370: {  	p1 =	slt.u32 s2, $0xFE  }
.Ltmp10:
0x371: {  	v12 =	vmov s2;
	s4 =	smov.u32 s2;
	s2 =	sadd.s32 $0x2, s2;
	(pc) =	sbr.rel @p1 .LBB2_17-.Ltmp10, $4  }
0x372: {  	v12 =	vand.u32 $0xFFFFFFFE, v12;
	s4 =	sadd.s32 $0x1, s4;
	v13 =	vmov v6;
	v6 =	vld.idx.msk [tilespmem:v11+s25+$0x0], $0xffff  }
0x373: {  	s0 =	sadd.s32 $0x20, s0;
	v11 =	vmov s4;
	v14 =	vadd.s32 v7, v8;
	v7 =	vld.idx.msk [tilespmem:v10+s25+$0x0], $0xffff;
	v10 =	vbroadcast v12, $0x0  }
0x374: {  	v8 =	vld [tilespmem:s0+$0xFFFFFFF0];
	[tilespmem:s1+$0xFFFFFFF0] =	vst v14;
	v12 =	vadd.s32 v13, v9  }
0x375: {  	v9 =	vld [tilespmem:s0+$0x0];
	[tilespmem:s1+$0x0] =	vst v12;
	s1 =	smov.u32 s0  }
0x376: {  	_ =	sdelay $0x3  }
0x377: {  	v11 =	vld.idx.msk [tilespmem:v11+s25+$0x0], $0xffff  }
0x378: {  	v10 =	vld.idx.msk [tilespmem:v10+s25+$0x0], $0xffff;
	s0 =	sadd.s32 $0x20, s0  }
0x379: {  	v12 =	vld [tilespmem:s0+$0xFFFFFFF0]  }
0x37a: {  	v13 =	vld [tilespmem:s0+$0x0];
	_ =	sdelay $0x1  }
0x37b: {  	v7 =	vadd.s32 v7, v8  }
0x37c: {  	[tilespmem:s1+$0xFFFFFFF0] =	vst v7;
	v6 =	vadd.s32 v6, v9  }
0x37d: {  	[tilespmem:s1+$0x0] =	vst v6;
	v6 =	vadd.s32 v10, v12  }
0x37e: {  	[tilespmem:s0+$0xFFFFFFF0] =	vst v6;
	v6 =	vadd.s32 v11, v13  }
0x37f: {  	[tilespmem:s0+$0x0] =	vst v6  }
0x380: {  	_ =	strace $0x9000004D  }
0x381: {  	s6 =	simm.s32 $0x0;
	_ =	strace $0x8000004E  }
0x382: {  	v8 =	vld [tilespmem:s6+$0x2420]  }
0x383: {  	v12 =	vld [tilespmem:s6+$0x2400]  }
0x384: {  	v11 =	vld [tilespmem:s6+$0x2410]  }
0x385: {  	v9 =	vld [tilespmem:s6+$0x2430]  }
0x386: {  	v7 =	vld [tilespmem:s6+$0x2440]  }
0x387: {  	v6 =	vld [tilespmem:s6+$0x2450];
	_ =	sdelay $0x3  }
0x388: {  	v26 =	vand.u32 $0xFF, v8;
	v32 =	vand.u32 $0xFF, v12;
	v29 =	vand.u32 $0xFF, v11  }
0x389: {  	v31 =	vand.u32 $0xFF, v9;
	v35 =	vand.u32 $0xFF, v7;
	v22 =	vand.u32 $0xFF, v6  }
0x38a: {  	v13 =	vshll.u32 v26, $0x4;
	v10 =	vshll.u32 v32, $0x4;
	vm0 =	veq.s32 v32, v26  }
0x38b: {  	vm1 =	veq.s32 v29, v26;
	vm2 =	veq.s32 v32, v29;
	v24 =	vshll.u32 v22, $0x4  }
0x38c: {  	vm3 =	veq.s32 v29, v22;
	vm6 =	veq.s32 v31, v35;
	vm4 =	veq.s32 v26, v35  }
0x38d: {  	v17 =	vor.u32 v2, v10;
	v10 =	vshll.u32 v29, $0x4;
	v15 =	vor.u32 v2, v13  }
0x38e: {  	v13 =	vshll.u32 v31, $0x4;
	v21 =	vsel vm2, $0x1, v4;
	v18 =	vsel vm1, $0x1, v4  }
0x38f: {  	vm1 =	veq.s32 v26, v31;
	vm2 =	veq.s32 v29, v35;
	v63 =	vsel vm4, $0x1, v4  }
0x390: {  	v16 =	vor.u32 v2, v10;
	v10 =	vld [tilespmem:s6+$0x2460];
	v14 =	vor.u32 v2, v13;
	v13 =	vsel vm0, $0x1, v4  }
0x391: {  	vm0 =	veq.s32 v29, v31;
	v36 =	vsel vm1, $0x1, v4;
	vm1 =	veq.s32 v35, v22  }
0x392: {  	v62 =	vsel vm2, $0x1, v4;
	v33 =	vsel vm0, $0x1, v4;
	vm0 =	veq.s32 v32, v31  }
0x393: {  	v13 =	vadd.s32 v13, v18;
	v18 =	vshll.u32 v35, $0x4;
	v43 =	vsel vm0, $0x1, v4  }
0x394: {  	v19 =	vsel vm1, $0x1, v4;
	v20 =	vor.u32 v2, v18;
	v43 =	vadd.s32 v43, v33;
	v27 =	vld.idx.msk [tilespmem:v17+s24+$0x0], $0xffff  }
0x395: {  	vm0 =	veq.s32 v32, v22;
	v28 =	vld.idx.msk [tilespmem:v15+s24+$0x0], $0xffff;
	v36 =	vadd.s32 v36, v43;
	v47 =	vand.u32 $0xFF, v10  }
0x396: {  	v25 =	vshll.u32 v47, $0x4;
	vm1 =	veq.s32 v35, v47;
	vm5 =	veq.s32 v31, v47  }
0x397: {  	v23 =	vld.idx.msk [tilespmem:v16+s24+$0x0], $0xffff;
	vm7 =	veq.s32 v32, v47;
	v18 =	vor.u32 v2, v25;
	v25 =	vsel vm3, $0x1, v4  }
0x398: {  	vm3 =	veq.s32 v22, v47;
	v44 =	vsel vm5, $0x1, v4;
	v45 =	vsel vm1, $0x1, v4  }
0x399: {  	vm1 =	veq.s32 v26, v47;
	v39 =	vsel vm3, $0x1, v4;
	vm3 =	veq.s32 v26, v22  }
0x39a: {  	v57 =	vld.idx.msk [tilespmem:v14+s24+$0x0], $0xffff;
	v46 =	vsel vm1, $0x1, v4;
	v30 =	vshll.u32 v27, $0x4;
	v38 =	vadd.s32 v28, v13  }
0x39b: {  	v28 =	vsel vm7, $0x1, v4;
	vm7 =	veq.s32 v29, v47;
	v40 =	vshra.s32 v27, $0x8  }
0x39c: {  	v34 =	vadd.s32 v21, v23;
	v23 =	vadd.s32 $0x1, v27;
	v27 =	vsel vm3, $0x1, v4  }
0x39d: {  	v13 =	vld [tilespmem:s6+$0x2470];
	v41 =	vsel vm7, $0x1, v4;
	v30 =	vand.u32 $0xFF0, v30;
	vm3 =	veq.s32 v31, v22  }
0x39e: {  	v58 =	vshra.s32 v38, $0x8;
	v33 =	vadd.s32 $0x1, v38;
	v59 =	vshll.u32 v38, $0x4  }
0x39f: {  	v43 =	vadd.s32 v57, v36;
	v21 =	vadd.s32 $0x1, v34;
	v37 =	vshll.u32 v34, $0x4  }
0x3a0: {  	v41 =	vadd.s32 v28, v41;
	v42 =	vshra.s32 v34, $0x8;
	v34 =	vsel vm6, $0x1, v4  }
0x3a1: {  	v28 =	vor.u32 v2, v24;
	v37 =	vand.u32 $0xFF0, v37;
	v41 =	vadd.s32 v46, v41  }
0x3a2: {  	v24 =	vor.u32 v42, v37;
	v37 =	vsel vm3, $0x1, v4;
	v48 =	vand.u32 $0xFF, v13  }
0x3a3: {  	v49 =	vld.idx.msk [tilespmem:v18+s24+$0x0], $0xffff;
	v60 =	vadd.s32 v44, v41;
	v41 =	vshll.u32 v43, $0x4;
	vm5 =	veq.s32 v22, v48  }
0x3a4: {  	v22 =	vor.u32 v40, v30;
	vm1 =	veq.s32 v35, v48;
	vm3 =	veq.s32 v31, v48  }
0x3a5: {  	vm2 =	veq.s32 v26, v48;
	v40 =	vadd.s32 $0x1, v43;
	v43 =	vshra.s32 v43, $0x8  }
0x3a6: {  	v30 =	vsel vm5, $0x1, v4;
	vm5 =	veq.s32 v32, v35;
	v35 =	vadd.s32 v45, v60  }
0x3a7: {  	v26 =	vld [tilespmem:s6+$0x4470];
	vm4 =	veq.s32 v32, v48;
	v46 =	vshll.u32 v48, $0x4;
	v31 =	vadd.s32 v39, v35  }
0x3a8: {  	v32 =	vld [tilespmem:s6+$0x4450];
	v61 =	vsel vm5, $0x1, v4;
	vm5 =	veq.s32 v29, v48;
	v38 =	vadd.s32 v49, v31  }
0x3a9: {  	v35 =	vld.idx.msk [tilespmem:v20+s24+$0x0], $0xffff;
	v31 =	vand.u32 $0xFF0, v59;
	v45 =	vadd.s32 v61, v62;
	v44 =	vsel vm5, $0x1, v4  }
0x3aa: {  	v39 =	vld.idx.msk [tilespmem:v28+s24+$0x0], $0xffff;
	vm5 =	veq.s32 v47, v48;
	v36 =	vadd.s32 $0x1, v38;
	v29 =	vshll.u32 v38, $0x4  }
0x3ab: {  	s12 =	simm.s32 $0x200;
	v31 =	vor.u32 v58, v31;
	v45 =	vadd.s32 v63, v45;
	v42 =	vand.u32 $0xFF0, v29;
	v29 =	vld [tilespmem:s6+$0x4460]  }
.LBB2_19:
0x3ac: {  	p1 =	sne.s32 s12, $0x3E00;
	v47 =	vld [tilespmem:s6+$0x4440];
	v46 =	vor.u32 v2, v46;
	v48 =	vsel vm2, $0x1, v4;
	v49 =	vsel vm3, $0x1, v4;
	s0 =	smov.u32 s12;
	s12 =	sadd.s32 $0x200, s12  }
0x3ad: {  	v51 =	vsel vm1, $0x1, v4;
	v52 =	vsel vm5, $0x1, v4;
	v50 =	vld [tilespmem:s6+$0x4430]  }
0x3ae: {  	v54 =	vsel vm0, $0x1, v4;
	v41 =	vand.u32 $0xFF0, v41;
	v53 =	vld [tilespmem:s6+$0x4420]  }
0x3af: {  	v56 =	vsel vm4, $0x1, v4;
	v38 =	vshra.s32 v38, $0x8;
	v41 =	vor.u32 v43, v41;
	v55 =	vld [tilespmem:s6+$0x4410]  }
0x3b0: {  	v34 =	vadd.s32 v34, v45;
	v25 =	vadd.s32 v54, v25;
	v38 =	vor.u32 v38, v42;
	v43 =	vld [tilespmem:s6+$0x4400]  }
0x3b1: {  	v34 =	vadd.s32 v35, v34;
	v35 =	vadd.s32 v56, v44;
	v42 =	vld.idx.msk [tilespmem:v46+s24+$0x0], $0xffff  }
0x3b2: {  	v25 =	vadd.s32 v27, v25;
	v27 =	vadd.s32 v48, v35;
	[tilespmem:v17+s24+$0x0] =	vst.idx.msk $0xffff, v23;
	v17 =	vadd.s32 $0x1, v34  }
0x3b3: {  	v23 =	vadd.s32 v37, v25;
	v25 =	vadd.s32 v49, v27;
	[tilespmem:v16+s24+$0x0] =	vst.idx.msk $0xffff, v21;
	v16 =	vshll.u32 v34, $0x4  }
0x3b4: {  	v19 =	vadd.s32 v19, v23;
	v21 =	vadd.s32 v51, v25;
	[tilespmem:v15+s24+$0x0] =	vst.idx.msk $0xffff, v33;
	v15 =	vand.u32 $0xFF0, v16  }
0x3b5: {  	v16 =	vadd.s32 v39, v19;
	v19 =	vadd.s32 v30, v21;
	[tilespmem:v14+s24+$0x0] =	vst.idx.msk $0xffff, v40  }
0x3b6: {  	v14 =	vadd.s32 v52, v19;
	v19 =	vshll.u32 v16, $0x4;
	[tilespmem:v20+s24+$0x0] =	vst.idx.msk $0xffff, v17;
	v17 =	vadd.s32 $0x1, v16  }
0x3b7: {  	v14 =	vadd.s32 v42, v14;
	[tilespmem:v28+s24+$0x0] =	vst.idx.msk $0xffff, v17;
	v17 =	vand.u32 $0xFF0, v19  }
0x3b8: {  	v19 =	vshll.u32 v14, $0x4;
	[tilespmem:v18+s24+$0x0] =	vst.idx.msk $0xffff, v36;
	v18 =	vadd.s32 $0x1, v14  }
0x3b9: {  	[tilespmem:v46+s24+$0x0] =	vst.idx.msk $0xffff, v18;
	v18 =	vand.u32 $0xFF0, v19  }
0x3ba: {  	[tilespmem:v22+s23+$0x0] =	vst.idx.msk $0xffff, v12;
	v12 =	vshra.s32 v34, $0x8  }
0x3bb: {  	[tilespmem:v22+s26+$0x0] =	vst.idx.msk $0xffff, v43;
	v12 =	vor.u32 v12, v15  }
0x3bc: {  	[tilespmem:v24+s23+$0x0] =	vst.idx.msk $0xffff, v11  }
0x3bd: {  	v11 =	vshra.s32 v16, $0x8;
	[tilespmem:v24+s26+$0x0] =	vst.idx.msk $0xffff, v55  }
0x3be: {  	[tilespmem:v31+s23+$0x0] =	vst.idx.msk $0xffff, v8;
	v8 =	vor.u32 v11, v17  }
0x3bf: {  	[tilespmem:v31+s26+$0x0] =	vst.idx.msk $0xffff, v53  }
0x3c0: {  	[tilespmem:v41+s23+$0x0] =	vst.idx.msk $0xffff, v9  }
0x3c1: {  	[tilespmem:v41+s26+$0x0] =	vst.idx.msk $0xffff, v50  }
0x3c2: {  	[tilespmem:v12+s23+$0x0] =	vst.idx.msk $0xffff, v7;
	v7 =	vshra.s32 v14, $0x8  }
0x3c3: {  	[tilespmem:v12+s26+$0x0] =	vst.idx.msk $0xffff, v47;
	v7 =	vor.u32 v7, v18  }
0x3c4: {  	[tilespmem:v8+s23+$0x0] =	vst.idx.msk $0xffff, v6  }
0x3c5: {  	[tilespmem:v8+s26+$0x0] =	vst.idx.msk $0xffff, v32  }
0x3c6: {  	[tilespmem:v38+s23+$0x0] =	vst.idx.msk $0xffff, v10  }
0x3c7: {  	[tilespmem:v38+s26+$0x0] =	vst.idx.msk $0xffff, v29  }
0x3c8: {  	[tilespmem:v7+s23+$0x0] =	vst.idx.msk $0xffff, v13  }
0x3c9: {  	s6 =	sshra.s32 s0, $0x2;
	[tilespmem:v7+s26+$0x0] =	vst.idx.msk $0xffff, v26  }
0x3ca: {  	v8 =	vld [tilespmem:s6+$0x2420]  }
0x3cb: {  	v12 =	vld [tilespmem:s6+$0x2400]  }
0x3cc: {  	v11 =	vld [tilespmem:s6+$0x2410];
	_ =	sdelay $0x1  }
0x3cd: {  	v9 =	vld [tilespmem:s6+$0x2430]  }
0x3ce: {  	v26 =	vand.u32 $0xFF, v8;
	v7 =	vld [tilespmem:s6+$0x2440]  }
0x3cf: {  	v32 =	vand.u32 $0xFF, v12;
	v13 =	vshll.u32 v26, $0x4;
	v6 =	vld [tilespmem:s6+$0x2450]  }
0x3d0: {  	v14 =	vshll.u32 v32, $0x4;
	v29 =	vand.u32 $0xFF, v11;
	v10 =	vld [tilespmem:s6+$0x2460];
	vm0 =	veq.s32 v32, v26  }
0x3d1: {  	v17 =	vor.u32 v2, v14;
	v14 =	vshll.u32 v29, $0x4;
	vm1 =	veq.s32 v29, v26  }
0x3d2: {  	vm2 =	veq.s32 v32, v29;
	v16 =	vor.u32 v2, v14;
	v31 =	vand.u32 $0xFF, v9  }
0x3d3: {  	v15 =	vor.u32 v2, v13;
	v21 =	vsel vm2, $0x1, v4;
	v13 =	vshll.u32 v31, $0x4  }
0x3d4: {  	v36 =	vand.u32 $0xFF, v7;
	v14 =	vor.u32 v2, v13;
	v13 =	vsel vm0, $0x1, v4  }
0x3d5: {  	v18 =	vsel vm1, $0x1, v4;
	v22 =	vand.u32 $0xFF, v6;
	vm0 =	veq.s32 v29, v31  }
0x3d6: {  	vm1 =	veq.s32 v26, v31;
	v24 =	vshll.u32 v22, $0x4;
	vm4 =	veq.s32 v29, v22;
	v27 =	vld.idx.msk [tilespmem:v17+s24+$0x0], $0xffff  }
0x3d7: {  	v38 =	vsel vm1, $0x1, v4;
	vm2 =	veq.s32 v29, v36;
	vm1 =	veq.s32 v36, v22;
	v23 =	vld.idx.msk [tilespmem:v16+s24+$0x0], $0xffff  }
0x3d8: {  	v47 =	vand.u32 $0xFF, v10;
	v33 =	vsel vm0, $0x1, v4;
	v19 =	vsel vm1, $0x1, v4;
	v28 =	vld.idx.msk [tilespmem:v15+s24+$0x0], $0xffff  }
0x3d9: {  	v13 =	vadd.s32 v13, v18;
	v25 =	vshll.u32 v47, $0x4;
	vm1 =	veq.s32 v36, v47;
	v39 =	vld.idx.msk [tilespmem:v14+s24+$0x0], $0xffff  }
0x3da: {  	v18 =	vshll.u32 v36, $0x4;
	vm0 =	veq.s32 v32, v31;
	vm5 =	veq.s32 v31, v47  }
0x3db: {  	vm3 =	veq.s32 v31, v36;
	v20 =	vor.u32 v2, v18;
	vm6 =	veq.s32 v32, v47  }
0x3dc: {  	v18 =	vor.u32 v2, v25;
	v25 =	vsel vm4, $0x1, v4;
	v30 =	vshll.u32 v27, $0x4  }
0x3dd: {  	vm4 =	veq.s32 v22, v47;
	v34 =	vadd.s32 v21, v23;
	v23 =	vadd.s32 $0x1, v27  }
0x3de: {  	v41 =	vsel vm4, $0x1, v4;
	v40 =	vadd.s32 v28, v13;
	v21 =	vadd.s32 $0x1, v34  }
0x3df: {  	vm4 =	veq.s32 v26, v36;
	v28 =	vsel vm6, $0x1, v4;
	v37 =	vshll.u32 v34, $0x4;
	v13 =	vld [tilespmem:s6+$0x2470]  }
0x3e0: {  	vm7 =	veq.s32 v29, v47;
	v42 =	vshra.s32 v27, $0x8;
	vm6 =	veq.s32 v26, v22;
	v35 =	vld.idx.msk [tilespmem:v20+s24+$0x0], $0xffff  }
0x3e1: {  	v43 =	vsel vm7, $0x1, v4;
	v30 =	vand.u32 $0xFF0, v30;
	v27 =	vsel vm6, $0x1, v4  }
0x3e2: {  	v45 =	vshra.s32 v34, $0x8;
	vm6 =	veq.s32 v31, v22;
	v43 =	vadd.s32 v28, v43;
	v44 =	vld.idx.msk [tilespmem:v18+s24+$0x0], $0xffff  }
0x3e3: {  	v46 =	vsel vm0, $0x1, v4;
	vm0 =	veq.s32 v32, v22;
	v48 =	vsel vm5, $0x1, v4  }
0x3e4: {  	v50 =	vsel vm1, $0x1, v4;
	v34 =	vsel vm3, $0x1, v4;
	v49 =	vand.u32 $0xFF, v13  }
0x3e5: {  	vm1 =	veq.s32 v26, v47;
	vm3 =	veq.s32 v22, v49;
	v22 =	vor.u32 v42, v30  }
0x3e6: {  	v37 =	vand.u32 $0xFF0, v37;
	v42 =	vsel vm1, $0x1, v4;
	v30 =	vsel vm3, $0x1, v4  }
0x3e7: {  	v28 =	vor.u32 v2, v24;
	v24 =	vor.u32 v45, v37;
	v45 =	vshra.s32 v40, $0x8  }
0x3e8: {  	v46 =	vadd.s32 v46, v33;
	v33 =	vadd.s32 $0x1, v40;
	vm1 =	veq.s32 v36, v49  }
0x3e9: {  	v37 =	vsel vm6, $0x1, v4;
	v40 =	vshll.u32 v40, $0x4;
	v42 =	vadd.s32 v42, v43  }
0x3ea: {  	vm5 =	veq.s32 v32, v36;
	v38 =	vadd.s32 v38, v46;
	v36 =	vadd.s32 v48, v42  }
0x3eb: {  	vm3 =	veq.s32 v31, v49;
	v42 =	vadd.s32 v39, v38;
	v36 =	vadd.s32 v50, v36  }
0x3ec: {  	v46 =	vsel vm5, $0x1, v4;
	v31 =	vadd.s32 v41, v36;
	v41 =	vshll.u32 v42, $0x4  }
0x3ed: {  	v48 =	vsel vm2, $0x1, v4;
	v38 =	vadd.s32 v44, v31;
	v31 =	vand.u32 $0xFF0, v40  }
.Ltmp11:
0x3ee: {  	vm2 =	veq.s32 v26, v49;
	v36 =	vadd.s32 $0x1, v38;
	v31 =	vor.u32 v45, v31;
	(pc) =	sbr.rel @p1 .LBB2_19-.Ltmp11, $4  }
0x3ef: {  	vm5 =	veq.s32 v29, v49;
	v40 =	vadd.s32 $0x1, v42;
	v29 =	vshll.u32 v38, $0x4;
	v39 =	vld.idx.msk [tilespmem:v28+s24+$0x0], $0xffff  }
0x3f0: {  	v43 =	vshra.s32 v42, $0x8;
	v45 =	vsel vm4, $0x1, v4;
	v42 =	vand.u32 $0xFF0, v29;
	v26 =	vld [tilespmem:s6+$0x4470]  }
0x3f1: {  	v48 =	vadd.s32 v46, v48;
	v44 =	vsel vm5, $0x1, v4;
	vm4 =	veq.s32 v32, v49;
	v29 =	vld [tilespmem:s6+$0x4460]  }
0x3f2: {  	v46 =	vshll.u32 v49, $0x4;
	vm5 =	veq.s32 v47, v49;
	v45 =	vadd.s32 v45, v48;
	v32 =	vld [tilespmem:s6+$0x4450]  }
0x3f3: {  	v47 =	vld [tilespmem:s6+$0x4440];
	v46 =	vor.u32 v2, v46  }
0x3f4: {  	v48 =	vld [tilespmem:s6+$0x4430]  }
0x3f5: {  	v49 =	vld [tilespmem:s6+$0x4420];
	v50 =	vsel vm2, $0x1, v4;
	v52 =	vsel vm0, $0x1, v4  }
0x3f6: {  	v51 =	vld [tilespmem:s6+$0x4410];
	v53 =	vsel vm4, $0x1, v4;
	v34 =	vadd.s32 v34, v45;
	v59 =	vsel vm3, $0x1, v4  }
0x3f7: {  	v45 =	vld [tilespmem:s6+$0x4400];
	v25 =	vadd.s32 v52, v25;
	v34 =	vadd.s32 v35, v34;
	v58 =	vadd.s32 v53, v44  }
0x3f8: {  	v25 =	vadd.s32 v27, v25;
	v60 =	vadd.s32 v50, v58;
	v57 =	vld.idx.msk [tilespmem:v46+s24+$0x0], $0xffff;
	[tilespmem:v17+s24+$0x0] =	vst.idx.msk $0xffff, v23  }
0x3f9: {  	v61 =	vsel vm1, $0x1, v4;
	v62 =	vadd.s32 v37, v25;
	v63 =	vadd.s32 v59, v60;
	[tilespmem:v16+s24+$0x0] =	vst.idx.msk $0xffff, v21  }
0x3fa: {  	v35 =	vsel vm5, $0x1, v4;
	v19 =	vadd.s32 v19, v62;
	v17 =	vadd.s32 v61, v63;
	[tilespmem:v15+s24+$0x0] =	vst.idx.msk $0xffff, v33  }
0x3fb: {  	v37 =	vadd.s32 $0x1, v34;
	v19 =	vadd.s32 v39, v19;
	v17 =	vadd.s32 v30, v17;
	[tilespmem:v14+s24+$0x0] =	vst.idx.msk $0xffff, v40  }
0x3fc: {  	v50 =	vadd.s32 $0x1, v19;
	v44 =	vadd.s32 v35, v17;
	[tilespmem:v20+s24+$0x0] =	vst.idx.msk $0xffff, v37  }
0x3fd: {  	v14 =	vadd.s32 v57, v44;
	[tilespmem:v28+s24+$0x0] =	vst.idx.msk $0xffff, v50  }
0x3fe: {  	[tilespmem:v18+s24+$0x0] =	vst.idx.msk $0xffff, v36;
	v53 =	vadd.s32 $0x1, v14  }
0x3ff: {  	[tilespmem:v46+s24+$0x0] =	vst.idx.msk $0xffff, v53  }
0x400: {  	v54 =	vand.u32 $0xFF0, v41;
	[tilespmem:v22+s23+$0x0] =	vst.idx.msk $0xffff, v12  }
0x401: {  	v55 =	vor.u32 v43, v54;
	v56 =	vshll.u32 v34, $0x4;
	[tilespmem:v22+s26+$0x0] =	vst.idx.msk $0xffff, v45  }
0x402: {  	v15 =	vand.u32 $0xFF0, v56;
	v57 =	vshra.s32 v34, $0x8;
	[tilespmem:v24+s23+$0x0] =	vst.idx.msk $0xffff, v11  }
0x403: {  	v58 =	vshll.u32 v19, $0x4;
	v15 =	vor.u32 v57, v15;
	[tilespmem:v24+s26+$0x0] =	vst.idx.msk $0xffff, v51  }
0x404: {  	v59 =	vshra.s32 v19, $0x8;
	v11 =	vand.u32 $0xFF0, v58;
	[tilespmem:v31+s23+$0x0] =	vst.idx.msk $0xffff, v8  }
0x405: {  	v60 =	vor.u32 v59, v11;
	[tilespmem:v31+s26+$0x0] =	vst.idx.msk $0xffff, v49  }
0x406: {  	v61 =	vshra.s32 v38, $0x8;
	[tilespmem:v55+s23+$0x0] =	vst.idx.msk $0xffff, v9  }
0x407: {  	v62 =	vor.u32 v61, v42;
	v63 =	vshll.u32 v14, $0x4;
	[tilespmem:v55+s26+$0x0] =	vst.idx.msk $0xffff, v48  }
0x408: {  	v11 =	vand.u32 $0xFF0, v63;
	[tilespmem:v15+s23+$0x0] =	vst.idx.msk $0xffff, v7;
	v7 =	vshra.s32 v14, $0x8  }
0x409: {  	[tilespmem:v15+s26+$0x0] =	vst.idx.msk $0xffff, v47;
	v7 =	vor.u32 v7, v11  }
0x40a: {  	[tilespmem:v60+s23+$0x0] =	vst.idx.msk $0xffff, v6  }
0x40b: {  	[tilespmem:v60+s26+$0x0] =	vst.idx.msk $0xffff, v32  }
0x40c: {  	[tilespmem:v62+s23+$0x0] =	vst.idx.msk $0xffff, v10  }
0x40d: {  	[tilespmem:v62+s26+$0x0] =	vst.idx.msk $0xffff, v29  }
0x40e: {  	[tilespmem:v7+s23+$0x0] =	vst.idx.msk $0xffff, v13  }
0x40f: {  	[tilespmem:v7+s26+$0x0] =	vst.idx.msk $0xffff, v26  }
0x410: {  	s0 =	simm.s32 $0x6420;
	_ =	strace $0x9000004E  }
0x411: {  	_ =	strace $0x8000004F;
	[tilespmem:s0+$0xFFFFFFE0] =	vst v4  }
0x412: {  	[tilespmem:s0+$0x10] =	vst v4  }
0x413: {  	s1 =	simm.s32 $0x0;
	[tilespmem:s0+$0x0] =	vst v4  }
.LBB2_21:
0x414: {  	s1 =	sadd.s32 $0x4, s1  }
0x415: {  	[tilespmem:s0+$0xFFFFFFF0] =	vst v4;
	s0 =	sadd.s32 $0x40, s0;
	p1 =	slt.u32 s1, $0xFC  }
.Ltmp12:
0x416: {  	[tilespmem:s0+$0xFFFFFFE0] =	vst v4;
	(pc) =	sbr.rel @p1 .LBB2_21-.Ltmp12, $3  }
0x417: {  	_ =	sdelay $0x1  }
0x418: {  	[tilespmem:s0+$0x10] =	vst v4  }
0x419: {  	[tilespmem:s0+$0x0] =	vst v4  }
0x41a: {  	[tilespmem:s0+$0xFFFFFFF0] =	vst v4  }
0x41b: {  	_ =	strace $0x9000004F  }
0x41c: {  	s30 =	simm.s32 $0x3410;
	_ =	strace $0x80000050  }
0x41d: {  	v6 =	vld [tilespmem:s30+$0xFFFFFFF0]  }
0x41e: {  	v7 =	vld [tilespmem:s30+$0x0];
	_ =	sdelay $0x1  }
0x41f: {  	s31 =	simm.s32 $0x3430  }
0x420: {  	v9 =	vld [tilespmem:s31+$0xFFFFFFF0]  }
0x421: {  	v11 =	vld [tilespmem:s31+$0x0];
	v6 =	vshrl.u32 v6, $0x4  }
0x422: {  	v7 =	vshrl.u32 v7, $0x4;
	v6 =	vand.u32 $0xFF0, v6  }
0x423: {  	s0 =	simm.s32 $0x3450;
	v10 =	vand.u32 $0xFF0, v7;
	v7 =	vor.u32 v2, v6  }
0x424: {  	v8 =	vld [tilespmem:s0+$0x0];
	v6 =	vor.u32 v2, v10  }
0x425: {  	v12 =	vshrl.u32 v9, $0x4  }
0x426: {  	s1 =	simm.s32 $0x4;
	v9 =	vld [tilespmem:s0+$0xFFFFFFF0];
	v11 =	vshrl.u32 v11, $0x4;
	v10 =	vand.u32 $0xFF0, v12  }
.LBB2_23:
0x427: {  	s1 =	sadd.s32 $0x2, s1  }
0x428: {  	v12 =	vand.u32 $0xFF0, v11;
	[tilespmem:v7+s24+$0x0] =	vst.idx.add.s32.msk $0xffff, v5;
	p1 =	slt.u32 s1, $0xFE  }
.Ltmp13:
0x429: {  	s0 =	sadd.s32 $0x20, s0;
	v7 =	vor.u32 v2, v10;
	[tilespmem:v6+s24+$0x0] =	vst.idx.add.s32.msk $0xffff, v5;
	v6 =	vor.u32 v2, v12;
	v11 =	vmov v8;
	(pc) =	sbr.rel @p1 .LBB2_23-.Ltmp13, $3  }
0x42a: {  	v8 =	vld [tilespmem:s0+$0x0];
	_ =	sdelay $0x1  }
0x42b: {  	v10 =	vshrl.u32 v9, $0x4  }
0x42c: {  	v11 =	vshrl.u32 v11, $0x4;
	v9 =	vld [tilespmem:s0+$0xFFFFFFF0];
	v10 =	vand.u32 $0xFF0, v10  }
0x42d: {  	_ =	sdelay $0x2  }
0x42e: {  	v11 =	vand.u32 $0xFF0, v11;
	v10 =	vor.u32 v2, v10;
	v8 =	vshrl.u32 v8, $0x4  }
0x42f: {  	v11 =	vor.u32 v2, v11;
	v8 =	vand.u32 $0xFF0, v8;
	v9 =	vshrl.u32 v9, $0x4  }
0x430: {  	[tilespmem:v7+s24+$0x0] =	vst.idx.add.s32.msk $0xffff, v5;
	v7 =	vor.u32 v2, v8;
	v9 =	vand.u32 $0xFF0, v9  }
0x431: {  	v9 =	vor.u32 v2, v9  }
0x432: {  	[tilespmem:v6+s24+$0x0] =	vst.idx.add.s32.msk $0xffff, v5  }
0x433: {  	[tilespmem:v10+s24+$0x0] =	vst.idx.add.s32.msk $0xffff, v5  }
0x434: {  	[tilespmem:v11+s24+$0x0] =	vst.idx.add.s32.msk $0xffff, v5  }
0x435: {  	[tilespmem:v7+s24+$0x0] =	vst.idx.add.s32.msk $0xffff, v5  }
0x436: {  	[tilespmem:v9+s24+$0x0] =	vst.idx.add.s32.msk $0xffff, v5  }
0x437: {  	_ =	strace $0x90000050  }
0x438: {  	s1 =	simm.s32 $0x6410;
	_ =	strace $0x80000051  }
0x439: {  	v10 =	vld [tilespmem:s1+$0x0]  }
0x43a: {  	v8 =	vld [tilespmem:s1+$0xFFFFFFF0];
	_ =	sdelay $0x3  }
0x43b: {  	s0 =	simm.s32 $0x6430;
	s6 =	simm.s32 $0x0;
	(xrf0) =	vadd.scan.msk.s32 $0xffff, v10  }
0x43c: {  	v7 =	vmov s6;
	v6 =	vld [tilespmem:s0+$0x0];
	(xrf0) =	vadd.scan.msk.s32 $0xffff, v8  }
0x43d: {  	v9 =	vand.u32 $0xFFFFFFFE, v7;
	v7 =	vld [tilespmem:s0+$0xFFFFFFF0]  }
0x43e: {  	s5 =	simm.s32 $0x1  }
0x43f: {  	v11 =	vmov s5  }
0x440: {  	v9 =	vbroadcast v9, $0x0  }
0x441: {  	s2 =	simm.s32 $0x2;
	s4 =	simm.s32 $0x4;
	s5 =	simm.s32 $0x6450;
	(xrf0) =	vadd.scan.msk.s32 $0xffff, v6;
	v12, _, _ =	vpop (xrf0)  }
.LBB2_25:
0x442: {  	p1 =	slt.u32 s4, $0xFE;
	(xrf0) =	vadd.scan.msk.s32 $0xffff, v7;
	v13 =	vsub.s32 v12, v10;
	v12 =	vbroadcast v12, $0xF;
	v14, _, _ =	vpop (xrf0);
	v10 =	vmov v6;
	v6 =	vld [tilespmem:s5+$0x0];
	s7 =	smov.u32 s4;
	s4 =	sadd.s32 $0x2, s4  }
.Ltmp14:
0x443: {  	v15 =	vsub.s32 v14, v8;
	v14 =	vbroadcast v14, $0xF;
	[tilespmem:s1+$0x0] =	vst v13;
	v8 =	vmov v7;
	v7 =	vld [tilespmem:s5+$0xFFFFFFF0];
	(pc) =	sbr.rel @p1 .LBB2_25-.Ltmp14, $4  }
0x444: {  	s8 =	sadd.s32 $0x1, s2;
	v13 =	vmov s2;
	s2 =	smov.u32 s7;
	[tilespmem:v11+s25+$0x0] =	vst.idx.msk $0x1, v12  }
0x445: {  	v13 =	vand.u32 $0xFFFFFFFE, v13;
	v11 =	vmov s8;
	[tilespmem:s1+$0xFFFFFFF0] =	vst v15;
	s1 =	smov.u32 s0;
	s0 =	smov.u32 s5  }
0x446: {  	[tilespmem:v9+s25+$0x0] =	vst.idx.msk $0x1, v14;
	v9 =	vbroadcast v13, $0x0  }
0x447: {  	s5 =	sadd.s32 $0x20, s5;
	(xrf0) =	vadd.scan.msk.s32 $0xffff, v6;
	v12, _, _ =	vpop (xrf0)  }
0x448: {  	_ = 	snop  }
0x449: {  	(xrf0) =	vadd.scan.msk.s32 $0xffff, v7  }
0x44a: {  	v10 =	vsub.s32 v12, v10;
	v58 =	vbroadcast v12, $0xF;
	v13 =	vmov s2;
	s30 =	sadd.s32 $0x1, s2  }
0x44b: {  	v14, _, _ =	vpop (xrf0);
	[tilespmem:s1+$0x0] =	vst v10;
	v59 =	vand.u32 $0xFFFFFFFE, v13;
	v60 =	vmov s30  }
0x44c: {  	v8 =	vsub.s32 v14, v8;
	v61 =	vbroadcast v14, $0xF;
	[tilespmem:v11+s25+$0x0] =	vst.idx.msk $0x1, v58;
	v10 =	vbroadcast v59, $0x0  }
0x44d: {  	[tilespmem:s1+$0xFFFFFFF0] =	vst v8;
	v62, _, _ =	vpop (xrf0)  }
0x44e: {  	[tilespmem:v9+s25+$0x0] =	vst.idx.msk $0x1, v61;
	v6 =	vsub.s32 v62, v6;
	v8 =	vbroadcast v62, $0xF  }
0x44f: {  	v63, _, _ =	vpop (xrf0);
	[tilespmem:s0+$0x0] =	vst v6  }
0x450: {  	v6 =	vsub.s32 v63, v7;
	v7 =	vbroadcast v63, $0xF;
	[tilespmem:v60+s25+$0x0] =	vst.idx.msk $0x1, v8  }
0x451: {  	[tilespmem:s0+$0xFFFFFFF0] =	vst v6  }
0x452: {  	s31 =	simm.s32 $0x0;
	[tilespmem:v10+s25+$0x0] =	vst.idx.msk $0x1, v7  }
0x453: {  	v6 =	vld [tilespmem:s31+$0x7400];
	_ =	sdelay $0x4  }
0x454: {  	(xrf0) =	vadd.scan.msk.s32 $0xffff, v6;
	_ =	sdelay $0x5  }
0x455: {  	v7, _, _ =	vpop (xrf0)  }
0x456: {  	(v2sf) =	vpush v7, $0xF  }
0x457: {  	v6 =	vsub.s32 s6, v6  }
0x458: {  	v6 =	vadd.s32 v7, v6  }
0x459: {  	s1 =	simm.s32 $0x80;
	s0 =	simm.s32 $0x10;
	[tilespmem:s31+$0x7400] =	vst v6  }
.LBB2_27:
0x45a: {  	p1 =	sne.s32 s1, $0x3C0;
	v6 =	vld [tilespmem:s0+$0x7400];
	_ =	sdelay $0x4  }
0x45b: {  	(xrf0) =	vadd.scan.msk.s32 $0xffff, v6;
	_ =	sdelay $0x5  }
.Ltmp15:
0x45c: {  	v7, _, _ =	vpop (xrf0);
	s2 =	spop (v2sf);
	(pc) =	sbr.rel @p1 .LBB2_27-.Ltmp15, $4  }
0x45d: {  	(v2sf) =	vpush v7, $0xF;
	s6 =	sadd.s32 s6, s2  }
0x45e: {  	v6 =	vsub.s32 s6, v6  }
0x45f: {  	v6 =	vadd.s32 v7, v6  }
0x460: {  	[tilespmem:s0+$0x7400] =	vst v6;
	s0 =	sshra.s32 s1, $0x2;
	s1 =	sadd.s32 $0x40, s1  }
0x461: {  	v6 =	vld [tilespmem:s0+$0x7400];
	_ =	sdelay $0x4  }
0x462: {  	(xrf0) =	vadd.scan.msk.s32 $0xffff, v6;
	_ =	sdelay $0x5  }
0x463: {  	v7, _, _ =	vpop (xrf0)  }
0x464: {  	(v2sf) =	vpush v7, $0xF;
	_ =	sdelay $0x4  }
0x465: {  	s1 =	simm.s32 $0x0  }
0x466: {  	s21 =	simm.s32 $0x1;
	v8 =	vmov s1  }
0x467: {  	v9 =	vmov s21;
	v8 =	vand.u32 $0xFFFFFFFE, v8;
	s22 =	spop (v2sf)  }
0x468: {  	v8 =	vbroadcast v8, $0x0;
	s1 =	sadd.s32 s6, s22  }
0x469: {  	v6 =	vsub.s32 s1, v6  }
0x46a: {  	v6 =	vadd.s32 v7, v6  }
0x46b: {  	s30 =	simm.s32 $0x2;
	[tilespmem:s0+$0x7400] =	vst v6  }
0x46c: {  	v6 =	vld.idx.msk [tilespmem:v9+s25+$0x0], $0xffff;
	v9 =	vmov s30  }
0x46d: {  	s31 =	simm.s32 $0x3;
	v9 =	vand.u32 $0xFFFFFFFE, v9  }
0x46e: {  	v11 =	vmov s31;
	s0 =	simm.s32 $0x6410;
	v7 =	vld.idx.msk [tilespmem:v8+s25+$0x0], $0xffff;
	v10 =	vbroadcast v9, $0x0  }
0x46f: {  	v8 =	vld [tilespmem:s0+$0xFFFFFFF0];
	s2 =	spop (v2sf)  }
0x470: {  	s1 =	simm.s32 $0x6410;
	v9 =	vld [tilespmem:s0+$0x0];
	s2 =	simm.s32 $0x4  }
.LBB2_29:
0x471: {  	p1 =	slt.u32 s2, $0xFE  }
.Ltmp16:
0x472: {  	v12 =	vmov s2;
	s4 =	smov.u32 s2;
	s2 =	sadd.s32 $0x2, s2;
	(pc) =	sbr.rel @p1 .LBB2_29-.Ltmp16, $4  }
0x473: {  	v12 =	vand.u32 $0xFFFFFFFE, v12;
	s4 =	sadd.s32 $0x1, s4;
	v13 =	vmov v6;
	v6 =	vld.idx.msk [tilespmem:v11+s25+$0x0], $0xffff  }
0x474: {  	s0 =	sadd.s32 $0x20, s0;
	v11 =	vmov s4;
	v14 =	vadd.s32 v7, v8;
	v7 =	vld.idx.msk [tilespmem:v10+s25+$0x0], $0xffff;
	v10 =	vbroadcast v12, $0x0  }
0x475: {  	v8 =	vld [tilespmem:s0+$0xFFFFFFF0];
	[tilespmem:s1+$0xFFFFFFF0] =	vst v14;
	v12 =	vadd.s32 v13, v9  }
0x476: {  	v9 =	vld [tilespmem:s0+$0x0];
	[tilespmem:s1+$0x0] =	vst v12;
	s1 =	smov.u32 s0  }
0x477: {  	_ =	sdelay $0x3  }
0x478: {  	v11 =	vld.idx.msk [tilespmem:v11+s25+$0x0], $0xffff  }
0x479: {  	v10 =	vld.idx.msk [tilespmem:v10+s25+$0x0], $0xffff;
	s0 =	sadd.s32 $0x20, s0  }
0x47a: {  	v12 =	vld [tilespmem:s0+$0xFFFFFFF0]  }
0x47b: {  	v13 =	vld [tilespmem:s0+$0x0];
	_ =	sdelay $0x1  }
0x47c: {  	v7 =	vadd.s32 v7, v8  }
0x47d: {  	[tilespmem:s1+$0xFFFFFFF0] =	vst v7;
	v6 =	vadd.s32 v6, v9  }
0x47e: {  	[tilespmem:s1+$0x0] =	vst v6;
	v6 =	vadd.s32 v10, v12  }
0x47f: {  	[tilespmem:s0+$0xFFFFFFF0] =	vst v6;
	v6 =	vadd.s32 v11, v13  }
0x480: {  	[tilespmem:s0+$0x0] =	vst v6  }
0x481: {  	_ =	strace $0x90000051  }
0x482: {  	s6 =	simm.s32 $0x0;
	_ =	strace $0x80000052  }
0x483: {  	v9 =	vld [tilespmem:s6+$0x3420]  }
0x484: {  	v11 =	vld [tilespmem:s6+$0x3400]  }
0x485: {  	v10 =	vld [tilespmem:s6+$0x3410]  }
0x486: {  	v8 =	vld [tilespmem:s6+$0x3430]  }
0x487: {  	v7 =	vld [tilespmem:s6+$0x3440];
	_ =	sdelay $0x2  }
0x488: {  	v6 =	vshrl.u32 v9, $0x8  }
0x489: {  	v12 =	vshrl.u32 v11, $0x8;
	v15 =	vshrl.u32 v10, $0x8;
	v19 =	vshrl.u32 v8, $0x8  }
0x48a: {  	v21 =	vshrl.u32 v7, $0x8;
	v33 =	vand.u32 $0xFF, v6;
	v13 =	vshll.u32 v6, $0x4  }
0x48b: {  	v14 =	vshll.u32 v12, $0x4;
	v30 =	vand.u32 $0xFF, v15;
	v15 =	vshll.u32 v15, $0x4  }
0x48c: {  	v41 =	vand.u32 $0xFF, v12;
	v20 =	vshll.u32 v19, $0x4;
	v22 =	vand.u32 $0xFF, v21  }
0x48d: {  	v45 =	vand.u32 $0xFF, v19;
	v21 =	vshll.u32 v21, $0x4;
	v13 =	vor.u32 v2, v13  }
0x48e: {  	v14 =	vor.u32 v2, v14;
	v15 =	vor.u32 v2, v15;
	vm0 =	veq.s32 v30, v33  }
0x48f: {  	vm1 =	veq.s32 v33, v22;
	vm4 =	veq.s32 v41, v33;
	vm5 =	veq.s32 v41, v22  }
0x490: {  	v6 =	vld [tilespmem:s6+$0x3450];
	vm6 =	veq.s32 v45, v22;
	v21 =	vor.u32 v2, v21;
	v14 =	vand.u32 $0xFFF, v14  }
0x491: {  	v15 =	vand.u32 $0xFFF, v15;
	v18 =	vsel vm0, $0x1, v4;
	v16 =	vand.u32 $0xFFF, v13  }
0x492: {  	vm0 =	veq.s32 v41, v30;
	v29 =	vsel vm1, $0x1, v4;
	vm1 =	veq.s32 v30, v22  }
0x493: {  	v27 =	vsel vm4, $0x1, v4;
	v28 =	vsel vm5, $0x1, v4;
	vm4 =	veq.s32 v41, v45  }
0x494: {  	vm5 =	veq.s32 v33, v45;
	v63 =	vsel vm6, $0x1, v4;
	v18 =	vadd.s32 v27, v18  }
0x495: {  	v27 =	vsel vm0, $0x1, v4;
	v60 =	vsel vm4, $0x1, v4;
	v12 =	vshrl.u32 v6, $0x8  }
0x496: {  	v62 =	vsel vm5, $0x1, v4;
	v23 =	vand.u32 $0xFF, v12;
	v13 =	vshll.u32 v12, $0x4;
	v12 =	vld [tilespmem:s6+$0x3470]  }
0x497: {  	v13 =	vor.u32 v2, v13;
	vm2 =	veq.s32 v41, v23;
	v26 =	vld.idx.msk [tilespmem:v14+s24+$0x0], $0xffff;
	vm3 =	veq.s32 v33, v23  }
0x498: {  	v24 =	vld.idx.msk [tilespmem:v15+s24+$0x0], $0xffff;
	vm0 =	veq.s32 v22, v23;
	vm4 =	veq.s32 v45, v23;
	v17 =	vand.u32 $0xFFF, v13  }
0x499: {  	v25 =	vld.idx.msk [tilespmem:v16+s24+$0x0], $0xffff;
	v13 =	vsel vm2, $0x1, v4;
	vm2 =	veq.s32 v30, v23;
	v31 =	vsel vm3, $0x1, v4  }
0x49a: {  	v37 =	vsel vm0, $0x1, v4;
	vm3 =	veq.s32 v30, v45;
	v32 =	vsel vm2, $0x1, v4  }
0x49b: {  	v47 =	vsel vm4, $0x1, v4;
	v61 =	vsel vm3, $0x1, v4;
	v32 =	vadd.s32 v13, v32  }
0x49c: {  	v34 =	vshrl.u32 v12, $0x8;
	v43 =	vadd.s32 v31, v32;
	v32 =	vadd.s32 v60, v61  }
0x49d: {  	v35 =	vshll.u32 v26, $0x4;
	v36 =	vadd.s32 v27, v24;
	v24 =	vsel vm1, $0x1, v4  }
0x49e: {  	v27 =	vadd.s32 $0x1, v26;
	v38 =	vadd.s32 v25, v18;
	v18 =	vor.u32 v2, v20  }
0x49f: {  	v26 =	vshra.s32 v26, $0x8;
	v42 =	vshll.u32 v34, $0x4;
	v59 =	vand.u32 $0xFF, v34  }
0x4a0: {  	v34 =	vand.u32 $0xFFF, v21;
	v32 =	vadd.s32 v62, v32;
	v39 =	vadd.s32 v28, v24  }
0x4a1: {  	v28 =	vadd.s32 $0x1, v36;
	v25 =	vadd.s32 $0x1, v38;
	v20 =	vshll.u32 v36, $0x4  }
0x4a2: {  	v24 =	vand.u32 $0xFFF, v18;
	v18 =	vand.u32 $0xFF0, v35;
	v31 =	vshra.s32 v36, $0x8  }
0x4a3: {  	v13 =	vld [tilespmem:s6+$0x3460];
	v19 =	vshra.s32 v38, $0x8;
	vm0 =	veq.s32 v23, v59;
	vm1 =	veq.s32 v22, v59  }
0x4a4: {  	vm2 =	veq.s32 v30, v59;
	vm3 =	veq.s32 v33, v59;
	vm7 =	veq.s32 v41, v59  }
0x4a5: {  	v44 =	vor.u32 v2, v42;
	v18 =	vor.u32 v26, v18;
	v26 =	vshll.u32 v38, $0x4  }
0x4a6: {  	v20 =	vand.u32 $0xFF0, v20;
	v29 =	vadd.s32 v29, v39;
	v26 =	vand.u32 $0xFF0, v26  }
0x4a7: {  	v38 =	vsel vm3, $0x1, v4;
	vm3 =	veq.s32 v45, v59;
	v19 =	vor.u32 v19, v26;
	v26 =	vld.idx.msk [tilespmem:v24+s24+$0x0], $0xffff  }
0x4a8: {  	v21 =	vld [tilespmem:s6+$0x5470];
	v57 =	vshrl.u32 v13, $0x8;
	v20 =	vor.u32 v31, v20;
	v31 =	vsel vm1, $0x1, v4  }
0x4a9: {  	v35 =	vld.idx.msk [tilespmem:v17+s24+$0x0], $0xffff;
	v39 =	vadd.s32 v63, v29;
	v58 =	vshll.u32 v57, $0x4;
	v40 =	vand.u32 $0xFF, v57  }
0x4aa: {  	v29 =	vld [tilespmem:s6+$0x5450];
	v46 =	vor.u32 v2, v58;
	vm1 =	veq.s32 v40, v59;
	vm5 =	veq.s32 v41, v40  }
0x4ab: {  	vm4 =	veq.s32 v30, v40;
	v30 =	vld [tilespmem:s6+$0x5440];
	vm6 =	veq.s32 v45, v40;
	v45 =	vadd.s32 v47, v43  }
0x4ac: {  	v42 =	vld.idx.msk [tilespmem:v34+s24+$0x0], $0xffff;
	v43 =	vsel vm7, $0x1, v4;
	v41 =	vsel vm4, $0x1, v4;
	v32 =	vadd.s32 v26, v32  }
0x4ad: {  	s12 =	simm.s32 $0x200;
	vm4 =	veq.s32 v33, v40;
	v33 =	vand.u32 $0xFFF, v46;
	v26 =	vld [tilespmem:s6+$0x5460];
	v36 =	vshll.u32 v32, $0x4  }
.LBB2_31:
0x4ae: {  	p1 =	sne.s32 s12, $0x3E00;
	v46 =	vld [tilespmem:s6+$0x5430];
	v44 =	vand.u32 $0xFFF, v44;
	vm7 =	veq.s32 v22, v40;
	vm8 =	veq.s32 v23, v40;
	s5 =	smov.u32 s12;
	s12 =	sadd.s32 $0x200, s12  }
0x4af: {  	v23 =	vadd.s32 v37, v45;
	v37 =	vsel vm5, $0x1, v4;
	v40 =	vsel vm2, $0x1, v4;
	v22 =	vld [tilespmem:s6+$0x5420]  }
0x4b0: {  	v47 =	vsel vm6, $0x1, v4;
	v48 =	vsel vm8, $0x1, v4;
	v40 =	vadd.s32 v43, v40;
	v45 =	vld [tilespmem:s6+$0x5410]  }
0x4b1: {  	v23 =	vadd.s32 v35, v23;
	v35 =	vsel vm4, $0x1, v4;
	v49 =	vsel vm7, $0x1, v4;
	v43 =	vld [tilespmem:s6+$0x5400]  }
0x4b2: {  	v37 =	vadd.s32 v37, v41;
	v41 =	vsel vm3, $0x1, v4;
	v51 =	vadd.s32 $0x1, v23;
	v50 =	vld.idx.msk [tilespmem:v33+s24+$0x0], $0xffff  }
0x4b3: {  	v53 =	vadd.s32 $0x1, v32;
	v39 =	vadd.s32 v42, v39;
	v42 =	vsel vm0, $0x1, v4;
	v52 =	vld.idx.msk [tilespmem:v44+s24+$0x0], $0xffff  }
0x4b4: {  	v35 =	vadd.s32 v35, v37;
	v37 =	vadd.s32 v38, v40;
	[tilespmem:v14+s24+$0x0] =	vst.idx.msk $0xffff, v27;
	v14 =	vshll.u32 v39, $0x4  }
0x4b5: {  	v27 =	vsel vm1, $0x1, v4;
	[tilespmem:v15+s24+$0x0] =	vst.idx.msk $0xffff, v28;
	v14 =	vand.u32 $0xFF0, v14;
	v15 =	vshll.u32 v23, $0x4  }
0x4b6: {  	v28 =	vadd.s32 v47, v35;
	v35 =	vadd.s32 v41, v37;
	[tilespmem:v16+s24+$0x0] =	vst.idx.msk $0xffff, v25;
	v15 =	vand.u32 $0xFF0, v15  }
0x4b7: {  	v16 =	vadd.s32 v49, v28;
	v25 =	vadd.s32 v31, v35;
	[tilespmem:v24+s24+$0x0] =	vst.idx.msk $0xffff, v53;
	v24 =	vadd.s32 $0x1, v39  }
0x4b8: {  	v16 =	vadd.s32 v48, v16;
	v25 =	vadd.s32 v42, v25;
	[tilespmem:v34+s24+$0x0] =	vst.idx.msk $0xffff, v24;
	v24 =	vand.u32 $0xFF0, v36  }
0x4b9: {  	v16 =	vadd.s32 v50, v16;
	v25 =	vadd.s32 v27, v25;
	[tilespmem:v17+s24+$0x0] =	vst.idx.msk $0xffff, v51  }
0x4ba: {  	v23 =	vshra.s32 v23, $0x8;
	v17 =	vadd.s32 v52, v25;
	v25 =	vadd.s32 $0x1, v16  }
0x4bb: {  	v15 =	vor.u32 v23, v15;
	v23 =	vshll.u32 v16, $0x4;
	[tilespmem:v33+s24+$0x0] =	vst.idx.msk $0xffff, v25;
	v25 =	vadd.s32 $0x1, v17  }
0x4bc: {  	v23 =	vand.u32 $0xFF0, v23;
	v27 =	vshll.u32 v17, $0x4;
	[tilespmem:v44+s24+$0x0] =	vst.idx.msk $0xffff, v25;
	v25 =	vshra.s32 v32, $0x8  }
0x4bd: {  	[tilespmem:v18+s28+$0x0] =	vst.idx.msk $0xffff, v11;
	v11 =	vor.u32 v25, v24;
	v24 =	vand.u32 $0xFF0, v27  }
0x4be: {  	[tilespmem:v18+s29+$0x0] =	vst.idx.msk $0xffff, v43;
	v18 =	vshra.s32 v39, $0x8  }
0x4bf: {  	[tilespmem:v20+s28+$0x0] =	vst.idx.msk $0xffff, v10;
	v10 =	vor.u32 v18, v14  }
0x4c0: {  	[tilespmem:v20+s29+$0x0] =	vst.idx.msk $0xffff, v45  }
0x4c1: {  	[tilespmem:v19+s28+$0x0] =	vst.idx.msk $0xffff, v9  }
0x4c2: {  	v9 =	vshra.s32 v16, $0x8;
	[tilespmem:v19+s29+$0x0] =	vst.idx.msk $0xffff, v22  }
0x4c3: {  	[tilespmem:v11+s28+$0x0] =	vst.idx.msk $0xffff, v8;
	v8 =	vor.u32 v9, v23  }
0x4c4: {  	[tilespmem:v11+s29+$0x0] =	vst.idx.msk $0xffff, v46  }
0x4c5: {  	[tilespmem:v10+s28+$0x0] =	vst.idx.msk $0xffff, v7;
	v7 =	vshra.s32 v17, $0x8  }
0x4c6: {  	[tilespmem:v10+s29+$0x0] =	vst.idx.msk $0xffff, v30;
	v7 =	vor.u32 v7, v24  }
0x4c7: {  	[tilespmem:v15+s28+$0x0] =	vst.idx.msk $0xffff, v6  }
0x4c8: {  	[tilespmem:v15+s29+$0x0] =	vst.idx.msk $0xffff, v29  }
0x4c9: {  	[tilespmem:v8+s28+$0x0] =	vst.idx.msk $0xffff, v13  }
0x4ca: {  	[tilespmem:v8+s29+$0x0] =	vst.idx.msk $0xffff, v26  }
0x4cb: {  	[tilespmem:v7+s28+$0x0] =	vst.idx.msk $0xffff, v12  }
0x4cc: {  	s6 =	sshra.s32 s5, $0x2;
	[tilespmem:v7+s29+$0x0] =	vst.idx.msk $0xffff, v21  }
0x4cd: {  	v9 =	vld [tilespmem:s6+$0x3420]  }
0x4ce: {  	v11 =	vld [tilespmem:s6+$0x3400]  }
0x4cf: {  	v10 =	vld [tilespmem:s6+$0x3410];
	_ =	sdelay $0x1  }
0x4d0: {  	v8 =	vld [tilespmem:s6+$0x3430]  }
0x4d1: {  	v6 =	vshrl.u32 v9, $0x8;
	v7 =	vld [tilespmem:s6+$0x3440]  }
0x4d2: {  	v12 =	vshrl.u32 v11, $0x8;
	v33 =	vand.u32 $0xFF, v6;
	v13 =	vshll.u32 v6, $0x4;
	v6 =	vld [tilespmem:s6+$0x3450]  }
0x4d3: {  	v14 =	vshll.u32 v12, $0x4;
	v15 =	vshrl.u32 v10, $0x8;
	v16 =	vor.u32 v2, v13  }
0x4d4: {  	v13 =	vor.u32 v2, v14;
	v30 =	vand.u32 $0xFF, v15;
	v14 =	vshll.u32 v15, $0x4  }
0x4d5: {  	v15 =	vor.u32 v2, v14;
	v14 =	vand.u32 $0xFFF, v13;
	vm0 =	veq.s32 v30, v33  }
0x4d6: {  	v19 =	vshrl.u32 v8, $0x8;
	v15 =	vand.u32 $0xFFF, v15;
	v18 =	vsel vm0, $0x1, v4  }
0x4d7: {  	v41 =	vand.u32 $0xFF, v12;
	v16 =	vand.u32 $0xFFF, v16;
	v20 =	vshll.u32 v19, $0x4;
	v13 =	vld [tilespmem:s6+$0x3460]  }
0x4d8: {  	v21 =	vshrl.u32 v7, $0x8;
	vm0 =	veq.s32 v41, v30;
	v12 =	vshrl.u32 v6, $0x8  }
0x4d9: {  	v22 =	vand.u32 $0xFF, v21;
	v23 =	vand.u32 $0xFF, v12;
	v17 =	vshll.u32 v12, $0x4;
	v12 =	vld [tilespmem:s6+$0x3470]  }
0x4da: {  	vm1 =	veq.s32 v33, v22;
	v17 =	vor.u32 v2, v17;
	vm2 =	veq.s32 v41, v23;
	v26 =	vld.idx.msk [tilespmem:v14+s24+$0x0], $0xffff  }
0x4db: {  	v29 =	vsel vm1, $0x1, v4;
	v17 =	vand.u32 $0xFFF, v17;
	v25 =	vsel vm2, $0x1, v4;
	v24 =	vld.idx.msk [tilespmem:v15+s24+$0x0], $0xffff  }
0x4dc: {  	vm1 =	veq.s32 v30, v22;
	vm3 =	veq.s32 v33, v23;
	vm2 =	veq.s32 v30, v23;
	v28 =	vld.idx.msk [tilespmem:v16+s24+$0x0], $0xffff  }
0x4dd: {  	vm4 =	veq.s32 v41, v33;
	vm5 =	veq.s32 v41, v22;
	v31 =	vsel vm3, $0x1, v4  }
0x4de: {  	v27 =	vsel vm4, $0x1, v4;
	v32 =	vsel vm5, $0x1, v4;
	v34 =	vsel vm2, $0x1, v4  }
0x4df: {  	v18 =	vadd.s32 v27, v18;
	v34 =	vadd.s32 v25, v34;
	v36 =	vshrl.u32 v12, $0x8  }
0x4e0: {  	v25 =	vsel vm0, $0x1, v4;
	vm0 =	veq.s32 v22, v23;
	v37 =	vshll.u32 v26, $0x4  }
0x4e1: {  	v27 =	vadd.s32 $0x1, v26;
	v38 =	vadd.s32 v25, v24;
	v24 =	vsel vm1, $0x1, v4  }
0x4e2: {  	v39 =	vadd.s32 v28, v18;
	v32 =	vadd.s32 v32, v24;
	v28 =	vadd.s32 $0x1, v38  }
0x4e3: {  	v18 =	vor.u32 v2, v20;
	v20 =	vshll.u32 v38, $0x4;
	v25 =	vadd.s32 $0x1, v39  }
0x4e4: {  	v26 =	vshra.s32 v26, $0x8;
	v24 =	vand.u32 $0xFFF, v18;
	v18 =	vand.u32 $0xFF0, v37;
	v35 =	vld.idx.msk [tilespmem:v17+s24+$0x0], $0xffff  }
0x4e5: {  	v42 =	vshll.u32 v36, $0x4;
	v18 =	vor.u32 v26, v18;
	v26 =	vshll.u32 v39, $0x4  }
0x4e6: {  	v40 =	vshrl.u32 v13, $0x8;
	v43 =	vadd.s32 v31, v34;
	v31 =	vshra.s32 v38, $0x8  }
0x4e7: {  	v45 =	vand.u32 $0xFF, v19;
	v21 =	vshll.u32 v21, $0x4;
	v34 =	vshll.u32 v40, $0x4  }
0x4e8: {  	v36 =	vand.u32 $0xFF, v36;
	v37 =	vsel vm0, $0x1, v4;
	v19 =	vshra.s32 v39, $0x8  }
0x4e9: {  	vm3 =	veq.s32 v30, v45;
	vm0 =	veq.s32 v23, v36;
	v20 =	vand.u32 $0xFF0, v20  }
0x4ea: {  	vm1 =	veq.s32 v22, v36;
	v20 =	vor.u32 v31, v20;
	v26 =	vand.u32 $0xFF0, v26  }
0x4eb: {  	vm4 =	veq.s32 v41, v45;
	v31 =	vsel vm1, $0x1, v4;
	v19 =	vor.u32 v19, v26  }
0x4ec: {  	vm6 =	veq.s32 v45, v22;
	vm5 =	veq.s32 v33, v45;
	vm2 =	veq.s32 v30, v36;
	v26 =	vld.idx.msk [tilespmem:v24+s24+$0x0], $0xffff  }
0x4ed: {  	v21 =	vor.u32 v2, v21;
	v40 =	vand.u32 $0xFF, v40;
	v46 =	vor.u32 v2, v34  }
0x4ee: {  	v34 =	vsel vm4, $0x1, v4;
	vm4 =	veq.s32 v45, v23;
	vm1 =	veq.s32 v40, v36  }
0x4ef: {  	v38 =	vsel vm3, $0x1, v4;
	v29 =	vadd.s32 v29, v32;
	v39 =	vsel vm5, $0x1, v4  }
0x4f0: {  	v44 =	vsel vm6, $0x1, v4;
	vm3 =	veq.s32 v33, v36;
	v32 =	vadd.s32 v34, v38  }
0x4f1: {  	v34 =	vand.u32 $0xFFF, v21;
	v38 =	vsel vm3, $0x1, v4;
	v32 =	vadd.s32 v39, v32  }
.Ltmp17:
0x4f2: {  	vm3 =	veq.s32 v45, v36;
	v39 =	vadd.s32 v44, v29;
	v32 =	vadd.s32 v26, v32;
	v21 =	vld [tilespmem:s6+$0x5470];
	(pc) =	sbr.rel @p1 .LBB2_31-.Ltmp17, $4  }
0x4f3: {  	v47 =	vsel vm4, $0x1, v4;
	vm7 =	veq.s32 v41, v36;
	v36 =	vshll.u32 v32, $0x4;
	v26 =	vld [tilespmem:s6+$0x5460]  }
0x4f4: {  	vm4 =	veq.s32 v30, v40;
	vm5 =	veq.s32 v41, v40;
	v44 =	vor.u32 v2, v42;
	v29 =	vld [tilespmem:s6+$0x5450]  }
0x4f5: {  	vm6 =	veq.s32 v45, v40;
	v41 =	vsel vm4, $0x1, v4;
	vm4 =	veq.s32 v33, v40;
	v30 =	vld [tilespmem:s6+$0x5440]  }
0x4f6: {  	v45 =	vadd.s32 v47, v43;
	v43 =	vsel vm7, $0x1, v4;
	v33 =	vand.u32 $0xFFF, v46;
	v42 =	vld.idx.msk [tilespmem:v34+s24+$0x0], $0xffff  }
0x4f7: {  	v44 =	vand.u32 $0xFFF, v44  }
0x4f8: {  	v46 =	vld [tilespmem:s6+$0x5430];
	vm7 =	veq.s32 v22, v40;
	vm8 =	veq.s32 v23, v40;
	v55 =	vadd.s32 v37, v45  }
0x4f9: {  	v22 =	vld [tilespmem:s6+$0x5420];
	v56 =	vsel vm5, $0x1, v4;
	v57 =	vsel vm2, $0x1, v4;
	v47 =	vsel vm6, $0x1, v4  }
0x4fa: {  	v45 =	vld [tilespmem:s6+$0x5410];
	v59 =	vsel vm4, $0x1, v4;
	v60 =	vsel vm3, $0x1, v4;
	v61 =	vsel vm0, $0x1, v4  }
0x4fb: {  	v58 =	vld [tilespmem:s6+$0x5400];
	v63 =	vadd.s32 $0x1, v32;
	v48 =	vsel vm8, $0x1, v4;
	v37 =	vadd.s32 v56, v41  }
0x4fc: {  	v50 =	vld.idx.msk [tilespmem:v33+s24+$0x0], $0xffff;
	v40 =	vadd.s32 v43, v57;
	v23 =	vadd.s32 v35, v55;
	v35 =	vadd.s32 v59, v37  }
0x4fd: {  	v62 =	vadd.s32 v38, v40;
	v35 =	vadd.s32 v47, v35;
	v51 =	vld.idx.msk [tilespmem:v44+s24+$0x0], $0xffff;
	[tilespmem:v14+s24+$0x0] =	vst.idx.msk $0xffff, v27  }
0x4fe: {  	v49 =	vsel vm7, $0x1, v4;
	v38 =	vadd.s32 v60, v62;
	v39 =	vadd.s32 v42, v39;
	[tilespmem:v15+s24+$0x0] =	vst.idx.msk $0xffff, v28  }
0x4ff: {  	v40 =	vsel vm1, $0x1, v4;
	v41 =	vadd.s32 v31, v38;
	v15 =	vadd.s32 v49, v35;
	[tilespmem:v16+s24+$0x0] =	vst.idx.msk $0xffff, v25  }
0x500: {  	v47 =	vadd.s32 $0x1, v39;
	v15 =	vadd.s32 v48, v15;
	v16 =	vadd.s32 v61, v41;
	[tilespmem:v24+s24+$0x0] =	vst.idx.msk $0xffff, v63  }
0x501: {  	v49 =	vadd.s32 $0x1, v23;
	v50 =	vadd.s32 v50, v15;
	v52 =	vadd.s32 v40, v16;
	[tilespmem:v34+s24+$0x0] =	vst.idx.msk $0xffff, v47  }
0x502: {  	v53 =	vadd.s32 $0x1, v50;
	[tilespmem:v17+s24+$0x0] =	vst.idx.msk $0xffff, v49;
	v15 =	vadd.s32 v51, v52  }
0x503: {  	[tilespmem:v33+s24+$0x0] =	vst.idx.msk $0xffff, v53;
	v54 =	vadd.s32 $0x1, v15  }
0x504: {  	[tilespmem:v44+s24+$0x0] =	vst.idx.msk $0xffff, v54  }
0x505: {  	v55 =	vand.u32 $0xFF0, v36;
	v56 =	vshra.s32 v32, $0x8;
	[tilespmem:v18+s28+$0x0] =	vst.idx.msk $0xffff, v11  }
0x506: {  	v57 =	vshll.u32 v39, $0x4;
	v16 =	vor.u32 v56, v55;
	[tilespmem:v18+s29+$0x0] =	vst.idx.msk $0xffff, v58  }
0x507: {  	v11 =	vand.u32 $0xFF0, v57;
	v58 =	vshra.s32 v39, $0x8;
	[tilespmem:v20+s28+$0x0] =	vst.idx.msk $0xffff, v10  }
0x508: {  	v59 =	vshll.u32 v23, $0x4;
	v11 =	vor.u32 v58, v11;
	[tilespmem:v20+s29+$0x0] =	vst.idx.msk $0xffff, v45  }
0x509: {  	v60 =	vshra.s32 v23, $0x8;
	v10 =	vand.u32 $0xFF0, v59;
	[tilespmem:v19+s28+$0x0] =	vst.idx.msk $0xffff, v9  }
0x50a: {  	v62 =	vshll.u32 v50, $0x4;
	v61 =	vor.u32 v60, v10;
	[tilespmem:v19+s29+$0x0] =	vst.idx.msk $0xffff, v22  }
0x50b: {  	v14 =	vshra.s32 v50, $0x8;
	v10 =	vand.u32 $0xFF0, v62;
	[tilespmem:v16+s28+$0x0] =	vst.idx.msk $0xffff, v8  }
0x50c: {  	v63 =	vshll.u32 v15, $0x4;
	v10 =	vor.u32 v14, v10;
	[tilespmem:v16+s29+$0x0] =	vst.idx.msk $0xffff, v46  }
0x50d: {  	v8 =	vand.u32 $0xFF0, v63;
	[tilespmem:v11+s28+$0x0] =	vst.idx.msk $0xffff, v7;
	v7 =	vshra.s32 v15, $0x8  }
0x50e: {  	[tilespmem:v11+s29+$0x0] =	vst.idx.msk $0xffff, v30;
	v7 =	vor.u32 v7, v8  }
0x50f: {  	[tilespmem:v61+s28+$0x0] =	vst.idx.msk $0xffff, v6  }
0x510: {  	[tilespmem:v61+s29+$0x0] =	vst.idx.msk $0xffff, v29  }
0x511: {  	[tilespmem:v10+s28+$0x0] =	vst.idx.msk $0xffff, v13  }
0x512: {  	[tilespmem:v10+s29+$0x0] =	vst.idx.msk $0xffff, v26  }
0x513: {  	[tilespmem:v7+s28+$0x0] =	vst.idx.msk $0xffff, v12  }
0x514: {  	[tilespmem:v7+s29+$0x0] =	vst.idx.msk $0xffff, v21  }
0x515: {  	s0 =	simm.s32 $0x6420;
	_ =	strace $0x90000052  }
0x516: {  	_ =	strace $0x80000053;
	[tilespmem:s0+$0xFFFFFFE0] =	vst v4  }
0x517: {  	[tilespmem:s0+$0x10] =	vst v4  }
0x518: {  	s1 =	simm.s32 $0x0;
	[tilespmem:s0+$0x0] =	vst v4  }
.LBB2_33:
0x519: {  	s1 =	sadd.s32 $0x4, s1  }
0x51a: {  	[tilespmem:s0+$0xFFFFFFF0] =	vst v4;
	s0 =	sadd.s32 $0x40, s0;
	p1 =	slt.u32 s1, $0xFC  }
.Ltmp18:
0x51b: {  	[tilespmem:s0+$0xFFFFFFE0] =	vst v4;
	(pc) =	sbr.rel @p1 .LBB2_33-.Ltmp18, $3  }
0x51c: {  	_ =	sdelay $0x1  }
0x51d: {  	[tilespmem:s0+$0x10] =	vst v4  }
0x51e: {  	[tilespmem:s0+$0x0] =	vst v4  }
0x51f: {  	[tilespmem:s0+$0xFFFFFFF0] =	vst v4  }
0x520: {  	_ =	strace $0x90000053  }
0x521: {  	s30 =	simm.s32 $0x2410;
	_ =	strace $0x80000054  }
0x522: {  	v6 =	vld [tilespmem:s30+$0xFFFFFFF0]  }
0x523: {  	v7 =	vld [tilespmem:s30+$0x0];
	_ =	sdelay $0x1  }
0x524: {  	s31 =	simm.s32 $0x2430  }
0x525: {  	v9 =	vld [tilespmem:s31+$0xFFFFFFF0]  }
0x526: {  	v11 =	vld [tilespmem:s31+$0x0];
	v6 =	vshrl.u32 v6, $0xC  }
0x527: {  	v7 =	vshrl.u32 v7, $0xC;
	v6 =	vand.u32 $0xFF0, v6  }
0x528: {  	s0 =	simm.s32 $0x2450;
	v10 =	vand.u32 $0xFF0, v7;
	v7 =	vor.u32 v2, v6  }
0x529: {  	v8 =	vld [tilespmem:s0+$0x0];
	v6 =	vor.u32 v2, v10  }
0x52a: {  	v12 =	vshrl.u32 v9, $0xC  }
0x52b: {  	s1 =	simm.s32 $0x4;
	v9 =	vld [tilespmem:s0+$0xFFFFFFF0];
	v11 =	vshrl.u32 v11, $0xC;
	v10 =	vand.u32 $0xFF0, v12  }
.LBB2_35:
0x52c: {  	s1 =	sadd.s32 $0x2, s1  }
0x52d: {  	v12 =	vand.u32 $0xFF0, v11;
	[tilespmem:v7+s24+$0x0] =	vst.idx.add.s32.msk $0xffff, v5;
	p1 =	slt.u32 s1, $0xFE  }
.Ltmp19:
0x52e: {  	s0 =	sadd.s32 $0x20, s0;
	v7 =	vor.u32 v2, v10;
	[tilespmem:v6+s24+$0x0] =	vst.idx.add.s32.msk $0xffff, v5;
	v6 =	vor.u32 v2, v12;
	v11 =	vmov v8;
	(pc) =	sbr.rel @p1 .LBB2_35-.Ltmp19, $3  }
0x52f: {  	v8 =	vld [tilespmem:s0+$0x0];
	_ =	sdelay $0x1  }
0x530: {  	v10 =	vshrl.u32 v9, $0xC  }
0x531: {  	v11 =	vshrl.u32 v11, $0xC;
	v9 =	vld [tilespmem:s0+$0xFFFFFFF0];
	v10 =	vand.u32 $0xFF0, v10  }
0x532: {  	_ =	sdelay $0x2  }
0x533: {  	v11 =	vand.u32 $0xFF0, v11;
	v10 =	vor.u32 v2, v10;
	v8 =	vshrl.u32 v8, $0xC  }
0x534: {  	v11 =	vor.u32 v2, v11;
	v8 =	vand.u32 $0xFF0, v8;
	v9 =	vshrl.u32 v9, $0xC  }
0x535: {  	[tilespmem:v7+s24+$0x0] =	vst.idx.add.s32.msk $0xffff, v5;
	v7 =	vor.u32 v2, v8;
	v9 =	vand.u32 $0xFF0, v9  }
0x536: {  	v9 =	vor.u32 v2, v9  }
0x537: {  	[tilespmem:v6+s24+$0x0] =	vst.idx.add.s32.msk $0xffff, v5  }
0x538: {  	[tilespmem:v10+s24+$0x0] =	vst.idx.add.s32.msk $0xffff, v5  }
0x539: {  	[tilespmem:v11+s24+$0x0] =	vst.idx.add.s32.msk $0xffff, v5  }
0x53a: {  	[tilespmem:v7+s24+$0x0] =	vst.idx.add.s32.msk $0xffff, v5  }
0x53b: {  	[tilespmem:v9+s24+$0x0] =	vst.idx.add.s32.msk $0xffff, v5  }
0x53c: {  	_ =	strace $0x90000054  }
0x53d: {  	s1 =	simm.s32 $0x6410;
	_ =	strace $0x80000055  }
0x53e: {  	v10 =	vld [tilespmem:s1+$0x0]  }
0x53f: {  	v8 =	vld [tilespmem:s1+$0xFFFFFFF0];
	_ =	sdelay $0x3  }
0x540: {  	s0 =	simm.s32 $0x6430;
	s6 =	simm.s32 $0x0;
	(xrf0) =	vadd.scan.msk.s32 $0xffff, v10  }
0x541: {  	v7 =	vmov s6;
	v6 =	vld [tilespmem:s0+$0x0];
	(xrf0) =	vadd.scan.msk.s32 $0xffff, v8  }
0x542: {  	v9 =	vand.u32 $0xFFFFFFFE, v7;
	v7 =	vld [tilespmem:s0+$0xFFFFFFF0]  }
0x543: {  	s5 =	simm.s32 $0x1  }
0x544: {  	v11 =	vmov s5  }
0x545: {  	v9 =	vbroadcast v9, $0x0  }
0x546: {  	s2 =	simm.s32 $0x2;
	s4 =	simm.s32 $0x4;
	s5 =	simm.s32 $0x6450;
	(xrf0) =	vadd.scan.msk.s32 $0xffff, v6;
	v12, _, _ =	vpop (xrf0)  }
.LBB2_37:
0x547: {  	p1 =	slt.u32 s4, $0xFE;
	(xrf0) =	vadd.scan.msk.s32 $0xffff, v7;
	v13 =	vsub.s32 v12, v10;
	v12 =	vbroadcast v12, $0xF;
	v14, _, _ =	vpop (xrf0);
	v10 =	vmov v6;
	v6 =	vld [tilespmem:s5+$0x0];
	s7 =	smov.u32 s4;
	s4 =	sadd.s32 $0x2, s4  }
.Ltmp20:
0x548: {  	v15 =	vsub.s32 v14, v8;
	v14 =	vbroadcast v14, $0xF;
	[tilespmem:s1+$0x0] =	vst v13;
	v8 =	vmov v7;
	v7 =	vld [tilespmem:s5+$0xFFFFFFF0];
	(pc) =	sbr.rel @p1 .LBB2_37-.Ltmp20, $4  }
0x549: {  	s8 =	sadd.s32 $0x1, s2;
	v13 =	vmov s2;
	s2 =	smov.u32 s7;
	[tilespmem:v11+s25+$0x0] =	vst.idx.msk $0x1, v12  }
0x54a: {  	v13 =	vand.u32 $0xFFFFFFFE, v13;
	v11 =	vmov s8;
	[tilespmem:s1+$0xFFFFFFF0] =	vst v15;
	s1 =	smov.u32 s0;
	s0 =	smov.u32 s5  }
0x54b: {  	[tilespmem:v9+s25+$0x0] =	vst.idx.msk $0x1, v14;
	v9 =	vbroadcast v13, $0x0  }
0x54c: {  	s5 =	sadd.s32 $0x20, s5;
	(xrf0) =	vadd.scan.msk.s32 $0xffff, v6;
	v12, _, _ =	vpop (xrf0)  }
0x54d: {  	_ = 	snop  }
0x54e: {  	(xrf0) =	vadd.scan.msk.s32 $0xffff, v7  }
0x54f: {  	v10 =	vsub.s32 v12, v10;
	v58 =	vbroadcast v12, $0xF;
	v13 =	vmov s2;
	s30 =	sadd.s32 $0x1, s2  }
0x550: {  	v14, _, _ =	vpop (xrf0);
	[tilespmem:s1+$0x0] =	vst v10;
	v59 =	vand.u32 $0xFFFFFFFE, v13;
	v60 =	vmov s30  }
0x551: {  	v8 =	vsub.s32 v14, v8;
	v61 =	vbroadcast v14, $0xF;
	[tilespmem:v11+s25+$0x0] =	vst.idx.msk $0x1, v58;
	v10 =	vbroadcast v59, $0x0  }
0x552: {  	[tilespmem:s1+$0xFFFFFFF0] =	vst v8;
	v62, _, _ =	vpop (xrf0)  }
0x553: {  	[tilespmem:v9+s25+$0x0] =	vst.idx.msk $0x1, v61;
	v6 =	vsub.s32 v62, v6;
	v8 =	vbroadcast v62, $0xF  }
0x554: {  	v63, _, _ =	vpop (xrf0);
	[tilespmem:s0+$0x0] =	vst v6  }
0x555: {  	v6 =	vsub.s32 v63, v7;
	v7 =	vbroadcast v63, $0xF;
	[tilespmem:v60+s25+$0x0] =	vst.idx.msk $0x1, v8  }
0x556: {  	[tilespmem:s0+$0xFFFFFFF0] =	vst v6  }
0x557: {  	s31 =	simm.s32 $0x0;
	[tilespmem:v10+s25+$0x0] =	vst.idx.msk $0x1, v7  }
0x558: {  	v6 =	vld [tilespmem:s31+$0x7400];
	_ =	sdelay $0x4  }
0x559: {  	(xrf0) =	vadd.scan.msk.s32 $0xffff, v6;
	_ =	sdelay $0x5  }
0x55a: {  	v7, _, _ =	vpop (xrf0)  }
0x55b: {  	(v2sf) =	vpush v7, $0xF  }
0x55c: {  	v6 =	vsub.s32 s6, v6  }
0x55d: {  	v6 =	vadd.s32 v7, v6  }
0x55e: {  	s1 =	simm.s32 $0x80;
	s0 =	simm.s32 $0x10;
	[tilespmem:s31+$0x7400] =	vst v6  }
.LBB2_39:
0x55f: {  	p1 =	sne.s32 s1, $0x3C0;
	v6 =	vld [tilespmem:s0+$0x7400];
	_ =	sdelay $0x4  }
0x560: {  	(xrf0) =	vadd.scan.msk.s32 $0xffff, v6;
	_ =	sdelay $0x5  }
.Ltmp21:
0x561: {  	v7, _, _ =	vpop (xrf0);
	s2 =	spop (v2sf);
	(pc) =	sbr.rel @p1 .LBB2_39-.Ltmp21, $4  }
0x562: {  	(v2sf) =	vpush v7, $0xF;
	s6 =	sadd.s32 s6, s2  }
0x563: {  	v6 =	vsub.s32 s6, v6  }
0x564: {  	v6 =	vadd.s32 v7, v6  }
0x565: {  	[tilespmem:s0+$0x7400] =	vst v6;
	s0 =	sshra.s32 s1, $0x2;
	s1 =	sadd.s32 $0x40, s1  }
0x566: {  	v6 =	vld [tilespmem:s0+$0x7400];
	_ =	sdelay $0x4  }
0x567: {  	(xrf0) =	vadd.scan.msk.s32 $0xffff, v6;
	_ =	sdelay $0x5  }
0x568: {  	v7, _, _ =	vpop (xrf0)  }
0x569: {  	(v2sf) =	vpush v7, $0xF;
	_ =	sdelay $0x4  }
0x56a: {  	s1 =	simm.s32 $0x0  }
0x56b: {  	s21 =	simm.s32 $0x1;
	v8 =	vmov s1  }
0x56c: {  	v9 =	vmov s21;
	v8 =	vand.u32 $0xFFFFFFFE, v8;
	s22 =	spop (v2sf)  }
0x56d: {  	v8 =	vbroadcast v8, $0x0;
	s1 =	sadd.s32 s6, s22  }
0x56e: {  	v6 =	vsub.s32 s1, v6  }
0x56f: {  	v6 =	vadd.s32 v7, v6  }
0x570: {  	s30 =	simm.s32 $0x2;
	[tilespmem:s0+$0x7400] =	vst v6  }
0x571: {  	v6 =	vld.idx.msk [tilespmem:v9+s25+$0x0], $0xffff;
	v9 =	vmov s30  }
0x572: {  	s31 =	simm.s32 $0x3;
	v9 =	vand.u32 $0xFFFFFFFE, v9  }
0x573: {  	v11 =	vmov s31;
	s0 =	simm.s32 $0x6410;
	v7 =	vld.idx.msk [tilespmem:v8+s25+$0x0], $0xffff;
	v10 =	vbroadcast v9, $0x0  }
0x574: {  	v8 =	vld [tilespmem:s0+$0xFFFFFFF0];
	s2 =	spop (v2sf)  }
0x575: {  	s1 =	simm.s32 $0x6410;
	v9 =	vld [tilespmem:s0+$0x0];
	s2 =	simm.s32 $0x4  }
.LBB2_41:
0x576: {  	p1 =	slt.u32 s2, $0xFE  }
.Ltmp22:
0x577: {  	v12 =	vmov s2;
	s4 =	smov.u32 s2;
	s2 =	sadd.s32 $0x2, s2;
	(pc) =	sbr.rel @p1 .LBB2_41-.Ltmp22, $4  }
0x578: {  	v12 =	vand.u32 $0xFFFFFFFE, v12;
	s4 =	sadd.s32 $0x1, s4;
	v13 =	vmov v6;
	v6 =	vld.idx.msk [tilespmem:v11+s25+$0x0], $0xffff  }
0x579: {  	s0 =	sadd.s32 $0x20, s0;
	v11 =	vmov s4;
	v14 =	vadd.s32 v7, v8;
	v7 =	vld.idx.msk [tilespmem:v10+s25+$0x0], $0xffff;
	v10 =	vbroadcast v12, $0x0  }
0x57a: {  	v8 =	vld [tilespmem:s0+$0xFFFFFFF0];
	[tilespmem:s1+$0xFFFFFFF0] =	vst v14;
	v12 =	vadd.s32 v13, v9  }
0x57b: {  	v9 =	vld [tilespmem:s0+$0x0];
	[tilespmem:s1+$0x0] =	vst v12;
	s1 =	smov.u32 s0  }
0x57c: {  	_ =	sdelay $0x3  }
0x57d: {  	v11 =	vld.idx.msk [tilespmem:v11+s25+$0x0], $0xffff  }
0x57e: {  	v10 =	vld.idx.msk [tilespmem:v10+s25+$0x0], $0xffff;
	s0 =	sadd.s32 $0x20, s0  }
0x57f: {  	v12 =	vld [tilespmem:s0+$0xFFFFFFF0]  }
0x580: {  	v13 =	vld [tilespmem:s0+$0x0];
	_ =	sdelay $0x1  }
0x581: {  	v7 =	vadd.s32 v7, v8  }
0x582: {  	[tilespmem:s1+$0xFFFFFFF0] =	vst v7;
	v6 =	vadd.s32 v6, v9  }
0x583: {  	[tilespmem:s1+$0x0] =	vst v6;
	v6 =	vadd.s32 v10, v12  }
0x584: {  	[tilespmem:s0+$0xFFFFFFF0] =	vst v6;
	v6 =	vadd.s32 v11, v13  }
0x585: {  	[tilespmem:s0+$0x0] =	vst v6  }
0x586: {  	_ =	strace $0x90000055  }
0x587: {  	s6 =	simm.s32 $0x0;
	_ =	strace $0x80000056  }
0x588: {  	v9 =	vld [tilespmem:s6+$0x2420]  }
0x589: {  	v11 =	vld [tilespmem:s6+$0x2400]  }
0x58a: {  	v10 =	vld [tilespmem:s6+$0x2410]  }
0x58b: {  	v8 =	vld [tilespmem:s6+$0x2430]  }
0x58c: {  	v7 =	vld [tilespmem:s6+$0x2440];
	_ =	sdelay $0x2  }
0x58d: {  	v6 =	vshrl.u32 v9, $0x10  }
0x58e: {  	v12 =	vshrl.u32 v11, $0x10;
	v15 =	vshrl.u32 v10, $0x10;
	v19 =	vshrl.u32 v8, $0x10  }
0x58f: {  	v21 =	vshrl.u32 v7, $0x10;
	v33 =	vand.u32 $0xFF, v6;
	v13 =	vshll.u32 v6, $0x4  }
0x590: {  	v14 =	vshll.u32 v12, $0x4;
	v30 =	vand.u32 $0xFF, v15;
	v15 =	vshll.u32 v15, $0x4  }
0x591: {  	v41 =	vand.u32 $0xFF, v12;
	v20 =	vshll.u32 v19, $0x4;
	v22 =	vand.u32 $0xFF, v21  }
0x592: {  	v45 =	vand.u32 $0xFF, v19;
	v21 =	vshll.u32 v21, $0x4;
	v13 =	vor.u32 v2, v13  }
0x593: {  	v14 =	vor.u32 v2, v14;
	v15 =	vor.u32 v2, v15;
	vm0 =	veq.s32 v30, v33  }
0x594: {  	vm1 =	veq.s32 v33, v22;
	vm4 =	veq.s32 v41, v33;
	vm5 =	veq.s32 v41, v22  }
0x595: {  	v6 =	vld [tilespmem:s6+$0x2450];
	vm6 =	veq.s32 v45, v22;
	v21 =	vor.u32 v2, v21;
	v14 =	vand.u32 $0xFFF, v14  }
0x596: {  	v15 =	vand.u32 $0xFFF, v15;
	v18 =	vsel vm0, $0x1, v4;
	v16 =	vand.u32 $0xFFF, v13  }
0x597: {  	vm0 =	veq.s32 v41, v30;
	v29 =	vsel vm1, $0x1, v4;
	vm1 =	veq.s32 v30, v22  }
0x598: {  	v27 =	vsel vm4, $0x1, v4;
	v28 =	vsel vm5, $0x1, v4;
	vm4 =	veq.s32 v41, v45  }
0x599: {  	vm5 =	veq.s32 v33, v45;
	v63 =	vsel vm6, $0x1, v4;
	v18 =	vadd.s32 v27, v18  }
0x59a: {  	v27 =	vsel vm0, $0x1, v4;
	v60 =	vsel vm4, $0x1, v4;
	v12 =	vshrl.u32 v6, $0x10  }
0x59b: {  	v62 =	vsel vm5, $0x1, v4;
	v23 =	vand.u32 $0xFF, v12;
	v13 =	vshll.u32 v12, $0x4;
	v12 =	vld [tilespmem:s6+$0x2470]  }
0x59c: {  	v13 =	vor.u32 v2, v13;
	vm2 =	veq.s32 v41, v23;
	v26 =	vld.idx.msk [tilespmem:v14+s24+$0x0], $0xffff;
	vm3 =	veq.s32 v33, v23  }
0x59d: {  	v24 =	vld.idx.msk [tilespmem:v15+s24+$0x0], $0xffff;
	vm0 =	veq.s32 v22, v23;
	vm4 =	veq.s32 v45, v23;
	v17 =	vand.u32 $0xFFF, v13  }
0x59e: {  	v25 =	vld.idx.msk [tilespmem:v16+s24+$0x0], $0xffff;
	v13 =	vsel vm2, $0x1, v4;
	vm2 =	veq.s32 v30, v23;
	v31 =	vsel vm3, $0x1, v4  }
0x59f: {  	v37 =	vsel vm0, $0x1, v4;
	vm3 =	veq.s32 v30, v45;
	v32 =	vsel vm2, $0x1, v4  }
0x5a0: {  	v47 =	vsel vm4, $0x1, v4;
	v61 =	vsel vm3, $0x1, v4;
	v32 =	vadd.s32 v13, v32  }
0x5a1: {  	v34 =	vshrl.u32 v12, $0x10;
	v43 =	vadd.s32 v31, v32;
	v32 =	vadd.s32 v60, v61  }
0x5a2: {  	v35 =	vshll.u32 v26, $0x4;
	v36 =	vadd.s32 v27, v24;
	v24 =	vsel vm1, $0x1, v4  }
0x5a3: {  	v27 =	vadd.s32 $0x1, v26;
	v38 =	vadd.s32 v25, v18;
	v18 =	vor.u32 v2, v20  }
0x5a4: {  	v26 =	vshra.s32 v26, $0x8;
	v42 =	vshll.u32 v34, $0x4;
	v59 =	vand.u32 $0xFF, v34  }
0x5a5: {  	v34 =	vand.u32 $0xFFF, v21;
	v32 =	vadd.s32 v62, v32;
	v39 =	vadd.s32 v28, v24  }
0x5a6: {  	v28 =	vadd.s32 $0x1, v36;
	v25 =	vadd.s32 $0x1, v38;
	v20 =	vshll.u32 v36, $0x4  }
0x5a7: {  	v24 =	vand.u32 $0xFFF, v18;
	v18 =	vand.u32 $0xFF0, v35;
	v31 =	vshra.s32 v36, $0x8  }
0x5a8: {  	v13 =	vld [tilespmem:s6+$0x2460];
	v19 =	vshra.s32 v38, $0x8;
	vm0 =	veq.s32 v23, v59;
	vm1 =	veq.s32 v22, v59  }
0x5a9: {  	vm2 =	veq.s32 v30, v59;
	vm3 =	veq.s32 v33, v59;
	vm7 =	veq.s32 v41, v59  }
0x5aa: {  	v44 =	vor.u32 v2, v42;
	v18 =	vor.u32 v26, v18;
	v26 =	vshll.u32 v38, $0x4  }
0x5ab: {  	v20 =	vand.u32 $0xFF0, v20;
	v29 =	vadd.s32 v29, v39;
	v26 =	vand.u32 $0xFF0, v26  }
0x5ac: {  	v38 =	vsel vm3, $0x1, v4;
	vm3 =	veq.s32 v45, v59;
	v19 =	vor.u32 v19, v26;
	v26 =	vld.idx.msk [tilespmem:v24+s24+$0x0], $0xffff  }
0x5ad: {  	v21 =	vld [tilespmem:s6+$0x4470];
	v57 =	vshrl.u32 v13, $0x10;
	v20 =	vor.u32 v31, v20;
	v31 =	vsel vm1, $0x1, v4  }
0x5ae: {  	v35 =	vld.idx.msk [tilespmem:v17+s24+$0x0], $0xffff;
	v39 =	vadd.s32 v63, v29;
	v58 =	vshll.u32 v57, $0x4;
	v40 =	vand.u32 $0xFF, v57  }
0x5af: {  	v29 =	vld [tilespmem:s6+$0x4450];
	v46 =	vor.u32 v2, v58;
	vm1 =	veq.s32 v40, v59;
	vm5 =	veq.s32 v41, v40  }
0x5b0: {  	vm4 =	veq.s32 v30, v40;
	v30 =	vld [tilespmem:s6+$0x4440];
	vm6 =	veq.s32 v45, v40;
	v45 =	vadd.s32 v47, v43  }
0x5b1: {  	v42 =	vld.idx.msk [tilespmem:v34+s24+$0x0], $0xffff;
	v43 =	vsel vm7, $0x1, v4;
	v41 =	vsel vm4, $0x1, v4;
	v32 =	vadd.s32 v26, v32  }
0x5b2: {  	s12 =	simm.s32 $0x200;
	vm4 =	veq.s32 v33, v40;
	v33 =	vand.u32 $0xFFF, v46;
	v26 =	vld [tilespmem:s6+$0x4460];
	v36 =	vshll.u32 v32, $0x4  }
.LBB2_43:
0x5b3: {  	p1 =	sne.s32 s12, $0x3E00;
	v46 =	vld [tilespmem:s6+$0x4430];
	v44 =	vand.u32 $0xFFF, v44;
	vm7 =	veq.s32 v22, v40;
	vm8 =	veq.s32 v23, v40;
	s5 =	smov.u32 s12;
	s12 =	sadd.s32 $0x200, s12  }
0x5b4: {  	v23 =	vadd.s32 v37, v45;
	v37 =	vsel vm5, $0x1, v4;
	v40 =	vsel vm2, $0x1, v4;
	v22 =	vld [tilespmem:s6+$0x4420]  }
0x5b5: {  	v47 =	vsel vm6, $0x1, v4;
	v48 =	vsel vm8, $0x1, v4;
	v40 =	vadd.s32 v43, v40;
	v45 =	vld [tilespmem:s6+$0x4410]  }
0x5b6: {  	v23 =	vadd.s32 v35, v23;
	v35 =	vsel vm4, $0x1, v4;
	v49 =	vsel vm7, $0x1, v4;
	v43 =	vld [tilespmem:s6+$0x4400]  }
0x5b7: {  	v37 =	vadd.s32 v37, v41;
	v41 =	vsel vm3, $0x1, v4;
	v51 =	vadd.s32 $0x1, v23;
	v50 =	vld.idx.msk [tilespmem:v33+s24+$0x0], $0xffff  }
0x5b8: {  	v53 =	vadd.s32 $0x1, v32;
	v39 =	vadd.s32 v42, v39;
	v42 =	vsel vm0, $0x1, v4;
	v52 =	vld.idx.msk [tilespmem:v44+s24+$0x0], $0xffff  }
0x5b9: {  	v35 =	vadd.s32 v35, v37;
	v37 =	vadd.s32 v38, v40;
	[tilespmem:v14+s24+$0x0] =	vst.idx.msk $0xffff, v27;
	v14 =	vshll.u32 v39, $0x4  }
0x5ba: {  	v27 =	vsel vm1, $0x1, v4;
	[tilespmem:v15+s24+$0x0] =	vst.idx.msk $0xffff, v28;
	v14 =	vand.u32 $0xFF0, v14;
	v15 =	vshll.u32 v23, $0x4  }
0x5bb: {  	v28 =	vadd.s32 v47, v35;
	v35 =	vadd.s32 v41, v37;
	[tilespmem:v16+s24+$0x0] =	vst.idx.msk $0xffff, v25;
	v15 =	vand.u32 $0xFF0, v15  }
0x5bc: {  	v16 =	vadd.s32 v49, v28;
	v25 =	vadd.s32 v31, v35;
	[tilespmem:v24+s24+$0x0] =	vst.idx.msk $0xffff, v53;
	v24 =	vadd.s32 $0x1, v39  }
0x5bd: {  	v16 =	vadd.s32 v48, v16;
	v25 =	vadd.s32 v42, v25;
	[tilespmem:v34+s24+$0x0] =	vst.idx.msk $0xffff, v24;
	v24 =	vand.u32 $0xFF0, v36  }
0x5be: {  	v16 =	vadd.s32 v50, v16;
	v25 =	vadd.s32 v27, v25;
	[tilespmem:v17+s24+$0x0] =	vst.idx.msk $0xffff, v51  }
0x5bf: {  	v23 =	vshra.s32 v23, $0x8;
	v17 =	vadd.s32 v52, v25;
	v25 =	vadd.s32 $0x1, v16  }
0x5c0: {  	v15 =	vor.u32 v23, v15;
	v23 =	vshll.u32 v16, $0x4;
	[tilespmem:v33+s24+$0x0] =	vst.idx.msk $0xffff, v25;
	v25 =	vadd.s32 $0x1, v17  }
0x5c1: {  	v23 =	vand.u32 $0xFF0, v23;
	v27 =	vshll.u32 v17, $0x4;
	[tilespmem:v44+s24+$0x0] =	vst.idx.msk $0xffff, v25;
	v25 =	vshra.s32 v32, $0x8  }
0x5c2: {  	[tilespmem:v18+s23+$0x0] =	vst.idx.msk $0xffff, v11;
	v11 =	vor.u32 v25, v24;
	v24 =	vand.u32 $0xFF0, v27  }
0x5c3: {  	[tilespmem:v18+s26+$0x0] =	vst.idx.msk $0xffff, v43;
	v18 =	vshra.s32 v39, $0x8  }
0x5c4: {  	[tilespmem:v20+s23+$0x0] =	vst.idx.msk $0xffff, v10;
	v10 =	vor.u32 v18, v14  }
0x5c5: {  	[tilespmem:v20+s26+$0x0] =	vst.idx.msk $0xffff, v45  }
0x5c6: {  	[tilespmem:v19+s23+$0x0] =	vst.idx.msk $0xffff, v9  }
0x5c7: {  	v9 =	vshra.s32 v16, $0x8;
	[tilespmem:v19+s26+$0x0] =	vst.idx.msk $0xffff, v22  }
0x5c8: {  	[tilespmem:v11+s23+$0x0] =	vst.idx.msk $0xffff, v8;
	v8 =	vor.u32 v9, v23  }
0x5c9: {  	[tilespmem:v11+s26+$0x0] =	vst.idx.msk $0xffff, v46  }
0x5ca: {  	[tilespmem:v10+s23+$0x0] =	vst.idx.msk $0xffff, v7;
	v7 =	vshra.s32 v17, $0x8  }
0x5cb: {  	[tilespmem:v10+s26+$0x0] =	vst.idx.msk $0xffff, v30;
	v7 =	vor.u32 v7, v24  }
0x5cc: {  	[tilespmem:v15+s23+$0x0] =	vst.idx.msk $0xffff, v6  }
0x5cd: {  	[tilespmem:v15+s26+$0x0] =	vst.idx.msk $0xffff, v29  }
0x5ce: {  	[tilespmem:v8+s23+$0x0] =	vst.idx.msk $0xffff, v13  }
0x5cf: {  	[tilespmem:v8+s26+$0x0] =	vst.idx.msk $0xffff, v26  }
0x5d0: {  	[tilespmem:v7+s23+$0x0] =	vst.idx.msk $0xffff, v12  }
0x5d1: {  	s6 =	sshra.s32 s5, $0x2;
	[tilespmem:v7+s26+$0x0] =	vst.idx.msk $0xffff, v21  }
0x5d2: {  	v9 =	vld [tilespmem:s6+$0x2420]  }
0x5d3: {  	v11 =	vld [tilespmem:s6+$0x2400]  }
0x5d4: {  	v10 =	vld [tilespmem:s6+$0x2410];
	_ =	sdelay $0x1  }
0x5d5: {  	v8 =	vld [tilespmem:s6+$0x2430]  }
0x5d6: {  	v6 =	vshrl.u32 v9, $0x10;
	v7 =	vld [tilespmem:s6+$0x2440]  }
0x5d7: {  	v12 =	vshrl.u32 v11, $0x10;
	v33 =	vand.u32 $0xFF, v6;
	v13 =	vshll.u32 v6, $0x4;
	v6 =	vld [tilespmem:s6+$0x2450]  }
0x5d8: {  	v14 =	vshll.u32 v12, $0x4;
	v15 =	vshrl.u32 v10, $0x10;
	v16 =	vor.u32 v2, v13  }
0x5d9: {  	v13 =	vor.u32 v2, v14;
	v30 =	vand.u32 $0xFF, v15;
	v14 =	vshll.u32 v15, $0x4  }
0x5da: {  	v15 =	vor.u32 v2, v14;
	v14 =	vand.u32 $0xFFF, v13;
	vm0 =	veq.s32 v30, v33  }
0x5db: {  	v19 =	vshrl.u32 v8, $0x10;
	v15 =	vand.u32 $0xFFF, v15;
	v18 =	vsel vm0, $0x1, v4  }
0x5dc: {  	v41 =	vand.u32 $0xFF, v12;
	v16 =	vand.u32 $0xFFF, v16;
	v20 =	vshll.u32 v19, $0x4;
	v13 =	vld [tilespmem:s6+$0x2460]  }
0x5dd: {  	v21 =	vshrl.u32 v7, $0x10;
	vm0 =	veq.s32 v41, v30;
	v12 =	vshrl.u32 v6, $0x10  }
0x5de: {  	v22 =	vand.u32 $0xFF, v21;
	v23 =	vand.u32 $0xFF, v12;
	v17 =	vshll.u32 v12, $0x4;
	v12 =	vld [tilespmem:s6+$0x2470]  }
0x5df: {  	vm1 =	veq.s32 v33, v22;
	v17 =	vor.u32 v2, v17;
	vm2 =	veq.s32 v41, v23;
	v26 =	vld.idx.msk [tilespmem:v14+s24+$0x0], $0xffff  }
0x5e0: {  	v29 =	vsel vm1, $0x1, v4;
	v17 =	vand.u32 $0xFFF, v17;
	v25 =	vsel vm2, $0x1, v4;
	v24 =	vld.idx.msk [tilespmem:v15+s24+$0x0], $0xffff  }
0x5e1: {  	vm1 =	veq.s32 v30, v22;
	vm3 =	veq.s32 v33, v23;
	vm2 =	veq.s32 v30, v23;
	v28 =	vld.idx.msk [tilespmem:v16+s24+$0x0], $0xffff  }
0x5e2: {  	vm4 =	veq.s32 v41, v33;
	vm5 =	veq.s32 v41, v22;
	v31 =	vsel vm3, $0x1, v4  }
0x5e3: {  	v27 =	vsel vm4, $0x1, v4;
	v32 =	vsel vm5, $0x1, v4;
	v34 =	vsel vm2, $0x1, v4  }
0x5e4: {  	v18 =	vadd.s32 v27, v18;
	v34 =	vadd.s32 v25, v34;
	v36 =	vshrl.u32 v12, $0x10  }
0x5e5: {  	v25 =	vsel vm0, $0x1, v4;
	vm0 =	veq.s32 v22, v23;
	v37 =	vshll.u32 v26, $0x4  }
0x5e6: {  	v27 =	vadd.s32 $0x1, v26;
	v38 =	vadd.s32 v25, v24;
	v24 =	vsel vm1, $0x1, v4  }
0x5e7: {  	v39 =	vadd.s32 v28, v18;
	v32 =	vadd.s32 v32, v24;
	v28 =	vadd.s32 $0x1, v38  }
0x5e8: {  	v18 =	vor.u32 v2, v20;
	v20 =	vshll.u32 v38, $0x4;
	v25 =	vadd.s32 $0x1, v39  }
0x5e9: {  	v26 =	vshra.s32 v26, $0x8;
	v24 =	vand.u32 $0xFFF, v18;
	v18 =	vand.u32 $0xFF0, v37;
	v35 =	vld.idx.msk [tilespmem:v17+s24+$0x0], $0xffff  }
0x5ea: {  	v42 =	vshll.u32 v36, $0x4;
	v18 =	vor.u32 v26, v18;
	v26 =	vshll.u32 v39, $0x4  }
0x5eb: {  	v40 =	vshrl.u32 v13, $0x10;
	v43 =	vadd.s32 v31, v34;
	v31 =	vshra.s32 v38, $0x8  }
0x5ec: {  	v45 =	vand.u32 $0xFF, v19;
	v21 =	vshll.u32 v21, $0x4;
	v34 =	vshll.u32 v40, $0x4  }
0x5ed: {  	v36 =	vand.u32 $0xFF, v36;
	v37 =	vsel vm0, $0x1, v4;
	v19 =	vshra.s32 v39, $0x8  }
0x5ee: {  	vm3 =	veq.s32 v30, v45;
	vm0 =	veq.s32 v23, v36;
	v20 =	vand.u32 $0xFF0, v20  }
0x5ef: {  	vm1 =	veq.s32 v22, v36;
	v20 =	vor.u32 v31, v20;
	v26 =	vand.u32 $0xFF0, v26  }
0x5f0: {  	vm4 =	veq.s32 v41, v45;
	v31 =	vsel vm1, $0x1, v4;
	v19 =	vor.u32 v19, v26  }
0x5f1: {  	vm6 =	veq.s32 v45, v22;
	vm5 =	veq.s32 v33, v45;
	vm2 =	veq.s32 v30, v36;
	v26 =	vld.idx.msk [tilespmem:v24+s24+$0x0], $0xffff  }
0x5f2: {  	v21 =	vor.u32 v2, v21;
	v40 =	vand.u32 $0xFF, v40;
	v46 =	vor.u32 v2, v34  }
0x5f3: {  	v34 =	vsel vm4, $0x1, v4;
	vm4 =	veq.s32 v45, v23;
	vm1 =	veq.s32 v40, v36  }
0x5f4: {  	v38 =	vsel vm3, $0x1, v4;
	v29 =	vadd.s32 v29, v32;
	v39 =	vsel vm5, $0x1, v4  }
0x5f5: {  	v44 =	vsel vm6, $0x1, v4;
	vm3 =	veq.s32 v33, v36;
	v32 =	vadd.s32 v34, v38  }
0x5f6: {  	v34 =	vand.u32 $0xFFF, v21;
	v38 =	vsel vm3, $0x1, v4;
	v32 =	vadd.s32 v39, v32  }
.Ltmp23:
0x5f7: {  	vm3 =	veq.s32 v45, v36;
	v39 =	vadd.s32 v44, v29;
	v32 =	vadd.s32 v26, v32;
	v21 =	vld [tilespmem:s6+$0x4470];
	(pc) =	sbr.rel @p1 .LBB2_43-.Ltmp23, $4  }
0x5f8: {  	v47 =	vsel vm4, $0x1, v4;
	vm7 =	veq.s32 v41, v36;
	v36 =	vshll.u32 v32, $0x4;
	v26 =	vld [tilespmem:s6+$0x4460]  }
0x5f9: {  	vm4 =	veq.s32 v30, v40;
	vm5 =	veq.s32 v41, v40;
	v44 =	vor.u32 v2, v42;
	v29 =	vld [tilespmem:s6+$0x4450]  }
0x5fa: {  	vm6 =	veq.s32 v45, v40;
	v41 =	vsel vm4, $0x1, v4;
	vm4 =	veq.s32 v33, v40;
	v30 =	vld [tilespmem:s6+$0x4440]  }
0x5fb: {  	v45 =	vadd.s32 v47, v43;
	v43 =	vsel vm7, $0x1, v4;
	v33 =	vand.u32 $0xFFF, v46;
	v42 =	vld.idx.msk [tilespmem:v34+s24+$0x0], $0xffff  }
0x5fc: {  	v44 =	vand.u32 $0xFFF, v44  }
0x5fd: {  	v46 =	vld [tilespmem:s6+$0x4430];
	vm7 =	veq.s32 v22, v40;
	vm8 =	veq.s32 v23, v40;
	v55 =	vadd.s32 v37, v45  }
0x5fe: {  	v22 =	vld [tilespmem:s6+$0x4420];
	v56 =	vsel vm5, $0x1, v4;
	v57 =	vsel vm2, $0x1, v4;
	v47 =	vsel vm6, $0x1, v4  }
0x5ff: {  	v45 =	vld [tilespmem:s6+$0x4410];
	v59 =	vsel vm4, $0x1, v4;
	v60 =	vsel vm3, $0x1, v4;
	v61 =	vsel vm0, $0x1, v4  }
0x600: {  	v58 =	vld [tilespmem:s6+$0x4400];
	v63 =	vadd.s32 $0x1, v32;
	v48 =	vsel vm8, $0x1, v4;
	v37 =	vadd.s32 v56, v41  }
0x601: {  	v50 =	vld.idx.msk [tilespmem:v33+s24+$0x0], $0xffff;
	v40 =	vadd.s32 v43, v57;
	v23 =	vadd.s32 v35, v55;
	v35 =	vadd.s32 v59, v37  }
0x602: {  	v62 =	vadd.s32 v38, v40;
	v35 =	vadd.s32 v47, v35;
	v51 =	vld.idx.msk [tilespmem:v44+s24+$0x0], $0xffff;
	[tilespmem:v14+s24+$0x0] =	vst.idx.msk $0xffff, v27  }
0x603: {  	v49 =	vsel vm7, $0x1, v4;
	v38 =	vadd.s32 v60, v62;
	v39 =	vadd.s32 v42, v39;
	[tilespmem:v15+s24+$0x0] =	vst.idx.msk $0xffff, v28  }
0x604: {  	v40 =	vsel vm1, $0x1, v4;
	v41 =	vadd.s32 v31, v38;
	v15 =	vadd.s32 v49, v35;
	[tilespmem:v16+s24+$0x0] =	vst.idx.msk $0xffff, v25  }
0x605: {  	v47 =	vadd.s32 $0x1, v39;
	v15 =	vadd.s32 v48, v15;
	v16 =	vadd.s32 v61, v41;
	[tilespmem:v24+s24+$0x0] =	vst.idx.msk $0xffff, v63  }
0x606: {  	v49 =	vadd.s32 $0x1, v23;
	v50 =	vadd.s32 v50, v15;
	v52 =	vadd.s32 v40, v16;
	[tilespmem:v34+s24+$0x0] =	vst.idx.msk $0xffff, v47  }
0x607: {  	v53 =	vadd.s32 $0x1, v50;
	[tilespmem:v17+s24+$0x0] =	vst.idx.msk $0xffff, v49;
	v15 =	vadd.s32 v51, v52  }
0x608: {  	[tilespmem:v33+s24+$0x0] =	vst.idx.msk $0xffff, v53;
	v54 =	vadd.s32 $0x1, v15  }
0x609: {  	[tilespmem:v44+s24+$0x0] =	vst.idx.msk $0xffff, v54  }
0x60a: {  	v55 =	vand.u32 $0xFF0, v36;
	v56 =	vshra.s32 v32, $0x8;
	[tilespmem:v18+s23+$0x0] =	vst.idx.msk $0xffff, v11  }
0x60b: {  	v57 =	vshll.u32 v39, $0x4;
	v16 =	vor.u32 v56, v55;
	[tilespmem:v18+s26+$0x0] =	vst.idx.msk $0xffff, v58  }
0x60c: {  	v11 =	vand.u32 $0xFF0, v57;
	v58 =	vshra.s32 v39, $0x8;
	[tilespmem:v20+s23+$0x0] =	vst.idx.msk $0xffff, v10  }
0x60d: {  	v59 =	vshll.u32 v23, $0x4;
	v11 =	vor.u32 v58, v11;
	[tilespmem:v20+s26+$0x0] =	vst.idx.msk $0xffff, v45  }
0x60e: {  	v60 =	vshra.s32 v23, $0x8;
	v10 =	vand.u32 $0xFF0, v59;
	[tilespmem:v19+s23+$0x0] =	vst.idx.msk $0xffff, v9  }
0x60f: {  	v62 =	vshll.u32 v50, $0x4;
	v61 =	vor.u32 v60, v10;
	[tilespmem:v19+s26+$0x0] =	vst.idx.msk $0xffff, v22  }
0x610: {  	v14 =	vshra.s32 v50, $0x8;
	v10 =	vand.u32 $0xFF0, v62;
	[tilespmem:v16+s23+$0x0] =	vst.idx.msk $0xffff, v8  }
0x611: {  	v63 =	vshll.u32 v15, $0x4;
	v10 =	vor.u32 v14, v10;
	[tilespmem:v16+s26+$0x0] =	vst.idx.msk $0xffff, v46  }
0x612: {  	v8 =	vand.u32 $0xFF0, v63;
	[tilespmem:v11+s23+$0x0] =	vst.idx.msk $0xffff, v7;
	v7 =	vshra.s32 v15, $0x8  }
0x613: {  	[tilespmem:v11+s26+$0x0] =	vst.idx.msk $0xffff, v30;
	v7 =	vor.u32 v7, v8  }
0x614: {  	[tilespmem:v61+s23+$0x0] =	vst.idx.msk $0xffff, v6  }
0x615: {  	[tilespmem:v61+s26+$0x0] =	vst.idx.msk $0xffff, v29  }
0x616: {  	[tilespmem:v10+s23+$0x0] =	vst.idx.msk $0xffff, v13  }
0x617: {  	[tilespmem:v10+s26+$0x0] =	vst.idx.msk $0xffff, v26  }
0x618: {  	[tilespmem:v7+s23+$0x0] =	vst.idx.msk $0xffff, v12  }
0x619: {  	[tilespmem:v7+s26+$0x0] =	vst.idx.msk $0xffff, v21  }
0x61a: {  	s0 =	simm.s32 $0x6420;
	_ =	strace $0x90000056  }
0x61b: {  	_ =	strace $0x80000057;
	[tilespmem:s0+$0xFFFFFFE0] =	vst v4  }
0x61c: {  	[tilespmem:s0+$0x10] =	vst v4  }
0x61d: {  	s1 =	simm.s32 $0x0;
	[tilespmem:s0+$0x0] =	vst v4  }
.LBB2_45:
0x61e: {  	s1 =	sadd.s32 $0x4, s1  }
0x61f: {  	[tilespmem:s0+$0xFFFFFFF0] =	vst v4;
	s0 =	sadd.s32 $0x40, s0;
	p1 =	slt.u32 s1, $0xFC  }
.Ltmp24:
0x620: {  	[tilespmem:s0+$0xFFFFFFE0] =	vst v4;
	(pc) =	sbr.rel @p1 .LBB2_45-.Ltmp24, $3  }
0x621: {  	_ =	sdelay $0x1  }
0x622: {  	[tilespmem:s0+$0x10] =	vst v4  }
0x623: {  	[tilespmem:s0+$0x0] =	vst v4  }
0x624: {  	[tilespmem:s0+$0xFFFFFFF0] =	vst v4  }
0x625: {  	_ =	strace $0x90000057  }
0x626: {  	s30 =	simm.s32 $0x3410;
	_ =	strace $0x80000058  }
0x627: {  	v6 =	vld [tilespmem:s30+$0xFFFFFFF0]  }
0x628: {  	v7 =	vld [tilespmem:s30+$0x0];
	_ =	sdelay $0x1  }
0x629: {  	s31 =	simm.s32 $0x3430  }
0x62a: {  	v9 =	vld [tilespmem:s31+$0xFFFFFFF0]  }
0x62b: {  	v11 =	vld [tilespmem:s31+$0x0];
	v6 =	vshrl.u32 v6, $0x14  }
0x62c: {  	v7 =	vshrl.u32 v7, $0x14;
	v6 =	vand.u32 $0xFF0, v6  }
0x62d: {  	s0 =	simm.s32 $0x3450;
	v10 =	vand.u32 $0xFF0, v7;
	v7 =	vor.u32 v2, v6  }
0x62e: {  	v8 =	vld [tilespmem:s0+$0x0];
	v6 =	vor.u32 v2, v10  }
0x62f: {  	v12 =	vshrl.u32 v9, $0x14  }
0x630: {  	s1 =	simm.s32 $0x4;
	v9 =	vld [tilespmem:s0+$0xFFFFFFF0];
	v11 =	vshrl.u32 v11, $0x14;
	v10 =	vand.u32 $0xFF0, v12  }
.LBB2_47:
0x631: {  	s1 =	sadd.s32 $0x2, s1  }
0x632: {  	v12 =	vand.u32 $0xFF0, v11;
	[tilespmem:v7+s24+$0x0] =	vst.idx.add.s32.msk $0xffff, v5;
	p1 =	slt.u32 s1, $0xFE  }
.Ltmp25:
0x633: {  	s0 =	sadd.s32 $0x20, s0;
	v7 =	vor.u32 v2, v10;
	[tilespmem:v6+s24+$0x0] =	vst.idx.add.s32.msk $0xffff, v5;
	v6 =	vor.u32 v2, v12;
	v11 =	vmov v8;
	(pc) =	sbr.rel @p1 .LBB2_47-.Ltmp25, $3  }
0x634: {  	v8 =	vld [tilespmem:s0+$0x0];
	_ =	sdelay $0x1  }
0x635: {  	v10 =	vshrl.u32 v9, $0x14  }
0x636: {  	v11 =	vshrl.u32 v11, $0x14;
	v9 =	vld [tilespmem:s0+$0xFFFFFFF0];
	v10 =	vand.u32 $0xFF0, v10  }
0x637: {  	_ =	sdelay $0x2  }
0x638: {  	v11 =	vand.u32 $0xFF0, v11;
	v10 =	vor.u32 v2, v10;
	v8 =	vshrl.u32 v8, $0x14  }
0x639: {  	v11 =	vor.u32 v2, v11;
	v8 =	vand.u32 $0xFF0, v8;
	v9 =	vshrl.u32 v9, $0x14  }
0x63a: {  	[tilespmem:v7+s24+$0x0] =	vst.idx.add.s32.msk $0xffff, v5;
	v7 =	vor.u32 v2, v8;
	v9 =	vand.u32 $0xFF0, v9  }
0x63b: {  	v9 =	vor.u32 v2, v9  }
0x63c: {  	[tilespmem:v6+s24+$0x0] =	vst.idx.add.s32.msk $0xffff, v5  }
0x63d: {  	[tilespmem:v10+s24+$0x0] =	vst.idx.add.s32.msk $0xffff, v5  }
0x63e: {  	[tilespmem:v11+s24+$0x0] =	vst.idx.add.s32.msk $0xffff, v5  }
0x63f: {  	[tilespmem:v7+s24+$0x0] =	vst.idx.add.s32.msk $0xffff, v5  }
0x640: {  	[tilespmem:v9+s24+$0x0] =	vst.idx.add.s32.msk $0xffff, v5  }
0x641: {  	_ =	strace $0x90000058  }
0x642: {  	s1 =	simm.s32 $0x6410;
	_ =	strace $0x80000059  }
0x643: {  	v10 =	vld [tilespmem:s1+$0x0]  }
0x644: {  	v8 =	vld [tilespmem:s1+$0xFFFFFFF0];
	_ =	sdelay $0x3  }
0x645: {  	s0 =	simm.s32 $0x6430;
	s6 =	simm.s32 $0x0;
	(xrf0) =	vadd.scan.msk.s32 $0xffff, v10  }
0x646: {  	v7 =	vmov s6;
	v6 =	vld [tilespmem:s0+$0x0];
	(xrf0) =	vadd.scan.msk.s32 $0xffff, v8  }
0x647: {  	v9 =	vand.u32 $0xFFFFFFFE, v7;
	v7 =	vld [tilespmem:s0+$0xFFFFFFF0]  }
0x648: {  	s5 =	simm.s32 $0x1  }
0x649: {  	v11 =	vmov s5  }
0x64a: {  	v9 =	vbroadcast v9, $0x0  }
0x64b: {  	s2 =	simm.s32 $0x2;
	s4 =	simm.s32 $0x4;
	s5 =	simm.s32 $0x6450;
	(xrf0) =	vadd.scan.msk.s32 $0xffff, v6;
	v12, _, _ =	vpop (xrf0)  }
.LBB2_49:
0x64c: {  	p1 =	slt.u32 s4, $0xFE;
	(xrf0) =	vadd.scan.msk.s32 $0xffff, v7;
	v13 =	vsub.s32 v12, v10;
	v12 =	vbroadcast v12, $0xF;
	v14, _, _ =	vpop (xrf0);
	v10 =	vmov v6;
	v6 =	vld [tilespmem:s5+$0x0];
	s7 =	smov.u32 s4;
	s4 =	sadd.s32 $0x2, s4  }
.Ltmp26:
0x64d: {  	v15 =	vsub.s32 v14, v8;
	v14 =	vbroadcast v14, $0xF;
	[tilespmem:s1+$0x0] =	vst v13;
	v8 =	vmov v7;
	v7 =	vld [tilespmem:s5+$0xFFFFFFF0];
	(pc) =	sbr.rel @p1 .LBB2_49-.Ltmp26, $4  }
0x64e: {  	s8 =	sadd.s32 $0x1, s2;
	v13 =	vmov s2;
	s2 =	smov.u32 s7;
	[tilespmem:v11+s25+$0x0] =	vst.idx.msk $0x1, v12  }
0x64f: {  	v13 =	vand.u32 $0xFFFFFFFE, v13;
	v11 =	vmov s8;
	[tilespmem:s1+$0xFFFFFFF0] =	vst v15;
	s1 =	smov.u32 s0;
	s0 =	smov.u32 s5  }
0x650: {  	[tilespmem:v9+s25+$0x0] =	vst.idx.msk $0x1, v14;
	v9 =	vbroadcast v13, $0x0  }
0x651: {  	s5 =	sadd.s32 $0x20, s5;
	(xrf0) =	vadd.scan.msk.s32 $0xffff, v6;
	v12, _, _ =	vpop (xrf0)  }
0x652: {  	_ = 	snop  }
0x653: {  	(xrf0) =	vadd.scan.msk.s32 $0xffff, v7  }
0x654: {  	v10 =	vsub.s32 v12, v10;
	v58 =	vbroadcast v12, $0xF;
	v13 =	vmov s2;
	s30 =	sadd.s32 $0x1, s2  }
0x655: {  	v14, _, _ =	vpop (xrf0);
	[tilespmem:s1+$0x0] =	vst v10;
	v59 =	vand.u32 $0xFFFFFFFE, v13;
	v60 =	vmov s30  }
0x656: {  	v8 =	vsub.s32 v14, v8;
	v61 =	vbroadcast v14, $0xF;
	[tilespmem:v11+s25+$0x0] =	vst.idx.msk $0x1, v58;
	v10 =	vbroadcast v59, $0x0  }
0x657: {  	[tilespmem:s1+$0xFFFFFFF0] =	vst v8;
	v62, _, _ =	vpop (xrf0)  }
0x658: {  	[tilespmem:v9+s25+$0x0] =	vst.idx.msk $0x1, v61;
	v6 =	vsub.s32 v62, v6;
	v8 =	vbroadcast v62, $0xF  }
0x659: {  	v63, _, _ =	vpop (xrf0);
	[tilespmem:s0+$0x0] =	vst v6  }
0x65a: {  	v6 =	vsub.s32 v63, v7;
	v7 =	vbroadcast v63, $0xF;
	[tilespmem:v60+s25+$0x0] =	vst.idx.msk $0x1, v8  }
0x65b: {  	[tilespmem:s0+$0xFFFFFFF0] =	vst v6  }
0x65c: {  	s31 =	simm.s32 $0x0;
	[tilespmem:v10+s25+$0x0] =	vst.idx.msk $0x1, v7  }
0x65d: {  	v6 =	vld [tilespmem:s31+$0x7400];
	_ =	sdelay $0x4  }
0x65e: {  	(xrf0) =	vadd.scan.msk.s32 $0xffff, v6;
	_ =	sdelay $0x5  }
0x65f: {  	v7, _, _ =	vpop (xrf0)  }
0x660: {  	(v2sf) =	vpush v7, $0xF  }
0x661: {  	v6 =	vsub.s32 s6, v6  }
0x662: {  	v6 =	vadd.s32 v7, v6  }
0x663: {  	s1 =	simm.s32 $0x80;
	s0 =	simm.s32 $0x10;
	[tilespmem:s31+$0x7400] =	vst v6  }
.LBB2_51:
0x664: {  	p1 =	sne.s32 s1, $0x3C0;
	v6 =	vld [tilespmem:s0+$0x7400];
	_ =	sdelay $0x4  }
0x665: {  	(xrf0) =	vadd.scan.msk.s32 $0xffff, v6;
	_ =	sdelay $0x5  }
.Ltmp27:
0x666: {  	v7, _, _ =	vpop (xrf0);
	s2 =	spop (v2sf);
	(pc) =	sbr.rel @p1 .LBB2_51-.Ltmp27, $4  }
0x667: {  	(v2sf) =	vpush v7, $0xF;
	s6 =	sadd.s32 s6, s2  }
0x668: {  	v6 =	vsub.s32 s6, v6  }
0x669: {  	v6 =	vadd.s32 v7, v6  }
0x66a: {  	[tilespmem:s0+$0x7400] =	vst v6;
	s0 =	sshra.s32 s1, $0x2;
	s1 =	sadd.s32 $0x40, s1  }
0x66b: {  	v6 =	vld [tilespmem:s0+$0x7400];
	_ =	sdelay $0x4  }
0x66c: {  	(xrf0) =	vadd.scan.msk.s32 $0xffff, v6;
	_ =	sdelay $0x5  }
0x66d: {  	v7, _, _ =	vpop (xrf0)  }
0x66e: {  	(v2sf) =	vpush v7, $0xF;
	_ =	sdelay $0x4  }
0x66f: {  	s1 =	simm.s32 $0x0  }
0x670: {  	s21 =	simm.s32 $0x1;
	v8 =	vmov s1  }
0x671: {  	v9 =	vmov s21;
	v8 =	vand.u32 $0xFFFFFFFE, v8;
	s22 =	spop (v2sf)  }
0x672: {  	v8 =	vbroadcast v8, $0x0;
	s1 =	sadd.s32 s6, s22  }
0x673: {  	v6 =	vsub.s32 s1, v6  }
0x674: {  	v6 =	vadd.s32 v7, v6  }
0x675: {  	s30 =	simm.s32 $0x2;
	[tilespmem:s0+$0x7400] =	vst v6  }
0x676: {  	v6 =	vld.idx.msk [tilespmem:v9+s25+$0x0], $0xffff;
	v9 =	vmov s30  }
0x677: {  	s31 =	simm.s32 $0x3;
	v9 =	vand.u32 $0xFFFFFFFE, v9  }
0x678: {  	v11 =	vmov s31;
	s0 =	simm.s32 $0x6410;
	v7 =	vld.idx.msk [tilespmem:v8+s25+$0x0], $0xffff;
	v10 =	vbroadcast v9, $0x0  }
0x679: {  	v8 =	vld [tilespmem:s0+$0xFFFFFFF0];
	s2 =	spop (v2sf)  }
0x67a: {  	s1 =	simm.s32 $0x6410;
	v9 =	vld [tilespmem:s0+$0x0];
	s2 =	simm.s32 $0x4  }
.LBB2_53:
0x67b: {  	p1 =	slt.u32 s2, $0xFE  }
.Ltmp28:
0x67c: {  	v12 =	vmov s2;
	s4 =	smov.u32 s2;
	s2 =	sadd.s32 $0x2, s2;
	(pc) =	sbr.rel @p1 .LBB2_53-.Ltmp28, $4  }
0x67d: {  	v12 =	vand.u32 $0xFFFFFFFE, v12;
	s4 =	sadd.s32 $0x1, s4;
	v13 =	vmov v6;
	v6 =	vld.idx.msk [tilespmem:v11+s25+$0x0], $0xffff  }
0x67e: {  	s0 =	sadd.s32 $0x20, s0;
	v11 =	vmov s4;
	v14 =	vadd.s32 v7, v8;
	v7 =	vld.idx.msk [tilespmem:v10+s25+$0x0], $0xffff;
	v10 =	vbroadcast v12, $0x0  }
0x67f: {  	v8 =	vld [tilespmem:s0+$0xFFFFFFF0];
	[tilespmem:s1+$0xFFFFFFF0] =	vst v14;
	v12 =	vadd.s32 v13, v9  }
0x680: {  	v9 =	vld [tilespmem:s0+$0x0];
	[tilespmem:s1+$0x0] =	vst v12;
	s1 =	smov.u32 s0  }
0x681: {  	_ =	sdelay $0x3  }
0x682: {  	v11 =	vld.idx.msk [tilespmem:v11+s25+$0x0], $0xffff  }
0x683: {  	v10 =	vld.idx.msk [tilespmem:v10+s25+$0x0], $0xffff;
	s0 =	sadd.s32 $0x20, s0  }
0x684: {  	v12 =	vld [tilespmem:s0+$0xFFFFFFF0]  }
0x685: {  	v13 =	vld [tilespmem:s0+$0x0];
	_ =	sdelay $0x1  }
0x686: {  	v7 =	vadd.s32 v7, v8  }
0x687: {  	[tilespmem:s1+$0xFFFFFFF0] =	vst v7;
	v6 =	vadd.s32 v6, v9  }
0x688: {  	[tilespmem:s1+$0x0] =	vst v6;
	v6 =	vadd.s32 v10, v12  }
0x689: {  	[tilespmem:s0+$0xFFFFFFF0] =	vst v6;
	v6 =	vadd.s32 v11, v13  }
0x68a: {  	[tilespmem:s0+$0x0] =	vst v6  }
0x68b: {  	_ =	strace $0x90000059  }
0x68c: {  	s6 =	simm.s32 $0x0;
	_ =	strace $0x8000005A  }
0x68d: {  	v10 =	vld [tilespmem:s6+$0x3420]  }
0x68e: {  	v9 =	vld [tilespmem:s6+$0x3430]  }
0x68f: {  	v8 =	vld [tilespmem:s6+$0x3440]  }
0x690: {  	v7 =	vld [tilespmem:s6+$0x3450]  }
0x691: {  	v13 =	vld [tilespmem:s6+$0x3400];
	_ =	sdelay $0x2  }
0x692: {  	v24 =	vshrl.u32 v10, $0x18;
	v11 =	vshrl.u32 v10, $0x14  }
0x693: {  	v25 =	vshrl.u32 v9, $0x18;
	v15 =	vshrl.u32 v9, $0x14;
	v29 =	vshrl.u32 v8, $0x18  }
0x694: {  	v50 =	vshrl.u32 v7, $0x18;
	v43 =	vshrl.u32 v13, $0x18;
	v28 =	vshrl.u32 v13, $0x14  }
0x695: {  	v6 =	vshll.u32 v24, $0x4;
	v14 =	vand.u32 $0xF80, v11;
	v27 =	vshll.u32 v25, $0x4  }
0x696: {  	vm0 =	veq.s32 v24, v25;
	v32 =	vand.u32 $0xF80, v15;
	v15 =	vshrl.u32 v8, $0x14  }
0x697: {  	vm1 =	veq.s32 v25, v29;
	v18 =	vshll.u32 v50, $0x4;
	v34 =	vshll.u32 v43, $0x4  }
0x698: {  	v11 =	vld [tilespmem:s6+$0x3410];
	v30 =	vand.u32 $0xF80, v28;
	vm4 =	veq.s32 v25, v50;
	vm6 =	veq.s32 v29, v50  }
0x699: {  	vm7 =	veq.s32 v43, v50;
	v12 =	vor.u32 v2, v6;
	v19 =	vsel vm0, $0x1, v4  }
0x69a: {  	v6 =	vld [tilespmem:s6+$0x3470];
	v45 =	vand.u32 $0xF80, v15;
	v41 =	vor.u32 v2, v34;
	v12 =	vand.u32 $0x7F, v12  }
0x69b: {  	v40 =	vsel vm4, $0x1, v4;
	v14 =	vor.u32 v14, v12;
	v12 =	vshll.u32 v29, $0x4  }
0x69c: {  	vm4 =	veq.s32 v43, v29;
	v37 =	vor.u32 v2, v12;
	v12 =	vshrl.u32 v7, $0x14  }
0x69d: {  	v38 =	vsel vm4, $0x1, v4;
	v21 =	vshrl.u32 v11, $0x18;
	v22 =	vand.u32 $0xF80, v12  }
0x69e: {  	v33 =	vshrl.u32 v11, $0x14;
	v12 =	vor.u32 v2, v18;
	v63 =	vand.u32 $0x7F, v37  }
0x69f: {  	v16 =	vshrl.u32 v6, $0x14;
	v20 =	vshrl.u32 v6, $0x18;
	vm3 =	veq.s32 v21, v25  }
0x6a0: {  	v26 =	vand.u32 $0x7F, v12;
	vm5 =	veq.s32 v21, v24;
	v33 =	vand.u32 $0xF80, v33  }
0x6a1: {  	v17 =	vand.u32 $0xF80, v16;
	v16 =	vsel vm1, $0x1, v4;
	vm2 =	veq.s32 v50, v20  }
0x6a2: {  	vm1 =	veq.s32 v43, v21;
	vm0 =	veq.s32 v29, v20;
	v23 =	vsel vm3, $0x1, v4  }
0x6a3: {  	vm3 =	veq.s32 v24, v20;
	v15 =	vor.u32 v22, v26;
	v62 =	vshll.u32 v20, $0x4  }
0x6a4: {  	v42 =	vsel vm5, $0x1, v4;
	v18 =	vsel vm1, $0x1, v4;
	vm1 =	veq.s32 v25, v20  }
0x6a5: {  	v12 =	vld [tilespmem:s6+$0x3460];
	v26 =	vsel vm3, $0x1, v4;
	vm3 =	veq.s32 v21, v29;
	v22 =	vsel vm2, $0x1, v4  }
0x6a6: {  	vm2 =	veq.s32 v43, v24;
	v34 =	vor.u32 v2, v62;
	v35 =	vsel vm3, $0x1, v4  }
0x6a7: {  	vm3 =	veq.s32 v21, v50;
	v39 =	vsel vm2, $0x1, v4;
	vm2 =	veq.s32 v24, v29  }
0x6a8: {  	v46 =	vsel vm3, $0x1, v4;
	vm3 =	veq.s32 v24, v50;
	v28 =	vsel vm2, $0x1, v4  }
0x6a9: {  	vm2 =	veq.s32 v43, v25;
	v35 =	vadd.s32 v38, v35;
	v38 =	vsel vm6, $0x1, v4  }
0x6aa: {  	v31 =	vshrl.u32 v12, $0x18;
	v36 =	vsel vm3, $0x1, v4;
	v47 =	vshrl.u32 v12, $0x14  }
0x6ab: {  	vm3 =	veq.s32 v43, v20;
	vm8 =	veq.s32 v25, v31;
	vm9 =	veq.s32 v24, v31  }
0x6ac: {  	v24 =	vor.u32 v2, v27;
	v25 =	vshll.u32 v21, $0x4;
	vm4 =	veq.s32 v29, v31  }
0x6ad: {  	v29 =	vshll.u32 v31, $0x4;
	vm5 =	veq.s32 v43, v31;
	vm6 =	veq.s32 v21, v31  }
0x6ae: {  	v47 =	vand.u32 $0xF80, v47;
	v27 =	vsel vm8, $0x1, v4;
	v44 =	vor.u32 v2, v25  }
0x6af: {  	v24 =	vand.u32 $0x7F, v24;
	v25 =	vsel vm7, $0x1, v4;
	v29 =	vor.u32 v2, v29  }
0x6b0: {  	v48 =	vsel vm5, $0x1, v4;
	v43 =	vadd.s32 v25, v46;
	v25 =	vor.u32 v45, v63;
	v45 =	vld.idx.msk [tilespmem:v14+s24+$0x0], $0xffff  }
0x6b1: {  	v37 =	vsel vm9, $0x1, v4;
	v49 =	vsel vm6, $0x1, v4;
	v24 =	vor.u32 v32, v24  }
0x6b2: {  	s12 =	simm.s32 $0x200;
	v46 =	vand.u32 $0x7F, v29;
	v29 =	vld.idx.msk [tilespmem:v15+s24+$0x0], $0xffff;
	v32 =	vsel vm4, $0x1, v4;
	vm4 =	veq.s32 v50, v31  }
.LBB2_55:
0x6b3: {  	p1 =	sne.s32 s12, $0x3E00;
	v44 =	vand.u32 $0x7F, v44;
	v48 =	vadd.s32 v48, v49;
	v49 =	vsel vm3, $0x1, v4;
	s8 =	smov.u32 s12;
	s12 =	sadd.s32 $0x200, s12  }
0x6b4: {  	v46 =	vor.u32 v47, v46;
	v39 =	vadd.s32 v39, v42;
	v44 =	vor.u32 v33, v44  }
0x6b5: {  	v41 =	vand.u32 $0x7F, v41;
	vm3 =	veq.s32 v21, v20;
	v39 =	vadd.s32 v45, v39;
	v33 =	vld [tilespmem:s6+$0x5470]  }
0x6b6: {  	v36 =	vadd.s32 v36, v43;
	v42 =	vsel vm3, $0x1, v4;
	v43 =	vshll.u32 v39, $0x4;
	v21 =	vld [tilespmem:s6+$0x5460]  }
0x6b7: {  	v30 =	vor.u32 v30, v41;
	vm3 =	veq.s32 v31, v20;
	v20 =	vadd.s32 v49, v42;
	v41 =	vld.idx.msk [tilespmem:v24+s24+$0x0], $0xffff  }
0x6b8: {  	v36 =	vadd.s32 v40, v36;
	v40 =	vsel vm1, $0x1, v4;
	v42 =	vsel vm3, $0x1, v4;
	v31 =	vld.idx.msk [tilespmem:v25+s24+$0x0], $0xffff  }
0x6b9: {  	v47 =	vsel vm2, $0x1, v4;
	v49 =	vsel vm0, $0x1, v4;
	v20 =	vadd.s32 v26, v20;
	v45 =	vld.idx.msk [tilespmem:v44+s24+$0x0], $0xffff  }
0x6ba: {  	v23 =	vadd.s32 v47, v23;
	v47 =	vsel vm4, $0x1, v4;
	v20 =	vadd.s32 v40, v20;
	v26 =	vld [tilespmem:s6+$0x5450]  }
0x6bb: {  	v34 =	vand.u32 $0x7F, v34;
	v36 =	vadd.s32 v38, v36;
	v20 =	vadd.s32 v49, v20;
	v40 =	vld [tilespmem:s6+$0x5440]  }
0x6bc: {  	v28 =	vadd.s32 v28, v35;
	v17 =	vor.u32 v17, v34;
	v20 =	vadd.s32 v22, v20;
	v38 =	vld.idx.msk [tilespmem:v30+s24+$0x0], $0xffff  }
0x6bd: {  	v16 =	vadd.s32 v16, v28;
	v19 =	vadd.s32 v19, v23;
	v20 =	vadd.s32 v42, v20;
	v22 =	vld [tilespmem:s6+$0x5430]  }
0x6be: {  	v28 =	vadd.s32 v29, v36;
	v19 =	vadd.s32 v41, v19;
	v16 =	vadd.s32 v31, v16;
	v23 =	vld.idx.msk [tilespmem:v46+s24+$0x0], $0xffff  }
0x6bf: {  	v31 =	vshll.u32 v19, $0x4;
	v18 =	vadd.s32 v18, v45;
	v34 =	vshll.u32 v16, $0x4;
	v29 =	vld [tilespmem:s6+$0x5420]  }
0x6c0: {  	v36 =	vadd.s32 v37, v48;
	v37 =	vshll.u32 v18, $0x4;
	v41 =	vshra.s32 v18, $0x8;
	v35 =	vld [tilespmem:s6+$0x5410]  }
0x6c1: {  	v27 =	vadd.s32 v27, v36;
	v36 =	vadd.s32 $0x1, v39;
	v18 =	vadd.s32 $0x1, v18;
	v42 =	vld [tilespmem:s6+$0x5400]  }
0x6c2: {  	v27 =	vadd.s32 v32, v27;
	v48 =	vadd.s32 $0x1, v19;
	v32 =	vadd.s32 $0x1, v38;
	v45 =	vld.idx.msk [tilespmem:v17+s24+$0x0], $0xffff  }
0x6c3: {  	v27 =	vadd.s32 v47, v27;
	[tilespmem:v30+s24+$0x0] =	vst.idx.msk $0xffff, v32;
	v30 =	vshll.u32 v38, $0x4;
	v32 =	vand.u32 $0xFF0, v34  }
0x6c4: {  	v23 =	vadd.s32 v23, v27;
	v27 =	vand.u32 $0xFF0, v37;
	[tilespmem:v44+s24+$0x0] =	vst.idx.msk $0xffff, v18;
	v18 =	vand.u32 $0xFF0, v30  }
0x6c5: {  	v27 =	vor.u32 v41, v27;
	v30 =	vshll.u32 v23, $0x4;
	[tilespmem:v14+s24+$0x0] =	vst.idx.msk $0xffff, v36;
	v14 =	vshra.s32 v38, $0x8  }
0x6c6: {  	[tilespmem:v24+s24+$0x0] =	vst.idx.msk $0xffff, v48;
	v24 =	vadd.s32 $0x1, v16;
	v14 =	vor.u32 v14, v18;
	v18 =	vshll.u32 v28, $0x4  }
0x6c7: {  	v30 =	vand.u32 $0xFF0, v30;
	[tilespmem:v25+s24+$0x0] =	vst.idx.msk $0xffff, v24;
	v24 =	vadd.s32 $0x1, v28;
	v25 =	vand.u32 $0xFF0, v43  }
0x6c8: {  	v20 =	vadd.s32 v45, v20;
	[tilespmem:v15+s24+$0x0] =	vst.idx.msk $0xffff, v24;
	v15 =	vadd.s32 $0x1, v23;
	v24 =	vand.u32 $0xFF0, v31  }
0x6c9: {  	v31 =	vshra.s32 v39, $0x8;
	v34 =	vshll.u32 v20, $0x4;
	[tilespmem:v46+s24+$0x0] =	vst.idx.msk $0xffff, v15;
	v15 =	vadd.s32 $0x1, v20  }
0x6ca: {  	[tilespmem:v17+s24+$0x0] =	vst.idx.msk $0xffff, v15;
	v15 =	vor.u32 v31, v25;
	v17 =	vand.u32 $0xFF0, v18;
	v18 =	vand.u32 $0xFF0, v34  }
0x6cb: {  	[tilespmem:v14+s28+$0x0] =	vst.idx.msk $0xffff, v13;
	v13 =	vshra.s32 v19, $0x8  }
0x6cc: {  	[tilespmem:v14+s29+$0x0] =	vst.idx.msk $0xffff, v42;
	v13 =	vor.u32 v13, v24  }
0x6cd: {  	[tilespmem:v27+s28+$0x0] =	vst.idx.msk $0xffff, v11;
	v11 =	vshra.s32 v16, $0x8  }
0x6ce: {  	[tilespmem:v27+s29+$0x0] =	vst.idx.msk $0xffff, v35;
	v11 =	vor.u32 v11, v32  }
0x6cf: {  	[tilespmem:v15+s28+$0x0] =	vst.idx.msk $0xffff, v10;
	v10 =	vshra.s32 v28, $0x8  }
0x6d0: {  	[tilespmem:v15+s29+$0x0] =	vst.idx.msk $0xffff, v29;
	v10 =	vor.u32 v10, v17  }
0x6d1: {  	[tilespmem:v13+s28+$0x0] =	vst.idx.msk $0xffff, v9;
	v9 =	vshra.s32 v23, $0x8  }
0x6d2: {  	[tilespmem:v13+s29+$0x0] =	vst.idx.msk $0xffff, v22;
	v9 =	vor.u32 v9, v30  }
0x6d3: {  	[tilespmem:v11+s28+$0x0] =	vst.idx.msk $0xffff, v8;
	v8 =	vshra.s32 v20, $0x8  }
0x6d4: {  	[tilespmem:v11+s29+$0x0] =	vst.idx.msk $0xffff, v40;
	v8 =	vor.u32 v8, v18  }
0x6d5: {  	[tilespmem:v10+s28+$0x0] =	vst.idx.msk $0xffff, v7  }
0x6d6: {  	s6 =	sshra.s32 s8, $0x2;
	[tilespmem:v10+s29+$0x0] =	vst.idx.msk $0xffff, v26  }
0x6d7: {  	[tilespmem:v9+s28+$0x0] =	vst.idx.msk $0xffff, v12  }
0x6d8: {  	[tilespmem:v9+s29+$0x0] =	vst.idx.msk $0xffff, v21  }
0x6d9: {  	[tilespmem:v8+s28+$0x0] =	vst.idx.msk $0xffff, v6  }
0x6da: {  	[tilespmem:v8+s29+$0x0] =	vst.idx.msk $0xffff, v33;
	_ =	sdelay $0x1  }
0x6db: {  	v10 =	vld [tilespmem:s6+$0x3420]  }
0x6dc: {  	v9 =	vld [tilespmem:s6+$0x3430];
	_ =	sdelay $0x1  }
0x6dd: {  	v8 =	vld [tilespmem:s6+$0x3440]  }
0x6de: {  	v7 =	vld [tilespmem:s6+$0x3450]  }
0x6df: {  	v24 =	vshrl.u32 v10, $0x18;
	v11 =	vshrl.u32 v10, $0x14  }
0x6e0: {  	v6 =	vshll.u32 v24, $0x4;
	v25 =	vshrl.u32 v9, $0x18  }
0x6e1: {  	v14 =	vand.u32 $0xF80, v11;
	v15 =	vshrl.u32 v9, $0x14;
	v12 =	vor.u32 v2, v6;
	v6 =	vld [tilespmem:s6+$0x3470]  }
0x6e2: {  	v27 =	vshll.u32 v25, $0x4;
	vm0 =	veq.s32 v24, v25;
	v11 =	vld [tilespmem:s6+$0x3410];
	v12 =	vand.u32 $0x7F, v12  }
0x6e3: {  	v32 =	vshrl.u32 v8, $0x18;
	v13 =	vld [tilespmem:s6+$0x3400];
	v14 =	vor.u32 v14, v12  }
0x6e4: {  	v37 =	vand.u32 $0xF80, v15;
	v12 =	vshll.u32 v32, $0x4  }
0x6e5: {  	v15 =	vshrl.u32 v8, $0x14;
	vm1 =	veq.s32 v25, v32;
	v43 =	vor.u32 v2, v12  }
0x6e6: {  	v50 =	vshrl.u32 v7, $0x18;
	v12 =	vshrl.u32 v7, $0x14;
	v16 =	vshrl.u32 v6, $0x14  }
0x6e7: {  	v18 =	vshll.u32 v50, $0x4;
	v17 =	vand.u32 $0xF80, v16;
	v16 =	vsel vm1, $0x1, v4  }
0x6e8: {  	v22 =	vand.u32 $0xF80, v12;
	v20 =	vshrl.u32 v6, $0x18;
	v21 =	vshrl.u32 v11, $0x18  }
0x6e9: {  	v33 =	vshrl.u32 v11, $0x14;
	vm2 =	veq.s32 v50, v20;
	v45 =	vshrl.u32 v13, $0x18  }
0x6ea: {  	v19 =	vsel vm0, $0x1, v4;
	v18 =	vor.u32 v2, v18;
	vm3 =	veq.s32 v21, v25;
	v12 =	vld [tilespmem:s6+$0x3460]  }
0x6eb: {  	v26 =	vand.u32 $0x7F, v18;
	vm0 =	veq.s32 v32, v20;
	vm1 =	veq.s32 v45, v21  }
0x6ec: {  	v34 =	vshll.u32 v45, $0x4;
	v18 =	vsel vm1, $0x1, v4;
	vm1 =	veq.s32 v25, v20  }
0x6ed: {  	v46 =	vand.u32 $0xF80, v15;
	v23 =	vsel vm3, $0x1, v4;
	vm3 =	veq.s32 v24, v20  }
0x6ee: {  	v15 =	vor.u32 v22, v26;
	v28 =	vshrl.u32 v13, $0x14;
	v26 =	vsel vm3, $0x1, v4  }
0x6ef: {  	vm5 =	veq.s32 v25, v50;
	v30 =	vand.u32 $0xF80, v28;
	vm3 =	veq.s32 v21, v32  }
0x6f0: {  	v22 =	vsel vm2, $0x1, v4;
	v35 =	vsel vm3, $0x1, v4;
	vm3 =	veq.s32 v21, v50  }
0x6f1: {  	vm2 =	veq.s32 v45, v24;
	v47 =	vsel vm3, $0x1, v4;
	vm3 =	veq.s32 v24, v50  }
0x6f2: {  	v39 =	vsel vm2, $0x1, v4;
	v36 =	vsel vm3, $0x1, v4;
	v31 =	vshrl.u32 v12, $0x18  }
0x6f3: {  	vm7 =	veq.s32 v32, v50;
	vm6 =	veq.s32 v21, v24;
	vm2 =	veq.s32 v24, v32;
	v29 =	vld.idx.msk [tilespmem:v15+s24+$0x0], $0xffff  }
0x6f4: {  	vm8 =	veq.s32 v45, v50;
	v28 =	vsel vm2, $0x1, v4;
	vm9 =	veq.s32 v25, v31  }
0x6f5: {  	v41 =	vor.u32 v2, v34;
	v34 =	vshll.u32 v20, $0x4;
	vm4 =	veq.s32 v24, v31  }
0x6f6: {  	v33 =	vand.u32 $0xF80, v33;
	vm3 =	veq.s32 v45, v20;
	v49 =	vshrl.u32 v12, $0x14  }
0x6f7: {  	v40 =	vsel vm5, $0x1, v4;
	v34 =	vor.u32 v2, v34;
	vm2 =	veq.s32 v45, v25  }
0x6f8: {  	v42 =	vsel vm6, $0x1, v4;
	vm5 =	veq.s32 v45, v32;
	v24 =	vor.u32 v2, v27  }
0x6f9: {  	v38 =	vsel vm5, $0x1, v4;
	v25 =	vshll.u32 v21, $0x4;
	v27 =	vsel vm9, $0x1, v4  }
0x6fa: {  	v35 =	vadd.s32 v38, v35;
	v38 =	vsel vm7, $0x1, v4;
	vm5 =	veq.s32 v32, v31  }
0x6fb: {  	v44 =	vor.u32 v2, v25;
	v24 =	vand.u32 $0x7F, v24;
	v25 =	vsel vm8, $0x1, v4  }
.Ltmp29:
0x6fc: {  	v32 =	vshll.u32 v31, $0x4;
	vm6 =	veq.s32 v45, v31;
	v24 =	vor.u32 v37, v24;
	(pc) =	sbr.rel @p1 .LBB2_55-.Ltmp29, $4  }
0x6fd: {  	v32 =	vor.u32 v2, v32;
	v37 =	vand.u32 $0x7F, v43;
	v43 =	vadd.s32 v25, v47;
	v45 =	vld.idx.msk [tilespmem:v14+s24+$0x0], $0xffff  }
0x6fe: {  	vm7 =	veq.s32 v21, v31;
	v25 =	vor.u32 v46, v37;
	v46 =	vand.u32 $0x7F, v32  }
0x6ff: {  	v48 =	vsel vm6, $0x1, v4;
	v37 =	vsel vm4, $0x1, v4;
	v32 =	vsel vm5, $0x1, v4  }
0x700: {  	v47 =	vand.u32 $0xF80, v49;
	v49 =	vsel vm7, $0x1, v4;
	vm4 =	veq.s32 v50, v31  }
0x701: {  	_ =	sdelay $0x1  }
0x702: {  	v44 =	vand.u32 $0x7F, v44  }
0x703: {  	v48 =	vadd.s32 v48, v49;
	v41 =	vand.u32 $0x7F, v41;
	v49 =	vld [tilespmem:s6+$0x5460];
	v39 =	vadd.s32 v39, v42  }
0x704: {  	v60 =	vsel vm3, $0x1, v4;
	v61 =	vld.idx.msk [tilespmem:v24+s24+$0x0], $0xffff;
	v46 =	vor.u32 v47, v46;
	v44 =	vor.u32 v33, v44  }
0x705: {  	vm14 =	veq.s32 v21, v20;
	v62 =	vld.idx.msk [tilespmem:v25+s24+$0x0], $0xffff;
	v36 =	vadd.s32 v36, v43;
	v30 =	vor.u32 v30, v41  }
0x706: {  	vm15 =	veq.s32 v31, v20;
	v53 =	vsel vm1, $0x1, v4;
	v54 =	vsel vm2, $0x1, v4;
	v33 =	vld [tilespmem:s6+$0x5470]  }
0x707: {  	v34 =	vand.u32 $0x7F, v34;
	v57 =	vsel vm0, $0x1, v4;
	v52 =	vadd.s32 v40, v36;
	v36 =	vld [tilespmem:s6+$0x5450]  }
0x708: {  	v58 =	vsel vm4, $0x1, v4;
	v28 =	vadd.s32 v28, v35;
	v17 =	vor.u32 v17, v34;
	v34 =	vld [tilespmem:s6+$0x5430]  }
0x709: {  	v39 =	vadd.s32 v45, v39;
	v63 =	vsel vm14, $0x1, v4;
	v55 =	vsel vm15, $0x1, v4;
	v50 =	vld.idx.msk [tilespmem:v44+s24+$0x0], $0xffff  }
0x70a: {  	v23 =	vadd.s32 v54, v23;
	v16 =	vadd.s32 v16, v28;
	v45 =	vshll.u32 v39, $0x4;
	v56 =	vld.idx.msk [tilespmem:v30+s24+$0x0], $0xffff  }
0x70b: {  	v28 =	vld [tilespmem:s6+$0x5400];
	v51 =	vadd.s32 v60, v63;
	v31 =	vadd.s32 v38, v52;
	v60 =	vadd.s32 v37, v48  }
0x70c: {  	v19 =	vadd.s32 v19, v23;
	v23 =	vld [tilespmem:s6+$0x5410];
	v20 =	vadd.s32 v26, v51;
	v27 =	vadd.s32 v27, v60  }
0x70d: {  	v48 =	vadd.s32 $0x1, v39;
	v26 =	vld [tilespmem:s6+$0x5440];
	v20 =	vadd.s32 v53, v20;
	v27 =	vadd.s32 v32, v27  }
0x70e: {  	v20 =	vadd.s32 v57, v20;
	v59 =	vld.idx.msk [tilespmem:v46+s24+$0x0], $0xffff;
	v19 =	vadd.s32 v61, v19;
	v16 =	vadd.s32 v62, v16  }
0x70f: {  	v20 =	vadd.s32 v22, v20;
	v22 =	vld [tilespmem:s6+$0x5420];
	v18 =	vadd.s32 v18, v50;
	v63 =	vadd.s32 $0x1, v56  }
0x710: {  	v62 =	vld.idx.msk [tilespmem:v17+s24+$0x0], $0xffff;
	v61 =	vshll.u32 v18, $0x4;
	v47 =	vshra.s32 v18, $0x8;
	v18 =	vadd.s32 $0x1, v18;
	[tilespmem:v30+s24+$0x0] =	vst.idx.msk $0xffff, v63  }
0x711: {  	v21 =	vadd.s32 v29, v31;
	v27 =	vadd.s32 v58, v27;
	v50 =	vshll.u32 v56, $0x4;
	[tilespmem:v44+s24+$0x0] =	vst.idx.msk $0xffff, v18  }
0x712: {  	v51 =	vadd.s32 $0x1, v19;
	v30 =	vand.u32 $0xFF0, v50;
	[tilespmem:v14+s24+$0x0] =	vst.idx.msk $0xffff, v48;
	v14 =	vshra.s32 v56, $0x8  }
0x713: {  	v52 =	vadd.s32 $0x1, v16;
	v20 =	vadd.s32 v55, v20;
	[tilespmem:v24+s24+$0x0] =	vst.idx.msk $0xffff, v51;
	v14 =	vor.u32 v14, v30  }
0x714: {  	v55 =	vadd.s32 $0x1, v21;
	v53 =	vadd.s32 v59, v27;
	v54 =	vand.u32 $0xFF0, v61;
	[tilespmem:v25+s24+$0x0] =	vst.idx.msk $0xffff, v52  }
0x715: {  	v20 =	vadd.s32 v62, v20;
	v56 =	vor.u32 v47, v54;
	[tilespmem:v15+s24+$0x0] =	vst.idx.msk $0xffff, v55;
	v15 =	vadd.s32 $0x1, v53  }
0x716: {  	v57 =	vand.u32 $0xFF0, v45;
	v58 =	vshra.s32 v39, $0x8;
	[tilespmem:v46+s24+$0x0] =	vst.idx.msk $0xffff, v15;
	v15 =	vadd.s32 $0x1, v20  }
0x717: {  	v59 =	vshll.u32 v19, $0x4;
	[tilespmem:v17+s24+$0x0] =	vst.idx.msk $0xffff, v15;
	v15 =	vor.u32 v58, v57  }
0x718: {  	v60 =	vand.u32 $0xFF0, v59;
	[tilespmem:v14+s28+$0x0] =	vst.idx.msk $0xffff, v13;
	v13 =	vshra.s32 v19, $0x8  }
0x719: {  	v61 =	vshll.u32 v16, $0x4;
	[tilespmem:v14+s29+$0x0] =	vst.idx.msk $0xffff, v28;
	v13 =	vor.u32 v13, v60  }
0x71a: {  	v14 =	vand.u32 $0xFF0, v61;
	[tilespmem:v56+s28+$0x0] =	vst.idx.msk $0xffff, v11;
	v11 =	vshra.s32 v16, $0x8  }
0x71b: {  	v62 =	vshll.u32 v21, $0x4;
	[tilespmem:v56+s29+$0x0] =	vst.idx.msk $0xffff, v23;
	v11 =	vor.u32 v11, v14  }
0x71c: {  	v14 =	vand.u32 $0xFF0, v62;
	[tilespmem:v15+s28+$0x0] =	vst.idx.msk $0xffff, v10;
	v10 =	vshra.s32 v21, $0x8  }
0x71d: {  	v63 =	vshll.u32 v53, $0x4;
	[tilespmem:v15+s29+$0x0] =	vst.idx.msk $0xffff, v22;
	v10 =	vor.u32 v10, v14  }
0x71e: {  	v14 =	vand.u32 $0xFF0, v63;
	[tilespmem:v13+s28+$0x0] =	vst.idx.msk $0xffff, v9;
	v9 =	vshra.s32 v53, $0x8  }
0x71f: {  	v15 =	vshll.u32 v20, $0x4;
	[tilespmem:v13+s29+$0x0] =	vst.idx.msk $0xffff, v34;
	v9 =	vor.u32 v9, v14  }
0x720: {  	s0 =	simm.s32 $0x0;
	v15 =	vand.u32 $0xFF0, v15;
	v13 =	vshra.s32 v20, $0x8;
	[tilespmem:v11+s28+$0x0] =	vst.idx.msk $0xffff, v8  }
0x721: {  	v14 =	vmov s0;
	v8 =	vmul.u32 $0x10, v2;
	[tilespmem:v11+s29+$0x0] =	vst.idx.msk $0xffff, v26;
	v11 =	vor.u32 v13, v15  }
0x722: {  	s22 =	simm.s32 $0x10;
	v13 =	vshll.u32 v14, $0x4;
	[tilespmem:v10+s28+$0x0] =	vst.idx.msk $0xffff, v7  }
0x723: {  	v7 =	vor.u32 v8, v13;
	[tilespmem:v10+s29+$0x0] =	vst.idx.msk $0xffff, v36;
	v10 =	vmov s22  }
0x724: {  	v13 =	vshrl.u32 v14, $0x8;
	v7 =	vand.u32 $0xEF0, v7;
	[tilespmem:v9+s28+$0x0] =	vst.idx.msk $0xffff, v12;
	v12 =	vshll.u32 v10, $0x4  }
0x725: {  	s30 =	simm.s32 $0x20;
	v7 =	vor.u32 v13, v7;
	[tilespmem:v9+s29+$0x0] =	vst.idx.msk $0xffff, v49;
	v9 =	vor.u32 v8, v12  }
0x726: {  	s31 =	simm.s32 $0x30;
	v12 =	vmov s30;
	[tilespmem:v11+s28+$0x0] =	vst.idx.msk $0xffff, v6;
	v6 =	vshrl.u32 v10, $0x8;
	v9 =	vand.u32 $0xFF0, v9  }
0x727: {  	v10 =	vshll.u32 v12, $0x4;
	v9 =	vor.u32 v6, v9;
	v6 =	vmov s31  }
0x728: {  	[tilespmem:v11+s29+$0x0] =	vst.idx.msk $0xffff, v33;
	v10 =	vor.u32 v8, v10;
	v11 =	vshll.u32 v6, $0x4  }
0x729: {  	v12 =	vshrl.u32 v12, $0x8;
	_ =	strace $0x9000005A;
	v10 =	vand.u32 $0xEF0, v10;
	v11 =	vor.u32 v8, v11  }
0x72a: {  	s0 =	simm.s32 $0x50;
	v6 =	vshrl.u32 v6, $0x8;
	v13 =	vld.idx.msk [tilespmem:v7+s29+$0x0], $0xffff;
	v15 =	vor.u32 v12, v10;
	v7 =	vand.u32 $0xFF0, v11  }
0x72b: {  	s1 =	simm.s32 $0x40;
	v6 =	vor.u32 v6, v7;
	v7 =	vmov s0  }
0x72c: {  	v11 =	vmov s1;
	v14 =	vshll.u32 v7, $0x4;
	v10 =	vshrl.u32 v7, $0x8;
	v7 =	vld.idx.msk [tilespmem:v9+s29+$0x0], $0xffff  }
0x72d: {  	v12 =	vshll.u32 v11, $0x4  }
0x72e: {  	v11 =	vshrl.u32 v11, $0x8;
	v9 =	vor.u32 v8, v12;
	v12 =	vor.u32 v8, v14  }
0x72f: {  	s4 =	simm.s32 $0x4;
	s2 =	simm.s32 $0x7510;
	s1 =	simm.s32 $0x7510;
	v14 =	vand.u32 $0xEF0, v9;
	v12 =	vand.u32 $0xFF0, v12;
	v9 =	vld.idx.msk [tilespmem:v15+s29+$0x0], $0xffff;
	v13 =	vadd.s32 v0, v13  }
.LBB2_57:
0x730: {  	s4 =	sadd.s32 $0x2, s4  }
0x731: {  	v15 =	vor.u32 v11, v14;
	s0 =	sadd.s32 $0x20, s0;
	[tilespmem:s1+$0xFFFFFFF0] =	vst v13;
	s2 =	sadd.s32 $0x20, s2;
	v11 =	vmov v7;
	v7 =	vld.idx.msk [tilespmem:v6+s29+$0x0], $0xffff;
	v6 =	vor.u32 v10, v12;
	p1 =	slt.u32 s4, $0x3E  }
.Ltmp30:
0x732: {  	s5 =	sadd.s32 $0xFFFFFFF0, s0;
	v10 =	vadd.s32 v0, v11;
	(pc) =	sbr.rel @p1 .LBB2_57-.Ltmp30, $4  }
0x733: {  	v12 =	vmov s0;
	v11 =	vmov s5;
	[tilespmem:s1+$0x0] =	vst v10;
	s1 =	smov.u32 s2  }
0x734: {  	v14 =	vshll.u32 v12, $0x4;
	v10 =	vshrl.u32 v12, $0x8;
	v13 =	vshll.u32 v11, $0x4  }
0x735: {  	v11 =	vshrl.u32 v11, $0x8;
	v12 =	vor.u32 v8, v13;
	v13 =	vor.u32 v8, v14  }
0x736: {  	v14 =	vand.u32 $0xEF0, v12;
	v12 =	vand.u32 $0xFF0, v13;
	v13 =	vadd.s32 v0, v9;
	v9 =	vld.idx.msk [tilespmem:v15+s29+$0x0], $0xffff  }
.Ltmp31:
0x737: {  	_ = 	snop;
	(pc) =	sbr.rel .LBB2_58-.Ltmp31, $1  }
0x738: {  	_ =	sdelay $0x3  }
.LBB2_60:
0x739: {  	_ =	sfence.sel $0x180000  }
0x73a: {  	[bflag:$0x0] =	sbarrier.arrive $0xFFFF  }
0x73b: {  	_ =	strace $0x90000047  }
0x73c: {  	s0 =	stileid.u32;
	[bflag:$0x2] =	sbarrier.arrive $0xFFFF  }
0x73d: {  	p0 =	sne.s32 s0, $0x0;
	s0 =	rddreg [dreg:$0x6]  }
0x73e: {  	s0 =	sadd.s32 @!p0 $0x100000, s0  }
0x73f: {  	[sflag:s0] =	ssyncadd.tile.s32 @!p0 $0x1;
	_ =	shalt  }
.Lfunc_end2:
_tile_overlayer_lowered:
.L_overlay_start_2:
0x740: {  	(tag) =	ssettag $0x2  }
0x741: {  	s0 =	rddreg [dreg:$0x0];
	s2 =	stileid.u32  }
0x742: {  	s1 =	rddreg [dreg:$0x1];
	p0 =	sne.s32 s2, $0x0  }
0x743: {  	s3 =	rddreg [dreg:$0x2];
	[bflag:$0x3] =	sbarrier.arrive $0xFFFF;
	s2 =	simm.s32 @!p0 $0x1C05  }
0x744: {  	[timem:s3], [sflag:s2] =	dma.local @!p0 [hbm:s0], s1  }
0x745: {  	s0 =	simm.s32 @!p0 $0x5  }
0x746: {  	_ =	swait.ge @!p0 [sflag:s0], s1  }
0x747: {  	s1 =	ssub.s32 @!p0 $0x0, s1;
	[sflag:s0] =	ssyncset.done @!p0 $0x0  }
0x748: {  	[sflag:s0] =	ssyncadd.s32 @!p0 s1  }
0x749: {  	[bflag:$0x3] =	sbarrier.arrive $0xFFFF  }
0x74a: {  	_ =	shalt  }

</sc_bundles>
